<compile_context>
chip_gen: v7x
topology: tpu7x:2x2x1
jax: 0.10.2.dev20260603
libtpu: 0.0.44.dev20260713+nightly
codegen_flags: <defaults>
</compile_context>

<pallas_src>
import functools

import jax
import jax.numpy as jnp
from jax import lax
from jax.experimental import pallas as pl
from jax.experimental.pallas import tpu as pltpu
from jax.experimental.pallas import tpu_sc as plsc

_N = 16384
_D4 = 4
_NS = 1_000_000
_BINS = 50
_MBP = 2560
_NPAD = 1 << 20
_ROWS = _NPAD // 128
_RB = 1024
_BIGI = 2_000_000_000

_SUBS = 16
_WIN = 1_600_000
_NWIN = 4
_HISTP = _WIN * _NWIN
_GARB = 4096
_MOFF = _WIN + _GARB
_WBUF = _MOFF + _MBP
_CHUNK = 4096
_SHARD = _NPAD // _SUBS
_ZC = 10_000
_WSLICE = _WIN // _SUBS


def _stats_body(q_ref, r_ref, mean_ref, cov_ref, linq_ref, linr_ref):
    q = q_ref[...]
    r = r_ref[...]
    x = jnp.concatenate([q, r], axis=1)
    mean = jnp.sum(x, axis=0, keepdims=True) * (1.0 / _N)
    c = x - mean
    cov = lax.dot_general(c, c, (((0,), (0,)), ((), ())),
                          preferred_element_type=jnp.float32,
                          precision=lax.Precision.HIGHEST)
    mean_ref[...] = mean
    cov_ref[...] = cov
    for src, lref in ((q, linq_ref), (r, linr_ref)):
        mn = jnp.min(src)
        mx = jnp.max(src)
        t = (src - mn) / (mx - mn) * jnp.float32(_BINS)
        idx = jnp.clip(jnp.floor(t).astype(jnp.int32), 0, _BINS - 1)
        lref[...] = idx[:, 0] * _BINS + idx[:, 1]


def _stats_call(q, r):
    return pl.pallas_call(
        _stats_body,
        out_shape=(
            jax.ShapeDtypeStruct((1, 4), jnp.float32),
            jax.ShapeDtypeStruct((4, 4), jnp.float32),
            jax.ShapeDtypeStruct((_N,), jnp.int32),
            jax.ShapeDtypeStruct((_N,), jnp.int32),
        ),
    )(q, r)


def _samples_from(z_ref, mean_ref, lt_ref, d):
    s = z_ref[0] * lt_ref[0, d]
    for k in range(1, _D4):
        s = s + z_ref[k] * lt_ref[k, d]
    return s + mean_ref[0, d]


def _minmax_body(z_ref, mean_ref, lt_ref, lo_ref, hi_ref):
    i = pl.program_id(0)
    lo = jnp.float32(jnp.inf)
    hi = jnp.float32(-jnp.inf)
    for d in range(_D4):
        s = _samples_from(z_ref, mean_ref, lt_ref, d)
        lo = jnp.minimum(lo, jnp.min(s))
        hi = jnp.maximum(hi, jnp.max(s))

    lo2 = jnp.reshape(lo, (1, 1))
    hi2 = jnp.reshape(hi, (1, 1))

    @pl.when(i == 0)
    def _():
        lo_ref[...] = lo2
        hi_ref[...] = hi2

    @pl.when(i != 0)
    def _():
        lo_ref[...] = jnp.minimum(lo_ref[...], lo2)
        hi_ref[...] = jnp.maximum(hi_ref[...], hi2)


def _minmax_call(z3, mean, lt):
    return pl.pallas_call(
        _minmax_body,
        grid=(_ROWS // _RB,),
        in_specs=[
            pl.BlockSpec((_D4, _RB, 128), lambda i: (0, i, 0)),
            pl.BlockSpec((1, 4), lambda i: (0, 0)),
            pl.BlockSpec((4, 4), lambda i: (0, 0)),
        ],
        out_specs=(
            pl.BlockSpec((1, 1), lambda i: (0, 0)),
            pl.BlockSpec((1, 1), lambda i: (0, 0)),
        ),
        out_shape=(
            jax.ShapeDtypeStruct((1, 1), jnp.float32),
            jax.ShapeDtypeStruct((1, 1), jnp.float32),
        ),
    )(z3, mean, lt)


def _bin_body(z_ref, mean_ref, lt_ref, lohi_ref, lin_ref):
    i = pl.program_id(0)
    lo = lohi_ref[0, 0]
    r50 = jnp.float32(_BINS) / (lohi_ref[0, 1] - lo)
    lin = None
    for d in range(_D4):
        s = _samples_from(z_ref, mean_ref, lt_ref, d)
        t = (s - lo) * r50
        idx = jnp.clip(t.astype(jnp.int32), 0, _BINS - 1)
        lin = idx if lin is None else lin * _BINS + idx
    rowi = lax.broadcasted_iota(jnp.int32, (_RB, 128), 0)
    lanei = lax.broadcasted_iota(jnp.int32, (_RB, 128), 1)
    flat = (i * _RB + rowi) * 128 + lanei
    lin_ref[...] = jnp.where(flat < _NS, lin, _BIGI)


def _bin_call(z3, mean, lt, lohi):
    return pl.pallas_call(
        _bin_body,
        grid=(_ROWS // _RB,),
        in_specs=[
            pl.BlockSpec((_D4, _RB, 128), lambda i: (0, i, 0)),
            pl.BlockSpec((1, 4), lambda i: (0, 0)),
            pl.BlockSpec((4, 4), lambda i: (0, 0)),
            pl.BlockSpec((1, 2), lambda i: (0, 0)),
        ],
        out_specs=pl.BlockSpec((_RB, 128), lambda i: (i, 0)),
        out_shape=jax.ShapeDtypeStruct((_ROWS, 128), jnp.int32),
    )(z3, mean, lt, lohi)


def _sc_hist_call(lin, linq, linr):
    mesh = plsc.VectorSubcoreMesh(core_axis_name="c", subcore_axis_name="s")

    @functools.partial(
        pl.kernel,
        out_type=(
            jax.ShapeDtypeStruct((_HISTP,), jnp.float32),
            jax.ShapeDtypeStruct((_MBP,), jnp.float32),
            jax.ShapeDtypeStruct((_MBP,), jnp.float32),
        ),
        mesh=mesh,
        compiler_params=pltpu.CompilerParams(needs_layout_passes=False),
        scratch_types=[
            pltpu.VMEM_SHARED((_WBUF,), jnp.float32),
            pltpu.VMEM((_CHUNK,), jnp.int32),
            pltpu.VMEM((_CHUNK,), jnp.int32),
            pltpu.VMEM((_CHUNK,), jnp.float32),
            pltpu.VMEM((_ZC,), jnp.float32),
        ],
    )
    def sc_body(lin_hbm, linq_hbm, linr_hbm, hist_hbm, hq_hbm, hr_hbm,
                win, lbuf, ibuf, ones, stage):
        c = lax.axis_index("c")
        s = lax.axis_index("s")
        ones16 = jnp.ones((16,), jnp.float32)
        z16 = jnp.zeros((16,), jnp.float32)

        def fill_ones(i, _):
            ones[pl.ds(i * 16, 16)] = ones16
            return 0

        lax.fori_loop(0, _CHUNK // 16, fill_ones, 0)

        def fill_zeros(i, _):
            stage[pl.ds(i * 16, 16)] = z16
            return 0

        def marg_scatter(src_hbm):
            for t in range(_N // _CHUNK):
                pltpu.sync_copy(src_hbm.at[pl.ds(t * _CHUNK, _CHUNK)], lbuf)

                def trm(i, _):
                    ibuf[pl.ds(i * 16, 16)] = lbuf[pl.ds(i * 16, 16)] + _MOFF
                    return 0

                lax.fori_loop(0, _CHUNK // 16, trm, 0)
                pltpu.sync_copy(ones, win.at[ibuf], add=True)

        wlim = jnp.uint32(_WIN)
        gmask = jnp.uint32(_GARB - 1)
        for w in range(2):
            base = (2 * c + w) * _WIN
            lax.fori_loop(0, _ZC // 16, fill_zeros, 0)
            for t in range(_WSLICE // _ZC):
                pltpu.sync_copy(stage, win.at[pl.ds(s * _WSLICE + t * _ZC, _ZC)])
            if w == 0:
                @pl.when(s == 0)
                def _():
                    pltpu.sync_copy(stage.at[pl.ds(0, _MBP)],
                                    win.at[pl.ds(_MOFF, _MBP)])
            plsc.subcore_barrier()
            if w == 0:
                @pl.when(s == 0)
                def _():
                    @pl.when(c == 0)
                    def _():
                        marg_scatter(linq_hbm)

                    @pl.when(c == 1)
                    def _():
                        marg_scatter(linr_hbm)
            for t in range(_SHARD // _CHUNK):
                off = s * _SHARD + t * _CHUNK
                pltpu.sync_copy(lin_hbm.at[pl.ds(off, _CHUNK)], lbuf)

                def tr(i, _):
                    v = lbuf[pl.ds(i * 16, 16)]
                    u = plsc.bitcast(v - base, jnp.uint32)
                    g = wlim + (u & gmask)
                    ibuf[pl.ds(i * 16, 16)] = plsc.bitcast(
                        jnp.minimum(u, g), jnp.int32)
                    return 0

                lax.fori_loop(0, _CHUNK // 16, tr, 0)
                pltpu.sync_copy(ones, win.at[ibuf], add=True)
            plsc.subcore_barrier()
            for t in range(_WSLICE // _ZC):
                off = s * _WSLICE + t * _ZC
                pltpu.sync_copy(win.at[pl.ds(off, _ZC)], stage)
                pltpu.sync_copy(stage, hist_hbm.at[pl.ds(base + off, _ZC)])
            if w == 0:
                @pl.when(s == 0)
                def _():
                    pltpu.sync_copy(win.at[pl.ds(_MOFF, _MBP)],
                                    stage.at[pl.ds(0, _MBP)])

                    @pl.when(c == 0)
                    def _():
                        pltpu.sync_copy(stage.at[pl.ds(0, _MBP)], hq_hbm)

                    @pl.when(c == 1)
                    def _():
                        pltpu.sync_copy(stage.at[pl.ds(0, _MBP)], hr_hbm)

    return sc_body(lin, linq, linr)


def _ent_body(h_ref, s1_ref, s2_ref):
    i = pl.program_id(0)
    h = h_ref[...]
    safe = jnp.where(h > 0, h, 1.0)
    clogc = jnp.sum(h * jnp.log(safe))
    tot = jnp.sum(h)

    c2 = jnp.reshape(clogc, (1, 1))
    t2 = jnp.reshape(tot, (1, 1))

    @pl.when(i == 0)
    def _():
        s1_ref[...] = c2
        s2_ref[...] = t2

    @pl.when(i != 0)
    def _():
        s1_ref[...] = s1_ref[...] + c2
        s2_ref[...] = s2_ref[...] + t2


def _ent_call(h2, blk):
    rows = h2.shape[0]
    return pl.pallas_call(
        _ent_body,
        grid=(rows // blk,),
        in_specs=[pl.BlockSpec((blk, 128), lambda i: (i, 0))],
        out_specs=(
            pl.BlockSpec((1, 1), lambda i: (0, 0)),
            pl.BlockSpec((1, 1), lambda i: (0, 0)),
        ),
        out_shape=(
            jax.ShapeDtypeStruct((1, 1), jnp.float32),
            jax.ShapeDtypeStruct((1, 1), jnp.float32),
        ),
    )(h2)


def _entropy(s1, s2):
    tot = s2[0, 0]
    return jnp.log(tot) - s1[0, 0] / tot


def kernel(query_embedding, result_embedding):
    mean, cov_sum, linq, linr = _stats_call(query_embedding, result_embedding)
    cov = cov_sum / jnp.float32(_N - 1) + 1e-6 * jnp.eye(4, dtype=jnp.float32)
    lt = jnp.linalg.cholesky(cov).T

    z = jax.random.normal(jax.random.key(42), (_NS, _D4), dtype=jnp.float32)
    z3 = jnp.pad(z.T, ((0, 0), (0, _NPAD - _NS))).reshape(_D4, _ROWS, 128)

    lo, hi = _minmax_call(z3, mean, lt)
    lohi = jnp.concatenate([lo, hi], axis=1)
    lin = _bin_call(z3, mean, lt, lohi)

    hist, hq, hr = _sc_hist_call(lin.reshape(-1), linq, linr)

    sj1, sj2 = _ent_call(hist.reshape(_HISTP // 128, 128), 5000)
    sq1, sq2 = _ent_call(hq.reshape(_MBP // 128, 128), _MBP // 128)
    sr1, sr2 = _ent_call(hr.reshape(_MBP // 128, 128), _MBP // 128)

    joint_h = _entropy(sj1, sj2)
    max_h = _entropy(sq1, sq2) + _entropy(sr1, sr2)
    return jnp.clip(joint_h / max_h, 0.0, 1.0)

# --- scband reference (transcript-rebuilt; emitter-appended) ---
"""Pipeline reference for scband-uncertainty-estimator-45749991637200 (READ-ONLY COPY).

The authoritative reference and input builder live on the scoring server;
editing this copy changes nothing except your own understanding.
"""

import jax, jax.numpy as jnp
import numpy as np

EMBEDDING_DIM = 2
NUM_SAMPLES = 1000000
BINS = 50


def setup_inputs(seed: int = 0) -> dict:
    key = jax.random.key(seed)
    k1, k2 = jax.random.split(key)
    query_embedding = jax.random.normal(k1, (16384, EMBEDDING_DIM), dtype=jnp.float32)
    result_embedding = jax.random.normal(k2, (16384, EMBEDDING_DIM), dtype=jnp.float32)
    return {"query_embedding": query_embedding, "result_embedding": result_embedding}


def _histogramdd_uniform(x, bins, lo, hi):
    # x: [N, D]; uniform range [lo, hi] on every dimension (matches torch.histogramdd
    # with identical range per dim). Right edge inclusive via clipping.
    D = x.shape[1]
    width = hi - lo
    scaled = (x - lo) / width * bins
    idx = jnp.clip(jnp.floor(scaled).astype(jnp.int32), 0, bins - 1)
    lin = jnp.zeros(x.shape[0], dtype=jnp.int32)
    for d in range(D):
        lin = lin * bins + idx[:, d]
    hist = jnp.zeros(bins ** D, dtype=jnp.float32).at[lin].add(1.0)
    return hist


def _entropy_of_positive(p):
    # -sum_{p>0} p * log p  (equivalent to torch boolean-mask version)
    safe = jnp.where(p > 0, p, 1.0)
    return -jnp.sum(jnp.where(p > 0, p * jnp.log(safe), 0.0))


def _marginal_entropy(features):
    hist = _histogramdd_uniform(features, BINS, features.min(), features.max())
    prob = hist / hist.sum()
    return _entropy_of_positive(prob)


def reference(query_embedding, result_embedding):
    D = EMBEDDING_DIM
    joint_features = jnp.concatenate([query_embedding, result_embedding], axis=-1)
    mean = joint_features.mean(axis=0)
    covariance = jnp.cov(joint_features.T) + 1e-06 * jnp.eye(2 * D, dtype=jnp.float32)
    L = jnp.linalg.cholesky(covariance)
    z = jax.random.normal(jax.random.key(42), (NUM_SAMPLES, 2 * D), dtype=jnp.float32)
    samples = mean + z @ L.T
    # joint distribution over 2*D dims, 50 bins each
    hist = _histogramdd_uniform(samples, BINS, samples.min(), samples.max())
    joint_prob = hist / hist.sum()
    joint_entropy = _entropy_of_positive(joint_prob)
    H_T = _marginal_entropy(query_embedding)
    H_I = _marginal_entropy(result_embedding)
    max_entropy = jax.lax.stop_gradient(H_T + H_I)  # .item() in torch detaches
    normalized_entropy = joint_entropy / max_entropy
    return jnp.clip(normalized_entropy, 0.0, 1.0)

if __name__ == "__main__":
    import jax
    _d = setup_inputs()
    print(jax.jit(kernel)(*tuple(_d.values())))

</pallas_src>

<mosaic_0001>
#map = affine_map<(d0, d1) -> (0)>
module attributes {stable_mosaic.version = 14 : i64} {
  func.func @sc_body(%arg0: i32, %arg1: i32, %arg2: memref<1048576xi32, #tpu.memory_space<hbm>>, %arg3: memref<16384xi32, #tpu.memory_space<hbm>>, %arg4: memref<16384xi32, #tpu.memory_space<hbm>>, %arg5: memref<6400000xf32, #tpu.memory_space<hbm>>, %arg6: memref<2560xf32, #tpu.memory_space<hbm>>, %arg7: memref<2560xf32, #tpu.memory_space<hbm>>, %arg8: memref<1606656xf32, #tpu.memory_space<vmem_shared>>, %arg9: memref<4096xi32, #tpu.memory_space<vmem>>, %arg10: memref<4096xi32, #tpu.memory_space<vmem>>, %arg11: memref<4096xf32, #tpu.memory_space<vmem>>, %arg12: memref<10000xf32, #tpu.memory_space<vmem>>) attributes {dimension_semantics = [#tpu.dimension_semantics<core_parallel>, #tpu.dimension_semantics<subcore_parallel>], iteration_bounds = array<i64: 2, 16>, scalar_prefetch = 0 : i64, scratch_operands = 5 : i64, tpu.core_type = #tpu.core_type<sc_vector_subcore>, window_params = [{transform_indices = #map}, {transform_indices = #map}, {transform_indices = #map}, {transform_indices = #map}, {transform_indices = #map}, {transform_indices = #map}]} {
    %broadcast_in_dim3A = arith.constant 1.000000e+00 : f32
    %broadcast_in_dim3A_0 = vector.broadcast %broadcast_in_dim3A : f32 to vector<16xf32>
    %broadcast_in_dim3A_1 = arith.constant 0.000000e+00 : f32
    %broadcast_in_dim3A_2 = vector.broadcast %broadcast_in_dim3A_1 : f32 to vector<16xf32>
    %scan3A = arith.constant 0 : i32
    %scan3A_3 = arith.constant 0 : i32
    %scan3A_4 = arith.constant 256 : i32
    %scan3A_5 = arith.addi %scan3A_3, %scan3A_4 : i32
    %scan3A_6 = arith.constant 1 : i32
    %scan3A_7 = scf.for %scan3A_644 = %scan3A_3 to %scan3A_5 step %scan3A_6 iter_args(%scan3A_645 = %scan3A) -> (i32)  : i32 {
      %mul3A_646 = arith.constant 16 : i32
      %mul3A_647 = arith.muli %scan3A_644, %mul3A_646 : i32
      %swap3A = arith.index_cast %mul3A_647 : i32 to index
      %swap3A_648 = tpu.vector_load %arg11[%swap3A] {strides = array<i32>} : memref<4096xf32, #tpu.memory_space<vmem>>, vector<16xf32>,
      tpu.vector_store %arg11[%swap3A], %broadcast_in_dim3A_0 {strides = array<i32>} : memref<4096xf32, #tpu.memory_space<vmem>>, vector<16xf32>,
      %scan3A_649 = arith.constant 0 : i32
      scf.yield %scan3A_649 : i32
    }
    %scan3A_8 = arith.constant 256 : i32
    %mul3A = arith.constant 2 : i32
    %mul3A_9 = arith.muli %mul3A, %arg0 : i32
    %add3A = arith.constant 0 : i32
    %add3A_10 = arith.addi %mul3A_9, %add3A : i32
    %mul3A_11 = arith.constant 1600000 : i32
    %mul3A_12 = arith.muli %add3A_10, %mul3A_11 : i32
    %scan3A_13 = arith.constant 0 : i32
    %scan3A_14 = arith.constant 0 : i32
    %scan3A_15 = arith.constant 625 : i32
    %scan3A_16 = arith.addi %scan3A_14, %scan3A_15 : i32
    %scan3A_17 = arith.constant 1 : i32
    %scan3A_18 = scf.for %scan3A_644 = %scan3A_14 to %scan3A_16 step %scan3A_17 iter_args(%scan3A_645 = %scan3A_13) -> (i32)  : i32 {
      %mul3A_646 = arith.constant 16 : i32
      %mul3A_647 = arith.muli %scan3A_644, %mul3A_646 : i32
      %swap3A = arith.index_cast %mul3A_647 : i32 to index
      %swap3A_648 = tpu.vector_load %arg12[%swap3A] {strides = array<i32>} : memref<10000xf32, #tpu.memory_space<vmem>>, vector<16xf32>,
      tpu.vector_store %arg12[%swap3A], %broadcast_in_dim3A_2 {strides = array<i32>} : memref<10000xf32, #tpu.memory_space<vmem>>, vector<16xf32>,
      %scan3A_649 = arith.constant 0 : i32
      scf.yield %scan3A_649 : i32
    }
    %scan3A_19 = arith.constant 625 : i32
    %mul3A_20 = arith.constant 100000 : i32
    %mul3A_21 = arith.muli %arg1, %mul3A_20 : i32
    %add3A_22 = arith.constant 0 : i32
    %add3A_23 = arith.addi %mul3A_21, %add3A_22 : i32
    "tpu.region"() ({
      %run_scoped3A = tpu.sem_alloc : memref<!tpu.dma_semaphore, #tpu.memory_space<semaphore_mem>>
      %dma_start3A = tpu.memref_slice %arg8[%add3A_23] : memref<1606656xf32, #tpu.memory_space<vmem_shared>> -> memref<10000xf32, #tpu.memory_space<vmem_shared>>
      %dma_start3A_644 = tpu.memref_slice %arg8[%add3A_23] : memref<1606656xf32, #tpu.memory_space<vmem_shared>> -> memref<10000xf32, #tpu.memory_space<vmem_shared>>
      tpu.enqueue_dma source(%arg12 : memref<10000xf32, #tpu.memory_space<vmem>>) target(%dma_start3A_644 : memref<10000xf32, #tpu.memory_space<vmem_shared>>) target_semaphore(%run_scoped3A : memref<!tpu.dma_semaphore, #tpu.memory_space<semaphore_mem>>)
      %dma_wait3A = tpu.memref_slice %arg8[%add3A_23] : memref<1606656xf32, #tpu.memory_space<vmem_shared>> -> memref<10000xf32, #tpu.memory_space<vmem_shared>>
      %dma_wait3A_645 = tpu.memref_slice %arg8[%add3A_23] : memref<1606656xf32, #tpu.memory_space<vmem_shared>> -> memref<10000xf32, #tpu.memory_space<vmem_shared>>
      tpu.wait_dma2 semaphore(%run_scoped3A : memref<!tpu.dma_semaphore, #tpu.memory_space<semaphore_mem>>) src(%arg12 : memref<10000xf32, #tpu.memory_space<vmem>>) dst(%dma_wait3A_645 : memref<10000xf32, #tpu.memory_space<vmem_shared>>)
      tpu.yield
    }) : () -> ()
    %mul3A_24 = arith.constant 100000 : i32
    %mul3A_25 = arith.muli %arg1, %mul3A_24 : i32
    %add3A_26 = arith.constant 10000 : i32
    %add3A_27 = arith.addi %mul3A_25, %add3A_26 : i32
    "tpu.region"() ({
      %run_scoped3A = tpu.sem_alloc : memref<!tpu.dma_semaphore, #tpu.memory_space<semaphore_mem>>
      %dma_start3A = tpu.memref_slice %arg8[%add3A_27] : memref<1606656xf32, #tpu.memory_space<vmem_shared>> -> memref<10000xf32, #tpu.memory_space<vmem_shared>>
      %dma_start3A_644 = tpu.memref_slice %arg8[%add3A_27] : memref<1606656xf32, #tpu.memory_space<vmem_shared>> -> memref<10000xf32, #tpu.memory_space<vmem_shared>>
      tpu.enqueue_dma source(%arg12 : memref<10000xf32, #tpu.memory_space<vmem>>) target(%dma_start3A_644 : memref<10000xf32, #tpu.memory_space<vmem_shared>>) target_semaphore(%run_scoped3A : memref<!tpu.dma_semaphore, #tpu.memory_space<semaphore_mem>>)
      %dma_wait3A = tpu.memref_slice %arg8[%add3A_27] : memref<1606656xf32, #tpu.memory_space<vmem_shared>> -> memref<10000xf32, #tpu.memory_space<vmem_shared>>
      %dma_wait3A_645 = tpu.memref_slice %arg8[%add3A_27] : memref<1606656xf32, #tpu.memory_space<vmem_shared>> -> memref<10000xf32, #tpu.memory_space<vmem_shared>>
      tpu.wait_dma2 semaphore(%run_scoped3A : memref<!tpu.dma_semaphore, #tpu.memory_space<semaphore_mem>>) src(%arg12 : memref<10000xf32, #tpu.memory_space<vmem>>) dst(%dma_wait3A_645 : memref<10000xf32, #tpu.memory_space<vmem_shared>>)
      tpu.yield
    }) : () -> ()
    %mul3A_28 = arith.constant 100000 : i32
    %mul3A_29 = arith.muli %arg1, %mul3A_28 : i32
    %add3A_30 = arith.constant 20000 : i32
    %add3A_31 = arith.addi %mul3A_29, %add3A_30 : i32
    "tpu.region"() ({
      %run_scoped3A = tpu.sem_alloc : memref<!tpu.dma_semaphore, #tpu.memory_space<semaphore_mem>>
      %dma_start3A = tpu.memref_slice %arg8[%add3A_31] : memref<1606656xf32, #tpu.memory_space<vmem_shared>> -> memref<10000xf32, #tpu.memory_space<vmem_shared>>
      %dma_start3A_644 = tpu.memref_slice %arg8[%add3A_31] : memref<1606656xf32, #tpu.memory_space<vmem_shared>> -> memref<10000xf32, #tpu.memory_space<vmem_shared>>
      tpu.enqueue_dma source(%arg12 : memref<10000xf32, #tpu.memory_space<vmem>>) target(%dma_start3A_644 : memref<10000xf32, #tpu.memory_space<vmem_shared>>) target_semaphore(%run_scoped3A : memref<!tpu.dma_semaphore, #tpu.memory_space<semaphore_mem>>)
      %dma_wait3A = tpu.memref_slice %arg8[%add3A_31] : memref<1606656xf32, #tpu.memory_space<vmem_shared>> -> memref<10000xf32, #tpu.memory_space<vmem_shared>>
      %dma_wait3A_645 = tpu.memref_slice %arg8[%add3A_31] : memref<1606656xf32, #tpu.memory_space<vmem_shared>> -> memref<10000xf32, #tpu.memory_space<vmem_shared>>
      tpu.wait_dma2 semaphore(%run_scoped3A : memref<!tpu.dma_semaphore, #tpu.memory_space<semaphore_mem>>) src(%arg12 : memref<10000xf32, #tpu.memory_space<vmem>>) dst(%dma_wait3A_645 : memref<10000xf32, #tpu.memory_space<vmem_shared>>)
      tpu.yield
    }) : () -> ()
    %mul3A_32 = arith.constant 100000 : i32
    %mul3A_33 = arith.muli %arg1, %mul3A_32 : i32
    %add3A_34 = arith.constant 30000 : i32
    %add3A_35 = arith.addi %mul3A_33, %add3A_34 : i32
    "tpu.region"() ({
      %run_scoped3A = tpu.sem_alloc : memref<!tpu.dma_semaphore, #tpu.memory_space<semaphore_mem>>
      %dma_start3A = tpu.memref_slice %arg8[%add3A_35] : memref<1606656xf32, #tpu.memory_space<vmem_shared>> -> memref<10000xf32, #tpu.memory_space<vmem_shared>>
      %dma_start3A_644 = tpu.memref_slice %arg8[%add3A_35] : memref<1606656xf32, #tpu.memory_space<vmem_shared>> -> memref<10000xf32, #tpu.memory_space<vmem_shared>>
      tpu.enqueue_dma source(%arg12 : memref<10000xf32, #tpu.memory_space<vmem>>) target(%dma_start3A_644 : memref<10000xf32, #tpu.memory_space<vmem_shared>>) target_semaphore(%run_scoped3A : memref<!tpu.dma_semaphore, #tpu.memory_space<semaphore_mem>>)
      %dma_wait3A = tpu.memref_slice %arg8[%add3A_35] : memref<1606656xf32, #tpu.memory_space<vmem_shared>> -> memref<10000xf32, #tpu.memory_space<vmem_shared>>
      %dma_wait3A_645 = tpu.memref_slice %arg8[%add3A_35] : memref<1606656xf32, #tpu.memory_space<vmem_shared>> -> memref<10000xf32, #tpu.memory_space<vmem_shared>>
      tpu.wait_dma2 semaphore(%run_scoped3A : memref<!tpu.dma_semaphore, #tpu.memory_space<semaphore_mem>>) src(%arg12 : memref<10000xf32, #tpu.memory_space<vmem>>) dst(%dma_wait3A_645 : memref<10000xf32, #tpu.memory_space<vmem_shared>>)
      tpu.yield
    }) : () -> ()
    %mul3A_36 = arith.constant 100000 : i32
    %mul3A_37 = arith.muli %arg1, %mul3A_36 : i32
    %add3A_38 = arith.constant 40000 : i32
    %add3A_39 = arith.addi %mul3A_37, %add3A_38 : i32
    "tpu.region"() ({
      %run_scoped3A = tpu.sem_alloc : memref<!tpu.dma_semaphore, #tpu.memory_space<semaphore_mem>>
      %dma_start3A = tpu.memref_slice %arg8[%add3A_39] : memref<1606656xf32, #tpu.memory_space<vmem_shared>> -> memref<10000xf32, #tpu.memory_space<vmem_shared>>
      %dma_start3A_644 = tpu.memref_slice %arg8[%add3A_39] : memref<1606656xf32, #tpu.memory_space<vmem_shared>> -> memref<10000xf32, #tpu.memory_space<vmem_shared>>
      tpu.enqueue_dma source(%arg12 : memref<10000xf32, #tpu.memory_space<vmem>>) target(%dma_start3A_644 : memref<10000xf32, #tpu.memory_space<vmem_shared>>) target_semaphore(%run_scoped3A : memref<!tpu.dma_semaphore, #tpu.memory_space<semaphore_mem>>)
      %dma_wait3A = tpu.memref_slice %arg8[%add3A_39] : memref<1606656xf32, #tpu.memory_space<vmem_shared>> -> memref<10000xf32, #tpu.memory_space<vmem_shared>>
      %dma_wait3A_645 = tpu.memref_slice %arg8[%add3A_39] : memref<1606656xf32, #tpu.memory_space<vmem_shared>> -> memref<10000xf32, #tpu.memory_space<vmem_shared>>
      tpu.wait_dma2 semaphore(%run_scoped3A : memref<!tpu.dma_semaphore, #tpu.memory_space<semaphore_mem>>) src(%arg12 : memref<10000xf32, #tpu.memory_space<vmem>>) dst(%dma_wait3A_645 : memref<10000xf32, #tpu.memory_space<vmem_shared>>)
      tpu.yield
    }) : () -> ()
    %mul3A_40 = arith.constant 100000 : i32
    %mul3A_41 = arith.muli %arg1, %mul3A_40 : i32
    %add3A_42 = arith.constant 50000 : i32
    %add3A_43 = arith.addi %mul3A_41, %add3A_42 : i32
    "tpu.region"() ({
      %run_scoped3A = tpu.sem_alloc : memref<!tpu.dma_semaphore, #tpu.memory_space<semaphore_mem>>
      %dma_start3A = tpu.memref_slice %arg8[%add3A_43] : memref<1606656xf32, #tpu.memory_space<vmem_shared>> -> memref<10000xf32, #tpu.memory_space<vmem_shared>>
      %dma_start3A_644 = tpu.memref_slice %arg8[%add3A_43] : memref<1606656xf32, #tpu.memory_space<vmem_shared>> -> memref<10000xf32, #tpu.memory_space<vmem_shared>>
      tpu.enqueue_dma source(%arg12 : memref<10000xf32, #tpu.memory_space<vmem>>) target(%dma_start3A_644 : memref<10000xf32, #tpu.memory_space<vmem_shared>>) target_semaphore(%run_scoped3A : memref<!tpu.dma_semaphore, #tpu.memory_space<semaphore_mem>>)
      %dma_wait3A = tpu.memref_slice %arg8[%add3A_43] : memref<1606656xf32, #tpu.memory_space<vmem_shared>> -> memref<10000xf32, #tpu.memory_space<vmem_shared>>
      %dma_wait3A_645 = tpu.memref_slice %arg8[%add3A_43] : memref<1606656xf32, #tpu.memory_space<vmem_shared>> -> memref<10000xf32, #tpu.memory_space<vmem_shared>>
      tpu.wait_dma2 semaphore(%run_scoped3A : memref<!tpu.dma_semaphore, #tpu.memory_space<semaphore_mem>>) src(%arg12 : memref<10000xf32, #tpu.memory_space<vmem>>) dst(%dma_wait3A_645 : memref<10000xf32, #tpu.memory_space<vmem_shared>>)
      tpu.yield
    }) : () -> ()
    %mul3A_44 = arith.constant 100000 : i32
    %mul3A_45 = arith.muli %arg1, %mul3A_44 : i32
    %add3A_46 = arith.constant 60000 : i32
    %add3A_47 = arith.addi %mul3A_45, %add3A_46 : i32
    "tpu.region"() ({
      %run_scoped3A = tpu.sem_alloc : memref<!tpu.dma_semaphore, #tpu.memory_space<semaphore_mem>>
      %dma_start3A = tpu.memref_slice %arg8[%add3A_47] : memref<1606656xf32, #tpu.memory_space<vmem_shared>> -> memref<10000xf32, #tpu.memory_space<vmem_shared>>
      %dma_start3A_644 = tpu.memref_slice %arg8[%add3A_47] : memref<1606656xf32, #tpu.memory_space<vmem_shared>> -> memref<10000xf32, #tpu.memory_space<vmem_shared>>
      tpu.enqueue_dma source(%arg12 : memref<10000xf32, #tpu.memory_space<vmem>>) target(%dma_start3A_644 : memref<10000xf32, #tpu.memory_space<vmem_shared>>) target_semaphore(%run_scoped3A : memref<!tpu.dma_semaphore, #tpu.memory_space<semaphore_mem>>)
      %dma_wait3A = tpu.memref_slice %arg8[%add3A_47] : memref<1606656xf32, #tpu.memory_space<vmem_shared>> -> memref<10000xf32, #tpu.memory_space<vmem_shared>>
      %dma_wait3A_645 = tpu.memref_slice %arg8[%add3A_47] : memref<1606656xf32, #tpu.memory_space<vmem_shared>> -> memref<10000xf32, #tpu.memory_space<vmem_shared>>
      tpu.wait_dma2 semaphore(%run_scoped3A : memref<!tpu.dma_semaphore, #tpu.memory_space<semaphore_mem>>) src(%arg12 : memref<10000xf32, #tpu.memory_space<vmem>>) dst(%dma_wait3A_645 : memref<10000xf32, #tpu.memory_space<vmem_shared>>)
      tpu.yield
    }) : () -> ()
    %mul3A_48 = arith.constant 100000 : i32
    %mul3A_49 = arith.muli %arg1, %mul3A_48 : i32
    %add3A_50 = arith.constant 70000 : i32
    %add3A_51 = arith.addi %mul3A_49, %add3A_50 : i32
    "tpu.region"() ({
      %run_scoped3A = tpu.sem_alloc : memref<!tpu.dma_semaphore, #tpu.memory_space<semaphore_mem>>
      %dma_start3A = tpu.memref_slice %arg8[%add3A_51] : memref<1606656xf32, #tpu.memory_space<vmem_shared>> -> memref<10000xf32, #tpu.memory_space<vmem_shared>>
      %dma_start3A_644 = tpu.memref_slice %arg8[%add3A_51] : memref<1606656xf32, #tpu.memory_space<vmem_shared>> -> memref<10000xf32, #tpu.memory_space<vmem_shared>>
      tpu.enqueue_dma source(%arg12 : memref<10000xf32, #tpu.memory_space<vmem>>) target(%dma_start3A_644 : memref<10000xf32, #tpu.memory_space<vmem_shared>>) target_semaphore(%run_scoped3A : memref<!tpu.dma_semaphore, #tpu.memory_space<semaphore_mem>>)
      %dma_wait3A = tpu.memref_slice %arg8[%add3A_51] : memref<1606656xf32, #tpu.memory_space<vmem_shared>> -> memref<10000xf32, #tpu.memory_space<vmem_shared>>
      %dma_wait3A_645 = tpu.memref_slice %arg8[%add3A_51] : memref<1606656xf32, #tpu.memory_space<vmem_shared>> -> memref<10000xf32, #tpu.memory_space<vmem_shared>>
      tpu.wait_dma2 semaphore(%run_scoped3A : memref<!tpu.dma_semaphore, #tpu.memory_space<semaphore_mem>>) src(%arg12 : memref<10000xf32, #tpu.memory_space<vmem>>) dst(%dma_wait3A_645 : memref<10000xf32, #tpu.memory_space<vmem_shared>>)
      tpu.yield
    }) : () -> ()
    %mul3A_52 = arith.constant 100000 : i32
    %mul3A_53 = arith.muli %arg1, %mul3A_52 : i32
    %add3A_54 = arith.constant 80000 : i32
    %add3A_55 = arith.addi %mul3A_53, %add3A_54 : i32
    "tpu.region"() ({
      %run_scoped3A = tpu.sem_alloc : memref<!tpu.dma_semaphore, #tpu.memory_space<semaphore_mem>>
      %dma_start3A = tpu.memref_slice %arg8[%add3A_55] : memref<1606656xf32, #tpu.memory_space<vmem_shared>> -> memref<10000xf32, #tpu.memory_space<vmem_shared>>
      %dma_start3A_644 = tpu.memref_slice %arg8[%add3A_55] : memref<1606656xf32, #tpu.memory_space<vmem_shared>> -> memref<10000xf32, #tpu.memory_space<vmem_shared>>
      tpu.enqueue_dma source(%arg12 : memref<10000xf32, #tpu.memory_space<vmem>>) target(%dma_start3A_644 : memref<10000xf32, #tpu.memory_space<vmem_shared>>) target_semaphore(%run_scoped3A : memref<!tpu.dma_semaphore, #tpu.memory_space<semaphore_mem>>)
      %dma_wait3A = tpu.memref_slice %arg8[%add3A_55] : memref<1606656xf32, #tpu.memory_space<vmem_shared>> -> memref<10000xf32, #tpu.memory_space<vmem_shared>>
      %dma_wait3A_645 = tpu.memref_slice %arg8[%add3A_55] : memref<1606656xf32, #tpu.memory_space<vmem_shared>> -> memref<10000xf32, #tpu.memory_space<vmem_shared>>
      tpu.wait_dma2 semaphore(%run_scoped3A : memref<!tpu.dma_semaphore, #tpu.memory_space<semaphore_mem>>) src(%arg12 : memref<10000xf32, #tpu.memory_space<vmem>>) dst(%dma_wait3A_645 : memref<10000xf32, #tpu.memory_space<vmem_shared>>)
      tpu.yield
    }) : () -> ()
    %mul3A_56 = arith.constant 100000 : i32
    %mul3A_57 = arith.muli %arg1, %mul3A_56 : i32
    %add3A_58 = arith.constant 90000 : i32
    %add3A_59 = arith.addi %mul3A_57, %add3A_58 : i32
    "tpu.region"() ({
      %run_scoped3A = tpu.sem_alloc : memref<!tpu.dma_semaphore, #tpu.memory_space<semaphore_mem>>
      %dma_start3A = tpu.memref_slice %arg8[%add3A_59] : memref<1606656xf32, #tpu.memory_space<vmem_shared>> -> memref<10000xf32, #tpu.memory_space<vmem_shared>>
      %dma_start3A_644 = tpu.memref_slice %arg8[%add3A_59] : memref<1606656xf32, #tpu.memory_space<vmem_shared>> -> memref<10000xf32, #tpu.memory_space<vmem_shared>>
      tpu.enqueue_dma source(%arg12 : memref<10000xf32, #tpu.memory_space<vmem>>) target(%dma_start3A_644 : memref<10000xf32, #tpu.memory_space<vmem_shared>>) target_semaphore(%run_scoped3A : memref<!tpu.dma_semaphore, #tpu.memory_space<semaphore_mem>>)
      %dma_wait3A = tpu.memref_slice %arg8[%add3A_59] : memref<1606656xf32, #tpu.memory_space<vmem_shared>> -> memref<10000xf32, #tpu.memory_space<vmem_shared>>
      %dma_wait3A_645 = tpu.memref_slice %arg8[%add3A_59] : memref<1606656xf32, #tpu.memory_space<vmem_shared>> -> memref<10000xf32, #tpu.memory_space<vmem_shared>>
      tpu.wait_dma2 semaphore(%run_scoped3A : memref<!tpu.dma_semaphore, #tpu.memory_space<semaphore_mem>>) src(%arg12 : memref<10000xf32, #tpu.memory_space<vmem>>) dst(%dma_wait3A_645 : memref<10000xf32, #tpu.memory_space<vmem_shared>>)
      tpu.yield
    }) : () -> ()
    %eq3A = arith.constant 0 : i32
    %eq3A_60 = arith.cmpi eq, %arg1, %eq3A : i32
    %convert_element_type3A = arith.extui %eq3A_60 : i1 to i32
    %cond3A = arith.constant 0 : i32
    %cond3A_61 = arith.cmpi ne, %convert_element_type3A, %cond3A : i32
    scf.if %cond3A_61 {
      "tpu.region"() ({
        %run_scoped3A = tpu.sem_alloc : memref<!tpu.dma_semaphore, #tpu.memory_space<semaphore_mem>>
        %dma_start3A = arith.constant 0 : i32
        %dma_start3A_644 = tpu.memref_slice %arg12[%dma_start3A] : memref<10000xf32, #tpu.memory_space<vmem>> -> memref<2560xf32, #tpu.memory_space<vmem>>
        %dma_start3A_645 = arith.constant 1604096 : i32
        %dma_start3A_646 = tpu.memref_slice %arg8[%dma_start3A_645] : memref<1606656xf32, #tpu.memory_space<vmem_shared>> -> memref<2560xf32, #tpu.memory_space<vmem_shared>>
        %dma_start3A_647 = arith.constant 1604096 : i32
        %dma_start3A_648 = tpu.memref_slice %arg8[%dma_start3A_647] : memref<1606656xf32, #tpu.memory_space<vmem_shared>> -> memref<2560xf32, #tpu.memory_space<vmem_shared>>
        %dma_start3A_649 = arith.constant 0 : i32
        %dma_start3A_650 = tpu.memref_slice %arg12[%dma_start3A_649] : memref<10000xf32, #tpu.memory_space<vmem>> -> memref<2560xf32, #tpu.memory_space<vmem>>
        tpu.enqueue_dma source(%dma_start3A_650 : memref<2560xf32, #tpu.memory_space<vmem>>) target(%dma_start3A_648 : memref<2560xf32, #tpu.memory_space<vmem_shared>>) target_semaphore(%run_scoped3A : memref<!tpu.dma_semaphore, #tpu.memory_space<semaphore_mem>>)
        %dma_wait3A = arith.constant 0 : i32
        %dma_wait3A_651 = tpu.memref_slice %arg12[%dma_wait3A] : memref<10000xf32, #tpu.memory_space<vmem>> -> memref<2560xf32, #tpu.memory_space<vmem>>
        %dma_wait3A_652 = arith.constant 1604096 : i32
        %dma_wait3A_653 = tpu.memref_slice %arg8[%dma_wait3A_652] : memref<1606656xf32, #tpu.memory_space<vmem_shared>> -> memref<2560xf32, #tpu.memory_space<vmem_shared>>
        %dma_wait3A_654 = arith.constant 1604096 : i32
        %dma_wait3A_655 = tpu.memref_slice %arg8[%dma_wait3A_654] : memref<1606656xf32, #tpu.memory_space<vmem_shared>> -> memref<2560xf32, #tpu.memory_space<vmem_shared>>
        %dma_wait3A_656 = arith.constant 0 : i32
        %dma_wait3A_657 = tpu.memref_slice %arg12[%dma_wait3A_656] : memref<10000xf32, #tpu.memory_space<vmem>> -> memref<2560xf32, #tpu.memory_space<vmem>>
        tpu.wait_dma2 semaphore(%run_scoped3A : memref<!tpu.dma_semaphore, #tpu.memory_space<semaphore_mem>>) src(%dma_wait3A_657 : memref<2560xf32, #tpu.memory_space<vmem>>) dst(%dma_wait3A_655 : memref<2560xf32, #tpu.memory_space<vmem_shared>>)
        tpu.yield
      }) : () -> ()
    } else {
    }
    %barrier3A = arith.constant 0 : index
    tpu.barrier barrier_id(%barrier3A)
    %eq3A_62 = arith.constant 0 : i32
    %eq3A_63 = arith.cmpi eq, %arg1, %eq3A_62 : i32
    %convert_element_type3A_64 = arith.extui %eq3A_63 : i1 to i32
    %cond3A_65 = arith.constant 0 : i32
    %cond3A_66 = arith.cmpi ne, %convert_element_type3A_64, %cond3A_65 : i32
    scf.if %cond3A_66 {
      %eq3A_644 = arith.constant 0 : i32
      %eq3A_645 = arith.cmpi eq, %arg0, %eq3A_644 : i32
      %convert_element_type3A_646 = arith.extui %eq3A_645 : i1 to i32
      %cond3A_647 = arith.constant 0 : i32
      %cond3A_648 = arith.cmpi ne, %convert_element_type3A_646, %cond3A_647 : i32
      scf.if %cond3A_648 {
        "tpu.region"() ({
          %run_scoped3A = tpu.sem_alloc : memref<!tpu.dma_semaphore, #tpu.memory_space<semaphore_mem>>
          %dma_start3A = arith.constant 0 : i32
          %dma_start3A_682 = tpu.memref_slice %arg3[%dma_start3A] : memref<16384xi32, #tpu.memory_space<hbm>> -> memref<4096xi32, #tpu.memory_space<hbm>>
          %dma_start3A_683 = arith.constant 0 : i32
          %dma_start3A_684 = tpu.memref_slice %arg3[%dma_start3A_683] : memref<16384xi32, #tpu.memory_space<hbm>> -> memref<4096xi32, #tpu.memory_space<hbm>>
          tpu.enqueue_dma source(%dma_start3A_684 : memref<4096xi32, #tpu.memory_space<hbm>>) target(%arg9 : memref<4096xi32, #tpu.memory_space<vmem>>) target_semaphore(%run_scoped3A : memref<!tpu.dma_semaphore, #tpu.memory_space<semaphore_mem>>)
          %dma_wait3A = arith.constant 0 : i32
          %dma_wait3A_685 = tpu.memref_slice %arg3[%dma_wait3A] : memref<16384xi32, #tpu.memory_space<hbm>> -> memref<4096xi32, #tpu.memory_space<hbm>>
          %dma_wait3A_686 = arith.constant 0 : i32
          %dma_wait3A_687 = tpu.memref_slice %arg3[%dma_wait3A_686] : memref<16384xi32, #tpu.memory_space<hbm>> -> memref<4096xi32, #tpu.memory_space<hbm>>
          tpu.wait_dma2 semaphore(%run_scoped3A : memref<!tpu.dma_semaphore, #tpu.memory_space<semaphore_mem>>) src(%dma_wait3A_687 : memref<4096xi32, #tpu.memory_space<hbm>>) dst(%arg9 : memref<4096xi32, #tpu.memory_space<vmem>>)
          tpu.yield
        }) : () -> ()
        %scan3A_654 = arith.constant 0 : i32
        %scan3A_655 = arith.constant 0 : i32
        %scan3A_656 = arith.constant 256 : i32
        %scan3A_657 = arith.addi %scan3A_655, %scan3A_656 : i32
        %scan3A_658 = arith.constant 1 : i32
        %scan3A_659 = scf.for %scan3A_682 = %scan3A_655 to %scan3A_657 step %scan3A_658 iter_args(%scan3A_683 = %scan3A_654) -> (i32)  : i32 {
          %mul3A_684 = arith.constant 16 : i32
          %mul3A_685 = arith.muli %scan3A_682, %mul3A_684 : i32
          %get3A = arith.index_cast %mul3A_685 : i32 to index
          %get3A_686 = tpu.vector_load %arg9[%get3A] {strides = array<i32>} : memref<4096xi32, #tpu.memory_space<vmem>>, vector<16xi32>,
          %add3A_687 = arith.constant 1604096 : i32
          %add3A_688 = vector.broadcast %add3A_687 : i32 to vector<16xi32>
          %add3A_689 = arith.addi %get3A_686, %add3A_688 : vector<16xi32>
          %mul3A_690 = arith.constant 16 : i32
          %mul3A_691 = arith.muli %scan3A_682, %mul3A_690 : i32
          %swap3A = arith.index_cast %mul3A_691 : i32 to index
          %swap3A_692 = tpu.vector_load %arg10[%swap3A] {strides = array<i32>} : memref<4096xi32, #tpu.memory_space<vmem>>, vector<16xi32>,
          tpu.vector_store %arg10[%swap3A], %add3A_689 {strides = array<i32>} : memref<4096xi32, #tpu.memory_space<vmem>>, vector<16xi32>,
          %scan3A_693 = arith.constant 0 : i32
          scf.yield %scan3A_693 : i32
        }
        %scan3A_660 = arith.constant 256 : i32
        "tpu.region"() ({
          %run_scoped3A = tpu.sem_alloc : memref<!tpu.dma_semaphore, #tpu.memory_space<semaphore_mem>>
          %dma_start3A = arith.constant 0 : i32
          %dma_start3A_682 = tpu.memref_slice %arg8[%dma_start3A] : memref<1606656xf32, #tpu.memory_space<vmem_shared>> -> memref<1606656xf32, #tpu.memory_space<vmem_shared>>
          tpu.enqueue_indirect_dma source(%arg11 : memref<4096xf32, #tpu.memory_space<vmem>>) target(%dma_start3A_682 : memref<1606656xf32, #tpu.memory_space<vmem_shared>>) offsets(%arg10 : memref<4096xi32, #tpu.memory_space<vmem>>) semaphore(%run_scoped3A : memref<!tpu.dma_semaphore, #tpu.memory_space<semaphore_mem>>) {add = true}
          %dma_wait3A = arith.constant 0 : i32
          %dma_wait3A_683 = tpu.memref_slice %arg8[%dma_wait3A] : memref<1606656xf32, #tpu.memory_space<vmem_shared>> -> memref<1606656xf32, #tpu.memory_space<vmem_shared>>
          tpu.wait_indirect_dma semaphore(%run_scoped3A : memref<!tpu.dma_semaphore, #tpu.memory_space<semaphore_mem>>) src(%arg11 : memref<4096xf32, #tpu.memory_space<vmem>>) dst(%dma_wait3A_683 : memref<1606656xf32, #tpu.memory_space<vmem_shared>>)
          tpu.yield
        }) : () -> ()
        "tpu.region"() ({
          %run_scoped3A = tpu.sem_alloc : memref<!tpu.dma_semaphore, #tpu.memory_space<semaphore_mem>>
          %dma_start3A = arith.constant 4096 : i32
          %dma_start3A_682 = tpu.memref_slice %arg3[%dma_start3A] : memref<16384xi32, #tpu.memory_space<hbm>> -> memref<4096xi32, #tpu.memory_space<hbm>>
          %dma_start3A_683 = arith.constant 4096 : i32
          %dma_start3A_684 = tpu.memref_slice %arg3[%dma_start3A_683] : memref<16384xi32, #tpu.memory_space<hbm>> -> memref<4096xi32, #tpu.memory_space<hbm>>
          tpu.enqueue_dma source(%dma_start3A_684 : memref<4096xi32, #tpu.memory_space<hbm>>) target(%arg9 : memref<4096xi32, #tpu.memory_space<vmem>>) target_semaphore(%run_scoped3A : memref<!tpu.dma_semaphore, #tpu.memory_space<semaphore_mem>>)
          %dma_wait3A = arith.constant 4096 : i32
          %dma_wait3A_685 = tpu.memref_slice %arg3[%dma_wait3A] : memref<16384xi32, #tpu.memory_space<hbm>> -> memref<4096xi32, #tpu.memory_space<hbm>>
          %dma_wait3A_686 = arith.constant 4096 : i32
          %dma_wait3A_687 = tpu.memref_slice %arg3[%dma_wait3A_686] : memref<16384xi32, #tpu.memory_space<hbm>> -> memref<4096xi32, #tpu.memory_space<hbm>>
          tpu.wait_dma2 semaphore(%run_scoped3A : memref<!tpu.dma_semaphore, #tpu.memory_space<semaphore_mem>>) src(%dma_wait3A_687 : memref<4096xi32, #tpu.memory_space<hbm>>) dst(%arg9 : memref<4096xi32, #tpu.memory_space<vmem>>)
          tpu.yield
        }) : () -> ()
        %scan3A_661 = arith.constant 0 : i32
        %scan3A_662 = arith.constant 0 : i32
        %scan3A_663 = arith.constant 256 : i32
        %scan3A_664 = arith.addi %scan3A_662, %scan3A_663 : i32
        %scan3A_665 = arith.constant 1 : i32
        %scan3A_666 = scf.for %scan3A_682 = %scan3A_662 to %scan3A_664 step %scan3A_665 iter_args(%scan3A_683 = %scan3A_661) -> (i32)  : i32 {
          %mul3A_684 = arith.constant 16 : i32
          %mul3A_685 = arith.muli %scan3A_682, %mul3A_684 : i32
          %get3A = arith.index_cast %mul3A_685 : i32 to index
          %get3A_686 = tpu.vector_load %arg9[%get3A] {strides = array<i32>} : memref<4096xi32, #tpu.memory_space<vmem>>, vector<16xi32>,
          %add3A_687 = arith.constant 1604096 : i32
          %add3A_688 = vector.broadcast %add3A_687 : i32 to vector<16xi32>
          %add3A_689 = arith.addi %get3A_686, %add3A_688 : vector<16xi32>
          %mul3A_690 = arith.constant 16 : i32
          %mul3A_691 = arith.muli %scan3A_682, %mul3A_690 : i32
          %swap3A = arith.index_cast %mul3A_691 : i32 to index
          %swap3A_692 = tpu.vector_load %arg10[%swap3A] {strides = array<i32>} : memref<4096xi32, #tpu.memory_space<vmem>>, vector<16xi32>,
          tpu.vector_store %arg10[%swap3A], %add3A_689 {strides = array<i32>} : memref<4096xi32, #tpu.memory_space<vmem>>, vector<16xi32>,
          %scan3A_693 = arith.constant 0 : i32
          scf.yield %scan3A_693 : i32
        }
        %scan3A_667 = arith.constant 256 : i32
        "tpu.region"() ({
          %run_scoped3A = tpu.sem_alloc : memref<!tpu.dma_semaphore, #tpu.memory_space<semaphore_mem>>
          %dma_start3A = arith.constant 0 : i32
          %dma_start3A_682 = tpu.memref_slice %arg8[%dma_start3A] : memref<1606656xf32, #tpu.memory_space<vmem_shared>> -> memref<1606656xf32, #tpu.memory_space<vmem_shared>>
          tpu.enqueue_indirect_dma source(%arg11 : memref<4096xf32, #tpu.memory_space<vmem>>) target(%dma_start3A_682 : memref<1606656xf32, #tpu.memory_space<vmem_shared>>) offsets(%arg10 : memref<4096xi32, #tpu.memory_space<vmem>>) semaphore(%run_scoped3A : memref<!tpu.dma_semaphore, #tpu.memory_space<semaphore_mem>>) {add = true}
          %dma_wait3A = arith.constant 0 : i32
          %dma_wait3A_683 = tpu.memref_slice %arg8[%dma_wait3A] : memref<1606656xf32, #tpu.memory_space<vmem_shared>> -> memref<1606656xf32, #tpu.memory_space<vmem_shared>>
          tpu.wait_indirect_dma semaphore(%run_scoped3A : memref<!tpu.dma_semaphore, #tpu.memory_space<semaphore_mem>>) src(%arg11 : memref<4096xf32, #tpu.memory_space<vmem>>) dst(%dma_wait3A_683 : memref<1606656xf32, #tpu.memory_space<vmem_shared>>)
          tpu.yield
        }) : () -> ()
        "tpu.region"() ({
          %run_scoped3A = tpu.sem_alloc : memref<!tpu.dma_semaphore, #tpu.memory_space<semaphore_mem>>
          %dma_start3A = arith.constant 8192 : i32
          %dma_start3A_682 = tpu.memref_slice %arg3[%dma_start3A] : memref<16384xi32, #tpu.memory_space<hbm>> -> memref<4096xi32, #tpu.memory_space<hbm>>
          %dma_start3A_683 = arith.constant 8192 : i32
          %dma_start3A_684 = tpu.memref_slice %arg3[%dma_start3A_683] : memref<16384xi32, #tpu.memory_space<hbm>> -> memref<4096xi32, #tpu.memory_space<hbm>>
          tpu.enqueue_dma source(%dma_start3A_684 : memref<4096xi32, #tpu.memory_space<hbm>>) target(%arg9 : memref<4096xi32, #tpu.memory_space<vmem>>) target_semaphore(%run_scoped3A : memref<!tpu.dma_semaphore, #tpu.memory_space<semaphore_mem>>)
          %dma_wait3A = arith.constant 8192 : i32
          %dma_wait3A_685 = tpu.memref_slice %arg3[%dma_wait3A] : memref<16384xi32, #tpu.memory_space<hbm>> -> memref<4096xi32, #tpu.memory_space<hbm>>
          %dma_wait3A_686 = arith.constant 8192 : i32
          %dma_wait3A_687 = tpu.memref_slice %arg3[%dma_wait3A_686] : memref<16384xi32, #tpu.memory_space<hbm>> -> memref<4096xi32, #tpu.memory_space<hbm>>
          tpu.wait_dma2 semaphore(%run_scoped3A : memref<!tpu.dma_semaphore, #tpu.memory_space<semaphore_mem>>) src(%dma_wait3A_687 : memref<4096xi32, #tpu.memory_space<hbm>>) dst(%arg9 : memref<4096xi32, #tpu.memory_space<vmem>>)
          tpu.yield
        }) : () -> ()
        %scan3A_668 = arith.constant 0 : i32
        %scan3A_669 = arith.constant 0 : i32
        %scan3A_670 = arith.constant 256 : i32
        %scan3A_671 = arith.addi %scan3A_669, %scan3A_670 : i32
        %scan3A_672 = arith.constant 1 : i32
        %scan3A_673 = scf.for %scan3A_682 = %scan3A_669 to %scan3A_671 step %scan3A_672 iter_args(%scan3A_683 = %scan3A_668) -> (i32)  : i32 {
          %mul3A_684 = arith.constant 16 : i32
          %mul3A_685 = arith.muli %scan3A_682, %mul3A_684 : i32
          %get3A = arith.index_cast %mul3A_685 : i32 to index
          %get3A_686 = tpu.vector_load %arg9[%get3A] {strides = array<i32>} : memref<4096xi32, #tpu.memory_space<vmem>>, vector<16xi32>,
          %add3A_687 = arith.constant 1604096 : i32
          %add3A_688 = vector.broadcast %add3A_687 : i32 to vector<16xi32>
          %add3A_689 = arith.addi %get3A_686, %add3A_688 : vector<16xi32>
          %mul3A_690 = arith.constant 16 : i32
          %mul3A_691 = arith.muli %scan3A_682, %mul3A_690 : i32
          %swap3A = arith.index_cast %mul3A_691 : i32 to index
          %swap3A_692 = tpu.vector_load %arg10[%swap3A] {strides = array<i32>} : memref<4096xi32, #tpu.memory_space<vmem>>, vector<16xi32>,
          tpu.vector_store %arg10[%swap3A], %add3A_689 {strides = array<i32>} : memref<4096xi32, #tpu.memory_space<vmem>>, vector<16xi32>,
          %scan3A_693 = arith.constant 0 : i32
          scf.yield %scan3A_693 : i32
        }
        %scan3A_674 = arith.constant 256 : i32
        "tpu.region"() ({
          %run_scoped3A = tpu.sem_alloc : memref<!tpu.dma_semaphore, #tpu.memory_space<semaphore_mem>>
          %dma_start3A = arith.constant 0 : i32
          %dma_start3A_682 = tpu.memref_slice %arg8[%dma_start3A] : memref<1606656xf32, #tpu.memory_space<vmem_shared>> -> memref<1606656xf32, #tpu.memory_space<vmem_shared>>
          tpu.enqueue_indirect_dma source(%arg11 : memref<4096xf32, #tpu.memory_space<vmem>>) target(%dma_start3A_682 : memref<1606656xf32, #tpu.memory_space<vmem_shared>>) offsets(%arg10 : memref<4096xi32, #tpu.memory_space<vmem>>) semaphore(%run_scoped3A : memref<!tpu.dma_semaphore, #tpu.memory_space<semaphore_mem>>) {add = true}
          %dma_wait3A = arith.constant 0 : i32
          %dma_wait3A_683 = tpu.memref_slice %arg8[%dma_wait3A] : memref<1606656xf32, #tpu.memory_space<vmem_shared>> -> memref<1606656xf32, #tpu.memory_space<vmem_shared>>
          tpu.wait_indirect_dma semaphore(%run_scoped3A : memref<!tpu.dma_semaphore, #tpu.memory_space<semaphore_mem>>) src(%arg11 : memref<4096xf32, #tpu.memory_space<vmem>>) dst(%dma_wait3A_683 : memref<1606656xf32, #tpu.memory_space<vmem_shared>>)
          tpu.yield
        }) : () -> ()
        "tpu.region"() ({
          %run_scoped3A = tpu.sem_alloc : memref<!tpu.dma_semaphore, #tpu.memory_space<semaphore_mem>>
          %dma_start3A = arith.constant 12288 : i32
          %dma_start3A_682 = tpu.memref_slice %arg3[%dma_start3A] : memref<16384xi32, #tpu.memory_space<hbm>> -> memref<4096xi32, #tpu.memory_space<hbm>>
          %dma_start3A_683 = arith.constant 12288 : i32
          %dma_start3A_684 = tpu.memref_slice %arg3[%dma_start3A_683] : memref<16384xi32, #tpu.memory_space<hbm>> -> memref<4096xi32, #tpu.memory_space<hbm>>
          tpu.enqueue_dma source(%dma_start3A_684 : memref<4096xi32, #tpu.memory_space<hbm>>) target(%arg9 : memref<4096xi32, #tpu.memory_space<vmem>>) target_semaphore(%run_scoped3A : memref<!tpu.dma_semaphore, #tpu.memory_space<semaphore_mem>>)
          %dma_wait3A = arith.constant 12288 : i32
          %dma_wait3A_685 = tpu.memref_slice %arg3[%dma_wait3A] : memref<16384xi32, #tpu.memory_space<hbm>> -> memref<4096xi32, #tpu.memory_space<hbm>>
          %dma_wait3A_686 = arith.constant 12288 : i32
          %dma_wait3A_687 = tpu.memref_slice %arg3[%dma_wait3A_686] : memref<16384xi32, #tpu.memory_space<hbm>> -> memref<4096xi32, #tpu.memory_space<hbm>>
          tpu.wait_dma2 semaphore(%run_scoped3A : memref<!tpu.dma_semaphore, #tpu.memory_space<semaphore_mem>>) src(%dma_wait3A_687 : memref<4096xi32, #tpu.memory_space<hbm>>) dst(%arg9 : memref<4096xi32, #tpu.memory_space<vmem>>)
          tpu.yield
        }) : () -> ()
        %scan3A_675 = arith.constant 0 : i32
        %scan3A_676 = arith.constant 0 : i32
        %scan3A_677 = arith.constant 256 : i32
        %scan3A_678 = arith.addi %scan3A_676, %scan3A_677 : i32
        %scan3A_679 = arith.constant 1 : i32
        %scan3A_680 = scf.for %scan3A_682 = %scan3A_676 to %scan3A_678 step %scan3A_679 iter_args(%scan3A_683 = %scan3A_675) -> (i32)  : i32 {
          %mul3A_684 = arith.constant 16 : i32
          %mul3A_685 = arith.muli %scan3A_682, %mul3A_684 : i32
          %get3A = arith.index_cast %mul3A_685 : i32 to index
          %get3A_686 = tpu.vector_load %arg9[%get3A] {strides = array<i32>} : memref<4096xi32, #tpu.memory_space<vmem>>, vector<16xi32>,
          %add3A_687 = arith.constant 1604096 : i32
          %add3A_688 = vector.broadcast %add3A_687 : i32 to vector<16xi32>
          %add3A_689 = arith.addi %get3A_686, %add3A_688 : vector<16xi32>
          %mul3A_690 = arith.constant 16 : i32
          %mul3A_691 = arith.muli %scan3A_682, %mul3A_690 : i32
          %swap3A = arith.index_cast %mul3A_691 : i32 to index
          %swap3A_692 = tpu.vector_load %arg10[%swap3A] {strides = array<i32>} : memref<4096xi32, #tpu.memory_space<vmem>>, vector<16xi32>,
          tpu.vector_store %arg10[%swap3A], %add3A_689 {strides = array<i32>} : memref<4096xi32, #tpu.memory_space<vmem>>, vector<16xi32>,
          %scan3A_693 = arith.constant 0 : i32
          scf.yield %scan3A_693 : i32
        }
        %scan3A_681 = arith.constant 256 : i32
        "tpu.region"() ({
          %run_scoped3A = tpu.sem_alloc : memref<!tpu.dma_semaphore, #tpu.memory_space<semaphore_mem>>
          %dma_start3A = arith.constant 0 : i32
          %dma_start3A_682 = tpu.memref_slice %arg8[%dma_start3A] : memref<1606656xf32, #tpu.memory_space<vmem_shared>> -> memref<1606656xf32, #tpu.memory_space<vmem_shared>>
          tpu.enqueue_indirect_dma source(%arg11 : memref<4096xf32, #tpu.memory_space<vmem>>) target(%dma_start3A_682 : memref<1606656xf32, #tpu.memory_space<vmem_shared>>) offsets(%arg10 : memref<4096xi32, #tpu.memory_space<vmem>>) semaphore(%run_scoped3A : memref<!tpu.dma_semaphore, #tpu.memory_space<semaphore_mem>>) {add = true}
          %dma_wait3A = arith.constant 0 : i32
          %dma_wait3A_683 = tpu.memref_slice %arg8[%dma_wait3A] : memref<1606656xf32, #tpu.memory_space<vmem_shared>> -> memref<1606656xf32, #tpu.memory_space<vmem_shared>>
          tpu.wait_indirect_dma semaphore(%run_scoped3A : memref<!tpu.dma_semaphore, #tpu.memory_space<semaphore_mem>>) src(%arg11 : memref<4096xf32, #tpu.memory_space<vmem>>) dst(%dma_wait3A_683 : memref<1606656xf32, #tpu.memory_space<vmem_shared>>)
          tpu.yield
        }) : () -> ()
      } else {
      }
      %eq3A_649 = arith.constant 1 : i32
      %eq3A_650 = arith.cmpi eq, %arg0, %eq3A_649 : i32
      %convert_element_type3A_651 = arith.extui %eq3A_650 : i1 to i32
      %cond3A_652 = arith.constant 0 : i32
      %cond3A_653 = arith.cmpi ne, %convert_element_type3A_651, %cond3A_652 : i32
      scf.if %cond3A_653 {
        "tpu.region"() ({
          %run_scoped3A = tpu.sem_alloc : memref<!tpu.dma_semaphore, #tpu.memory_space<semaphore_mem>>
          %dma_start3A = arith.constant 0 : i32
          %dma_start3A_682 = tpu.memref_slice %arg4[%dma_start3A] : memref<16384xi32, #tpu.memory_space<hbm>> -> memref<4096xi32, #tpu.memory_space<hbm>>
          %dma_start3A_683 = arith.constant 0 : i32
          %dma_start3A_684 = tpu.memref_slice %arg4[%dma_start3A_683] : memref<16384xi32, #tpu.memory_space<hbm>> -> memref<4096xi32, #tpu.memory_space<hbm>>
          tpu.enqueue_dma source(%dma_start3A_684 : memref<4096xi32, #tpu.memory_space<hbm>>) target(%arg9 : memref<4096xi32, #tpu.memory_space<vmem>>) target_semaphore(%run_scoped3A : memref<!tpu.dma_semaphore, #tpu.memory_space<semaphore_mem>>)
          %dma_wait3A = arith.constant 0 : i32
          %dma_wait3A_685 = tpu.memref_slice %arg4[%dma_wait3A] : memref<16384xi32, #tpu.memory_space<hbm>> -> memref<4096xi32, #tpu.memory_space<hbm>>
          %dma_wait3A_686 = arith.constant 0 : i32
          %dma_wait3A_687 = tpu.memref_slice %arg4[%dma_wait3A_686] : memref<16384xi32, #tpu.memory_space<hbm>> -> memref<4096xi32, #tpu.memory_space<hbm>>
          tpu.wait_dma2 semaphore(%run_scoped3A : memref<!tpu.dma_semaphore, #tpu.memory_space<semaphore_mem>>) src(%dma_wait3A_687 : memref<4096xi32, #tpu.memory_space<hbm>>) dst(%arg9 : memref<4096xi32, #tpu.memory_space<vmem>>)
          tpu.yield
        }) : () -> ()
        %scan3A_654 = arith.constant 0 : i32
        %scan3A_655 = arith.constant 0 : i32
        %scan3A_656 = arith.constant 256 : i32
        %scan3A_657 = arith.addi %scan3A_655, %scan3A_656 : i32
        %scan3A_658 = arith.constant 1 : i32
        %scan3A_659 = scf.for %scan3A_682 = %scan3A_655 to %scan3A_657 step %scan3A_658 iter_args(%scan3A_683 = %scan3A_654) -> (i32)  : i32 {
          %mul3A_684 = arith.constant 16 : i32
          %mul3A_685 = arith.muli %scan3A_682, %mul3A_684 : i32
          %get3A = arith.index_cast %mul3A_685 : i32 to index
          %get3A_686 = tpu.vector_load %arg9[%get3A] {strides = array<i32>} : memref<4096xi32, #tpu.memory_space<vmem>>, vector<16xi32>,
          %add3A_687 = arith.constant 1604096 : i32
          %add3A_688 = vector.broadcast %add3A_687 : i32 to vector<16xi32>
          %add3A_689 = arith.addi %get3A_686, %add3A_688 : vector<16xi32>
          %mul3A_690 = arith.constant 16 : i32
          %mul3A_691 = arith.muli %scan3A_682, %mul3A_690 : i32
          %swap3A = arith.index_cast %mul3A_691 : i32 to index
          %swap3A_692 = tpu.vector_load %arg10[%swap3A] {strides = array<i32>} : memref<4096xi32, #tpu.memory_space<vmem>>, vector<16xi32>,
          tpu.vector_store %arg10[%swap3A], %add3A_689 {strides = array<i32>} : memref<4096xi32, #tpu.memory_space<vmem>>, vector<16xi32>,
          %scan3A_693 = arith.constant 0 : i32
          scf.yield %scan3A_693 : i32
        }
        %scan3A_660 = arith.constant 256 : i32
        "tpu.region"() ({
          %run_scoped3A = tpu.sem_alloc : memref<!tpu.dma_semaphore, #tpu.memory_space<semaphore_mem>>
          %dma_start3A = arith.constant 0 : i32
          %dma_start3A_682 = tpu.memref_slice %arg8[%dma_start3A] : memref<1606656xf32, #tpu.memory_space<vmem_shared>> -> memref<1606656xf32, #tpu.memory_space<vmem_shared>>
          tpu.enqueue_indirect_dma source(%arg11 : memref<4096xf32, #tpu.memory_space<vmem>>) target(%dma_start3A_682 : memref<1606656xf32, #tpu.memory_space<vmem_shared>>) offsets(%arg10 : memref<4096xi32, #tpu.memory_space<vmem>>) semaphore(%run_scoped3A : memref<!tpu.dma_semaphore, #tpu.memory_space<semaphore_mem>>) {add = true}
          %dma_wait3A = arith.constant 0 : i32
          %dma_wait3A_683 = tpu.memref_slice %arg8[%dma_wait3A] : memref<1606656xf32, #tpu.memory_space<vmem_shared>> -> memref<1606656xf32, #tpu.memory_space<vmem_shared>>
          tpu.wait_indirect_dma semaphore(%run_scoped3A : memref<!tpu.dma_semaphore, #tpu.memory_space<semaphore_mem>>) src(%arg11 : memref<4096xf32, #tpu.memory_space<vmem>>) dst(%dma_wait3A_683 : memref<1606656xf32, #tpu.memory_space<vmem_shared>>)
          tpu.yield
        }) : () -> ()
        "tpu.region"() ({
          %run_scoped3A = tpu.sem_alloc : memref<!tpu.dma_semaphore, #tpu.memory_space<semaphore_mem>>
          %dma_start3A = arith.constant 4096 : i32
          %dma_start3A_682 = tpu.memref_slice %arg4[%dma_start3A] : memref<16384xi32, #tpu.memory_space<hbm>> -> memref<4096xi32, #tpu.memory_space<hbm>>
          %dma_start3A_683 = arith.constant 4096 : i32
          %dma_start3A_684 = tpu.memref_slice %arg4[%dma_start3A_683] : memref<16384xi32, #tpu.memory_space<hbm>> -> memref<4096xi32, #tpu.memory_space<hbm>>
          tpu.enqueue_dma source(%dma_start3A_684 : memref<4096xi32, #tpu.memory_space<hbm>>) target(%arg9 : memref<4096xi32, #tpu.memory_space<vmem>>) target_semaphore(%run_scoped3A : memref<!tpu.dma_semaphore, #tpu.memory_space<semaphore_mem>>)
          %dma_wait3A = arith.constant 4096 : i32
          %dma_wait3A_685 = tpu.memref_slice %arg4[%dma_wait3A] : memref<16384xi32, #tpu.memory_space<hbm>> -> memref<4096xi32, #tpu.memory_space<hbm>>
          %dma_wait3A_686 = arith.constant 4096 : i32
          %dma_wait3A_687 = tpu.memref_slice %arg4[%dma_wait3A_686] : memref<16384xi32, #tpu.memory_space<hbm>> -> memref<4096xi32, #tpu.memory_space<hbm>>
          tpu.wait_dma2 semaphore(%run_scoped3A : memref<!tpu.dma_semaphore, #tpu.memory_space<semaphore_mem>>) src(%dma_wait3A_687 : memref<4096xi32, #tpu.memory_space<hbm>>) dst(%arg9 : memref<4096xi32, #tpu.memory_space<vmem>>)
          tpu.yield
        }) : () -> ()
        %scan3A_661 = arith.constant 0 : i32
        %scan3A_662 = arith.constant 0 : i32
        %scan3A_663 = arith.constant 256 : i32
        %scan3A_664 = arith.addi %scan3A_662, %scan3A_663 : i32
        %scan3A_665 = arith.constant 1 : i32
        %scan3A_666 = scf.for %scan3A_682 = %scan3A_662 to %scan3A_664 step %scan3A_665 iter_args(%scan3A_683 = %scan3A_661) -> (i32)  : i32 {
          %mul3A_684 = arith.constant 16 : i32
          %mul3A_685 = arith.muli %scan3A_682, %mul3A_684 : i32
          %get3A = arith.index_cast %mul3A_685 : i32 to index
          %get3A_686 = tpu.vector_load %arg9[%get3A] {strides = array<i32>} : memref<4096xi32, #tpu.memory_space<vmem>>, vector<16xi32>,
          %add3A_687 = arith.constant 1604096 : i32
          %add3A_688 = vector.broadcast %add3A_687 : i32 to vector<16xi32>
          %add3A_689 = arith.addi %get3A_686, %add3A_688 : vector<16xi32>
          %mul3A_690 = arith.constant 16 : i32
          %mul3A_691 = arith.muli %scan3A_682, %mul3A_690 : i32
          %swap3A = arith.index_cast %mul3A_691 : i32 to index
          %swap3A_692 = tpu.vector_load %arg10[%swap3A] {strides = array<i32>} : memref<4096xi32, #tpu.memory_space<vmem>>, vector<16xi32>,
          tpu.vector_store %arg10[%swap3A], %add3A_689 {strides = array<i32>} : memref<4096xi32, #tpu.memory_space<vmem>>, vector<16xi32>,
          %scan3A_693 = arith.constant 0 : i32
          scf.yield %scan3A_693 : i32
        }
        %scan3A_667 = arith.constant 256 : i32
        "tpu.region"() ({
          %run_scoped3A = tpu.sem_alloc : memref<!tpu.dma_semaphore, #tpu.memory_space<semaphore_mem>>
          %dma_start3A = arith.constant 0 : i32
          %dma_start3A_682 = tpu.memref_slice %arg8[%dma_start3A] : memref<1606656xf32, #tpu.memory_space<vmem_shared>> -> memref<1606656xf32, #tpu.memory_space<vmem_shared>>
          tpu.enqueue_indirect_dma source(%arg11 : memref<4096xf32, #tpu.memory_space<vmem>>) target(%dma_start3A_682 : memref<1606656xf32, #tpu.memory_space<vmem_shared>>) offsets(%arg10 : memref<4096xi32, #tpu.memory_space<vmem>>) semaphore(%run_scoped3A : memref<!tpu.dma_semaphore, #tpu.memory_space<semaphore_mem>>) {add = true}
          %dma_wait3A = arith.constant 0 : i32
          %dma_wait3A_683 = tpu.memref_slice %arg8[%dma_wait3A] : memref<1606656xf32, #tpu.memory_space<vmem_shared>> -> memref<1606656xf32, #tpu.memory_space<vmem_shared>>
          tpu.wait_indirect_dma semaphore(%run_scoped3A : memref<!tpu.dma_semaphore, #tpu.memory_space<semaphore_mem>>) src(%arg11 : memref<4096xf32, #tpu.memory_space<vmem>>) dst(%dma_wait3A_683 : memref<1606656xf32, #tpu.memory_space<vmem_shared>>)
          tpu.yield
        }) : () -> ()
        "tpu.region"() ({
          %run_scoped3A = tpu.sem_alloc : memref<!tpu.dma_semaphore, #tpu.memory_space<semaphore_mem>>
          %dma_start3A = arith.constant 8192 : i32
          %dma_start3A_682 = tpu.memref_slice %arg4[%dma_start3A] : memref<16384xi32, #tpu.memory_space<hbm>> -> memref<4096xi32, #tpu.memory_space<hbm>>
          %dma_start3A_683 = arith.constant 8192 : i32
          %dma_start3A_684 = tpu.memref_slice %arg4[%dma_start3A_683] : memref<16384xi32, #tpu.memory_space<hbm>> -> memref<4096xi32, #tpu.memory_space<hbm>>
          tpu.enqueue_dma source(%dma_start3A_684 : memref<4096xi32, #tpu.memory_space<hbm>>) target(%arg9 : memref<4096xi32, #tpu.memory_space<vmem>>) target_semaphore(%run_scoped3A : memref<!tpu.dma_semaphore, #tpu.memory_space<semaphore_mem>>)
          %dma_wait3A = arith.constant 8192 : i32
          %dma_wait3A_685 = tpu.memref_slice %arg4[%dma_wait3A] : memref<16384xi32, #tpu.memory_space<hbm>> -> memref<4096xi32, #tpu.memory_space<hbm>>
          %dma_wait3A_686 = arith.constant 8192 : i32
          %dma_wait3A_687 = tpu.memref_slice %arg4[%dma_wait3A_686] : memref<16384xi32, #tpu.memory_space<hbm>> -> memref<4096xi32, #tpu.memory_space<hbm>>
          tpu.wait_dma2 semaphore(%run_scoped3A : memref<!tpu.dma_semaphore, #tpu.memory_space<semaphore_mem>>) src(%dma_wait3A_687 : memref<4096xi32, #tpu.memory_space<hbm>>) dst(%arg9 : memref<4096xi32, #tpu.memory_space<vmem>>)
          tpu.yield
        }) : () -> ()
        %scan3A_668 = arith.constant 0 : i32
        %scan3A_669 = arith.constant 0 : i32
        %scan3A_670 = arith.constant 256 : i32
        %scan3A_671 = arith.addi %scan3A_669, %scan3A_670 : i32
        %scan3A_672 = arith.constant 1 : i32
        %scan3A_673 = scf.for %scan3A_682 = %scan3A_669 to %scan3A_671 step %scan3A_672 iter_args(%scan3A_683 = %scan3A_668) -> (i32)  : i32 {
          %mul3A_684 = arith.constant 16 : i32
          %mul3A_685 = arith.muli %scan3A_682, %mul3A_684 : i32
          %get3A = arith.index_cast %mul3A_685 : i32 to index
          %get3A_686 = tpu.vector_load %arg9[%get3A] {strides = array<i32>} : memref<4096xi32, #tpu.memory_space<vmem>>, vector<16xi32>,
          %add3A_687 = arith.constant 1604096 : i32
          %add3A_688 = vector.broadcast %add3A_687 : i32 to vector<16xi32>
          %add3A_689 = arith.addi %get3A_686, %add3A_688 : vector<16xi32>
          %mul3A_690 = arith.constant 16 : i32
          %mul3A_691 = arith.muli %scan3A_682, %mul3A_690 : i32
          %swap3A = arith.index_cast %mul3A_691 : i32 to index
          %swap3A_692 = tpu.vector_load %arg10[%swap3A] {strides = array<i32>} : memref<4096xi32, #tpu.memory_space<vmem>>, vector<16xi32>,
          tpu.vector_store %arg10[%swap3A], %add3A_689 {strides = array<i32>} : memref<4096xi32, #tpu.memory_space<vmem>>, vector<16xi32>,
          %scan3A_693 = arith.constant 0 : i32
          scf.yield %scan3A_693 : i32
        }
        %scan3A_674 = arith.constant 256 : i32
        "tpu.region"() ({
          %run_scoped3A = tpu.sem_alloc : memref<!tpu.dma_semaphore, #tpu.memory_space<semaphore_mem>>
          %dma_start3A = arith.constant 0 : i32
          %dma_start3A_682 = tpu.memref_slice %arg8[%dma_start3A] : memref<1606656xf32, #tpu.memory_space<vmem_shared>> -> memref<1606656xf32, #tpu.memory_space<vmem_shared>>
          tpu.enqueue_indirect_dma source(%arg11 : memref<4096xf32, #tpu.memory_space<vmem>>) target(%dma_start3A_682 : memref<1606656xf32, #tpu.memory_space<vmem_shared>>) offsets(%arg10 : memref<4096xi32, #tpu.memory_space<vmem>>) semaphore(%run_scoped3A : memref<!tpu.dma_semaphore, #tpu.memory_space<semaphore_mem>>) {add = true}
          %dma_wait3A = arith.constant 0 : i32
          %dma_wait3A_683 = tpu.memref_slice %arg8[%dma_wait3A] : memref<1606656xf32, #tpu.memory_space<vmem_shared>> -> memref<1606656xf32, #tpu.memory_space<vmem_shared>>
          tpu.wait_indirect_dma semaphore(%run_scoped3A : memref<!tpu.dma_semaphore, #tpu.memory_space<semaphore_mem>>) src(%arg11 : memref<4096xf32, #tpu.memory_space<vmem>>) dst(%dma_wait3A_683 : memref<1606656xf32, #tpu.memory_space<vmem_shared>>)
          tpu.yield
        }) : () -> ()
        "tpu.region"() ({
          %run_scoped3A = tpu.sem_alloc : memref<!tpu.dma_semaphore, #tpu.memory_space<semaphore_mem>>
          %dma_start3A = arith.constant 12288 : i32
          %dma_start3A_682 = tpu.memref_slice %arg4[%dma_start3A] : memref<16384xi32, #tpu.memory_space<hbm>> -> memref<4096xi32, #tpu.memory_space<hbm>>
          %dma_start3A_683 = arith.constant 12288 : i32
          %dma_start3A_684 = tpu.memref_slice %arg4[%dma_start3A_683] : memref<16384xi32, #tpu.memory_space<hbm>> -> memref<4096xi32, #tpu.memory_space<hbm>>
          tpu.enqueue_dma source(%dma_start3A_684 : memref<4096xi32, #tpu.memory_space<hbm>>) target(%arg9 : memref<4096xi32, #tpu.memory_space<vmem>>) target_semaphore(%run_scoped3A : memref<!tpu.dma_semaphore, #tpu.memory_space<semaphore_mem>>)
          %dma_wait3A = arith.constant 12288 : i32
          %dma_wait3A_685 = tpu.memref_slice %arg4[%dma_wait3A] : memref<16384xi32, #tpu.memory_space<hbm>> -> memref<4096xi32, #tpu.memory_space<hbm>>
          %dma_wait3A_686 = arith.constant 12288 : i32
          %dma_wait3A_687 = tpu.memref_slice %arg4[%dma_wait3A_686] : memref<16384xi32, #tpu.memory_space<hbm>> -> memref<4096xi32, #tpu.memory_space<hbm>>
          tpu.wait_dma2 semaphore(%run_scoped3A : memref<!tpu.dma_semaphore, #tpu.memory_space<semaphore_mem>>) src(%dma_wait3A_687 : memref<4096xi32, #tpu.memory_space<hbm>>) dst(%arg9 : memref<4096xi32, #tpu.memory_space<vmem>>)
          tpu.yield
        }) : () -> ()
        %scan3A_675 = arith.constant 0 : i32
        %scan3A_676 = arith.constant 0 : i32
        %scan3A_677 = arith.constant 256 : i32
        %scan3A_678 = arith.addi %scan3A_676, %scan3A_677 : i32
        %scan3A_679 = arith.constant 1 : i32
        %scan3A_680 = scf.for %scan3A_682 = %scan3A_676 to %scan3A_678 step %scan3A_679 iter_args(%scan3A_683 = %scan3A_675) -> (i32)  : i32 {
          %mul3A_684 = arith.constant 16 : i32
          %mul3A_685 = arith.muli %scan3A_682, %mul3A_684 : i32
          %get3A = arith.index_cast %mul3A_685 : i32 to index
          %get3A_686 = tpu.vector_load %arg9[%get3A] {strides = array<i32>} : memref<4096xi32, #tpu.memory_space<vmem>>, vector<16xi32>,
          %add3A_687 = arith.constant 1604096 : i32
          %add3A_688 = vector.broadcast %add3A_687 : i32 to vector<16xi32>
          %add3A_689 = arith.addi %get3A_686, %add3A_688 : vector<16xi32>
          %mul3A_690 = arith.constant 16 : i32
          %mul3A_691 = arith.muli %scan3A_682, %mul3A_690 : i32
          %swap3A = arith.index_cast %mul3A_691 : i32 to index
          %swap3A_692 = tpu.vector_load %arg10[%swap3A] {strides = array<i32>} : memref<4096xi32, #tpu.memory_space<vmem>>, vector<16xi32>,
          tpu.vector_store %arg10[%swap3A], %add3A_689 {strides = array<i32>} : memref<4096xi32, #tpu.memory_space<vmem>>, vector<16xi32>,
          %scan3A_693 = arith.constant 0 : i32
          scf.yield %scan3A_693 : i32
        }
        %scan3A_681 = arith.constant 256 : i32
        "tpu.region"() ({
          %run_scoped3A = tpu.sem_alloc : memref<!tpu.dma_semaphore, #tpu.memory_space<semaphore_mem>>
          %dma_start3A = arith.constant 0 : i32
          %dma_start3A_682 = tpu.memref_slice %arg8[%dma_start3A] : memref<1606656xf32, #tpu.memory_space<vmem_shared>> -> memref<1606656xf32, #tpu.memory_space<vmem_shared>>
          tpu.enqueue_indirect_dma source(%arg11 : memref<4096xf32, #tpu.memory_space<vmem>>) target(%dma_start3A_682 : memref<1606656xf32, #tpu.memory_space<vmem_shared>>) offsets(%arg10 : memref<4096xi32, #tpu.memory_space<vmem>>) semaphore(%run_scoped3A : memref<!tpu.dma_semaphore, #tpu.memory_space<semaphore_mem>>) {add = true}
          %dma_wait3A = arith.constant 0 : i32
          %dma_wait3A_683 = tpu.memref_slice %arg8[%dma_wait3A] : memref<1606656xf32, #tpu.memory_space<vmem_shared>> -> memref<1606656xf32, #tpu.memory_space<vmem_shared>>
          tpu.wait_indirect_dma semaphore(%run_scoped3A : memref<!tpu.dma_semaphore, #tpu.memory_space<semaphore_mem>>) src(%arg11 : memref<4096xf32, #tpu.memory_space<vmem>>) dst(%dma_wait3A_683 : memref<1606656xf32, #tpu.memory_space<vmem_shared>>)
          tpu.yield
        }) : () -> ()
      } else {
      }
    } else {
    }
    %mul3A_67 = arith.constant 65536 : i32
    %mul3A_68 = arith.muli %arg1, %mul3A_67 : i32
    %add3A_69 = arith.constant 0 : i32
    %add3A_70 = arith.addi %mul3A_68, %add3A_69 : i32
    "tpu.region"() ({
      %run_scoped3A = tpu.sem_alloc : memref<!tpu.dma_semaphore, #tpu.memory_space<semaphore_mem>>
      %dma_start3A = tpu.memref_slice %arg2[%add3A_70] : memref<1048576xi32, #tpu.memory_space<hbm>> -> memref<4096xi32, #tpu.memory_space<hbm>>
      %dma_start3A_644 = tpu.memref_slice %arg2[%add3A_70] : memref<1048576xi32, #tpu.memory_space<hbm>> -> memref<4096xi32, #tpu.memory_space<hbm>>
      tpu.enqueue_dma source(%dma_start3A_644 : memref<4096xi32, #tpu.memory_space<hbm>>) target(%arg9 : memref<4096xi32, #tpu.memory_space<vmem>>) target_semaphore(%run_scoped3A : memref<!tpu.dma_semaphore, #tpu.memory_space<semaphore_mem>>)
      %dma_wait3A = tpu.memref_slice %arg2[%add3A_70] : memref<1048576xi32, #tpu.memory_space<hbm>> -> memref<4096xi32, #tpu.memory_space<hbm>>
      %dma_wait3A_645 = tpu.memref_slice %arg2[%add3A_70] : memref<1048576xi32, #tpu.memory_space<hbm>> -> memref<4096xi32, #tpu.memory_space<hbm>>
      tpu.wait_dma2 semaphore(%run_scoped3A : memref<!tpu.dma_semaphore, #tpu.memory_space<semaphore_mem>>) src(%dma_wait3A_645 : memref<4096xi32, #tpu.memory_space<hbm>>) dst(%arg9 : memref<4096xi32, #tpu.memory_space<vmem>>)
      tpu.yield
    }) : () -> ()
    %scan3A_71 = arith.constant 4095 : i32
    %scan3A_72 = arith.constant 1600000 : i32
    %scan3A_73 = arith.constant 0 : i32
    %scan3A_74 = arith.constant 0 : i32
    %scan3A_75 = arith.constant 256 : i32
    %scan3A_76 = arith.addi %scan3A_74, %scan3A_75 : i32
    %scan3A_77 = arith.constant 1 : i32
    %scan3A_78 = scf.for %scan3A_644 = %scan3A_74 to %scan3A_76 step %scan3A_77 iter_args(%scan3A_645 = %scan3A_73) -> (i32)  : i32 {
      %mul3A_646 = arith.constant 16 : i32
      %mul3A_647 = arith.muli %scan3A_644, %mul3A_646 : i32
      %get3A = arith.index_cast %mul3A_647 : i32 to index
      %get3A_648 = tpu.vector_load %arg9[%get3A] {strides = array<i32>} : memref<4096xi32, #tpu.memory_space<vmem>>, vector<16xi32>,
      %sub3A = vector.broadcast %mul3A_12 : i32 to vector<16xi32>
      %sub3A_649 = arith.subi %get3A_648, %sub3A : vector<16xi32>
      %bitcast3A = vector.bitcast %sub3A_649 : vector<16xi32> to vector<16xi32>
      %and3A = vector.broadcast %scan3A_71 : i32 to vector<16xi32>
      %and3A_650 = arith.andi %bitcast3A, %and3A : vector<16xi32>
      %add3A_651 = vector.broadcast %scan3A_72 : i32 to vector<16xi32>
      %add3A_652 = arith.addi %add3A_651, %and3A_650 : vector<16xi32>
      %min3A = arith.minui %bitcast3A, %add3A_652 : vector<16xi32>
      %bitcast3A_653 = vector.bitcast %min3A : vector<16xi32> to vector<16xi32>
      %mul3A_654 = arith.constant 16 : i32
      %mul3A_655 = arith.muli %scan3A_644, %mul3A_654 : i32
      %swap3A = arith.index_cast %mul3A_655 : i32 to index
      %swap3A_656 = tpu.vector_load %arg10[%swap3A] {strides = array<i32>} : memref<4096xi32, #tpu.memory_space<vmem>>, vector<16xi32>,
      tpu.vector_store %arg10[%swap3A], %bitcast3A_653 {strides = array<i32>} : memref<4096xi32, #tpu.memory_space<vmem>>, vector<16xi32>,
      %scan3A_657 = arith.constant 0 : i32
      scf.yield %scan3A_657 : i32
    }
    %scan3A_79 = arith.constant 256 : i32
    "tpu.region"() ({
      %run_scoped3A = tpu.sem_alloc : memref<!tpu.dma_semaphore, #tpu.memory_space<semaphore_mem>>
      %dma_start3A = arith.constant 0 : i32
      %dma_start3A_644 = tpu.memref_slice %arg8[%dma_start3A] : memref<1606656xf32, #tpu.memory_space<vmem_shared>> -> memref<1606656xf32, #tpu.memory_space<vmem_shared>>
      tpu.enqueue_indirect_dma source(%arg11 : memref<4096xf32, #tpu.memory_space<vmem>>) target(%dma_start3A_644 : memref<1606656xf32, #tpu.memory_space<vmem_shared>>) offsets(%arg10 : memref<4096xi32, #tpu.memory_space<vmem>>) semaphore(%run_scoped3A : memref<!tpu.dma_semaphore, #tpu.memory_space<semaphore_mem>>) {add = true}
      %dma_wait3A = arith.constant 0 : i32
      %dma_wait3A_645 = tpu.memref_slice %arg8[%dma_wait3A] : memref<1606656xf32, #tpu.memory_space<vmem_shared>> -> memref<1606656xf32, #tpu.memory_space<vmem_shared>>
      tpu.wait_indirect_dma semaphore(%run_scoped3A : memref<!tpu.dma_semaphore, #tpu.memory_space<semaphore_mem>>) src(%arg11 : memref<4096xf32, #tpu.memory_space<vmem>>) dst(%dma_wait3A_645 : memref<1606656xf32, #tpu.memory_space<vmem_shared>>)
      tpu.yield
    }) : () -> ()
    %mul3A_80 = arith.constant 65536 : i32
    %mul3A_81 = arith.muli %arg1, %mul3A_80 : i32
    %add3A_82 = arith.constant 4096 : i32
    %add3A_83 = arith.addi %mul3A_81, %add3A_82 : i32
    "tpu.region"() ({
      %run_scoped3A = tpu.sem_alloc : memref<!tpu.dma_semaphore, #tpu.memory_space<semaphore_mem>>
      %dma_start3A = tpu.memref_slice %arg2[%add3A_83] : memref<1048576xi32, #tpu.memory_space<hbm>> -> memref<4096xi32, #tpu.memory_space<hbm>>
      %dma_start3A_644 = tpu.memref_slice %arg2[%add3A_83] : memref<1048576xi32, #tpu.memory_space<hbm>> -> memref<4096xi32, #tpu.memory_space<hbm>>
      tpu.enqueue_dma source(%dma_start3A_644 : memref<4096xi32, #tpu.memory_space<hbm>>) target(%arg9 : memref<4096xi32, #tpu.memory_space<vmem>>) target_semaphore(%run_scoped3A : memref<!tpu.dma_semaphore, #tpu.memory_space<semaphore_mem>>)
      %dma_wait3A = tpu.memref_slice %arg2[%add3A_83] : memref<1048576xi32, #tpu.memory_space<hbm>> -> memref<4096xi32, #tpu.memory_space<hbm>>
      %dma_wait3A_645 = tpu.memref_slice %arg2[%add3A_83] : memref<1048576xi32, #tpu.memory_space<hbm>> -> memref<4096xi32, #tpu.memory_space<hbm>>
      tpu.wait_dma2 semaphore(%run_scoped3A : memref<!tpu.dma_semaphore, #tpu.memory_space<semaphore_mem>>) src(%dma_wait3A_645 : memref<4096xi32, #tpu.memory_space<hbm>>) dst(%arg9 : memref<4096xi32, #tpu.memory_space<vmem>>)
      tpu.yield
    }) : () -> ()
    %scan3A_84 = arith.constant 4095 : i32
    %scan3A_85 = arith.constant 1600000 : i32
    %scan3A_86 = arith.constant 0 : i32
    %scan3A_87 = arith.constant 0 : i32
    %scan3A_88 = arith.constant 256 : i32
    %scan3A_89 = arith.addi %scan3A_87, %scan3A_88 : i32
    %scan3A_90 = arith.constant 1 : i32
    %scan3A_91 = scf.for %scan3A_644 = %scan3A_87 to %scan3A_89 step %scan3A_90 iter_args(%scan3A_645 = %scan3A_86) -> (i32)  : i32 {
      %mul3A_646 = arith.constant 16 : i32
      %mul3A_647 = arith.muli %scan3A_644, %mul3A_646 : i32
      %get3A = arith.index_cast %mul3A_647 : i32 to index
      %get3A_648 = tpu.vector_load %arg9[%get3A] {strides = array<i32>} : memref<4096xi32, #tpu.memory_space<vmem>>, vector<16xi32>,
      %sub3A = vector.broadcast %mul3A_12 : i32 to vector<16xi32>
      %sub3A_649 = arith.subi %get3A_648, %sub3A : vector<16xi32>
      %bitcast3A = vector.bitcast %sub3A_649 : vector<16xi32> to vector<16xi32>
      %and3A = vector.broadcast %scan3A_84 : i32 to vector<16xi32>
      %and3A_650 = arith.andi %bitcast3A, %and3A : vector<16xi32>
      %add3A_651 = vector.broadcast %scan3A_85 : i32 to vector<16xi32>
      %add3A_652 = arith.addi %add3A_651, %and3A_650 : vector<16xi32>
      %min3A = arith.minui %bitcast3A, %add3A_652 : vector<16xi32>
      %bitcast3A_653 = vector.bitcast %min3A : vector<16xi32> to vector<16xi32>
      %mul3A_654 = arith.constant 16 : i32
      %mul3A_655 = arith.muli %scan3A_644, %mul3A_654 : i32
      %swap3A = arith.index_cast %mul3A_655 : i32 to index
      %swap3A_656 = tpu.vector_load %arg10[%swap3A] {strides = array<i32>} : memref<4096xi32, #tpu.memory_space<vmem>>, vector<16xi32>,
      tpu.vector_store %arg10[%swap3A], %bitcast3A_653 {strides = array<i32>} : memref<4096xi32, #tpu.memory_space<vmem>>, vector<16xi32>,
      %scan3A_657 = arith.constant 0 : i32
      scf.yield %scan3A_657 : i32
    }
    %scan3A_92 = arith.constant 256 : i32
    "tpu.region"() ({
      %run_scoped3A = tpu.sem_alloc : memref<!tpu.dma_semaphore, #tpu.memory_space<semaphore_mem>>
      %dma_start3A = arith.constant 0 : i32
      %dma_start3A_644 = tpu.memref_slice %arg8[%dma_start3A] : memref<1606656xf32, #tpu.memory_space<vmem_shared>> -> memref<1606656xf32, #tpu.memory_space<vmem_shared>>
      tpu.enqueue_indirect_dma source(%arg11 : memref<4096xf32, #tpu.memory_space<vmem>>) target(%dma_start3A_644 : memref<1606656xf32, #tpu.memory_space<vmem_shared>>) offsets(%arg10 : memref<4096xi32, #tpu.memory_space<vmem>>) semaphore(%run_scoped3A : memref<!tpu.dma_semaphore, #tpu.memory_space<semaphore_mem>>) {add = true}
      %dma_wait3A = arith.constant 0 : i32
      %dma_wait3A_645 = tpu.memref_slice %arg8[%dma_wait3A] : memref<1606656xf32, #tpu.memory_space<vmem_shared>> -> memref<1606656xf32, #tpu.memory_space<vmem_shared>>
      tpu.wait_indirect_dma semaphore(%run_scoped3A : memref<!tpu.dma_semaphore, #tpu.memory_space<semaphore_mem>>) src(%arg11 : memref<4096xf32, #tpu.memory_space<vmem>>) dst(%dma_wait3A_645 : memref<1606656xf32, #tpu.memory_space<vmem_shared>>)
      tpu.yield
    }) : () -> ()
    %mul3A_93 = arith.constant 65536 : i32
    %mul3A_94 = arith.muli %arg1, %mul3A_93 : i32
    %add3A_95 = arith.constant 8192 : i32
    %add3A_96 = arith.addi %mul3A_94, %add3A_95 : i32
    "tpu.region"() ({
      %run_scoped3A = tpu.sem_alloc : memref<!tpu.dma_semaphore, #tpu.memory_space<semaphore_mem>>
      %dma_start3A = tpu.memref_slice %arg2[%add3A_96] : memref<1048576xi32, #tpu.memory_space<hbm>> -> memref<4096xi32, #tpu.memory_space<hbm>>
      %dma_start3A_644 = tpu.memref_slice %arg2[%add3A_96] : memref<1048576xi32, #tpu.memory_space<hbm>> -> memref<4096xi32, #tpu.memory_space<hbm>>
      tpu.enqueue_dma source(%dma_start3A_644 : memref<4096xi32, #tpu.memory_space<hbm>>) target(%arg9 : memref<4096xi32, #tpu.memory_space<vmem>>) target_semaphore(%run_scoped3A : memref<!tpu.dma_semaphore, #tpu.memory_space<semaphore_mem>>)
      %dma_wait3A = tpu.memref_slice %arg2[%add3A_96] : memref<1048576xi32, #tpu.memory_space<hbm>> -> memref<4096xi32, #tpu.memory_space<hbm>>
      %dma_wait3A_645 = tpu.memref_slice %arg2[%add3A_96] : memref<1048576xi32, #tpu.memory_space<hbm>> -> memref<4096xi32, #tpu.memory_space<hbm>>
      tpu.wait_dma2 semaphore(%run_scoped3A : memref<!tpu.dma_semaphore, #tpu.memory_space<semaphore_mem>>) src(%dma_wait3A_645 : memref<4096xi32, #tpu.memory_space<hbm>>) dst(%arg9 : memref<4096xi32, #tpu.memory_space<vmem>>)
      tpu.yield
    }) : () -> ()
    %scan3A_97 = arith.constant 4095 : i32
    %scan3A_98 = arith.constant 1600000 : i32
    %scan3A_99 = arith.constant 0 : i32
    %scan3A_100 = arith.constant 0 : i32
    %scan3A_101 = arith.constant 256 : i32
    %scan3A_102 = arith.addi %scan3A_100, %scan3A_101 : i32
    %scan3A_103 = arith.constant 1 : i32
    %scan3A_104 = scf.for %scan3A_644 = %scan3A_100 to %scan3A_102 step %scan3A_103 iter_args(%scan3A_645 = %scan3A_99) -> (i32)  : i32 {
      %mul3A_646 = arith.constant 16 : i32
      %mul3A_647 = arith.muli %scan3A_644, %mul3A_646 : i32
      %get3A = arith.index_cast %mul3A_647 : i32 to index
      %get3A_648 = tpu.vector_load %arg9[%get3A] {strides = array<i32>} : memref<4096xi32, #tpu.memory_space<vmem>>, vector<16xi32>,
      %sub3A = vector.broadcast %mul3A_12 : i32 to vector<16xi32>
      %sub3A_649 = arith.subi %get3A_648, %sub3A : vector<16xi32>
      %bitcast3A = vector.bitcast %sub3A_649 : vector<16xi32> to vector<16xi32>
      %and3A = vector.broadcast %scan3A_97 : i32 to vector<16xi32>
      %and3A_650 = arith.andi %bitcast3A, %and3A : vector<16xi32>
      %add3A_651 = vector.broadcast %scan3A_98 : i32 to vector<16xi32>
      %add3A_652 = arith.addi %add3A_651, %and3A_650 : vector<16xi32>
      %min3A = arith.minui %bitcast3A, %add3A_652 : vector<16xi32>
      %bitcast3A_653 = vector.bitcast %min3A : vector<16xi32> to vector<16xi32>
      %mul3A_654 = arith.constant 16 : i32
      %mul3A_655 = arith.muli %scan3A_644, %mul3A_654 : i32
      %swap3A = arith.index_cast %mul3A_655 : i32 to index
      %swap3A_656 = tpu.vector_load %arg10[%swap3A] {strides = array<i32>} : memref<4096xi32, #tpu.memory_space<vmem>>, vector<16xi32>,
      tpu.vector_store %arg10[%swap3A], %bitcast3A_653 {strides = array<i32>} : memref<4096xi32, #tpu.memory_space<vmem>>, vector<16xi32>,
      %scan3A_657 = arith.constant 0 : i32
      scf.yield %scan3A_657 : i32
    }
    %scan3A_105 = arith.constant 256 : i32
    "tpu.region"() ({
      %run_scoped3A = tpu.sem_alloc : memref<!tpu.dma_semaphore, #tpu.memory_space<semaphore_mem>>
      %dma_start3A = arith.constant 0 : i32
      %dma_start3A_644 = tpu.memref_slice %arg8[%dma_start3A] : memref<1606656xf32, #tpu.memory_space<vmem_shared>> -> memref<1606656xf32, #tpu.memory_space<vmem_shared>>
      tpu.enqueue_indirect_dma source(%arg11 : memref<4096xf32, #tpu.memory_space<vmem>>) target(%dma_start3A_644 : memref<1606656xf32, #tpu.memory_space<vmem_shared>>) offsets(%arg10 : memref<4096xi32, #tpu.memory_space<vmem>>) semaphore(%run_scoped3A : memref<!tpu.dma_semaphore, #tpu.memory_space<semaphore_mem>>) {add = true}
      %dma_wait3A = arith.constant 0 : i32
      %dma_wait3A_645 = tpu.memref_slice %arg8[%dma_wait3A] : memref<1606656xf32, #tpu.memory_space<vmem_shared>> -> memref<1606656xf32, #tpu.memory_space<vmem_shared>>
      tpu.wait_indirect_dma semaphore(%run_scoped3A : memref<!tpu.dma_semaphore, #tpu.memory_space<semaphore_mem>>) src(%arg11 : memref<4096xf32, #tpu.memory_space<vmem>>) dst(%dma_wait3A_645 : memref<1606656xf32, #tpu.memory_space<vmem_shared>>)
      tpu.yield
    }) : () -> ()
    %mul3A_106 = arith.constant 65536 : i32
    %mul3A_107 = arith.muli %arg1, %mul3A_106 : i32
    %add3A_108 = arith.constant 12288 : i32
    %add3A_109 = arith.addi %mul3A_107, %add3A_108 : i32
    "tpu.region"() ({
      %run_scoped3A = tpu.sem_alloc : memref<!tpu.dma_semaphore, #tpu.memory_space<semaphore_mem>>
      %dma_start3A = tpu.memref_slice %arg2[%add3A_109] : memref<1048576xi32, #tpu.memory_space<hbm>> -> memref<4096xi32, #tpu.memory_space<hbm>>
      %dma_start3A_644 = tpu.memref_slice %arg2[%add3A_109] : memref<1048576xi32, #tpu.memory_space<hbm>> -> memref<4096xi32, #tpu.memory_space<hbm>>
      tpu.enqueue_dma source(%dma_start3A_644 : memref<4096xi32, #tpu.memory_space<hbm>>) target(%arg9 : memref<4096xi32, #tpu.memory_space<vmem>>) target_semaphore(%run_scoped3A : memref<!tpu.dma_semaphore, #tpu.memory_space<semaphore_mem>>)
      %dma_wait3A = tpu.memref_slice %arg2[%add3A_109] : memref<1048576xi32, #tpu.memory_space<hbm>> -> memref<4096xi32, #tpu.memory_space<hbm>>
      %dma_wait3A_645 = tpu.memref_slice %arg2[%add3A_109] : memref<1048576xi32, #tpu.memory_space<hbm>> -> memref<4096xi32, #tpu.memory_space<hbm>>
      tpu.wait_dma2 semaphore(%run_scoped3A : memref<!tpu.dma_semaphore, #tpu.memory_space<semaphore_mem>>) src(%dma_wait3A_645 : memref<4096xi32, #tpu.memory_space<hbm>>) dst(%arg9 : memref<4096xi32, #tpu.memory_space<vmem>>)
      tpu.yield
    }) : () -> ()
    %scan3A_110 = arith.constant 4095 : i32
    %scan3A_111 = arith.constant 1600000 : i32
    %scan3A_112 = arith.constant 0 : i32
    %scan3A_113 = arith.constant 0 : i32
    %scan3A_114 = arith.constant 256 : i32
    %scan3A_115 = arith.addi %scan3A_113, %scan3A_114 : i32
    %scan3A_116 = arith.constant 1 : i32
    %scan3A_117 = scf.for %scan3A_644 = %scan3A_113 to %scan3A_115 step %scan3A_116 iter_args(%scan3A_645 = %scan3A_112) -> (i32)  : i32 {
      %mul3A_646 = arith.constant 16 : i32
      %mul3A_647 = arith.muli %scan3A_644, %mul3A_646 : i32
      %get3A = arith.index_cast %mul3A_647 : i32 to index
      %get3A_648 = tpu.vector_load %arg9[%get3A] {strides = array<i32>} : memref<4096xi32, #tpu.memory_space<vmem>>, vector<16xi32>,
      %sub3A = vector.broadcast %mul3A_12 : i32 to vector<16xi32>
      %sub3A_649 = arith.subi %get3A_648, %sub3A : vector<16xi32>
      %bitcast3A = vector.bitcast %sub3A_649 : vector<16xi32> to vector<16xi32>
      %and3A = vector.broadcast %scan3A_110 : i32 to vector<16xi32>
      %and3A_650 = arith.andi %bitcast3A, %and3A : vector<16xi32>
      %add3A_651 = vector.broadcast %scan3A_111 : i32 to vector<16xi32>
      %add3A_652 = arith.addi %add3A_651, %and3A_650 : vector<16xi32>
      %min3A = arith.minui %bitcast3A, %add3A_652 : vector<16xi32>
      %bitcast3A_653 = vector.bitcast %min3A : vector<16xi32> to vector<16xi32>
      %mul3A_654 = arith.constant 16 : i32
      %mul3A_655 = arith.muli %scan3A_644, %mul3A_654 : i32
      %swap3A = arith.index_cast %mul3A_655 : i32 to index
      %swap3A_656 = tpu.vector_load %arg10[%swap3A] {strides = array<i32>} : memref<4096xi32, #tpu.memory_space<vmem>>, vector<16xi32>,
      tpu.vector_store %arg10[%swap3A], %bitcast3A_653 {strides = array<i32>} : memref<4096xi32, #tpu.memory_space<vmem>>, vector<16xi32>,
      %scan3A_657 = arith.constant 0 : i32
      scf.yield %scan3A_657 : i32
    }
    %scan3A_118 = arith.constant 256 : i32
    "tpu.region"() ({
      %run_scoped3A = tpu.sem_alloc : memref<!tpu.dma_semaphore, #tpu.memory_space<semaphore_mem>>
      %dma_start3A = arith.constant 0 : i32
      %dma_start3A_644 = tpu.memref_slice %arg8[%dma_start3A] : memref<1606656xf32, #tpu.memory_space<vmem_shared>> -> memref<1606656xf32, #tpu.memory_space<vmem_shared>>
      tpu.enqueue_indirect_dma source(%arg11 : memref<4096xf32, #tpu.memory_space<vmem>>) target(%dma_start3A_644 : memref<1606656xf32, #tpu.memory_space<vmem_shared>>) offsets(%arg10 : memref<4096xi32, #tpu.memory_space<vmem>>) semaphore(%run_scoped3A : memref<!tpu.dma_semaphore, #tpu.memory_space<semaphore_mem>>) {add = true}
      %dma_wait3A = arith.constant 0 : i32
      %dma_wait3A_645 = tpu.memref_slice %arg8[%dma_wait3A] : memref<1606656xf32, #tpu.memory_space<vmem_shared>> -> memref<1606656xf32, #tpu.memory_space<vmem_shared>>
      tpu.wait_indirect_dma semaphore(%run_scoped3A : memref<!tpu.dma_semaphore, #tpu.memory_space<semaphore_mem>>) src(%arg11 : memref<4096xf32, #tpu.memory_space<vmem>>) dst(%dma_wait3A_645 : memref<1606656xf32, #tpu.memory_space<vmem_shared>>)
      tpu.yield
    }) : () -> ()
    %mul3A_119 = arith.constant 65536 : i32
    %mul3A_120 = arith.muli %arg1, %mul3A_119 : i32
    %add3A_121 = arith.constant 16384 : i32
    %add3A_122 = arith.addi %mul3A_120, %add3A_121 : i32
    "tpu.region"() ({
      %run_scoped3A = tpu.sem_alloc : memref<!tpu.dma_semaphore, #tpu.memory_space<semaphore_mem>>
      %dma_start3A = tpu.memref_slice %arg2[%add3A_122] : memref<1048576xi32, #tpu.memory_space<hbm>> -> memref<4096xi32, #tpu.memory_space<hbm>>
      %dma_start3A_644 = tpu.memref_slice %arg2[%add3A_122] : memref<1048576xi32, #tpu.memory_space<hbm>> -> memref<4096xi32, #tpu.memory_space<hbm>>
      tpu.enqueue_dma source(%dma_start3A_644 : memref<4096xi32, #tpu.memory_space<hbm>>) target(%arg9 : memref<4096xi32, #tpu.memory_space<vmem>>) target_semaphore(%run_scoped3A : memref<!tpu.dma_semaphore, #tpu.memory_space<semaphore_mem>>)
      %dma_wait3A = tpu.memref_slice %arg2[%add3A_122] : memref<1048576xi32, #tpu.memory_space<hbm>> -> memref<4096xi32, #tpu.memory_space<hbm>>
      %dma_wait3A_645 = tpu.memref_slice %arg2[%add3A_122] : memref<1048576xi32, #tpu.memory_space<hbm>> -> memref<4096xi32, #tpu.memory_space<hbm>>
      tpu.wait_dma2 semaphore(%run_scoped3A : memref<!tpu.dma_semaphore, #tpu.memory_space<semaphore_mem>>) src(%dma_wait3A_645 : memref<4096xi32, #tpu.memory_space<hbm>>) dst(%arg9 : memref<4096xi32, #tpu.memory_space<vmem>>)
      tpu.yield
    }) : () -> ()
    %scan3A_123 = arith.constant 4095 : i32
    %scan3A_124 = arith.constant 1600000 : i32
    %scan3A_125 = arith.constant 0 : i32
    %scan3A_126 = arith.constant 0 : i32
    %scan3A_127 = arith.constant 256 : i32
    %scan3A_128 = arith.addi %scan3A_126, %scan3A_127 : i32
    %scan3A_129 = arith.constant 1 : i32
    %scan3A_130 = scf.for %scan3A_644 = %scan3A_126 to %scan3A_128 step %scan3A_129 iter_args(%scan3A_645 = %scan3A_125) -> (i32)  : i32 {
      %mul3A_646 = arith.constant 16 : i32
      %mul3A_647 = arith.muli %scan3A_644, %mul3A_646 : i32
      %get3A = arith.index_cast %mul3A_647 : i32 to index
      %get3A_648 = tpu.vector_load %arg9[%get3A] {strides = array<i32>} : memref<4096xi32, #tpu.memory_space<vmem>>, vector<16xi32>,
      %sub3A = vector.broadcast %mul3A_12 : i32 to vector<16xi32>
      %sub3A_649 = arith.subi %get3A_648, %sub3A : vector<16xi32>
      %bitcast3A = vector.bitcast %sub3A_649 : vector<16xi32> to vector<16xi32>
      %and3A = vector.broadcast %scan3A_123 : i32 to vector<16xi32>
      %and3A_650 = arith.andi %bitcast3A, %and3A : vector<16xi32>
      %add3A_651 = vector.broadcast %scan3A_124 : i32 to vector<16xi32>
      %add3A_652 = arith.addi %add3A_651, %and3A_650 : vector<16xi32>
      %min3A = arith.minui %bitcast3A, %add3A_652 : vector<16xi32>
      %bitcast3A_653 = vector.bitcast %min3A : vector<16xi32> to vector<16xi32>
      %mul3A_654 = arith.constant 16 : i32
      %mul3A_655 = arith.muli %scan3A_644, %mul3A_654 : i32
      %swap3A = arith.index_cast %mul3A_655 : i32 to index
      %swap3A_656 = tpu.vector_load %arg10[%swap3A] {strides = array<i32>} : memref<4096xi32, #tpu.memory_space<vmem>>, vector<16xi32>,
      tpu.vector_store %arg10[%swap3A], %bitcast3A_653 {strides = array<i32>} : memref<4096xi32, #tpu.memory_space<vmem>>, vector<16xi32>,
      %scan3A_657 = arith.constant 0 : i32
      scf.yield %scan3A_657 : i32
    }
    %scan3A_131 = arith.constant 256 : i32
    "tpu.region"() ({
      %run_scoped3A = tpu.sem_alloc : memref<!tpu.dma_semaphore, #tpu.memory_space<semaphore_mem>>
      %dma_start3A = arith.constant 0 : i32
      %dma_start3A_644 = tpu.memref_slice %arg8[%dma_start3A] : memref<1606656xf32, #tpu.memory_space<vmem_shared>> -> memref<1606656xf32, #tpu.memory_space<vmem_shared>>
      tpu.enqueue_indirect_dma source(%arg11 : memref<4096xf32, #tpu.memory_space<vmem>>) target(%dma_start3A_644 : memref<1606656xf32, #tpu.memory_space<vmem_shared>>) offsets(%arg10 : memref<4096xi32, #tpu.memory_space<vmem>>) semaphore(%run_scoped3A : memref<!tpu.dma_semaphore, #tpu.memory_space<semaphore_mem>>) {add = true}
      %dma_wait3A = arith.constant 0 : i32
      %dma_wait3A_645 = tpu.memref_slice %arg8[%dma_wait3A] : memref<1606656xf32, #tpu.memory_space<vmem_shared>> -> memref<1606656xf32, #tpu.memory_space<vmem_shared>>
      tpu.wait_indirect_dma semaphore(%run_scoped3A : memref<!tpu.dma_semaphore, #tpu.memory_space<semaphore_mem>>) src(%arg11 : memref<4096xf32, #tpu.memory_space<vmem>>) dst(%dma_wait3A_645 : memref<1606656xf32, #tpu.memory_space<vmem_shared>>)
      tpu.yield
    }) : () -> ()
    %mul3A_132 = arith.constant 65536 : i32
    %mul3A_133 = arith.muli %arg1, %mul3A_132 : i32
    %add3A_134 = arith.constant 20480 : i32
    %add3A_135 = arith.addi %mul3A_133, %add3A_134 : i32
    "tpu.region"() ({
      %run_scoped3A = tpu.sem_alloc : memref<!tpu.dma_semaphore, #tpu.memory_space<semaphore_mem>>
      %dma_start3A = tpu.memref_slice %arg2[%add3A_135] : memref<1048576xi32, #tpu.memory_space<hbm>> -> memref<4096xi32, #tpu.memory_space<hbm>>
      %dma_start3A_644 = tpu.memref_slice %arg2[%add3A_135] : memref<1048576xi32, #tpu.memory_space<hbm>> -> memref<4096xi32, #tpu.memory_space<hbm>>
      tpu.enqueue_dma source(%dma_start3A_644 : memref<4096xi32, #tpu.memory_space<hbm>>) target(%arg9 : memref<4096xi32, #tpu.memory_space<vmem>>) target_semaphore(%run_scoped3A : memref<!tpu.dma_semaphore, #tpu.memory_space<semaphore_mem>>)
      %dma_wait3A = tpu.memref_slice %arg2[%add3A_135] : memref<1048576xi32, #tpu.memory_space<hbm>> -> memref<4096xi32, #tpu.memory_space<hbm>>
      %dma_wait3A_645 = tpu.memref_slice %arg2[%add3A_135] : memref<1048576xi32, #tpu.memory_space<hbm>> -> memref<4096xi32, #tpu.memory_space<hbm>>
      tpu.wait_dma2 semaphore(%run_scoped3A : memref<!tpu.dma_semaphore, #tpu.memory_space<semaphore_mem>>) src(%dma_wait3A_645 : memref<4096xi32, #tpu.memory_space<hbm>>) dst(%arg9 : memref<4096xi32, #tpu.memory_space<vmem>>)
      tpu.yield
    }) : () -> ()
    %scan3A_136 = arith.constant 4095 : i32
    %scan3A_137 = arith.constant 1600000 : i32
    %scan3A_138 = arith.constant 0 : i32
    %scan3A_139 = arith.constant 0 : i32
    %scan3A_140 = arith.constant 256 : i32
    %scan3A_141 = arith.addi %scan3A_139, %scan3A_140 : i32
    %scan3A_142 = arith.constant 1 : i32
    %scan3A_143 = scf.for %scan3A_644 = %scan3A_139 to %scan3A_141 step %scan3A_142 iter_args(%scan3A_645 = %scan3A_138) -> (i32)  : i32 {
      %mul3A_646 = arith.constant 16 : i32
      %mul3A_647 = arith.muli %scan3A_644, %mul3A_646 : i32
      %get3A = arith.index_cast %mul3A_647 : i32 to index
      %get3A_648 = tpu.vector_load %arg9[%get3A] {strides = array<i32>} : memref<4096xi32, #tpu.memory_space<vmem>>, vector<16xi32>,
      %sub3A = vector.broadcast %mul3A_12 : i32 to vector<16xi32>
      %sub3A_649 = arith.subi %get3A_648, %sub3A : vector<16xi32>
      %bitcast3A = vector.bitcast %sub3A_649 : vector<16xi32> to vector<16xi32>
      %and3A = vector.broadcast %scan3A_136 : i32 to vector<16xi32>
      %and3A_650 = arith.andi %bitcast3A, %and3A : vector<16xi32>
      %add3A_651 = vector.broadcast %scan3A_137 : i32 to vector<16xi32>
      %add3A_652 = arith.addi %add3A_651, %and3A_650 : vector<16xi32>
      %min3A = arith.minui %bitcast3A, %add3A_652 : vector<16xi32>
      %bitcast3A_653 = vector.bitcast %min3A : vector<16xi32> to vector<16xi32>
      %mul3A_654 = arith.constant 16 : i32
      %mul3A_655 = arith.muli %scan3A_644, %mul3A_654 : i32
      %swap3A = arith.index_cast %mul3A_655 : i32 to index
      %swap3A_656 = tpu.vector_load %arg10[%swap3A] {strides = array<i32>} : memref<4096xi32, #tpu.memory_space<vmem>>, vector<16xi32>,
      tpu.vector_store %arg10[%swap3A], %bitcast3A_653 {strides = array<i32>} : memref<4096xi32, #tpu.memory_space<vmem>>, vector<16xi32>,
      %scan3A_657 = arith.constant 0 : i32
      scf.yield %scan3A_657 : i32
    }
    %scan3A_144 = arith.constant 256 : i32
    "tpu.region"() ({
      %run_scoped3A = tpu.sem_alloc : memref<!tpu.dma_semaphore, #tpu.memory_space<semaphore_mem>>
      %dma_start3A = arith.constant 0 : i32
      %dma_start3A_644 = tpu.memref_slice %arg8[%dma_start3A] : memref<1606656xf32, #tpu.memory_space<vmem_shared>> -> memref<1606656xf32, #tpu.memory_space<vmem_shared>>
      tpu.enqueue_indirect_dma source(%arg11 : memref<4096xf32, #tpu.memory_space<vmem>>) target(%dma_start3A_644 : memref<1606656xf32, #tpu.memory_space<vmem_shared>>) offsets(%arg10 : memref<4096xi32, #tpu.memory_space<vmem>>) semaphore(%run_scoped3A : memref<!tpu.dma_semaphore, #tpu.memory_space<semaphore_mem>>) {add = true}
      %dma_wait3A = arith.constant 0 : i32
      %dma_wait3A_645 = tpu.memref_slice %arg8[%dma_wait3A] : memref<1606656xf32, #tpu.memory_space<vmem_shared>> -> memref<1606656xf32, #tpu.memory_space<vmem_shared>>
      tpu.wait_indirect_dma semaphore(%run_scoped3A : memref<!tpu.dma_semaphore, #tpu.memory_space<semaphore_mem>>) src(%arg11 : memref<4096xf32, #tpu.memory_space<vmem>>) dst(%dma_wait3A_645 : memref<1606656xf32, #tpu.memory_space<vmem_shared>>)
      tpu.yield
    }) : () -> ()
    %mul3A_145 = arith.constant 65536 : i32
    %mul3A_146 = arith.muli %arg1, %mul3A_145 : i32
    %add3A_147 = arith.constant 24576 : i32
    %add3A_148 = arith.addi %mul3A_146, %add3A_147 : i32
    "tpu.region"() ({
      %run_scoped3A = tpu.sem_alloc : memref<!tpu.dma_semaphore, #tpu.memory_space<semaphore_mem>>
      %dma_start3A = tpu.memref_slice %arg2[%add3A_148] : memref<1048576xi32, #tpu.memory_space<hbm>> -> memref<4096xi32, #tpu.memory_space<hbm>>
      %dma_start3A_644 = tpu.memref_slice %arg2[%add3A_148] : memref<1048576xi32, #tpu.memory_space<hbm>> -> memref<4096xi32, #tpu.memory_space<hbm>>
      tpu.enqueue_dma source(%dma_start3A_644 : memref<4096xi32, #tpu.memory_space<hbm>>) target(%arg9 : memref<4096xi32, #tpu.memory_space<vmem>>) target_semaphore(%run_scoped3A : memref<!tpu.dma_semaphore, #tpu.memory_space<semaphore_mem>>)
      %dma_wait3A = tpu.memref_slice %arg2[%add3A_148] : memref<1048576xi32, #tpu.memory_space<hbm>> -> memref<4096xi32, #tpu.memory_space<hbm>>
      %dma_wait3A_645 = tpu.memref_slice %arg2[%add3A_148] : memref<1048576xi32, #tpu.memory_space<hbm>> -> memref<4096xi32, #tpu.memory_space<hbm>>
      tpu.wait_dma2 semaphore(%run_scoped3A : memref<!tpu.dma_semaphore, #tpu.memory_space<semaphore_mem>>) src(%dma_wait3A_645 : memref<4096xi32, #tpu.memory_space<hbm>>) dst(%arg9 : memref<4096xi32, #tpu.memory_space<vmem>>)
      tpu.yield
    }) : () -> ()
    %scan3A_149 = arith.constant 4095 : i32
    %scan3A_150 = arith.constant 1600000 : i32
    %scan3A_151 = arith.constant 0 : i32
    %scan3A_152 = arith.constant 0 : i32
    %scan3A_153 = arith.constant 256 : i32
    %scan3A_154 = arith.addi %scan3A_152, %scan3A_153 : i32
    %scan3A_155 = arith.constant 1 : i32
    %scan3A_156 = scf.for %scan3A_644 = %scan3A_152 to %scan3A_154 step %scan3A_155 iter_args(%scan3A_645 = %scan3A_151) -> (i32)  : i32 {
      %mul3A_646 = arith.constant 16 : i32
      %mul3A_647 = arith.muli %scan3A_644, %mul3A_646 : i32
      %get3A = arith.index_cast %mul3A_647 : i32 to index
      %get3A_648 = tpu.vector_load %arg9[%get3A] {strides = array<i32>} : memref<4096xi32, #tpu.memory_space<vmem>>, vector<16xi32>,
      %sub3A = vector.broadcast %mul3A_12 : i32 to vector<16xi32>
      %sub3A_649 = arith.subi %get3A_648, %sub3A : vector<16xi32>
      %bitcast3A = vector.bitcast %sub3A_649 : vector<16xi32> to vector<16xi32>
      %and3A = vector.broadcast %scan3A_149 : i32 to vector<16xi32>
      %and3A_650 = arith.andi %bitcast3A, %and3A : vector<16xi32>
      %add3A_651 = vector.broadcast %scan3A_150 : i32 to vector<16xi32>
      %add3A_652 = arith.addi %add3A_651, %and3A_650 : vector<16xi32>
      %min3A = arith.minui %bitcast3A, %add3A_652 : vector<16xi32>
      %bitcast3A_653 = vector.bitcast %min3A : vector<16xi32> to vector<16xi32>
      %mul3A_654 = arith.constant 16 : i32
      %mul3A_655 = arith.muli %scan3A_644, %mul3A_654 : i32
      %swap3A = arith.index_cast %mul3A_655 : i32 to index
      %swap3A_656 = tpu.vector_load %arg10[%swap3A] {strides = array<i32>} : memref<4096xi32, #tpu.memory_space<vmem>>, vector<16xi32>,
      tpu.vector_store %arg10[%swap3A], %bitcast3A_653 {strides = array<i32>} : memref<4096xi32, #tpu.memory_space<vmem>>, vector<16xi32>,
      %scan3A_657 = arith.constant 0 : i32
      scf.yield %scan3A_657 : i32
    }
    %scan3A_157 = arith.constant 256 : i32
    "tpu.region"() ({
      %run_scoped3A = tpu.sem_alloc : memref<!tpu.dma_semaphore, #tpu.memory_space<semaphore_mem>>
      %dma_start3A = arith.constant 0 : i32
      %dma_start3A_644 = tpu.memref_slice %arg8[%dma_start3A] : memref<1606656xf32, #tpu.memory_space<vmem_shared>> -> memref<1606656xf32, #tpu.memory_space<vmem_shared>>
      tpu.enqueue_indirect_dma source(%arg11 : memref<4096xf32, #tpu.memory_space<vmem>>) target(%dma_start3A_644 : memref<1606656xf32, #tpu.memory_space<vmem_shared>>) offsets(%arg10 : memref<4096xi32, #tpu.memory_space<vmem>>) semaphore(%run_scoped3A : memref<!tpu.dma_semaphore, #tpu.memory_space<semaphore_mem>>) {add = true}
      %dma_wait3A = arith.constant 0 : i32
      %dma_wait3A_645 = tpu.memref_slice %arg8[%dma_wait3A] : memref<1606656xf32, #tpu.memory_space<vmem_shared>> -> memref<1606656xf32, #tpu.memory_space<vmem_shared>>
      tpu.wait_indirect_dma semaphore(%run_scoped3A : memref<!tpu.dma_semaphore, #tpu.memory_space<semaphore_mem>>) src(%arg11 : memref<4096xf32, #tpu.memory_space<vmem>>) dst(%dma_wait3A_645 : memref<1606656xf32, #tpu.memory_space<vmem_shared>>)
      tpu.yield
    }) : () -> ()
    %mul3A_158 = arith.constant 65536 : i32
    %mul3A_159 = arith.muli %arg1, %mul3A_158 : i32
    %add3A_160 = arith.constant 28672 : i32
    %add3A_161 = arith.addi %mul3A_159, %add3A_160 : i32
    "tpu.region"() ({
      %run_scoped3A = tpu.sem_alloc : memref<!tpu.dma_semaphore, #tpu.memory_space<semaphore_mem>>
      %dma_start3A = tpu.memref_slice %arg2[%add3A_161] : memref<1048576xi32, #tpu.memory_space<hbm>> -> memref<4096xi32, #tpu.memory_space<hbm>>
      %dma_start3A_644 = tpu.memref_slice %arg2[%add3A_161] : memref<1048576xi32, #tpu.memory_space<hbm>> -> memref<4096xi32, #tpu.memory_space<hbm>>
      tpu.enqueue_dma source(%dma_start3A_644 : memref<4096xi32, #tpu.memory_space<hbm>>) target(%arg9 : memref<4096xi32, #tpu.memory_space<vmem>>) target_semaphore(%run_scoped3A : memref<!tpu.dma_semaphore, #tpu.memory_space<semaphore_mem>>)
      %dma_wait3A = tpu.memref_slice %arg2[%add3A_161] : memref<1048576xi32, #tpu.memory_space<hbm>> -> memref<4096xi32, #tpu.memory_space<hbm>>
      %dma_wait3A_645 = tpu.memref_slice %arg2[%add3A_161] : memref<1048576xi32, #tpu.memory_space<hbm>> -> memref<4096xi32, #tpu.memory_space<hbm>>
      tpu.wait_dma2 semaphore(%run_scoped3A : memref<!tpu.dma_semaphore, #tpu.memory_space<semaphore_mem>>) src(%dma_wait3A_645 : memref<4096xi32, #tpu.memory_space<hbm>>) dst(%arg9 : memref<4096xi32, #tpu.memory_space<vmem>>)
      tpu.yield
    }) : () -> ()
    %scan3A_162 = arith.constant 4095 : i32
    %scan3A_163 = arith.constant 1600000 : i32
    %scan3A_164 = arith.constant 0 : i32
    %scan3A_165 = arith.constant 0 : i32
    %scan3A_166 = arith.constant 256 : i32
    %scan3A_167 = arith.addi %scan3A_165, %scan3A_166 : i32
    %scan3A_168 = arith.constant 1 : i32
    %scan3A_169 = scf.for %scan3A_644 = %scan3A_165 to %scan3A_167 step %scan3A_168 iter_args(%scan3A_645 = %scan3A_164) -> (i32)  : i32 {
      %mul3A_646 = arith.constant 16 : i32
      %mul3A_647 = arith.muli %scan3A_644, %mul3A_646 : i32
      %get3A = arith.index_cast %mul3A_647 : i32 to index
      %get3A_648 = tpu.vector_load %arg9[%get3A] {strides = array<i32>} : memref<4096xi32, #tpu.memory_space<vmem>>, vector<16xi32>,
      %sub3A = vector.broadcast %mul3A_12 : i32 to vector<16xi32>
      %sub3A_649 = arith.subi %get3A_648, %sub3A : vector<16xi32>
      %bitcast3A = vector.bitcast %sub3A_649 : vector<16xi32> to vector<16xi32>
      %and3A = vector.broadcast %scan3A_162 : i32 to vector<16xi32>
      %and3A_650 = arith.andi %bitcast3A, %and3A : vector<16xi32>
      %add3A_651 = vector.broadcast %scan3A_163 : i32 to vector<16xi32>
      %add3A_652 = arith.addi %add3A_651, %and3A_650 : vector<16xi32>
      %min3A = arith.minui %bitcast3A, %add3A_652 : vector<16xi32>
      %bitcast3A_653 = vector.bitcast %min3A : vector<16xi32> to vector<16xi32>
      %mul3A_654 = arith.constant 16 : i32
      %mul3A_655 = arith.muli %scan3A_644, %mul3A_654 : i32
      %swap3A = arith.index_cast %mul3A_655 : i32 to index
      %swap3A_656 = tpu.vector_load %arg10[%swap3A] {strides = array<i32>} : memref<4096xi32, #tpu.memory_space<vmem>>, vector<16xi32>,
      tpu.vector_store %arg10[%swap3A], %bitcast3A_653 {strides = array<i32>} : memref<4096xi32, #tpu.memory_space<vmem>>, vector<16xi32>,
      %scan3A_657 = arith.constant 0 : i32
      scf.yield %scan3A_657 : i32
    }
    %scan3A_170 = arith.constant 256 : i32
    "tpu.region"() ({
      %run_scoped3A = tpu.sem_alloc : memref<!tpu.dma_semaphore, #tpu.memory_space<semaphore_mem>>
      %dma_start3A = arith.constant 0 : i32
      %dma_start3A_644 = tpu.memref_slice %arg8[%dma_start3A] : memref<1606656xf32, #tpu.memory_space<vmem_shared>> -> memref<1606656xf32, #tpu.memory_space<vmem_shared>>
      tpu.enqueue_indirect_dma source(%arg11 : memref<4096xf32, #tpu.memory_space<vmem>>) target(%dma_start3A_644 : memref<1606656xf32, #tpu.memory_space<vmem_shared>>) offsets(%arg10 : memref<4096xi32, #tpu.memory_space<vmem>>) semaphore(%run_scoped3A : memref<!tpu.dma_semaphore, #tpu.memory_space<semaphore_mem>>) {add = true}
      %dma_wait3A = arith.constant 0 : i32
      %dma_wait3A_645 = tpu.memref_slice %arg8[%dma_wait3A] : memref<1606656xf32, #tpu.memory_space<vmem_shared>> -> memref<1606656xf32, #tpu.memory_space<vmem_shared>>
      tpu.wait_indirect_dma semaphore(%run_scoped3A : memref<!tpu.dma_semaphore, #tpu.memory_space<semaphore_mem>>) src(%arg11 : memref<4096xf32, #tpu.memory_space<vmem>>) dst(%dma_wait3A_645 : memref<1606656xf32, #tpu.memory_space<vmem_shared>>)
      tpu.yield
    }) : () -> ()
    %mul3A_171 = arith.constant 65536 : i32
    %mul3A_172 = arith.muli %arg1, %mul3A_171 : i32
    %add3A_173 = arith.constant 32768 : i32
    %add3A_174 = arith.addi %mul3A_172, %add3A_173 : i32
    "tpu.region"() ({
      %run_scoped3A = tpu.sem_alloc : memref<!tpu.dma_semaphore, #tpu.memory_space<semaphore_mem>>
      %dma_start3A = tpu.memref_slice %arg2[%add3A_174] : memref<1048576xi32, #tpu.memory_space<hbm>> -> memref<4096xi32, #tpu.memory_space<hbm>>
      %dma_start3A_644 = tpu.memref_slice %arg2[%add3A_174] : memref<1048576xi32, #tpu.memory_space<hbm>> -> memref<4096xi32, #tpu.memory_space<hbm>>
      tpu.enqueue_dma source(%dma_start3A_644 : memref<4096xi32, #tpu.memory_space<hbm>>) target(%arg9 : memref<4096xi32, #tpu.memory_space<vmem>>) target_semaphore(%run_scoped3A : memref<!tpu.dma_semaphore, #tpu.memory_space<semaphore_mem>>)
      %dma_wait3A = tpu.memref_slice %arg2[%add3A_174] : memref<1048576xi32, #tpu.memory_space<hbm>> -> memref<4096xi32, #tpu.memory_space<hbm>>
      %dma_wait3A_645 = tpu.memref_slice %arg2[%add3A_174] : memref<1048576xi32, #tpu.memory_space<hbm>> -> memref<4096xi32, #tpu.memory_space<hbm>>
      tpu.wait_dma2 semaphore(%run_scoped3A : memref<!tpu.dma_semaphore, #tpu.memory_space<semaphore_mem>>) src(%dma_wait3A_645 : memref<4096xi32, #tpu.memory_space<hbm>>) dst(%arg9 : memref<4096xi32, #tpu.memory_space<vmem>>)
      tpu.yield
    }) : () -> ()
    %scan3A_175 = arith.constant 4095 : i32
    %scan3A_176 = arith.constant 1600000 : i32
    %scan3A_177 = arith.constant 0 : i32
    %scan3A_178 = arith.constant 0 : i32
    %scan3A_179 = arith.constant 256 : i32
    %scan3A_180 = arith.addi %scan3A_178, %scan3A_179 : i32
    %scan3A_181 = arith.constant 1 : i32
    %scan3A_182 = scf.for %scan3A_644 = %scan3A_178 to %scan3A_180 step %scan3A_181 iter_args(%scan3A_645 = %scan3A_177) -> (i32)  : i32 {
      %mul3A_646 = arith.constant 16 : i32
      %mul3A_647 = arith.muli %scan3A_644, %mul3A_646 : i32
      %get3A = arith.index_cast %mul3A_647 : i32 to index
      %get3A_648 = tpu.vector_load %arg9[%get3A] {strides = array<i32>} : memref<4096xi32, #tpu.memory_space<vmem>>, vector<16xi32>,
      %sub3A = vector.broadcast %mul3A_12 : i32 to vector<16xi32>
      %sub3A_649 = arith.subi %get3A_648, %sub3A : vector<16xi32>
      %bitcast3A = vector.bitcast %sub3A_649 : vector<16xi32> to vector<16xi32>
      %and3A = vector.broadcast %scan3A_175 : i32 to vector<16xi32>
      %and3A_650 = arith.andi %bitcast3A, %and3A : vector<16xi32>
      %add3A_651 = vector.broadcast %scan3A_176 : i32 to vector<16xi32>
      %add3A_652 = arith.addi %add3A_651, %and3A_650 : vector<16xi32>
      %min3A = arith.minui %bitcast3A, %add3A_652 : vector<16xi32>
      %bitcast3A_653 = vector.bitcast %min3A : vector<16xi32> to vector<16xi32>
      %mul3A_654 = arith.constant 16 : i32
      %mul3A_655 = arith.muli %scan3A_644, %mul3A_654 : i32
      %swap3A = arith.index_cast %mul3A_655 : i32 to index
      %swap3A_656 = tpu.vector_load %arg10[%swap3A] {strides = array<i32>} : memref<4096xi32, #tpu.memory_space<vmem>>, vector<16xi32>,
      tpu.vector_store %arg10[%swap3A], %bitcast3A_653 {strides = array<i32>} : memref<4096xi32, #tpu.memory_space<vmem>>, vector<16xi32>,
      %scan3A_657 = arith.constant 0 : i32
      scf.yield %scan3A_657 : i32
    }
    %scan3A_183 = arith.constant 256 : i32
    "tpu.region"() ({
      %run_scoped3A = tpu.sem_alloc : memref<!tpu.dma_semaphore, #tpu.memory_space<semaphore_mem>>
      %dma_start3A = arith.constant 0 : i32
      %dma_start3A_644 = tpu.memref_slice %arg8[%dma_start3A] : memref<1606656xf32, #tpu.memory_space<vmem_shared>> -> memref<1606656xf32, #tpu.memory_space<vmem_shared>>
      tpu.enqueue_indirect_dma source(%arg11 : memref<4096xf32, #tpu.memory_space<vmem>>) target(%dma_start3A_644 : memref<1606656xf32, #tpu.memory_space<vmem_shared>>) offsets(%arg10 : memref<4096xi32, #tpu.memory_space<vmem>>) semaphore(%run_scoped3A : memref<!tpu.dma_semaphore, #tpu.memory_space<semaphore_mem>>) {add = true}
      %dma_wait3A = arith.constant 0 : i32
      %dma_wait3A_645 = tpu.memref_slice %arg8[%dma_wait3A] : memref<1606656xf32, #tpu.memory_space<vmem_shared>> -> memref<1606656xf32, #tpu.memory_space<vmem_shared>>
      tpu.wait_indirect_dma semaphore(%run_scoped3A : memref<!tpu.dma_semaphore, #tpu.memory_space<semaphore_mem>>) src(%arg11 : memref<4096xf32, #tpu.memory_space<vmem>>) dst(%dma_wait3A_645 : memref<1606656xf32, #tpu.memory_space<vmem_shared>>)
      tpu.yield
    }) : () -> ()
    %mul3A_184 = arith.constant 65536 : i32
    %mul3A_185 = arith.muli %arg1, %mul3A_184 : i32
    %add3A_186 = arith.constant 36864 : i32
    %add3A_187 = arith.addi %mul3A_185, %add3A_186 : i32
    "tpu.region"() ({
      %run_scoped3A = tpu.sem_alloc : memref<!tpu.dma_semaphore, #tpu.memory_space<semaphore_mem>>
      %dma_start3A = tpu.memref_slice %arg2[%add3A_187] : memref<1048576xi32, #tpu.memory_space<hbm>> -> memref<4096xi32, #tpu.memory_space<hbm>>
      %dma_start3A_644 = tpu.memref_slice %arg2[%add3A_187] : memref<1048576xi32, #tpu.memory_space<hbm>> -> memref<4096xi32, #tpu.memory_space<hbm>>
      tpu.enqueue_dma source(%dma_start3A_644 : memref<4096xi32, #tpu.memory_space<hbm>>) target(%arg9 : memref<4096xi32, #tpu.memory_space<vmem>>) target_semaphore(%run_scoped3A : memref<!tpu.dma_semaphore, #tpu.memory_space<semaphore_mem>>)
      %dma_wait3A = tpu.memref_slice %arg2[%add3A_187] : memref<1048576xi32, #tpu.memory_space<hbm>> -> memref<4096xi32, #tpu.memory_space<hbm>>
      %dma_wait3A_645 = tpu.memref_slice %arg2[%add3A_187] : memref<1048576xi32, #tpu.memory_space<hbm>> -> memref<4096xi32, #tpu.memory_space<hbm>>
      tpu.wait_dma2 semaphore(%run_scoped3A : memref<!tpu.dma_semaphore, #tpu.memory_space<semaphore_mem>>) src(%dma_wait3A_645 : memref<4096xi32, #tpu.memory_space<hbm>>) dst(%arg9 : memref<4096xi32, #tpu.memory_space<vmem>>)
      tpu.yield
    }) : () -> ()
    %scan3A_188 = arith.constant 4095 : i32
    %scan3A_189 = arith.constant 1600000 : i32
    %scan3A_190 = arith.constant 0 : i32
    %scan3A_191 = arith.constant 0 : i32
    %scan3A_192 = arith.constant 256 : i32
    %scan3A_193 = arith.addi %scan3A_191, %scan3A_192 : i32
    %scan3A_194 = arith.constant 1 : i32
    %scan3A_195 = scf.for %scan3A_644 = %scan3A_191 to %scan3A_193 step %scan3A_194 iter_args(%scan3A_645 = %scan3A_190) -> (i32)  : i32 {
      %mul3A_646 = arith.constant 16 : i32
      %mul3A_647 = arith.muli %scan3A_644, %mul3A_646 : i32
      %get3A = arith.index_cast %mul3A_647 : i32 to index
      %get3A_648 = tpu.vector_load %arg9[%get3A] {strides = array<i32>} : memref<4096xi32, #tpu.memory_space<vmem>>, vector<16xi32>,
      %sub3A = vector.broadcast %mul3A_12 : i32 to vector<16xi32>
      %sub3A_649 = arith.subi %get3A_648, %sub3A : vector<16xi32>
      %bitcast3A = vector.bitcast %sub3A_649 : vector<16xi32> to vector<16xi32>
      %and3A = vector.broadcast %scan3A_188 : i32 to vector<16xi32>
      %and3A_650 = arith.andi %bitcast3A, %and3A : vector<16xi32>
      %add3A_651 = vector.broadcast %scan3A_189 : i32 to vector<16xi32>
      %add3A_652 = arith.addi %add3A_651, %and3A_650 : vector<16xi32>
      %min3A = arith.minui %bitcast3A, %add3A_652 : vector<16xi32>
      %bitcast3A_653 = vector.bitcast %min3A : vector<16xi32> to vector<16xi32>
      %mul3A_654 = arith.constant 16 : i32
      %mul3A_655 = arith.muli %scan3A_644, %mul3A_654 : i32
      %swap3A = arith.index_cast %mul3A_655 : i32 to index
      %swap3A_656 = tpu.vector_load %arg10[%swap3A] {strides = array<i32>} : memref<4096xi32, #tpu.memory_space<vmem>>, vector<16xi32>,
      tpu.vector_store %arg10[%swap3A], %bitcast3A_653 {strides = array<i32>} : memref<4096xi32, #tpu.memory_space<vmem>>, vector<16xi32>,
      %scan3A_657 = arith.constant 0 : i32
      scf.yield %scan3A_657 : i32
    }
    %scan3A_196 = arith.constant 256 : i32
    "tpu.region"() ({
      %run_scoped3A = tpu.sem_alloc : memref<!tpu.dma_semaphore, #tpu.memory_space<semaphore_mem>>
      %dma_start3A = arith.constant 0 : i32
      %dma_start3A_644 = tpu.memref_slice %arg8[%dma_start3A] : memref<1606656xf32, #tpu.memory_space<vmem_shared>> -> memref<1606656xf32, #tpu.memory_space<vmem_shared>>
      tpu.enqueue_indirect_dma source(%arg11 : memref<4096xf32, #tpu.memory_space<vmem>>) target(%dma_start3A_644 : memref<1606656xf32, #tpu.memory_space<vmem_shared>>) offsets(%arg10 : memref<4096xi32, #tpu.memory_space<vmem>>) semaphore(%run_scoped3A : memref<!tpu.dma_semaphore, #tpu.memory_space<semaphore_mem>>) {add = true}
      %dma_wait3A = arith.constant 0 : i32
      %dma_wait3A_645 = tpu.memref_slice %arg8[%dma_wait3A] : memref<1606656xf32, #tpu.memory_space<vmem_shared>> -> memref<1606656xf32, #tpu.memory_space<vmem_shared>>
      tpu.wait_indirect_dma semaphore(%run_scoped3A : memref<!tpu.dma_semaphore, #tpu.memory_space<semaphore_mem>>) src(%arg11 : memref<4096xf32, #tpu.memory_space<vmem>>) dst(%dma_wait3A_645 : memref<1606656xf32, #tpu.memory_space<vmem_shared>>)
      tpu.yield
    }) : () -> ()
    %mul3A_197 = arith.constant 65536 : i32
    %mul3A_198 = arith.muli %arg1, %mul3A_197 : i32
    %add3A_199 = arith.constant 40960 : i32
    %add3A_200 = arith.addi %mul3A_198, %add3A_199 : i32
    "tpu.region"() ({
      %run_scoped3A = tpu.sem_alloc : memref<!tpu.dma_semaphore, #tpu.memory_space<semaphore_mem>>
      %dma_start3A = tpu.memref_slice %arg2[%add3A_200] : memref<1048576xi32, #tpu.memory_space<hbm>> -> memref<4096xi32, #tpu.memory_space<hbm>>
      %dma_start3A_644 = tpu.memref_slice %arg2[%add3A_200] : memref<1048576xi32, #tpu.memory_space<hbm>> -> memref<4096xi32, #tpu.memory_space<hbm>>
      tpu.enqueue_dma source(%dma_start3A_644 : memref<4096xi32, #tpu.memory_space<hbm>>) target(%arg9 : memref<4096xi32, #tpu.memory_space<vmem>>) target_semaphore(%run_scoped3A : memref<!tpu.dma_semaphore, #tpu.memory_space<semaphore_mem>>)
      %dma_wait3A = tpu.memref_slice %arg2[%add3A_200] : memref<1048576xi32, #tpu.memory_space<hbm>> -> memref<4096xi32, #tpu.memory_space<hbm>>
      %dma_wait3A_645 = tpu.memref_slice %arg2[%add3A_200] : memref<1048576xi32, #tpu.memory_space<hbm>> -> memref<4096xi32, #tpu.memory_space<hbm>>
      tpu.wait_dma2 semaphore(%run_scoped3A : memref<!tpu.dma_semaphore, #tpu.memory_space<semaphore_mem>>) src(%dma_wait3A_645 : memref<4096xi32, #tpu.memory_space<hbm>>) dst(%arg9 : memref<4096xi32, #tpu.memory_space<vmem>>)
      tpu.yield
    }) : () -> ()
    %scan3A_201 = arith.constant 4095 : i32
    %scan3A_202 = arith.constant 1600000 : i32
    %scan3A_203 = arith.constant 0 : i32
    %scan3A_204 = arith.constant 0 : i32
    %scan3A_205 = arith.constant 256 : i32
    %scan3A_206 = arith.addi %scan3A_204, %scan3A_205 : i32
    %scan3A_207 = arith.constant 1 : i32
    %scan3A_208 = scf.for %scan3A_644 = %scan3A_204 to %scan3A_206 step %scan3A_207 iter_args(%scan3A_645 = %scan3A_203) -> (i32)  : i32 {
      %mul3A_646 = arith.constant 16 : i32
      %mul3A_647 = arith.muli %scan3A_644, %mul3A_646 : i32
      %get3A = arith.index_cast %mul3A_647 : i32 to index
      %get3A_648 = tpu.vector_load %arg9[%get3A] {strides = array<i32>} : memref<4096xi32, #tpu.memory_space<vmem>>, vector<16xi32>,
      %sub3A = vector.broadcast %mul3A_12 : i32 to vector<16xi32>
      %sub3A_649 = arith.subi %get3A_648, %sub3A : vector<16xi32>
      %bitcast3A = vector.bitcast %sub3A_649 : vector<16xi32> to vector<16xi32>
      %and3A = vector.broadcast %scan3A_201 : i32 to vector<16xi32>
      %and3A_650 = arith.andi %bitcast3A, %and3A : vector<16xi32>
      %add3A_651 = vector.broadcast %scan3A_202 : i32 to vector<16xi32>
      %add3A_652 = arith.addi %add3A_651, %and3A_650 : vector<16xi32>
      %min3A = arith.minui %bitcast3A, %add3A_652 : vector<16xi32>
      %bitcast3A_653 = vector.bitcast %min3A : vector<16xi32> to vector<16xi32>
      %mul3A_654 = arith.constant 16 : i32
      %mul3A_655 = arith.muli %scan3A_644, %mul3A_654 : i32
      %swap3A = arith.index_cast %mul3A_655 : i32 to index
      %swap3A_656 = tpu.vector_load %arg10[%swap3A] {strides = array<i32>} : memref<4096xi32, #tpu.memory_space<vmem>>, vector<16xi32>,
      tpu.vector_store %arg10[%swap3A], %bitcast3A_653 {strides = array<i32>} : memref<4096xi32, #tpu.memory_space<vmem>>, vector<16xi32>,
      %scan3A_657 = arith.constant 0 : i32
      scf.yield %scan3A_657 : i32
    }
    %scan3A_209 = arith.constant 256 : i32
    "tpu.region"() ({
      %run_scoped3A = tpu.sem_alloc : memref<!tpu.dma_semaphore, #tpu.memory_space<semaphore_mem>>
      %dma_start3A = arith.constant 0 : i32
      %dma_start3A_644 = tpu.memref_slice %arg8[%dma_start3A] : memref<1606656xf32, #tpu.memory_space<vmem_shared>> -> memref<1606656xf32, #tpu.memory_space<vmem_shared>>
      tpu.enqueue_indirect_dma source(%arg11 : memref<4096xf32, #tpu.memory_space<vmem>>) target(%dma_start3A_644 : memref<1606656xf32, #tpu.memory_space<vmem_shared>>) offsets(%arg10 : memref<4096xi32, #tpu.memory_space<vmem>>) semaphore(%run_scoped3A : memref<!tpu.dma_semaphore, #tpu.memory_space<semaphore_mem>>) {add = true}
      %dma_wait3A = arith.constant 0 : i32
      %dma_wait3A_645 = tpu.memref_slice %arg8[%dma_wait3A] : memref<1606656xf32, #tpu.memory_space<vmem_shared>> -> memref<1606656xf32, #tpu.memory_space<vmem_shared>>
      tpu.wait_indirect_dma semaphore(%run_scoped3A : memref<!tpu.dma_semaphore, #tpu.memory_space<semaphore_mem>>) src(%arg11 : memref<4096xf32, #tpu.memory_space<vmem>>) dst(%dma_wait3A_645 : memref<1606656xf32, #tpu.memory_space<vmem_shared>>)
      tpu.yield
    }) : () -> ()
    %mul3A_210 = arith.constant 65536 : i32
    %mul3A_211 = arith.muli %arg1, %mul3A_210 : i32
    %add3A_212 = arith.constant 45056 : i32
    %add3A_213 = arith.addi %mul3A_211, %add3A_212 : i32
    "tpu.region"() ({
      %run_scoped3A = tpu.sem_alloc : memref<!tpu.dma_semaphore, #tpu.memory_space<semaphore_mem>>
      %dma_start3A = tpu.memref_slice %arg2[%add3A_213] : memref<1048576xi32, #tpu.memory_space<hbm>> -> memref<4096xi32, #tpu.memory_space<hbm>>
      %dma_start3A_644 = tpu.memref_slice %arg2[%add3A_213] : memref<1048576xi32, #tpu.memory_space<hbm>> -> memref<4096xi32, #tpu.memory_space<hbm>>
      tpu.enqueue_dma source(%dma_start3A_644 : memref<4096xi32, #tpu.memory_space<hbm>>) target(%arg9 : memref<4096xi32, #tpu.memory_space<vmem>>) target_semaphore(%run_scoped3A : memref<!tpu.dma_semaphore, #tpu.memory_space<semaphore_mem>>)
      %dma_wait3A = tpu.memref_slice %arg2[%add3A_213] : memref<1048576xi32, #tpu.memory_space<hbm>> -> memref<4096xi32, #tpu.memory_space<hbm>>
      %dma_wait3A_645 = tpu.memref_slice %arg2[%add3A_213] : memref<1048576xi32, #tpu.memory_space<hbm>> -> memref<4096xi32, #tpu.memory_space<hbm>>
      tpu.wait_dma2 semaphore(%run_scoped3A : memref<!tpu.dma_semaphore, #tpu.memory_space<semaphore_mem>>) src(%dma_wait3A_645 : memref<4096xi32, #tpu.memory_space<hbm>>) dst(%arg9 : memref<4096xi32, #tpu.memory_space<vmem>>)
      tpu.yield
    }) : () -> ()
    %scan3A_214 = arith.constant 4095 : i32
    %scan3A_215 = arith.constant 1600000 : i32
    %scan3A_216 = arith.constant 0 : i32
    %scan3A_217 = arith.constant 0 : i32
    %scan3A_218 = arith.constant 256 : i32
    %scan3A_219 = arith.addi %scan3A_217, %scan3A_218 : i32
    %scan3A_220 = arith.constant 1 : i32
    %scan3A_221 = scf.for %scan3A_644 = %scan3A_217 to %scan3A_219 step %scan3A_220 iter_args(%scan3A_645 = %scan3A_216) -> (i32)  : i32 {
      %mul3A_646 = arith.constant 16 : i32
      %mul3A_647 = arith.muli %scan3A_644, %mul3A_646 : i32
      %get3A = arith.index_cast %mul3A_647 : i32 to index
      %get3A_648 = tpu.vector_load %arg9[%get3A] {strides = array<i32>} : memref<4096xi32, #tpu.memory_space<vmem>>, vector<16xi32>,
      %sub3A = vector.broadcast %mul3A_12 : i32 to vector<16xi32>
      %sub3A_649 = arith.subi %get3A_648, %sub3A : vector<16xi32>
      %bitcast3A = vector.bitcast %sub3A_649 : vector<16xi32> to vector<16xi32>
      %and3A = vector.broadcast %scan3A_214 : i32 to vector<16xi32>
      %and3A_650 = arith.andi %bitcast3A, %and3A : vector<16xi32>
      %add3A_651 = vector.broadcast %scan3A_215 : i32 to vector<16xi32>
      %add3A_652 = arith.addi %add3A_651, %and3A_650 : vector<16xi32>
      %min3A = arith.minui %bitcast3A, %add3A_652 : vector<16xi32>
      %bitcast3A_653 = vector.bitcast %min3A : vector<16xi32> to vector<16xi32>
      %mul3A_654 = arith.constant 16 : i32
      %mul3A_655 = arith.muli %scan3A_644, %mul3A_654 : i32
      %swap3A = arith.index_cast %mul3A_655 : i32 to index
      %swap3A_656 = tpu.vector_load %arg10[%swap3A] {strides = array<i32>} : memref<4096xi32, #tpu.memory_space<vmem>>, vector<16xi32>,
      tpu.vector_store %arg10[%swap3A], %bitcast3A_653 {strides = array<i32>} : memref<4096xi32, #tpu.memory_space<vmem>>, vector<16xi32>,
      %scan3A_657 = arith.constant 0 : i32
      scf.yield %scan3A_657 : i32
    }
    %scan3A_222 = arith.constant 256 : i32
    "tpu.region"() ({
      %run_scoped3A = tpu.sem_alloc : memref<!tpu.dma_semaphore, #tpu.memory_space<semaphore_mem>>
      %dma_start3A = arith.constant 0 : i32
      %dma_start3A_644 = tpu.memref_slice %arg8[%dma_start3A] : memref<1606656xf32, #tpu.memory_space<vmem_shared>> -> memref<1606656xf32, #tpu.memory_space<vmem_shared>>
      tpu.enqueue_indirect_dma source(%arg11 : memref<4096xf32, #tpu.memory_space<vmem>>) target(%dma_start3A_644 : memref<1606656xf32, #tpu.memory_space<vmem_shared>>) offsets(%arg10 : memref<4096xi32, #tpu.memory_space<vmem>>) semaphore(%run_scoped3A : memref<!tpu.dma_semaphore, #tpu.memory_space<semaphore_mem>>) {add = true}
      %dma_wait3A = arith.constant 0 : i32
      %dma_wait3A_645 = tpu.memref_slice %arg8[%dma_wait3A] : memref<1606656xf32, #tpu.memory_space<vmem_shared>> -> memref<1606656xf32, #tpu.memory_space<vmem_shared>>
      tpu.wait_indirect_dma semaphore(%run_scoped3A : memref<!tpu.dma_semaphore, #tpu.memory_space<semaphore_mem>>) src(%arg11 : memref<4096xf32, #tpu.memory_space<vmem>>) dst(%dma_wait3A_645 : memref<1606656xf32, #tpu.memory_space<vmem_shared>>)
      tpu.yield
    }) : () -> ()
    %mul3A_223 = arith.constant 65536 : i32
    %mul3A_224 = arith.muli %arg1, %mul3A_223 : i32
    %add3A_225 = arith.constant 49152 : i32
    %add3A_226 = arith.addi %mul3A_224, %add3A_225 : i32
    "tpu.region"() ({
      %run_scoped3A = tpu.sem_alloc : memref<!tpu.dma_semaphore, #tpu.memory_space<semaphore_mem>>
      %dma_start3A = tpu.memref_slice %arg2[%add3A_226] : memref<1048576xi32, #tpu.memory_space<hbm>> -> memref<4096xi32, #tpu.memory_space<hbm>>
      %dma_start3A_644 = tpu.memref_slice %arg2[%add3A_226] : memref<1048576xi32, #tpu.memory_space<hbm>> -> memref<4096xi32, #tpu.memory_space<hbm>>
      tpu.enqueue_dma source(%dma_start3A_644 : memref<4096xi32, #tpu.memory_space<hbm>>) target(%arg9 : memref<4096xi32, #tpu.memory_space<vmem>>) target_semaphore(%run_scoped3A : memref<!tpu.dma_semaphore, #tpu.memory_space<semaphore_mem>>)
      %dma_wait3A = tpu.memref_slice %arg2[%add3A_226] : memref<1048576xi32, #tpu.memory_space<hbm>> -> memref<4096xi32, #tpu.memory_space<hbm>>
      %dma_wait3A_645 = tpu.memref_slice %arg2[%add3A_226] : memref<1048576xi32, #tpu.memory_space<hbm>> -> memref<4096xi32, #tpu.memory_space<hbm>>
      tpu.wait_dma2 semaphore(%run_scoped3A : memref<!tpu.dma_semaphore, #tpu.memory_space<semaphore_mem>>) src(%dma_wait3A_645 : memref<4096xi32, #tpu.memory_space<hbm>>) dst(%arg9 : memref<4096xi32, #tpu.memory_space<vmem>>)
      tpu.yield
    }) : () -> ()
    %scan3A_227 = arith.constant 4095 : i32
    %scan3A_228 = arith.constant 1600000 : i32
    %scan3A_229 = arith.constant 0 : i32
    %scan3A_230 = arith.constant 0 : i32
    %scan3A_231 = arith.constant 256 : i32
    %scan3A_232 = arith.addi %scan3A_230, %scan3A_231 : i32
    %scan3A_233 = arith.constant 1 : i32
    %scan3A_234 = scf.for %scan3A_644 = %scan3A_230 to %scan3A_232 step %scan3A_233 iter_args(%scan3A_645 = %scan3A_229) -> (i32)  : i32 {
      %mul3A_646 = arith.constant 16 : i32
      %mul3A_647 = arith.muli %scan3A_644, %mul3A_646 : i32
      %get3A = arith.index_cast %mul3A_647 : i32 to index
      %get3A_648 = tpu.vector_load %arg9[%get3A] {strides = array<i32>} : memref<4096xi32, #tpu.memory_space<vmem>>, vector<16xi32>,
      %sub3A = vector.broadcast %mul3A_12 : i32 to vector<16xi32>
      %sub3A_649 = arith.subi %get3A_648, %sub3A : vector<16xi32>
      %bitcast3A = vector.bitcast %sub3A_649 : vector<16xi32> to vector<16xi32>
      %and3A = vector.broadcast %scan3A_227 : i32 to vector<16xi32>
      %and3A_650 = arith.andi %bitcast3A, %and3A : vector<16xi32>
      %add3A_651 = vector.broadcast %scan3A_228 : i32 to vector<16xi32>
      %add3A_652 = arith.addi %add3A_651, %and3A_650 : vector<16xi32>
      %min3A = arith.minui %bitcast3A, %add3A_652 : vector<16xi32>
      %bitcast3A_653 = vector.bitcast %min3A : vector<16xi32> to vector<16xi32>
      %mul3A_654 = arith.constant 16 : i32
      %mul3A_655 = arith.muli %scan3A_644, %mul3A_654 : i32
      %swap3A = arith.index_cast %mul3A_655 : i32 to index
      %swap3A_656 = tpu.vector_load %arg10[%swap3A] {strides = array<i32>} : memref<4096xi32, #tpu.memory_space<vmem>>, vector<16xi32>,
      tpu.vector_store %arg10[%swap3A], %bitcast3A_653 {strides = array<i32>} : memref<4096xi32, #tpu.memory_space<vmem>>, vector<16xi32>,
      %scan3A_657 = arith.constant 0 : i32
      scf.yield %scan3A_657 : i32
    }
    %scan3A_235 = arith.constant 256 : i32
    "tpu.region"() ({
      %run_scoped3A = tpu.sem_alloc : memref<!tpu.dma_semaphore, #tpu.memory_space<semaphore_mem>>
      %dma_start3A = arith.constant 0 : i32
      %dma_start3A_644 = tpu.memref_slice %arg8[%dma_start3A] : memref<1606656xf32, #tpu.memory_space<vmem_shared>> -> memref<1606656xf32, #tpu.memory_space<vmem_shared>>
      tpu.enqueue_indirect_dma source(%arg11 : memref<4096xf32, #tpu.memory_space<vmem>>) target(%dma_start3A_644 : memref<1606656xf32, #tpu.memory_space<vmem_shared>>) offsets(%arg10 : memref<4096xi32, #tpu.memory_space<vmem>>) semaphore(%run_scoped3A : memref<!tpu.dma_semaphore, #tpu.memory_space<semaphore_mem>>) {add = true}
      %dma_wait3A = arith.constant 0 : i32
      %dma_wait3A_645 = tpu.memref_slice %arg8[%dma_wait3A] : memref<1606656xf32, #tpu.memory_space<vmem_shared>> -> memref<1606656xf32, #tpu.memory_space<vmem_shared>>
      tpu.wait_indirect_dma semaphore(%run_scoped3A : memref<!tpu.dma_semaphore, #tpu.memory_space<semaphore_mem>>) src(%arg11 : memref<4096xf32, #tpu.memory_space<vmem>>) dst(%dma_wait3A_645 : memref<1606656xf32, #tpu.memory_space<vmem_shared>>)
      tpu.yield
    }) : () -> ()
    %mul3A_236 = arith.constant 65536 : i32
    %mul3A_237 = arith.muli %arg1, %mul3A_236 : i32
    %add3A_238 = arith.constant 53248 : i32
    %add3A_239 = arith.addi %mul3A_237, %add3A_238 : i32
    "tpu.region"() ({
      %run_scoped3A = tpu.sem_alloc : memref<!tpu.dma_semaphore, #tpu.memory_space<semaphore_mem>>
      %dma_start3A = tpu.memref_slice %arg2[%add3A_239] : memref<1048576xi32, #tpu.memory_space<hbm>> -> memref<4096xi32, #tpu.memory_space<hbm>>
      %dma_start3A_644 = tpu.memref_slice %arg2[%add3A_239] : memref<1048576xi32, #tpu.memory_space<hbm>> -> memref<4096xi32, #tpu.memory_space<hbm>>
      tpu.enqueue_dma source(%dma_start3A_644 : memref<4096xi32, #tpu.memory_space<hbm>>) target(%arg9 : memref<4096xi32, #tpu.memory_space<vmem>>) target_semaphore(%run_scoped3A : memref<!tpu.dma_semaphore, #tpu.memory_space<semaphore_mem>>)
      %dma_wait3A = tpu.memref_slice %arg2[%add3A_239] : memref<1048576xi32, #tpu.memory_space<hbm>> -> memref<4096xi32, #tpu.memory_space<hbm>>
      %dma_wait3A_645 = tpu.memref_slice %arg2[%add3A_239] : memref<1048576xi32, #tpu.memory_space<hbm>> -> memref<4096xi32, #tpu.memory_space<hbm>>
      tpu.wait_dma2 semaphore(%run_scoped3A : memref<!tpu.dma_semaphore, #tpu.memory_space<semaphore_mem>>) src(%dma_wait3A_645 : memref<4096xi32, #tpu.memory_space<hbm>>) dst(%arg9 : memref<4096xi32, #tpu.memory_space<vmem>>)
      tpu.yield
    }) : () -> ()
    %scan3A_240 = arith.constant 4095 : i32
    %scan3A_241 = arith.constant 1600000 : i32
    %scan3A_242 = arith.constant 0 : i32
    %scan3A_243 = arith.constant 0 : i32
    %scan3A_244 = arith.constant 256 : i32
    %scan3A_245 = arith.addi %scan3A_243, %scan3A_244 : i32
    %scan3A_246 = arith.constant 1 : i32
    %scan3A_247 = scf.for %scan3A_644 = %scan3A_243 to %scan3A_245 step %scan3A_246 iter_args(%scan3A_645 = %scan3A_242) -> (i32)  : i32 {
      %mul3A_646 = arith.constant 16 : i32
      %mul3A_647 = arith.muli %scan3A_644, %mul3A_646 : i32
      %get3A = arith.index_cast %mul3A_647 : i32 to index
      %get3A_648 = tpu.vector_load %arg9[%get3A] {strides = array<i32>} : memref<4096xi32, #tpu.memory_space<vmem>>, vector<16xi32>,
      %sub3A = vector.broadcast %mul3A_12 : i32 to vector<16xi32>
      %sub3A_649 = arith.subi %get3A_648, %sub3A : vector<16xi32>
      %bitcast3A = vector.bitcast %sub3A_649 : vector<16xi32> to vector<16xi32>
      %and3A = vector.broadcast %scan3A_240 : i32 to vector<16xi32>
      %and3A_650 = arith.andi %bitcast3A, %and3A : vector<16xi32>
      %add3A_651 = vector.broadcast %scan3A_241 : i32 to vector<16xi32>
      %add3A_652 = arith.addi %add3A_651, %and3A_650 : vector<16xi32>
      %min3A = arith.minui %bitcast3A, %add3A_652 : vector<16xi32>
      %bitcast3A_653 = vector.bitcast %min3A : vector<16xi32> to vector<16xi32>
      %mul3A_654 = arith.constant 16 : i32
      %mul3A_655 = arith.muli %scan3A_644, %mul3A_654 : i32
      %swap3A = arith.index_cast %mul3A_655 : i32 to index
      %swap3A_656 = tpu.vector_load %arg10[%swap3A] {strides = array<i32>} : memref<4096xi32, #tpu.memory_space<vmem>>, vector<16xi32>,
      tpu.vector_store %arg10[%swap3A], %bitcast3A_653 {strides = array<i32>} : memref<4096xi32, #tpu.memory_space<vmem>>, vector<16xi32>,
      %scan3A_657 = arith.constant 0 : i32
      scf.yield %scan3A_657 : i32
    }
    %scan3A_248 = arith.constant 256 : i32
    "tpu.region"() ({
      %run_scoped3A = tpu.sem_alloc : memref<!tpu.dma_semaphore, #tpu.memory_space<semaphore_mem>>
      %dma_start3A = arith.constant 0 : i32
      %dma_start3A_644 = tpu.memref_slice %arg8[%dma_start3A] : memref<1606656xf32, #tpu.memory_space<vmem_shared>> -> memref<1606656xf32, #tpu.memory_space<vmem_shared>>
      tpu.enqueue_indirect_dma source(%arg11 : memref<4096xf32, #tpu.memory_space<vmem>>) target(%dma_start3A_644 : memref<1606656xf32, #tpu.memory_space<vmem_shared>>) offsets(%arg10 : memref<4096xi32, #tpu.memory_space<vmem>>) semaphore(%run_scoped3A : memref<!tpu.dma_semaphore, #tpu.memory_space<semaphore_mem>>) {add = true}
      %dma_wait3A = arith.constant 0 : i32
      %dma_wait3A_645 = tpu.memref_slice %arg8[%dma_wait3A] : memref<1606656xf32, #tpu.memory_space<vmem_shared>> -> memref<1606656xf32, #tpu.memory_space<vmem_shared>>
      tpu.wait_indirect_dma semaphore(%run_scoped3A : memref<!tpu.dma_semaphore, #tpu.memory_space<semaphore_mem>>) src(%arg11 : memref<4096xf32, #tpu.memory_space<vmem>>) dst(%dma_wait3A_645 : memref<1606656xf32, #tpu.memory_space<vmem_shared>>)
      tpu.yield
    }) : () -> ()
    %mul3A_249 = arith.constant 65536 : i32
    %mul3A_250 = arith.muli %arg1, %mul3A_249 : i32
    %add3A_251 = arith.constant 57344 : i32
    %add3A_252 = arith.addi %mul3A_250, %add3A_251 : i32
    "tpu.region"() ({
      %run_scoped3A = tpu.sem_alloc : memref<!tpu.dma_semaphore, #tpu.memory_space<semaphore_mem>>
      %dma_start3A = tpu.memref_slice %arg2[%add3A_252] : memref<1048576xi32, #tpu.memory_space<hbm>> -> memref<4096xi32, #tpu.memory_space<hbm>>
      %dma_start3A_644 = tpu.memref_slice %arg2[%add3A_252] : memref<1048576xi32, #tpu.memory_space<hbm>> -> memref<4096xi32, #tpu.memory_space<hbm>>
      tpu.enqueue_dma source(%dma_start3A_644 : memref<4096xi32, #tpu.memory_space<hbm>>) target(%arg9 : memref<4096xi32, #tpu.memory_space<vmem>>) target_semaphore(%run_scoped3A : memref<!tpu.dma_semaphore, #tpu.memory_space<semaphore_mem>>)
      %dma_wait3A = tpu.memref_slice %arg2[%add3A_252] : memref<1048576xi32, #tpu.memory_space<hbm>> -> memref<4096xi32, #tpu.memory_space<hbm>>
      %dma_wait3A_645 = tpu.memref_slice %arg2[%add3A_252] : memref<1048576xi32, #tpu.memory_space<hbm>> -> memref<4096xi32, #tpu.memory_space<hbm>>
      tpu.wait_dma2 semaphore(%run_scoped3A : memref<!tpu.dma_semaphore, #tpu.memory_space<semaphore_mem>>) src(%dma_wait3A_645 : memref<4096xi32, #tpu.memory_space<hbm>>) dst(%arg9 : memref<4096xi32, #tpu.memory_space<vmem>>)
      tpu.yield
    }) : () -> ()
    %scan3A_253 = arith.constant 4095 : i32
    %scan3A_254 = arith.constant 1600000 : i32
    %scan3A_255 = arith.constant 0 : i32
    %scan3A_256 = arith.constant 0 : i32
    %scan3A_257 = arith.constant 256 : i32
    %scan3A_258 = arith.addi %scan3A_256, %scan3A_257 : i32
    %scan3A_259 = arith.constant 1 : i32
    %scan3A_260 = scf.for %scan3A_644 = %scan3A_256 to %scan3A_258 step %scan3A_259 iter_args(%scan3A_645 = %scan3A_255) -> (i32)  : i32 {
      %mul3A_646 = arith.constant 16 : i32
      %mul3A_647 = arith.muli %scan3A_644, %mul3A_646 : i32
      %get3A = arith.index_cast %mul3A_647 : i32 to index
      %get3A_648 = tpu.vector_load %arg9[%get3A] {strides = array<i32>} : memref<4096xi32, #tpu.memory_space<vmem>>, vector<16xi32>,
      %sub3A = vector.broadcast %mul3A_12 : i32 to vector<16xi32>
      %sub3A_649 = arith.subi %get3A_648, %sub3A : vector<16xi32>
      %bitcast3A = vector.bitcast %sub3A_649 : vector<16xi32> to vector<16xi32>
      %and3A = vector.broadcast %scan3A_253 : i32 to vector<16xi32>
      %and3A_650 = arith.andi %bitcast3A, %and3A : vector<16xi32>
      %add3A_651 = vector.broadcast %scan3A_254 : i32 to vector<16xi32>
      %add3A_652 = arith.addi %add3A_651, %and3A_650 : vector<16xi32>
      %min3A = arith.minui %bitcast3A, %add3A_652 : vector<16xi32>
      %bitcast3A_653 = vector.bitcast %min3A : vector<16xi32> to vector<16xi32>
      %mul3A_654 = arith.constant 16 : i32
      %mul3A_655 = arith.muli %scan3A_644, %mul3A_654 : i32
      %swap3A = arith.index_cast %mul3A_655 : i32 to index
      %swap3A_656 = tpu.vector_load %arg10[%swap3A] {strides = array<i32>} : memref<4096xi32, #tpu.memory_space<vmem>>, vector<16xi32>,
      tpu.vector_store %arg10[%swap3A], %bitcast3A_653 {strides = array<i32>} : memref<4096xi32, #tpu.memory_space<vmem>>, vector<16xi32>,
      %scan3A_657 = arith.constant 0 : i32
      scf.yield %scan3A_657 : i32
    }
    %scan3A_261 = arith.constant 256 : i32
    "tpu.region"() ({
      %run_scoped3A = tpu.sem_alloc : memref<!tpu.dma_semaphore, #tpu.memory_space<semaphore_mem>>
      %dma_start3A = arith.constant 0 : i32
      %dma_start3A_644 = tpu.memref_slice %arg8[%dma_start3A] : memref<1606656xf32, #tpu.memory_space<vmem_shared>> -> memref<1606656xf32, #tpu.memory_space<vmem_shared>>
      tpu.enqueue_indirect_dma source(%arg11 : memref<4096xf32, #tpu.memory_space<vmem>>) target(%dma_start3A_644 : memref<1606656xf32, #tpu.memory_space<vmem_shared>>) offsets(%arg10 : memref<4096xi32, #tpu.memory_space<vmem>>) semaphore(%run_scoped3A : memref<!tpu.dma_semaphore, #tpu.memory_space<semaphore_mem>>) {add = true}
      %dma_wait3A = arith.constant 0 : i32
      %dma_wait3A_645 = tpu.memref_slice %arg8[%dma_wait3A] : memref<1606656xf32, #tpu.memory_space<vmem_shared>> -> memref<1606656xf32, #tpu.memory_space<vmem_shared>>
      tpu.wait_indirect_dma semaphore(%run_scoped3A : memref<!tpu.dma_semaphore, #tpu.memory_space<semaphore_mem>>) src(%arg11 : memref<4096xf32, #tpu.memory_space<vmem>>) dst(%dma_wait3A_645 : memref<1606656xf32, #tpu.memory_space<vmem_shared>>)
      tpu.yield
    }) : () -> ()
    %mul3A_262 = arith.constant 65536 : i32
    %mul3A_263 = arith.muli %arg1, %mul3A_262 : i32
    %add3A_264 = arith.constant 61440 : i32
    %add3A_265 = arith.addi %mul3A_263, %add3A_264 : i32
    "tpu.region"() ({
      %run_scoped3A = tpu.sem_alloc : memref<!tpu.dma_semaphore, #tpu.memory_space<semaphore_mem>>
      %dma_start3A = tpu.memref_slice %arg2[%add3A_265] : memref<1048576xi32, #tpu.memory_space<hbm>> -> memref<4096xi32, #tpu.memory_space<hbm>>
      %dma_start3A_644 = tpu.memref_slice %arg2[%add3A_265] : memref<1048576xi32, #tpu.memory_space<hbm>> -> memref<4096xi32, #tpu.memory_space<hbm>>
      tpu.enqueue_dma source(%dma_start3A_644 : memref<4096xi32, #tpu.memory_space<hbm>>) target(%arg9 : memref<4096xi32, #tpu.memory_space<vmem>>) target_semaphore(%run_scoped3A : memref<!tpu.dma_semaphore, #tpu.memory_space<semaphore_mem>>)
      %dma_wait3A = tpu.memref_slice %arg2[%add3A_265] : memref<1048576xi32, #tpu.memory_space<hbm>> -> memref<4096xi32, #tpu.memory_space<hbm>>
      %dma_wait3A_645 = tpu.memref_slice %arg2[%add3A_265] : memref<1048576xi32, #tpu.memory_space<hbm>> -> memref<4096xi32, #tpu.memory_space<hbm>>
      tpu.wait_dma2 semaphore(%run_scoped3A : memref<!tpu.dma_semaphore, #tpu.memory_space<semaphore_mem>>) src(%dma_wait3A_645 : memref<4096xi32, #tpu.memory_space<hbm>>) dst(%arg9 : memref<4096xi32, #tpu.memory_space<vmem>>)
      tpu.yield
    }) : () -> ()
    %scan3A_266 = arith.constant 4095 : i32
    %scan3A_267 = arith.constant 1600000 : i32
    %scan3A_268 = arith.constant 0 : i32
    %scan3A_269 = arith.constant 0 : i32
    %scan3A_270 = arith.constant 256 : i32
    %scan3A_271 = arith.addi %scan3A_269, %scan3A_270 : i32
    %scan3A_272 = arith.constant 1 : i32
    %scan3A_273 = scf.for %scan3A_644 = %scan3A_269 to %scan3A_271 step %scan3A_272 iter_args(%scan3A_645 = %scan3A_268) -> (i32)  : i32 {
      %mul3A_646 = arith.constant 16 : i32
      %mul3A_647 = arith.muli %scan3A_644, %mul3A_646 : i32
      %get3A = arith.index_cast %mul3A_647 : i32 to index
      %get3A_648 = tpu.vector_load %arg9[%get3A] {strides = array<i32>} : memref<4096xi32, #tpu.memory_space<vmem>>, vector<16xi32>,
      %sub3A = vector.broadcast %mul3A_12 : i32 to vector<16xi32>
      %sub3A_649 = arith.subi %get3A_648, %sub3A : vector<16xi32>
      %bitcast3A = vector.bitcast %sub3A_649 : vector<16xi32> to vector<16xi32>
      %and3A = vector.broadcast %scan3A_266 : i32 to vector<16xi32>
      %and3A_650 = arith.andi %bitcast3A, %and3A : vector<16xi32>
      %add3A_651 = vector.broadcast %scan3A_267 : i32 to vector<16xi32>
      %add3A_652 = arith.addi %add3A_651, %and3A_650 : vector<16xi32>
      %min3A = arith.minui %bitcast3A, %add3A_652 : vector<16xi32>
      %bitcast3A_653 = vector.bitcast %min3A : vector<16xi32> to vector<16xi32>
      %mul3A_654 = arith.constant 16 : i32
      %mul3A_655 = arith.muli %scan3A_644, %mul3A_654 : i32
      %swap3A = arith.index_cast %mul3A_655 : i32 to index
      %swap3A_656 = tpu.vector_load %arg10[%swap3A] {strides = array<i32>} : memref<4096xi32, #tpu.memory_space<vmem>>, vector<16xi32>,
      tpu.vector_store %arg10[%swap3A], %bitcast3A_653 {strides = array<i32>} : memref<4096xi32, #tpu.memory_space<vmem>>, vector<16xi32>,
      %scan3A_657 = arith.constant 0 : i32
      scf.yield %scan3A_657 : i32
    }
    %scan3A_274 = arith.constant 256 : i32
    "tpu.region"() ({
      %run_scoped3A = tpu.sem_alloc : memref<!tpu.dma_semaphore, #tpu.memory_space<semaphore_mem>>
      %dma_start3A = arith.constant 0 : i32
      %dma_start3A_644 = tpu.memref_slice %arg8[%dma_start3A] : memref<1606656xf32, #tpu.memory_space<vmem_shared>> -> memref<1606656xf32, #tpu.memory_space<vmem_shared>>
      tpu.enqueue_indirect_dma source(%arg11 : memref<4096xf32, #tpu.memory_space<vmem>>) target(%dma_start3A_644 : memref<1606656xf32, #tpu.memory_space<vmem_shared>>) offsets(%arg10 : memref<4096xi32, #tpu.memory_space<vmem>>) semaphore(%run_scoped3A : memref<!tpu.dma_semaphore, #tpu.memory_space<semaphore_mem>>) {add = true}
      %dma_wait3A = arith.constant 0 : i32
      %dma_wait3A_645 = tpu.memref_slice %arg8[%dma_wait3A] : memref<1606656xf32, #tpu.memory_space<vmem_shared>> -> memref<1606656xf32, #tpu.memory_space<vmem_shared>>
      tpu.wait_indirect_dma semaphore(%run_scoped3A : memref<!tpu.dma_semaphore, #tpu.memory_space<semaphore_mem>>) src(%arg11 : memref<4096xf32, #tpu.memory_space<vmem>>) dst(%dma_wait3A_645 : memref<1606656xf32, #tpu.memory_space<vmem_shared>>)
      tpu.yield
    }) : () -> ()
    %barrier3A_275 = arith.constant 0 : index
    tpu.barrier barrier_id(%barrier3A_275)
    %mul3A_276 = arith.constant 100000 : i32
    %mul3A_277 = arith.muli %arg1, %mul3A_276 : i32
    %add3A_278 = arith.constant 0 : i32
    %add3A_279 = arith.addi %mul3A_277, %add3A_278 : i32
    "tpu.region"() ({
      %run_scoped3A = tpu.sem_alloc : memref<!tpu.dma_semaphore, #tpu.memory_space<semaphore_mem>>
      %dma_start3A = tpu.memref_slice %arg8[%add3A_279] : memref<1606656xf32, #tpu.memory_space<vmem_shared>> -> memref<10000xf32, #tpu.memory_space<vmem_shared>>
      %dma_start3A_644 = tpu.memref_slice %arg8[%add3A_279] : memref<1606656xf32, #tpu.memory_space<vmem_shared>> -> memref<10000xf32, #tpu.memory_space<vmem_shared>>
      tpu.enqueue_dma source(%dma_start3A_644 : memref<10000xf32, #tpu.memory_space<vmem_shared>>) target(%arg12 : memref<10000xf32, #tpu.memory_space<vmem>>) target_semaphore(%run_scoped3A : memref<!tpu.dma_semaphore, #tpu.memory_space<semaphore_mem>>)
      %dma_wait3A = tpu.memref_slice %arg8[%add3A_279] : memref<1606656xf32, #tpu.memory_space<vmem_shared>> -> memref<10000xf32, #tpu.memory_space<vmem_shared>>
      %dma_wait3A_645 = tpu.memref_slice %arg8[%add3A_279] : memref<1606656xf32, #tpu.memory_space<vmem_shared>> -> memref<10000xf32, #tpu.memory_space<vmem_shared>>
      tpu.wait_dma2 semaphore(%run_scoped3A : memref<!tpu.dma_semaphore, #tpu.memory_space<semaphore_mem>>) src(%dma_wait3A_645 : memref<10000xf32, #tpu.memory_space<vmem_shared>>) dst(%arg12 : memref<10000xf32, #tpu.memory_space<vmem>>)
      tpu.yield
    }) : () -> ()
    %add3A_280 = arith.addi %mul3A_12, %add3A_279 : i32
    "tpu.region"() ({
      %run_scoped3A = tpu.sem_alloc : memref<!tpu.dma_semaphore, #tpu.memory_space<semaphore_mem>>
      %dma_start3A = tpu.memref_slice %arg5[%add3A_280] : memref<6400000xf32, #tpu.memory_space<hbm>> -> memref<10000xf32, #tpu.memory_space<hbm>>
      %dma_start3A_644 = tpu.memref_slice %arg5[%add3A_280] : memref<6400000xf32, #tpu.memory_space<hbm>> -> memref<10000xf32, #tpu.memory_space<hbm>>
      tpu.enqueue_dma source(%arg12 : memref<10000xf32, #tpu.memory_space<vmem>>) target(%dma_start3A_644 : memref<10000xf32, #tpu.memory_space<hbm>>) target_semaphore(%run_scoped3A : memref<!tpu.dma_semaphore, #tpu.memory_space<semaphore_mem>>)
      %dma_wait3A = tpu.memref_slice %arg5[%add3A_280] : memref<6400000xf32, #tpu.memory_space<hbm>> -> memref<10000xf32, #tpu.memory_space<hbm>>
      %dma_wait3A_645 = tpu.memref_slice %arg5[%add3A_280] : memref<6400000xf32, #tpu.memory_space<hbm>> -> memref<10000xf32, #tpu.memory_space<hbm>>
      tpu.wait_dma2 semaphore(%run_scoped3A : memref<!tpu.dma_semaphore, #tpu.memory_space<semaphore_mem>>) src(%arg12 : memref<10000xf32, #tpu.memory_space<vmem>>) dst(%dma_wait3A_645 : memref<10000xf32, #tpu.memory_space<hbm>>)
      tpu.yield
    }) : () -> ()
    %mul3A_281 = arith.constant 100000 : i32
    %mul3A_282 = arith.muli %arg1, %mul3A_281 : i32
    %add3A_283 = arith.constant 10000 : i32
    %add3A_284 = arith.addi %mul3A_282, %add3A_283 : i32
    "tpu.region"() ({
      %run_scoped3A = tpu.sem_alloc : memref<!tpu.dma_semaphore, #tpu.memory_space<semaphore_mem>>
      %dma_start3A = tpu.memref_slice %arg8[%add3A_284] : memref<1606656xf32, #tpu.memory_space<vmem_shared>> -> memref<10000xf32, #tpu.memory_space<vmem_shared>>
      %dma_start3A_644 = tpu.memref_slice %arg8[%add3A_284] : memref<1606656xf32, #tpu.memory_space<vmem_shared>> -> memref<10000xf32, #tpu.memory_space<vmem_shared>>
      tpu.enqueue_dma source(%dma_start3A_644 : memref<10000xf32, #tpu.memory_space<vmem_shared>>) target(%arg12 : memref<10000xf32, #tpu.memory_space<vmem>>) target_semaphore(%run_scoped3A : memref<!tpu.dma_semaphore, #tpu.memory_space<semaphore_mem>>)
      %dma_wait3A = tpu.memref_slice %arg8[%add3A_284] : memref<1606656xf32, #tpu.memory_space<vmem_shared>> -> memref<10000xf32, #tpu.memory_space<vmem_shared>>
      %dma_wait3A_645 = tpu.memref_slice %arg8[%add3A_284] : memref<1606656xf32, #tpu.memory_space<vmem_shared>> -> memref<10000xf32, #tpu.memory_space<vmem_shared>>
      tpu.wait_dma2 semaphore(%run_scoped3A : memref<!tpu.dma_semaphore, #tpu.memory_space<semaphore_mem>>) src(%dma_wait3A_645 : memref<10000xf32, #tpu.memory_space<vmem_shared>>) dst(%arg12 : memref<10000xf32, #tpu.memory_space<vmem>>)
      tpu.yield
    }) : () -> ()
    %add3A_285 = arith.addi %mul3A_12, %add3A_284 : i32
    "tpu.region"() ({
      %run_scoped3A = tpu.sem_alloc : memref<!tpu.dma_semaphore, #tpu.memory_space<semaphore_mem>>
      %dma_start3A = tpu.memref_slice %arg5[%add3A_285] : memref<6400000xf32, #tpu.memory_space<hbm>> -> memref<10000xf32, #tpu.memory_space<hbm>>
      %dma_start3A_644 = tpu.memref_slice %arg5[%add3A_285] : memref<6400000xf32, #tpu.memory_space<hbm>> -> memref<10000xf32, #tpu.memory_space<hbm>>
      tpu.enqueue_dma source(%arg12 : memref<10000xf32, #tpu.memory_space<vmem>>) target(%dma_start3A_644 : memref<10000xf32, #tpu.memory_space<hbm>>) target_semaphore(%run_scoped3A : memref<!tpu.dma_semaphore, #tpu.memory_space<semaphore_mem>>)
      %dma_wait3A = tpu.memref_slice %arg5[%add3A_285] : memref<6400000xf32, #tpu.memory_space<hbm>> -> memref<10000xf32, #tpu.memory_space<hbm>>
      %dma_wait3A_645 = tpu.memref_slice %arg5[%add3A_285] : memref<6400000xf32, #tpu.memory_space<hbm>> -> memref<10000xf32, #tpu.memory_space<hbm>>
      tpu.wait_dma2 semaphore(%run_scoped3A : memref<!tpu.dma_semaphore, #tpu.memory_space<semaphore_mem>>) src(%arg12 : memref<10000xf32, #tpu.memory_space<vmem>>) dst(%dma_wait3A_645 : memref<10000xf32, #tpu.memory_space<hbm>>)
      tpu.yield
    }) : () -> ()
    %mul3A_286 = arith.constant 100000 : i32
    %mul3A_287 = arith.muli %arg1, %mul3A_286 : i32
    %add3A_288 = arith.constant 20000 : i32
    %add3A_289 = arith.addi %mul3A_287, %add3A_288 : i32
    "tpu.region"() ({
      %run_scoped3A = tpu.sem_alloc : memref<!tpu.dma_semaphore, #tpu.memory_space<semaphore_mem>>
      %dma_start3A = tpu.memref_slice %arg8[%add3A_289] : memref<1606656xf32, #tpu.memory_space<vmem_shared>> -> memref<10000xf32, #tpu.memory_space<vmem_shared>>
      %dma_start3A_644 = tpu.memref_slice %arg8[%add3A_289] : memref<1606656xf32, #tpu.memory_space<vmem_shared>> -> memref<10000xf32, #tpu.memory_space<vmem_shared>>
      tpu.enqueue_dma source(%dma_start3A_644 : memref<10000xf32, #tpu.memory_space<vmem_shared>>) target(%arg12 : memref<10000xf32, #tpu.memory_space<vmem>>) target_semaphore(%run_scoped3A : memref<!tpu.dma_semaphore, #tpu.memory_space<semaphore_mem>>)
      %dma_wait3A = tpu.memref_slice %arg8[%add3A_289] : memref<1606656xf32, #tpu.memory_space<vmem_shared>> -> memref<10000xf32, #tpu.memory_space<vmem_shared>>
      %dma_wait3A_645 = tpu.memref_slice %arg8[%add3A_289] : memref<1606656xf32, #tpu.memory_space<vmem_shared>> -> memref<10000xf32, #tpu.memory_space<vmem_shared>>
      tpu.wait_dma2 semaphore(%run_scoped3A : memref<!tpu.dma_semaphore, #tpu.memory_space<semaphore_mem>>) src(%dma_wait3A_645 : memref<10000xf32, #tpu.memory_space<vmem_shared>>) dst(%arg12 : memref<10000xf32, #tpu.memory_space<vmem>>)
      tpu.yield
    }) : () -> ()
    %add3A_290 = arith.addi %mul3A_12, %add3A_289 : i32
    "tpu.region"() ({
      %run_scoped3A = tpu.sem_alloc : memref<!tpu.dma_semaphore, #tpu.memory_space<semaphore_mem>>
      %dma_start3A = tpu.memref_slice %arg5[%add3A_290] : memref<6400000xf32, #tpu.memory_space<hbm>> -> memref<10000xf32, #tpu.memory_space<hbm>>
      %dma_start3A_644 = tpu.memref_slice %arg5[%add3A_290] : memref<6400000xf32, #tpu.memory_space<hbm>> -> memref<10000xf32, #tpu.memory_space<hbm>>
      tpu.enqueue_dma source(%arg12 : memref<10000xf32, #tpu.memory_space<vmem>>) target(%dma_start3A_644 : memref<10000xf32, #tpu.memory_space<hbm>>) target_semaphore(%run_scoped3A : memref<!tpu.dma_semaphore, #tpu.memory_space<semaphore_mem>>)
      %dma_wait3A = tpu.memref_slice %arg5[%add3A_290] : memref<6400000xf32, #tpu.memory_space<hbm>> -> memref<10000xf32, #tpu.memory_space<hbm>>
      %dma_wait3A_645 = tpu.memref_slice %arg5[%add3A_290] : memref<6400000xf32, #tpu.memory_space<hbm>> -> memref<10000xf32, #tpu.memory_space<hbm>>
      tpu.wait_dma2 semaphore(%run_scoped3A : memref<!tpu.dma_semaphore, #tpu.memory_space<semaphore_mem>>) src(%arg12 : memref<10000xf32, #tpu.memory_space<vmem>>) dst(%dma_wait3A_645 : memref<10000xf32, #tpu.memory_space<hbm>>)
      tpu.yield
    }) : () -> ()
    %mul3A_291 = arith.constant 100000 : i32
    %mul3A_292 = arith.muli %arg1, %mul3A_291 : i32
    %add3A_293 = arith.constant 30000 : i32
    %add3A_294 = arith.addi %mul3A_292, %add3A_293 : i32
    "tpu.region"() ({
      %run_scoped3A = tpu.sem_alloc : memref<!tpu.dma_semaphore, #tpu.memory_space<semaphore_mem>>
      %dma_start3A = tpu.memref_slice %arg8[%add3A_294] : memref<1606656xf32, #tpu.memory_space<vmem_shared>> -> memref<10000xf32, #tpu.memory_space<vmem_shared>>
      %dma_start3A_644 = tpu.memref_slice %arg8[%add3A_294] : memref<1606656xf32, #tpu.memory_space<vmem_shared>> -> memref<10000xf32, #tpu.memory_space<vmem_shared>>
      tpu.enqueue_dma source(%dma_start3A_644 : memref<10000xf32, #tpu.memory_space<vmem_shared>>) target(%arg12 : memref<10000xf32, #tpu.memory_space<vmem>>) target_semaphore(%run_scoped3A : memref<!tpu.dma_semaphore, #tpu.memory_space<semaphore_mem>>)
      %dma_wait3A = tpu.memref_slice %arg8[%add3A_294] : memref<1606656xf32, #tpu.memory_space<vmem_shared>> -> memref<10000xf32, #tpu.memory_space<vmem_shared>>
      %dma_wait3A_645 = tpu.memref_slice %arg8[%add3A_294] : memref<1606656xf32, #tpu.memory_space<vmem_shared>> -> memref<10000xf32, #tpu.memory_space<vmem_shared>>
      tpu.wait_dma2 semaphore(%run_scoped3A : memref<!tpu.dma_semaphore, #tpu.memory_space<semaphore_mem>>) src(%dma_wait3A_645 : memref<10000xf32, #tpu.memory_space<vmem_shared>>) dst(%arg12 : memref<10000xf32, #tpu.memory_space<vmem>>)
      tpu.yield
    }) : () -> ()
    %add3A_295 = arith.addi %mul3A_12, %add3A_294 : i32
    "tpu.region"() ({
      %run_scoped3A = tpu.sem_alloc : memref<!tpu.dma_semaphore, #tpu.memory_space<semaphore_mem>>
      %dma_start3A = tpu.memref_slice %arg5[%add3A_295] : memref<6400000xf32, #tpu.memory_space<hbm>> -> memref<10000xf32, #tpu.memory_space<hbm>>
      %dma_start3A_644 = tpu.memref_slice %arg5[%add3A_295] : memref<6400000xf32, #tpu.memory_space<hbm>> -> memref<10000xf32, #tpu.memory_space<hbm>>
      tpu.enqueue_dma source(%arg12 : memref<10000xf32, #tpu.memory_space<vmem>>) target(%dma_start3A_644 : memref<10000xf32, #tpu.memory_space<hbm>>) target_semaphore(%run_scoped3A : memref<!tpu.dma_semaphore, #tpu.memory_space<semaphore_mem>>)
      %dma_wait3A = tpu.memref_slice %arg5[%add3A_295] : memref<6400000xf32, #tpu.memory_space<hbm>> -> memref<10000xf32, #tpu.memory_space<hbm>>
      %dma_wait3A_645 = tpu.memref_slice %arg5[%add3A_295] : memref<6400000xf32, #tpu.memory_space<hbm>> -> memref<10000xf32, #tpu.memory_space<hbm>>
      tpu.wait_dma2 semaphore(%run_scoped3A : memref<!tpu.dma_semaphore, #tpu.memory_space<semaphore_mem>>) src(%arg12 : memref<10000xf32, #tpu.memory_space<vmem>>) dst(%dma_wait3A_645 : memref<10000xf32, #tpu.memory_space<hbm>>)
      tpu.yield
    }) : () -> ()
    %mul3A_296 = arith.constant 100000 : i32
    %mul3A_297 = arith.muli %arg1, %mul3A_296 : i32
    %add3A_298 = arith.constant 40000 : i32
    %add3A_299 = arith.addi %mul3A_297, %add3A_298 : i32
    "tpu.region"() ({
      %run_scoped3A = tpu.sem_alloc : memref<!tpu.dma_semaphore, #tpu.memory_space<semaphore_mem>>
      %dma_start3A = tpu.memref_slice %arg8[%add3A_299] : memref<1606656xf32, #tpu.memory_space<vmem_shared>> -> memref<10000xf32, #tpu.memory_space<vmem_shared>>
      %dma_start3A_644 = tpu.memref_slice %arg8[%add3A_299] : memref<1606656xf32, #tpu.memory_space<vmem_shared>> -> memref<10000xf32, #tpu.memory_space<vmem_shared>>
      tpu.enqueue_dma source(%dma_start3A_644 : memref<10000xf32, #tpu.memory_space<vmem_shared>>) target(%arg12 : memref<10000xf32, #tpu.memory_space<vmem>>) target_semaphore(%run_scoped3A : memref<!tpu.dma_semaphore, #tpu.memory_space<semaphore_mem>>)
      %dma_wait3A = tpu.memref_slice %arg8[%add3A_299] : memref<1606656xf32, #tpu.memory_space<vmem_shared>> -> memref<10000xf32, #tpu.memory_space<vmem_shared>>
      %dma_wait3A_645 = tpu.memref_slice %arg8[%add3A_299] : memref<1606656xf32, #tpu.memory_space<vmem_shared>> -> memref<10000xf32, #tpu.memory_space<vmem_shared>>
      tpu.wait_dma2 semaphore(%run_scoped3A : memref<!tpu.dma_semaphore, #tpu.memory_space<semaphore_mem>>) src(%dma_wait3A_645 : memref<10000xf32, #tpu.memory_space<vmem_shared>>) dst(%arg12 : memref<10000xf32, #tpu.memory_space<vmem>>)
      tpu.yield
    }) : () -> ()
    %add3A_300 = arith.addi %mul3A_12, %add3A_299 : i32
    "tpu.region"() ({
      %run_scoped3A = tpu.sem_alloc : memref<!tpu.dma_semaphore, #tpu.memory_space<semaphore_mem>>
      %dma_start3A = tpu.memref_slice %arg5[%add3A_300] : memref<6400000xf32, #tpu.memory_space<hbm>> -> memref<10000xf32, #tpu.memory_space<hbm>>
      %dma_start3A_644 = tpu.memref_slice %arg5[%add3A_300] : memref<6400000xf32, #tpu.memory_space<hbm>> -> memref<10000xf32, #tpu.memory_space<hbm>>
      tpu.enqueue_dma source(%arg12 : memref<10000xf32, #tpu.memory_space<vmem>>) target(%dma_start3A_644 : memref<10000xf32, #tpu.memory_space<hbm>>) target_semaphore(%run_scoped3A : memref<!tpu.dma_semaphore, #tpu.memory_space<semaphore_mem>>)
      %dma_wait3A = tpu.memref_slice %arg5[%add3A_300] : memref<6400000xf32, #tpu.memory_space<hbm>> -> memref<10000xf32, #tpu.memory_space<hbm>>
      %dma_wait3A_645 = tpu.memref_slice %arg5[%add3A_300] : memref<6400000xf32, #tpu.memory_space<hbm>> -> memref<10000xf32, #tpu.memory_space<hbm>>
      tpu.wait_dma2 semaphore(%run_scoped3A : memref<!tpu.dma_semaphore, #tpu.memory_space<semaphore_mem>>) src(%arg12 : memref<10000xf32, #tpu.memory_space<vmem>>) dst(%dma_wait3A_645 : memref<10000xf32, #tpu.memory_space<hbm>>)
      tpu.yield
    }) : () -> ()
    %mul3A_301 = arith.constant 100000 : i32
    %mul3A_302 = arith.muli %arg1, %mul3A_301 : i32
    %add3A_303 = arith.constant 50000 : i32
    %add3A_304 = arith.addi %mul3A_302, %add3A_303 : i32
    "tpu.region"() ({
      %run_scoped3A = tpu.sem_alloc : memref<!tpu.dma_semaphore, #tpu.memory_space<semaphore_mem>>
      %dma_start3A = tpu.memref_slice %arg8[%add3A_304] : memref<1606656xf32, #tpu.memory_space<vmem_shared>> -> memref<10000xf32, #tpu.memory_space<vmem_shared>>
      %dma_start3A_644 = tpu.memref_slice %arg8[%add3A_304] : memref<1606656xf32, #tpu.memory_space<vmem_shared>> -> memref<10000xf32, #tpu.memory_space<vmem_shared>>
      tpu.enqueue_dma source(%dma_start3A_644 : memref<10000xf32, #tpu.memory_space<vmem_shared>>) target(%arg12 : memref<10000xf32, #tpu.memory_space<vmem>>) target_semaphore(%run_scoped3A : memref<!tpu.dma_semaphore, #tpu.memory_space<semaphore_mem>>)
      %dma_wait3A = tpu.memref_slice %arg8[%add3A_304] : memref<1606656xf32, #tpu.memory_space<vmem_shared>> -> memref<10000xf32, #tpu.memory_space<vmem_shared>>
      %dma_wait3A_645 = tpu.memref_slice %arg8[%add3A_304] : memref<1606656xf32, #tpu.memory_space<vmem_shared>> -> memref<10000xf32, #tpu.memory_space<vmem_shared>>
      tpu.wait_dma2 semaphore(%run_scoped3A : memref<!tpu.dma_semaphore, #tpu.memory_space<semaphore_mem>>) src(%dma_wait3A_645 : memref<10000xf32, #tpu.memory_space<vmem_shared>>) dst(%arg12 : memref<10000xf32, #tpu.memory_space<vmem>>)
      tpu.yield
    }) : () -> ()
    %add3A_305 = arith.addi %mul3A_12, %add3A_304 : i32
    "tpu.region"() ({
      %run_scoped3A = tpu.sem_alloc : memref<!tpu.dma_semaphore, #tpu.memory_space<semaphore_mem>>
      %dma_start3A = tpu.memref_slice %arg5[%add3A_305] : memref<6400000xf32, #tpu.memory_space<hbm>> -> memref<10000xf32, #tpu.memory_space<hbm>>
      %dma_start3A_644 = tpu.memref_slice %arg5[%add3A_305] : memref<6400000xf32, #tpu.memory_space<hbm>> -> memref<10000xf32, #tpu.memory_space<hbm>>
      tpu.enqueue_dma source(%arg12 : memref<10000xf32, #tpu.memory_space<vmem>>) target(%dma_start3A_644 : memref<10000xf32, #tpu.memory_space<hbm>>) target_semaphore(%run_scoped3A : memref<!tpu.dma_semaphore, #tpu.memory_space<semaphore_mem>>)
      %dma_wait3A = tpu.memref_slice %arg5[%add3A_305] : memref<6400000xf32, #tpu.memory_space<hbm>> -> memref<10000xf32, #tpu.memory_space<hbm>>
      %dma_wait3A_645 = tpu.memref_slice %arg5[%add3A_305] : memref<6400000xf32, #tpu.memory_space<hbm>> -> memref<10000xf32, #tpu.memory_space<hbm>>
      tpu.wait_dma2 semaphore(%run_scoped3A : memref<!tpu.dma_semaphore, #tpu.memory_space<semaphore_mem>>) src(%arg12 : memref<10000xf32, #tpu.memory_space<vmem>>) dst(%dma_wait3A_645 : memref<10000xf32, #tpu.memory_space<hbm>>)
      tpu.yield
    }) : () -> ()
    %mul3A_306 = arith.constant 100000 : i32
    %mul3A_307 = arith.muli %arg1, %mul3A_306 : i32
    %add3A_308 = arith.constant 60000 : i32
    %add3A_309 = arith.addi %mul3A_307, %add3A_308 : i32
    "tpu.region"() ({
      %run_scoped3A = tpu.sem_alloc : memref<!tpu.dma_semaphore, #tpu.memory_space<semaphore_mem>>
      %dma_start3A = tpu.memref_slice %arg8[%add3A_309] : memref<1606656xf32, #tpu.memory_space<vmem_shared>> -> memref<10000xf32, #tpu.memory_space<vmem_shared>>
      %dma_start3A_644 = tpu.memref_slice %arg8[%add3A_309] : memref<1606656xf32, #tpu.memory_space<vmem_shared>> -> memref<10000xf32, #tpu.memory_space<vmem_shared>>
      tpu.enqueue_dma source(%dma_start3A_644 : memref<10000xf32, #tpu.memory_space<vmem_shared>>) target(%arg12 : memref<10000xf32, #tpu.memory_space<vmem>>) target_semaphore(%run_scoped3A : memref<!tpu.dma_semaphore, #tpu.memory_space<semaphore_mem>>)
      %dma_wait3A = tpu.memref_slice %arg8[%add3A_309] : memref<1606656xf32, #tpu.memory_space<vmem_shared>> -> memref<10000xf32, #tpu.memory_space<vmem_shared>>
      %dma_wait3A_645 = tpu.memref_slice %arg8[%add3A_309] : memref<1606656xf32, #tpu.memory_space<vmem_shared>> -> memref<10000xf32, #tpu.memory_space<vmem_shared>>
      tpu.wait_dma2 semaphore(%run_scoped3A : memref<!tpu.dma_semaphore, #tpu.memory_space<semaphore_mem>>) src(%dma_wait3A_645 : memref<10000xf32, #tpu.memory_space<vmem_shared>>) dst(%arg12 : memref<10000xf32, #tpu.memory_space<vmem>>)
      tpu.yield
    }) : () -> ()
    %add3A_310 = arith.addi %mul3A_12, %add3A_309 : i32
    "tpu.region"() ({
      %run_scoped3A = tpu.sem_alloc : memref<!tpu.dma_semaphore, #tpu.memory_space<semaphore_mem>>
      %dma_start3A = tpu.memref_slice %arg5[%add3A_310] : memref<6400000xf32, #tpu.memory_space<hbm>> -> memref<10000xf32, #tpu.memory_space<hbm>>
      %dma_start3A_644 = tpu.memref_slice %arg5[%add3A_310] : memref<6400000xf32, #tpu.memory_space<hbm>> -> memref<10000xf32, #tpu.memory_space<hbm>>
      tpu.enqueue_dma source(%arg12 : memref<10000xf32, #tpu.memory_space<vmem>>) target(%dma_start3A_644 : memref<10000xf32, #tpu.memory_space<hbm>>) target_semaphore(%run_scoped3A : memref<!tpu.dma_semaphore, #tpu.memory_space<semaphore_mem>>)
      %dma_wait3A = tpu.memref_slice %arg5[%add3A_310] : memref<6400000xf32, #tpu.memory_space<hbm>> -> memref<10000xf32, #tpu.memory_space<hbm>>
      %dma_wait3A_645 = tpu.memref_slice %arg5[%add3A_310] : memref<6400000xf32, #tpu.memory_space<hbm>> -> memref<10000xf32, #tpu.memory_space<hbm>>
      tpu.wait_dma2 semaphore(%run_scoped3A : memref<!tpu.dma_semaphore, #tpu.memory_space<semaphore_mem>>) src(%arg12 : memref<10000xf32, #tpu.memory_space<vmem>>) dst(%dma_wait3A_645 : memref<10000xf32, #tpu.memory_space<hbm>>)
      tpu.yield
    }) : () -> ()
    %mul3A_311 = arith.constant 100000 : i32
    %mul3A_312 = arith.muli %arg1, %mul3A_311 : i32
    %add3A_313 = arith.constant 70000 : i32
    %add3A_314 = arith.addi %mul3A_312, %add3A_313 : i32
    "tpu.region"() ({
      %run_scoped3A = tpu.sem_alloc : memref<!tpu.dma_semaphore, #tpu.memory_space<semaphore_mem>>
      %dma_start3A = tpu.memref_slice %arg8[%add3A_314] : memref<1606656xf32, #tpu.memory_space<vmem_shared>> -> memref<10000xf32, #tpu.memory_space<vmem_shared>>
      %dma_start3A_644 = tpu.memref_slice %arg8[%add3A_314] : memref<1606656xf32, #tpu.memory_space<vmem_shared>> -> memref<10000xf32, #tpu.memory_space<vmem_shared>>
      tpu.enqueue_dma source(%dma_start3A_644 : memref<10000xf32, #tpu.memory_space<vmem_shared>>) target(%arg12 : memref<10000xf32, #tpu.memory_space<vmem>>) target_semaphore(%run_scoped3A : memref<!tpu.dma_semaphore, #tpu.memory_space<semaphore_mem>>)
      %dma_wait3A = tpu.memref_slice %arg8[%add3A_314] : memref<1606656xf32, #tpu.memory_space<vmem_shared>> -> memref<10000xf32, #tpu.memory_space<vmem_shared>>
      %dma_wait3A_645 = tpu.memref_slice %arg8[%add3A_314] : memref<1606656xf32, #tpu.memory_space<vmem_shared>> -> memref<10000xf32, #tpu.memory_space<vmem_shared>>
      tpu.wait_dma2 semaphore(%run_scoped3A : memref<!tpu.dma_semaphore, #tpu.memory_space<semaphore_mem>>) src(%dma_wait3A_645 : memref<10000xf32, #tpu.memory_space<vmem_shared>>) dst(%arg12 : memref<10000xf32, #tpu.memory_space<vmem>>)
      tpu.yield
    }) : () -> ()
    %add3A_315 = arith.addi %mul3A_12, %add3A_314 : i32
    "tpu.region"() ({
      %run_scoped3A = tpu.sem_alloc : memref<!tpu.dma_semaphore, #tpu.memory_space<semaphore_mem>>
      %dma_start3A = tpu.memref_slice %arg5[%add3A_315] : memref<6400000xf32, #tpu.memory_space<hbm>> -> memref<10000xf32, #tpu.memory_space<hbm>>
      %dma_start3A_644 = tpu.memref_slice %arg5[%add3A_315] : memref<6400000xf32, #tpu.memory_space<hbm>> -> memref<10000xf32, #tpu.memory_space<hbm>>
      tpu.enqueue_dma source(%arg12 : memref<10000xf32, #tpu.memory_space<vmem>>) target(%dma_start3A_644 : memref<10000xf32, #tpu.memory_space<hbm>>) target_semaphore(%run_scoped3A : memref<!tpu.dma_semaphore, #tpu.memory_space<semaphore_mem>>)
      %dma_wait3A = tpu.memref_slice %arg5[%add3A_315] : memref<6400000xf32, #tpu.memory_space<hbm>> -> memref<10000xf32, #tpu.memory_space<hbm>>
      %dma_wait3A_645 = tpu.memref_slice %arg5[%add3A_315] : memref<6400000xf32, #tpu.memory_space<hbm>> -> memref<10000xf32, #tpu.memory_space<hbm>>
      tpu.wait_dma2 semaphore(%run_scoped3A : memref<!tpu.dma_semaphore, #tpu.memory_space<semaphore_mem>>) src(%arg12 : memref<10000xf32, #tpu.memory_space<vmem>>) dst(%dma_wait3A_645 : memref<10000xf32, #tpu.memory_space<hbm>>)
      tpu.yield
    }) : () -> ()
    %mul3A_316 = arith.constant 100000 : i32
    %mul3A_317 = arith.muli %arg1, %mul3A_316 : i32
    %add3A_318 = arith.constant 80000 : i32
    %add3A_319 = arith.addi %mul3A_317, %add3A_318 : i32
    "tpu.region"() ({
      %run_scoped3A = tpu.sem_alloc : memref<!tpu.dma_semaphore, #tpu.memory_space<semaphore_mem>>
      %dma_start3A = tpu.memref_slice %arg8[%add3A_319] : memref<1606656xf32, #tpu.memory_space<vmem_shared>> -> memref<10000xf32, #tpu.memory_space<vmem_shared>>
      %dma_start3A_644 = tpu.memref_slice %arg8[%add3A_319] : memref<1606656xf32, #tpu.memory_space<vmem_shared>> -> memref<10000xf32, #tpu.memory_space<vmem_shared>>
      tpu.enqueue_dma source(%dma_start3A_644 : memref<10000xf32, #tpu.memory_space<vmem_shared>>) target(%arg12 : memref<10000xf32, #tpu.memory_space<vmem>>) target_semaphore(%run_scoped3A : memref<!tpu.dma_semaphore, #tpu.memory_space<semaphore_mem>>)
      %dma_wait3A = tpu.memref_slice %arg8[%add3A_319] : memref<1606656xf32, #tpu.memory_space<vmem_shared>> -> memref<10000xf32, #tpu.memory_space<vmem_shared>>
      %dma_wait3A_645 = tpu.memref_slice %arg8[%add3A_319] : memref<1606656xf32, #tpu.memory_space<vmem_shared>> -> memref<10000xf32, #tpu.memory_space<vmem_shared>>
      tpu.wait_dma2 semaphore(%run_scoped3A : memref<!tpu.dma_semaphore, #tpu.memory_space<semaphore_mem>>) src(%dma_wait3A_645 : memref<10000xf32, #tpu.memory_space<vmem_shared>>) dst(%arg12 : memref<10000xf32, #tpu.memory_space<vmem>>)
      tpu.yield
    }) : () -> ()
    %add3A_320 = arith.addi %mul3A_12, %add3A_319 : i32
    "tpu.region"() ({
      %run_scoped3A = tpu.sem_alloc : memref<!tpu.dma_semaphore, #tpu.memory_space<semaphore_mem>>
      %dma_start3A = tpu.memref_slice %arg5[%add3A_320] : memref<6400000xf32, #tpu.memory_space<hbm>> -> memref<10000xf32, #tpu.memory_space<hbm>>
      %dma_start3A_644 = tpu.memref_slice %arg5[%add3A_320] : memref<6400000xf32, #tpu.memory_space<hbm>> -> memref<10000xf32, #tpu.memory_space<hbm>>
      tpu.enqueue_dma source(%arg12 : memref<10000xf32, #tpu.memory_space<vmem>>) target(%dma_start3A_644 : memref<10000xf32, #tpu.memory_space<hbm>>) target_semaphore(%run_scoped3A : memref<!tpu.dma_semaphore, #tpu.memory_space<semaphore_mem>>)
      %dma_wait3A = tpu.memref_slice %arg5[%add3A_320] : memref<6400000xf32, #tpu.memory_space<hbm>> -> memref<10000xf32, #tpu.memory_space<hbm>>
      %dma_wait3A_645 = tpu.memref_slice %arg5[%add3A_320] : memref<6400000xf32, #tpu.memory_space<hbm>> -> memref<10000xf32, #tpu.memory_space<hbm>>
      tpu.wait_dma2 semaphore(%run_scoped3A : memref<!tpu.dma_semaphore, #tpu.memory_space<semaphore_mem>>) src(%arg12 : memref<10000xf32, #tpu.memory_space<vmem>>) dst(%dma_wait3A_645 : memref<10000xf32, #tpu.memory_space<hbm>>)
      tpu.yield
    }) : () -> ()
    %mul3A_321 = arith.constant 100000 : i32
    %mul3A_322 = arith.muli %arg1, %mul3A_321 : i32
    %add3A_323 = arith.constant 90000 : i32
    %add3A_324 = arith.addi %mul3A_322, %add3A_323 : i32
    "tpu.region"() ({
      %run_scoped3A = tpu.sem_alloc : memref<!tpu.dma_semaphore, #tpu.memory_space<semaphore_mem>>
      %dma_start3A = tpu.memref_slice %arg8[%add3A_324] : memref<1606656xf32, #tpu.memory_space<vmem_shared>> -> memref<10000xf32, #tpu.memory_space<vmem_shared>>
      %dma_start3A_644 = tpu.memref_slice %arg8[%add3A_324] : memref<1606656xf32, #tpu.memory_space<vmem_shared>> -> memref<10000xf32, #tpu.memory_space<vmem_shared>>
      tpu.enqueue_dma source(%dma_start3A_644 : memref<10000xf32, #tpu.memory_space<vmem_shared>>) target(%arg12 : memref<10000xf32, #tpu.memory_space<vmem>>) target_semaphore(%run_scoped3A : memref<!tpu.dma_semaphore, #tpu.memory_space<semaphore_mem>>)
      %dma_wait3A = tpu.memref_slice %arg8[%add3A_324] : memref<1606656xf32, #tpu.memory_space<vmem_shared>> -> memref<10000xf32, #tpu.memory_space<vmem_shared>>
      %dma_wait3A_645 = tpu.memref_slice %arg8[%add3A_324] : memref<1606656xf32, #tpu.memory_space<vmem_shared>> -> memref<10000xf32, #tpu.memory_space<vmem_shared>>
      tpu.wait_dma2 semaphore(%run_scoped3A : memref<!tpu.dma_semaphore, #tpu.memory_space<semaphore_mem>>) src(%dma_wait3A_645 : memref<10000xf32, #tpu.memory_space<vmem_shared>>) dst(%arg12 : memref<10000xf32, #tpu.memory_space<vmem>>)
      tpu.yield
    }) : () -> ()
    %add3A_325 = arith.addi %mul3A_12, %add3A_324 : i32
    "tpu.region"() ({
      %run_scoped3A = tpu.sem_alloc : memref<!tpu.dma_semaphore, #tpu.memory_space<semaphore_mem>>
      %dma_start3A = tpu.memref_slice %arg5[%add3A_325] : memref<6400000xf32, #tpu.memory_space<hbm>> -> memref<10000xf32, #tpu.memory_space<hbm>>
      %dma_start3A_644 = tpu.memref_slice %arg5[%add3A_325] : memref<6400000xf32, #tpu.memory_space<hbm>> -> memref<10000xf32, #tpu.memory_space<hbm>>
      tpu.enqueue_dma source(%arg12 : memref<10000xf32, #tpu.memory_space<vmem>>) target(%dma_start3A_644 : memref<10000xf32, #tpu.memory_space<hbm>>) target_semaphore(%run_scoped3A : memref<!tpu.dma_semaphore, #tpu.memory_space<semaphore_mem>>)
      %dma_wait3A = tpu.memref_slice %arg5[%add3A_325] : memref<6400000xf32, #tpu.memory_space<hbm>> -> memref<10000xf32, #tpu.memory_space<hbm>>
      %dma_wait3A_645 = tpu.memref_slice %arg5[%add3A_325] : memref<6400000xf32, #tpu.memory_space<hbm>> -> memref<10000xf32, #tpu.memory_space<hbm>>
      tpu.wait_dma2 semaphore(%run_scoped3A : memref<!tpu.dma_semaphore, #tpu.memory_space<semaphore_mem>>) src(%arg12 : memref<10000xf32, #tpu.memory_space<vmem>>) dst(%dma_wait3A_645 : memref<10000xf32, #tpu.memory_space<hbm>>)
      tpu.yield
    }) : () -> ()
    %eq3A_326 = arith.constant 0 : i32
    %eq3A_327 = arith.cmpi eq, %arg1, %eq3A_326 : i32
    %convert_element_type3A_328 = arith.extui %eq3A_327 : i1 to i32
    %cond3A_329 = arith.constant 0 : i32
    %cond3A_330 = arith.cmpi ne, %convert_element_type3A_328, %cond3A_329 : i32
    scf.if %cond3A_330 {
      "tpu.region"() ({
        %run_scoped3A = tpu.sem_alloc : memref<!tpu.dma_semaphore, #tpu.memory_space<semaphore_mem>>
        %dma_start3A = arith.constant 0 : i32
        %dma_start3A_654 = tpu.memref_slice %arg12[%dma_start3A] : memref<10000xf32, #tpu.memory_space<vmem>> -> memref<2560xf32, #tpu.memory_space<vmem>>
        %dma_start3A_655 = arith.constant 1604096 : i32
        %dma_start3A_656 = tpu.memref_slice %arg8[%dma_start3A_655] : memref<1606656xf32, #tpu.memory_space<vmem_shared>> -> memref<2560xf32, #tpu.memory_space<vmem_shared>>
        %dma_start3A_657 = arith.constant 0 : i32
        %dma_start3A_658 = tpu.memref_slice %arg12[%dma_start3A_657] : memref<10000xf32, #tpu.memory_space<vmem>> -> memref<2560xf32, #tpu.memory_space<vmem>>
        %dma_start3A_659 = arith.constant 1604096 : i32
        %dma_start3A_660 = tpu.memref_slice %arg8[%dma_start3A_659] : memref<1606656xf32, #tpu.memory_space<vmem_shared>> -> memref<2560xf32, #tpu.memory_space<vmem_shared>>
        tpu.enqueue_dma source(%dma_start3A_660 : memref<2560xf32, #tpu.memory_space<vmem_shared>>) target(%dma_start3A_658 : memref<2560xf32, #tpu.memory_space<vmem>>) target_semaphore(%run_scoped3A : memref<!tpu.dma_semaphore, #tpu.memory_space<semaphore_mem>>)
        %dma_wait3A = arith.constant 0 : i32
        %dma_wait3A_661 = tpu.memref_slice %arg12[%dma_wait3A] : memref<10000xf32, #tpu.memory_space<vmem>> -> memref<2560xf32, #tpu.memory_space<vmem>>
        %dma_wait3A_662 = arith.constant 1604096 : i32
        %dma_wait3A_663 = tpu.memref_slice %arg8[%dma_wait3A_662] : memref<1606656xf32, #tpu.memory_space<vmem_shared>> -> memref<2560xf32, #tpu.memory_space<vmem_shared>>
        %dma_wait3A_664 = arith.constant 0 : i32
        %dma_wait3A_665 = tpu.memref_slice %arg12[%dma_wait3A_664] : memref<10000xf32, #tpu.memory_space<vmem>> -> memref<2560xf32, #tpu.memory_space<vmem>>
        %dma_wait3A_666 = arith.constant 1604096 : i32
        %dma_wait3A_667 = tpu.memref_slice %arg8[%dma_wait3A_666] : memref<1606656xf32, #tpu.memory_space<vmem_shared>> -> memref<2560xf32, #tpu.memory_space<vmem_shared>>
        tpu.wait_dma2 semaphore(%run_scoped3A : memref<!tpu.dma_semaphore, #tpu.memory_space<semaphore_mem>>) src(%dma_wait3A_667 : memref<2560xf32, #tpu.memory_space<vmem_shared>>) dst(%dma_wait3A_665 : memref<2560xf32, #tpu.memory_space<vmem>>)
        tpu.yield
      }) : () -> ()
      %eq3A_644 = arith.constant 0 : i32
      %eq3A_645 = arith.cmpi eq, %arg0, %eq3A_644 : i32
      %convert_element_type3A_646 = arith.extui %eq3A_645 : i1 to i32
      %cond3A_647 = arith.constant 0 : i32
      %cond3A_648 = arith.cmpi ne, %convert_element_type3A_646, %cond3A_647 : i32
      scf.if %cond3A_648 {
        "tpu.region"() ({
          %run_scoped3A = tpu.sem_alloc : memref<!tpu.dma_semaphore, #tpu.memory_space<semaphore_mem>>
          %dma_start3A = arith.constant 0 : i32
          %dma_start3A_654 = tpu.memref_slice %arg12[%dma_start3A] : memref<10000xf32, #tpu.memory_space<vmem>> -> memref<2560xf32, #tpu.memory_space<vmem>>
          %dma_start3A_655 = arith.constant 0 : i32
          %dma_start3A_656 = tpu.memref_slice %arg12[%dma_start3A_655] : memref<10000xf32, #tpu.memory_space<vmem>> -> memref<2560xf32, #tpu.memory_space<vmem>>
          tpu.enqueue_dma source(%dma_start3A_656 : memref<2560xf32, #tpu.memory_space<vmem>>) target(%arg6 : memref<2560xf32, #tpu.memory_space<hbm>>) target_semaphore(%run_scoped3A : memref<!tpu.dma_semaphore, #tpu.memory_space<semaphore_mem>>)
          %dma_wait3A = arith.constant 0 : i32
          %dma_wait3A_657 = tpu.memref_slice %arg12[%dma_wait3A] : memref<10000xf32, #tpu.memory_space<vmem>> -> memref<2560xf32, #tpu.memory_space<vmem>>
          %dma_wait3A_658 = arith.constant 0 : i32
          %dma_wait3A_659 = tpu.memref_slice %arg12[%dma_wait3A_658] : memref<10000xf32, #tpu.memory_space<vmem>> -> memref<2560xf32, #tpu.memory_space<vmem>>
          tpu.wait_dma2 semaphore(%run_scoped3A : memref<!tpu.dma_semaphore, #tpu.memory_space<semaphore_mem>>) src(%dma_wait3A_659 : memref<2560xf32, #tpu.memory_space<vmem>>) dst(%arg6 : memref<2560xf32, #tpu.memory_space<hbm>>)
          tpu.yield
        }) : () -> ()
      } else {
      }
      %eq3A_649 = arith.constant 1 : i32
      %eq3A_650 = arith.cmpi eq, %arg0, %eq3A_649 : i32
      %convert_element_type3A_651 = arith.extui %eq3A_650 : i1 to i32
      %cond3A_652 = arith.constant 0 : i32
      %cond3A_653 = arith.cmpi ne, %convert_element_type3A_651, %cond3A_652 : i32
      scf.if %cond3A_653 {
        "tpu.region"() ({
          %run_scoped3A = tpu.sem_alloc : memref<!tpu.dma_semaphore, #tpu.memory_space<semaphore_mem>>
          %dma_start3A = arith.constant 0 : i32
          %dma_start3A_654 = tpu.memref_slice %arg12[%dma_start3A] : memref<10000xf32, #tpu.memory_space<vmem>> -> memref<2560xf32, #tpu.memory_space<vmem>>
          %dma_start3A_655 = arith.constant 0 : i32
          %dma_start3A_656 = tpu.memref_slice %arg12[%dma_start3A_655] : memref<10000xf32, #tpu.memory_space<vmem>> -> memref<2560xf32, #tpu.memory_space<vmem>>
          tpu.enqueue_dma source(%dma_start3A_656 : memref<2560xf32, #tpu.memory_space<vmem>>) target(%arg7 : memref<2560xf32, #tpu.memory_space<hbm>>) target_semaphore(%run_scoped3A : memref<!tpu.dma_semaphore, #tpu.memory_space<semaphore_mem>>)
          %dma_wait3A = arith.constant 0 : i32
          %dma_wait3A_657 = tpu.memref_slice %arg12[%dma_wait3A] : memref<10000xf32, #tpu.memory_space<vmem>> -> memref<2560xf32, #tpu.memory_space<vmem>>
          %dma_wait3A_658 = arith.constant 0 : i32
          %dma_wait3A_659 = tpu.memref_slice %arg12[%dma_wait3A_658] : memref<10000xf32, #tpu.memory_space<vmem>> -> memref<2560xf32, #tpu.memory_space<vmem>>
          tpu.wait_dma2 semaphore(%run_scoped3A : memref<!tpu.dma_semaphore, #tpu.memory_space<semaphore_mem>>) src(%dma_wait3A_659 : memref<2560xf32, #tpu.memory_space<vmem>>) dst(%arg7 : memref<2560xf32, #tpu.memory_space<hbm>>)
          tpu.yield
        }) : () -> ()
      } else {
      }
    } else {
    }
    %mul3A_331 = arith.constant 2 : i32
    %mul3A_332 = arith.muli %mul3A_331, %arg0 : i32
    %add3A_333 = arith.constant 1 : i32
    %add3A_334 = arith.addi %mul3A_332, %add3A_333 : i32
    %mul3A_335 = arith.constant 1600000 : i32
    %mul3A_336 = arith.muli %add3A_334, %mul3A_335 : i32
    %scan3A_337 = arith.constant 0 : i32
    %scan3A_338 = arith.constant 0 : i32
    %scan3A_339 = arith.constant 625 : i32
    %scan3A_340 = arith.addi %scan3A_338, %scan3A_339 : i32
    %scan3A_341 = arith.constant 1 : i32
    %scan3A_342 = scf.for %scan3A_644 = %scan3A_338 to %scan3A_340 step %scan3A_341 iter_args(%scan3A_645 = %scan3A_337) -> (i32)  : i32 {
      %mul3A_646 = arith.constant 16 : i32
      %mul3A_647 = arith.muli %scan3A_644, %mul3A_646 : i32
      %swap3A = arith.index_cast %mul3A_647 : i32 to index
      %swap3A_648 = tpu.vector_load %arg12[%swap3A] {strides = array<i32>} : memref<10000xf32, #tpu.memory_space<vmem>>, vector<16xf32>,
      tpu.vector_store %arg12[%swap3A], %broadcast_in_dim3A_2 {strides = array<i32>} : memref<10000xf32, #tpu.memory_space<vmem>>, vector<16xf32>,
      %scan3A_649 = arith.constant 0 : i32
      scf.yield %scan3A_649 : i32
    }
    %scan3A_343 = arith.constant 625 : i32
    %mul3A_344 = arith.constant 100000 : i32
    %mul3A_345 = arith.muli %arg1, %mul3A_344 : i32
    %add3A_346 = arith.constant 0 : i32
    %add3A_347 = arith.addi %mul3A_345, %add3A_346 : i32
    "tpu.region"() ({
      %run_scoped3A = tpu.sem_alloc : memref<!tpu.dma_semaphore, #tpu.memory_space<semaphore_mem>>
      %dma_start3A = tpu.memref_slice %arg8[%add3A_347] : memref<1606656xf32, #tpu.memory_space<vmem_shared>> -> memref<10000xf32, #tpu.memory_space<vmem_shared>>
      %dma_start3A_644 = tpu.memref_slice %arg8[%add3A_347] : memref<1606656xf32, #tpu.memory_space<vmem_shared>> -> memref<10000xf32, #tpu.memory_space<vmem_shared>>
      tpu.enqueue_dma source(%arg12 : memref<10000xf32, #tpu.memory_space<vmem>>) target(%dma_start3A_644 : memref<10000xf32, #tpu.memory_space<vmem_shared>>) target_semaphore(%run_scoped3A : memref<!tpu.dma_semaphore, #tpu.memory_space<semaphore_mem>>)
      %dma_wait3A = tpu.memref_slice %arg8[%add3A_347] : memref<1606656xf32, #tpu.memory_space<vmem_shared>> -> memref<10000xf32, #tpu.memory_space<vmem_shared>>
      %dma_wait3A_645 = tpu.memref_slice %arg8[%add3A_347] : memref<1606656xf32, #tpu.memory_space<vmem_shared>> -> memref<10000xf32, #tpu.memory_space<vmem_shared>>
      tpu.wait_dma2 semaphore(%run_scoped3A : memref<!tpu.dma_semaphore, #tpu.memory_space<semaphore_mem>>) src(%arg12 : memref<10000xf32, #tpu.memory_space<vmem>>) dst(%dma_wait3A_645 : memref<10000xf32, #tpu.memory_space<vmem_shared>>)
      tpu.yield
    }) : () -> ()
    %mul3A_348 = arith.constant 100000 : i32
    %mul3A_349 = arith.muli %arg1, %mul3A_348 : i32
    %add3A_350 = arith.constant 10000 : i32
    %add3A_351 = arith.addi %mul3A_349, %add3A_350 : i32
    "tpu.region"() ({
      %run_scoped3A = tpu.sem_alloc : memref<!tpu.dma_semaphore, #tpu.memory_space<semaphore_mem>>
      %dma_start3A = tpu.memref_slice %arg8[%add3A_351] : memref<1606656xf32, #tpu.memory_space<vmem_shared>> -> memref<10000xf32, #tpu.memory_space<vmem_shared>>
      %dma_start3A_644 = tpu.memref_slice %arg8[%add3A_351] : memref<1606656xf32, #tpu.memory_space<vmem_shared>> -> memref<10000xf32, #tpu.memory_space<vmem_shared>>
      tpu.enqueue_dma source(%arg12 : memref<10000xf32, #tpu.memory_space<vmem>>) target(%dma_start3A_644 : memref<10000xf32, #tpu.memory_space<vmem_shared>>) target_semaphore(%run_scoped3A : memref<!tpu.dma_semaphore, #tpu.memory_space<semaphore_mem>>)
      %dma_wait3A = tpu.memref_slice %arg8[%add3A_351] : memref<1606656xf32, #tpu.memory_space<vmem_shared>> -> memref<10000xf32, #tpu.memory_space<vmem_shared>>
      %dma_wait3A_645 = tpu.memref_slice %arg8[%add3A_351] : memref<1606656xf32, #tpu.memory_space<vmem_shared>> -> memref<10000xf32, #tpu.memory_space<vmem_shared>>
      tpu.wait_dma2 semaphore(%run_scoped3A : memref<!tpu.dma_semaphore, #tpu.memory_space<semaphore_mem>>) src(%arg12 : memref<10000xf32, #tpu.memory_space<vmem>>) dst(%dma_wait3A_645 : memref<10000xf32, #tpu.memory_space<vmem_shared>>)
      tpu.yield
    }) : () -> ()
    %mul3A_352 = arith.constant 100000 : i32
    %mul3A_353 = arith.muli %arg1, %mul3A_352 : i32
    %add3A_354 = arith.constant 20000 : i32
    %add3A_355 = arith.addi %mul3A_353, %add3A_354 : i32
    "tpu.region"() ({
      %run_scoped3A = tpu.sem_alloc : memref<!tpu.dma_semaphore, #tpu.memory_space<semaphore_mem>>
      %dma_start3A = tpu.memref_slice %arg8[%add3A_355] : memref<1606656xf32, #tpu.memory_space<vmem_shared>> -> memref<10000xf32, #tpu.memory_space<vmem_shared>>
      %dma_start3A_644 = tpu.memref_slice %arg8[%add3A_355] : memref<1606656xf32, #tpu.memory_space<vmem_shared>> -> memref<10000xf32, #tpu.memory_space<vmem_shared>>
      tpu.enqueue_dma source(%arg12 : memref<10000xf32, #tpu.memory_space<vmem>>) target(%dma_start3A_644 : memref<10000xf32, #tpu.memory_space<vmem_shared>>) target_semaphore(%run_scoped3A : memref<!tpu.dma_semaphore, #tpu.memory_space<semaphore_mem>>)
      %dma_wait3A = tpu.memref_slice %arg8[%add3A_355] : memref<1606656xf32, #tpu.memory_space<vmem_shared>> -> memref<10000xf32, #tpu.memory_space<vmem_shared>>
      %dma_wait3A_645 = tpu.memref_slice %arg8[%add3A_355] : memref<1606656xf32, #tpu.memory_space<vmem_shared>> -> memref<10000xf32, #tpu.memory_space<vmem_shared>>
      tpu.wait_dma2 semaphore(%run_scoped3A : memref<!tpu.dma_semaphore, #tpu.memory_space<semaphore_mem>>) src(%arg12 : memref<10000xf32, #tpu.memory_space<vmem>>) dst(%dma_wait3A_645 : memref<10000xf32, #tpu.memory_space<vmem_shared>>)
      tpu.yield
    }) : () -> ()
    %mul3A_356 = arith.constant 100000 : i32
    %mul3A_357 = arith.muli %arg1, %mul3A_356 : i32
    %add3A_358 = arith.constant 30000 : i32
    %add3A_359 = arith.addi %mul3A_357, %add3A_358 : i32
    "tpu.region"() ({
      %run_scoped3A = tpu.sem_alloc : memref<!tpu.dma_semaphore, #tpu.memory_space<semaphore_mem>>
      %dma_start3A = tpu.memref_slice %arg8[%add3A_359] : memref<1606656xf32, #tpu.memory_space<vmem_shared>> -> memref<10000xf32, #tpu.memory_space<vmem_shared>>
      %dma_start3A_644 = tpu.memref_slice %arg8[%add3A_359] : memref<1606656xf32, #tpu.memory_space<vmem_shared>> -> memref<10000xf32, #tpu.memory_space<vmem_shared>>
      tpu.enqueue_dma source(%arg12 : memref<10000xf32, #tpu.memory_space<vmem>>) target(%dma_start3A_644 : memref<10000xf32, #tpu.memory_space<vmem_shared>>) target_semaphore(%run_scoped3A : memref<!tpu.dma_semaphore, #tpu.memory_space<semaphore_mem>>)
      %dma_wait3A = tpu.memref_slice %arg8[%add3A_359] : memref<1606656xf32, #tpu.memory_space<vmem_shared>> -> memref<10000xf32, #tpu.memory_space<vmem_shared>>
      %dma_wait3A_645 = tpu.memref_slice %arg8[%add3A_359] : memref<1606656xf32, #tpu.memory_space<vmem_shared>> -> memref<10000xf32, #tpu.memory_space<vmem_shared>>
      tpu.wait_dma2 semaphore(%run_scoped3A : memref<!tpu.dma_semaphore, #tpu.memory_space<semaphore_mem>>) src(%arg12 : memref<10000xf32, #tpu.memory_space<vmem>>) dst(%dma_wait3A_645 : memref<10000xf32, #tpu.memory_space<vmem_shared>>)
      tpu.yield
    }) : () -> ()
    %mul3A_360 = arith.constant 100000 : i32
    %mul3A_361 = arith.muli %arg1, %mul3A_360 : i32
    %add3A_362 = arith.constant 40000 : i32
    %add3A_363 = arith.addi %mul3A_361, %add3A_362 : i32
    "tpu.region"() ({
      %run_scoped3A = tpu.sem_alloc : memref<!tpu.dma_semaphore, #tpu.memory_space<semaphore_mem>>
      %dma_start3A = tpu.memref_slice %arg8[%add3A_363] : memref<1606656xf32, #tpu.memory_space<vmem_shared>> -> memref<10000xf32, #tpu.memory_space<vmem_shared>>
      %dma_start3A_644 = tpu.memref_slice %arg8[%add3A_363] : memref<1606656xf32, #tpu.memory_space<vmem_shared>> -> memref<10000xf32, #tpu.memory_space<vmem_shared>>
      tpu.enqueue_dma source(%arg12 : memref<10000xf32, #tpu.memory_space<vmem>>) target(%dma_start3A_644 : memref<10000xf32, #tpu.memory_space<vmem_shared>>) target_semaphore(%run_scoped3A : memref<!tpu.dma_semaphore, #tpu.memory_space<semaphore_mem>>)
      %dma_wait3A = tpu.memref_slice %arg8[%add3A_363] : memref<1606656xf32, #tpu.memory_space<vmem_shared>> -> memref<10000xf32, #tpu.memory_space<vmem_shared>>
      %dma_wait3A_645 = tpu.memref_slice %arg8[%add3A_363] : memref<1606656xf32, #tpu.memory_space<vmem_shared>> -> memref<10000xf32, #tpu.memory_space<vmem_shared>>
      tpu.wait_dma2 semaphore(%run_scoped3A : memref<!tpu.dma_semaphore, #tpu.memory_space<semaphore_mem>>) src(%arg12 : memref<10000xf32, #tpu.memory_space<vmem>>) dst(%dma_wait3A_645 : memref<10000xf32, #tpu.memory_space<vmem_shared>>)
      tpu.yield
    }) : () -> ()
    %mul3A_364 = arith.constant 100000 : i32
    %mul3A_365 = arith.muli %arg1, %mul3A_364 : i32
    %add3A_366 = arith.constant 50000 : i32
    %add3A_367 = arith.addi %mul3A_365, %add3A_366 : i32
    "tpu.region"() ({
      %run_scoped3A = tpu.sem_alloc : memref<!tpu.dma_semaphore, #tpu.memory_space<semaphore_mem>>
      %dma_start3A = tpu.memref_slice %arg8[%add3A_367] : memref<1606656xf32, #tpu.memory_space<vmem_shared>> -> memref<10000xf32, #tpu.memory_space<vmem_shared>>
      %dma_start3A_644 = tpu.memref_slice %arg8[%add3A_367] : memref<1606656xf32, #tpu.memory_space<vmem_shared>> -> memref<10000xf32, #tpu.memory_space<vmem_shared>>
      tpu.enqueue_dma source(%arg12 : memref<10000xf32, #tpu.memory_space<vmem>>) target(%dma_start3A_644 : memref<10000xf32, #tpu.memory_space<vmem_shared>>) target_semaphore(%run_scoped3A : memref<!tpu.dma_semaphore, #tpu.memory_space<semaphore_mem>>)
      %dma_wait3A = tpu.memref_slice %arg8[%add3A_367] : memref<1606656xf32, #tpu.memory_space<vmem_shared>> -> memref<10000xf32, #tpu.memory_space<vmem_shared>>
      %dma_wait3A_645 = tpu.memref_slice %arg8[%add3A_367] : memref<1606656xf32, #tpu.memory_space<vmem_shared>> -> memref<10000xf32, #tpu.memory_space<vmem_shared>>
      tpu.wait_dma2 semaphore(%run_scoped3A : memref<!tpu.dma_semaphore, #tpu.memory_space<semaphore_mem>>) src(%arg12 : memref<10000xf32, #tpu.memory_space<vmem>>) dst(%dma_wait3A_645 : memref<10000xf32, #tpu.memory_space<vmem_shared>>)
      tpu.yield
    }) : () -> ()
    %mul3A_368 = arith.constant 100000 : i32
    %mul3A_369 = arith.muli %arg1, %mul3A_368 : i32
    %add3A_370 = arith.constant 60000 : i32
    %add3A_371 = arith.addi %mul3A_369, %add3A_370 : i32
    "tpu.region"() ({
      %run_scoped3A = tpu.sem_alloc : memref<!tpu.dma_semaphore, #tpu.memory_space<semaphore_mem>>
      %dma_start3A = tpu.memref_slice %arg8[%add3A_371] : memref<1606656xf32, #tpu.memory_space<vmem_shared>> -> memref<10000xf32, #tpu.memory_space<vmem_shared>>
      %dma_start3A_644 = tpu.memref_slice %arg8[%add3A_371] : memref<1606656xf32, #tpu.memory_space<vmem_shared>> -> memref<10000xf32, #tpu.memory_space<vmem_shared>>
      tpu.enqueue_dma source(%arg12 : memref<10000xf32, #tpu.memory_space<vmem>>) target(%dma_start3A_644 : memref<10000xf32, #tpu.memory_space<vmem_shared>>) target_semaphore(%run_scoped3A : memref<!tpu.dma_semaphore, #tpu.memory_space<semaphore_mem>>)
      %dma_wait3A = tpu.memref_slice %arg8[%add3A_371] : memref<1606656xf32, #tpu.memory_space<vmem_shared>> -> memref<10000xf32, #tpu.memory_space<vmem_shared>>
      %dma_wait3A_645 = tpu.memref_slice %arg8[%add3A_371] : memref<1606656xf32, #tpu.memory_space<vmem_shared>> -> memref<10000xf32, #tpu.memory_space<vmem_shared>>
      tpu.wait_dma2 semaphore(%run_scoped3A : memref<!tpu.dma_semaphore, #tpu.memory_space<semaphore_mem>>) src(%arg12 : memref<10000xf32, #tpu.memory_space<vmem>>) dst(%dma_wait3A_645 : memref<10000xf32, #tpu.memory_space<vmem_shared>>)
      tpu.yield
    }) : () -> ()
    %mul3A_372 = arith.constant 100000 : i32
    %mul3A_373 = arith.muli %arg1, %mul3A_372 : i32
    %add3A_374 = arith.constant 70000 : i32
    %add3A_375 = arith.addi %mul3A_373, %add3A_374 : i32
    "tpu.region"() ({
      %run_scoped3A = tpu.sem_alloc : memref<!tpu.dma_semaphore, #tpu.memory_space<semaphore_mem>>
      %dma_start3A = tpu.memref_slice %arg8[%add3A_375] : memref<1606656xf32, #tpu.memory_space<vmem_shared>> -> memref<10000xf32, #tpu.memory_space<vmem_shared>>
      %dma_start3A_644 = tpu.memref_slice %arg8[%add3A_375] : memref<1606656xf32, #tpu.memory_space<vmem_shared>> -> memref<10000xf32, #tpu.memory_space<vmem_shared>>
      tpu.enqueue_dma source(%arg12 : memref<10000xf32, #tpu.memory_space<vmem>>) target(%dma_start3A_644 : memref<10000xf32, #tpu.memory_space<vmem_shared>>) target_semaphore(%run_scoped3A : memref<!tpu.dma_semaphore, #tpu.memory_space<semaphore_mem>>)
      %dma_wait3A = tpu.memref_slice %arg8[%add3A_375] : memref<1606656xf32, #tpu.memory_space<vmem_shared>> -> memref<10000xf32, #tpu.memory_space<vmem_shared>>
      %dma_wait3A_645 = tpu.memref_slice %arg8[%add3A_375] : memref<1606656xf32, #tpu.memory_space<vmem_shared>> -> memref<10000xf32, #tpu.memory_space<vmem_shared>>
      tpu.wait_dma2 semaphore(%run_scoped3A : memref<!tpu.dma_semaphore, #tpu.memory_space<semaphore_mem>>) src(%arg12 : memref<10000xf32, #tpu.memory_space<vmem>>) dst(%dma_wait3A_645 : memref<10000xf32, #tpu.memory_space<vmem_shared>>)
      tpu.yield
    }) : () -> ()
    %mul3A_376 = arith.constant 100000 : i32
    %mul3A_377 = arith.muli %arg1, %mul3A_376 : i32
    %add3A_378 = arith.constant 80000 : i32
    %add3A_379 = arith.addi %mul3A_377, %add3A_378 : i32
    "tpu.region"() ({
      %run_scoped3A = tpu.sem_alloc : memref<!tpu.dma_semaphore, #tpu.memory_space<semaphore_mem>>
      %dma_start3A = tpu.memref_slice %arg8[%add3A_379] : memref<1606656xf32, #tpu.memory_space<vmem_shared>> -> memref<10000xf32, #tpu.memory_space<vmem_shared>>
      %dma_start3A_644 = tpu.memref_slice %arg8[%add3A_379] : memref<1606656xf32, #tpu.memory_space<vmem_shared>> -> memref<10000xf32, #tpu.memory_space<vmem_shared>>
      tpu.enqueue_dma source(%arg12 : memref<10000xf32, #tpu.memory_space<vmem>>) target(%dma_start3A_644 : memref<10000xf32, #tpu.memory_space<vmem_shared>>) target_semaphore(%run_scoped3A : memref<!tpu.dma_semaphore, #tpu.memory_space<semaphore_mem>>)
      %dma_wait3A = tpu.memref_slice %arg8[%add3A_379] : memref<1606656xf32, #tpu.memory_space<vmem_shared>> -> memref<10000xf32, #tpu.memory_space<vmem_shared>>
      %dma_wait3A_645 = tpu.memref_slice %arg8[%add3A_379] : memref<1606656xf32, #tpu.memory_space<vmem_shared>> -> memref<10000xf32, #tpu.memory_space<vmem_shared>>
      tpu.wait_dma2 semaphore(%run_scoped3A : memref<!tpu.dma_semaphore, #tpu.memory_space<semaphore_mem>>) src(%arg12 : memref<10000xf32, #tpu.memory_space<vmem>>) dst(%dma_wait3A_645 : memref<10000xf32, #tpu.memory_space<vmem_shared>>)
      tpu.yield
    }) : () -> ()
    %mul3A_380 = arith.constant 100000 : i32
    %mul3A_381 = arith.muli %arg1, %mul3A_380 : i32
    %add3A_382 = arith.constant 90000 : i32
    %add3A_383 = arith.addi %mul3A_381, %add3A_382 : i32
    "tpu.region"() ({
      %run_scoped3A = tpu.sem_alloc : memref<!tpu.dma_semaphore, #tpu.memory_space<semaphore_mem>>
      %dma_start3A = tpu.memref_slice %arg8[%add3A_383] : memref<1606656xf32, #tpu.memory_space<vmem_shared>> -> memref<10000xf32, #tpu.memory_space<vmem_shared>>
      %dma_start3A_644 = tpu.memref_slice %arg8[%add3A_383] : memref<1606656xf32, #tpu.memory_space<vmem_shared>> -> memref<10000xf32, #tpu.memory_space<vmem_shared>>
      tpu.enqueue_dma source(%arg12 : memref<10000xf32, #tpu.memory_space<vmem>>) target(%dma_start3A_644 : memref<10000xf32, #tpu.memory_space<vmem_shared>>) target_semaphore(%run_scoped3A : memref<!tpu.dma_semaphore, #tpu.memory_space<semaphore_mem>>)
      %dma_wait3A = tpu.memref_slice %arg8[%add3A_383] : memref<1606656xf32, #tpu.memory_space<vmem_shared>> -> memref<10000xf32, #tpu.memory_space<vmem_shared>>
      %dma_wait3A_645 = tpu.memref_slice %arg8[%add3A_383] : memref<1606656xf32, #tpu.memory_space<vmem_shared>> -> memref<10000xf32, #tpu.memory_space<vmem_shared>>
      tpu.wait_dma2 semaphore(%run_scoped3A : memref<!tpu.dma_semaphore, #tpu.memory_space<semaphore_mem>>) src(%arg12 : memref<10000xf32, #tpu.memory_space<vmem>>) dst(%dma_wait3A_645 : memref<10000xf32, #tpu.memory_space<vmem_shared>>)
      tpu.yield
    }) : () -> ()
    %barrier3A_384 = arith.constant 0 : index
    tpu.barrier barrier_id(%barrier3A_384)
    %mul3A_385 = arith.constant 65536 : i32
    %mul3A_386 = arith.muli %arg1, %mul3A_385 : i32
    %add3A_387 = arith.constant 0 : i32
    %add3A_388 = arith.addi %mul3A_386, %add3A_387 : i32
    "tpu.region"() ({
      %run_scoped3A = tpu.sem_alloc : memref<!tpu.dma_semaphore, #tpu.memory_space<semaphore_mem>>
      %dma_start3A = tpu.memref_slice %arg2[%add3A_388] : memref<1048576xi32, #tpu.memory_space<hbm>> -> memref<4096xi32, #tpu.memory_space<hbm>>
      %dma_start3A_644 = tpu.memref_slice %arg2[%add3A_388] : memref<1048576xi32, #tpu.memory_space<hbm>> -> memref<4096xi32, #tpu.memory_space<hbm>>
      tpu.enqueue_dma source(%dma_start3A_644 : memref<4096xi32, #tpu.memory_space<hbm>>) target(%arg9 : memref<4096xi32, #tpu.memory_space<vmem>>) target_semaphore(%run_scoped3A : memref<!tpu.dma_semaphore, #tpu.memory_space<semaphore_mem>>)
      %dma_wait3A = tpu.memref_slice %arg2[%add3A_388] : memref<1048576xi32, #tpu.memory_space<hbm>> -> memref<4096xi32, #tpu.memory_space<hbm>>
      %dma_wait3A_645 = tpu.memref_slice %arg2[%add3A_388] : memref<1048576xi32, #tpu.memory_space<hbm>> -> memref<4096xi32, #tpu.memory_space<hbm>>
      tpu.wait_dma2 semaphore(%run_scoped3A : memref<!tpu.dma_semaphore, #tpu.memory_space<semaphore_mem>>) src(%dma_wait3A_645 : memref<4096xi32, #tpu.memory_space<hbm>>) dst(%arg9 : memref<4096xi32, #tpu.memory_space<vmem>>)
      tpu.yield
    }) : () -> ()
    %scan3A_389 = arith.constant 4095 : i32
    %scan3A_390 = arith.constant 1600000 : i32
    %scan3A_391 = arith.constant 0 : i32
    %scan3A_392 = arith.constant 0 : i32
    %scan3A_393 = arith.constant 256 : i32
    %scan3A_394 = arith.addi %scan3A_392, %scan3A_393 : i32
    %scan3A_395 = arith.constant 1 : i32
    %scan3A_396 = scf.for %scan3A_644 = %scan3A_392 to %scan3A_394 step %scan3A_395 iter_args(%scan3A_645 = %scan3A_391) -> (i32)  : i32 {
      %mul3A_646 = arith.constant 16 : i32
      %mul3A_647 = arith.muli %scan3A_644, %mul3A_646 : i32
      %get3A = arith.index_cast %mul3A_647 : i32 to index
      %get3A_648 = tpu.vector_load %arg9[%get3A] {strides = array<i32>} : memref<4096xi32, #tpu.memory_space<vmem>>, vector<16xi32>,
      %sub3A = vector.broadcast %mul3A_336 : i32 to vector<16xi32>
      %sub3A_649 = arith.subi %get3A_648, %sub3A : vector<16xi32>
      %bitcast3A = vector.bitcast %sub3A_649 : vector<16xi32> to vector<16xi32>
      %and3A = vector.broadcast %scan3A_389 : i32 to vector<16xi32>
      %and3A_650 = arith.andi %bitcast3A, %and3A : vector<16xi32>
      %add3A_651 = vector.broadcast %scan3A_390 : i32 to vector<16xi32>
      %add3A_652 = arith.addi %add3A_651, %and3A_650 : vector<16xi32>
      %min3A = arith.minui %bitcast3A, %add3A_652 : vector<16xi32>
      %bitcast3A_653 = vector.bitcast %min3A : vector<16xi32> to vector<16xi32>
      %mul3A_654 = arith.constant 16 : i32
      %mul3A_655 = arith.muli %scan3A_644, %mul3A_654 : i32
      %swap3A = arith.index_cast %mul3A_655 : i32 to index
      %swap3A_656 = tpu.vector_load %arg10[%swap3A] {strides = array<i32>} : memref<4096xi32, #tpu.memory_space<vmem>>, vector<16xi32>,
      tpu.vector_store %arg10[%swap3A], %bitcast3A_653 {strides = array<i32>} : memref<4096xi32, #tpu.memory_space<vmem>>, vector<16xi32>,
      %scan3A_657 = arith.constant 0 : i32
      scf.yield %scan3A_657 : i32
    }
    %scan3A_397 = arith.constant 256 : i32
    "tpu.region"() ({
      %run_scoped3A = tpu.sem_alloc : memref<!tpu.dma_semaphore, #tpu.memory_space<semaphore_mem>>
      %dma_start3A = arith.constant 0 : i32
      %dma_start3A_644 = tpu.memref_slice %arg8[%dma_start3A] : memref<1606656xf32, #tpu.memory_space<vmem_shared>> -> memref<1606656xf32, #tpu.memory_space<vmem_shared>>
      tpu.enqueue_indirect_dma source(%arg11 : memref<4096xf32, #tpu.memory_space<vmem>>) target(%dma_start3A_644 : memref<1606656xf32, #tpu.memory_space<vmem_shared>>) offsets(%arg10 : memref<4096xi32, #tpu.memory_space<vmem>>) semaphore(%run_scoped3A : memref<!tpu.dma_semaphore, #tpu.memory_space<semaphore_mem>>) {add = true}
      %dma_wait3A = arith.constant 0 : i32
      %dma_wait3A_645 = tpu.memref_slice %arg8[%dma_wait3A] : memref<1606656xf32, #tpu.memory_space<vmem_shared>> -> memref<1606656xf32, #tpu.memory_space<vmem_shared>>
      tpu.wait_indirect_dma semaphore(%run_scoped3A : memref<!tpu.dma_semaphore, #tpu.memory_space<semaphore_mem>>) src(%arg11 : memref<4096xf32, #tpu.memory_space<vmem>>) dst(%dma_wait3A_645 : memref<1606656xf32, #tpu.memory_space<vmem_shared>>)
      tpu.yield
    }) : () -> ()
    %mul3A_398 = arith.constant 65536 : i32
    %mul3A_399 = arith.muli %arg1, %mul3A_398 : i32
    %add3A_400 = arith.constant 4096 : i32
    %add3A_401 = arith.addi %mul3A_399, %add3A_400 : i32
    "tpu.region"() ({
      %run_scoped3A = tpu.sem_alloc : memref<!tpu.dma_semaphore, #tpu.memory_space<semaphore_mem>>
      %dma_start3A = tpu.memref_slice %arg2[%add3A_401] : memref<1048576xi32, #tpu.memory_space<hbm>> -> memref<4096xi32, #tpu.memory_space<hbm>>
      %dma_start3A_644 = tpu.memref_slice %arg2[%add3A_401] : memref<1048576xi32, #tpu.memory_space<hbm>> -> memref<4096xi32, #tpu.memory_space<hbm>>
      tpu.enqueue_dma source(%dma_start3A_644 : memref<4096xi32, #tpu.memory_space<hbm>>) target(%arg9 : memref<4096xi32, #tpu.memory_space<vmem>>) target_semaphore(%run_scoped3A : memref<!tpu.dma_semaphore, #tpu.memory_space<semaphore_mem>>)
      %dma_wait3A = tpu.memref_slice %arg2[%add3A_401] : memref<1048576xi32, #tpu.memory_space<hbm>> -> memref<4096xi32, #tpu.memory_space<hbm>>
      %dma_wait3A_645 = tpu.memref_slice %arg2[%add3A_401] : memref<1048576xi32, #tpu.memory_space<hbm>> -> memref<4096xi32, #tpu.memory_space<hbm>>
      tpu.wait_dma2 semaphore(%run_scoped3A : memref<!tpu.dma_semaphore, #tpu.memory_space<semaphore_mem>>) src(%dma_wait3A_645 : memref<4096xi32, #tpu.memory_space<hbm>>) dst(%arg9 : memref<4096xi32, #tpu.memory_space<vmem>>)
      tpu.yield
    }) : () -> ()
    %scan3A_402 = arith.constant 4095 : i32
    %scan3A_403 = arith.constant 1600000 : i32
    %scan3A_404 = arith.constant 0 : i32
    %scan3A_405 = arith.constant 0 : i32
    %scan3A_406 = arith.constant 256 : i32
    %scan3A_407 = arith.addi %scan3A_405, %scan3A_406 : i32
    %scan3A_408 = arith.constant 1 : i32
    %scan3A_409 = scf.for %scan3A_644 = %scan3A_405 to %scan3A_407 step %scan3A_408 iter_args(%scan3A_645 = %scan3A_404) -> (i32)  : i32 {
      %mul3A_646 = arith.constant 16 : i32
      %mul3A_647 = arith.muli %scan3A_644, %mul3A_646 : i32
      %get3A = arith.index_cast %mul3A_647 : i32 to index
      %get3A_648 = tpu.vector_load %arg9[%get3A] {strides = array<i32>} : memref<4096xi32, #tpu.memory_space<vmem>>, vector<16xi32>,
      %sub3A = vector.broadcast %mul3A_336 : i32 to vector<16xi32>
      %sub3A_649 = arith.subi %get3A_648, %sub3A : vector<16xi32>
      %bitcast3A = vector.bitcast %sub3A_649 : vector<16xi32> to vector<16xi32>
      %and3A = vector.broadcast %scan3A_402 : i32 to vector<16xi32>
      %and3A_650 = arith.andi %bitcast3A, %and3A : vector<16xi32>
      %add3A_651 = vector.broadcast %scan3A_403 : i32 to vector<16xi32>
      %add3A_652 = arith.addi %add3A_651, %and3A_650 : vector<16xi32>
      %min3A = arith.minui %bitcast3A, %add3A_652 : vector<16xi32>
      %bitcast3A_653 = vector.bitcast %min3A : vector<16xi32> to vector<16xi32>
      %mul3A_654 = arith.constant 16 : i32
      %mul3A_655 = arith.muli %scan3A_644, %mul3A_654 : i32
      %swap3A = arith.index_cast %mul3A_655 : i32 to index
      %swap3A_656 = tpu.vector_load %arg10[%swap3A] {strides = array<i32>} : memref<4096xi32, #tpu.memory_space<vmem>>, vector<16xi32>,
      tpu.vector_store %arg10[%swap3A], %bitcast3A_653 {strides = array<i32>} : memref<4096xi32, #tpu.memory_space<vmem>>, vector<16xi32>,
      %scan3A_657 = arith.constant 0 : i32
      scf.yield %scan3A_657 : i32
    }
    %scan3A_410 = arith.constant 256 : i32
    "tpu.region"() ({
      %run_scoped3A = tpu.sem_alloc : memref<!tpu.dma_semaphore, #tpu.memory_space<semaphore_mem>>
      %dma_start3A = arith.constant 0 : i32
      %dma_start3A_644 = tpu.memref_slice %arg8[%dma_start3A] : memref<1606656xf32, #tpu.memory_space<vmem_shared>> -> memref<1606656xf32, #tpu.memory_space<vmem_shared>>
      tpu.enqueue_indirect_dma source(%arg11 : memref<4096xf32, #tpu.memory_space<vmem>>) target(%dma_start3A_644 : memref<1606656xf32, #tpu.memory_space<vmem_shared>>) offsets(%arg10 : memref<4096xi32, #tpu.memory_space<vmem>>) semaphore(%run_scoped3A : memref<!tpu.dma_semaphore, #tpu.memory_space<semaphore_mem>>) {add = true}
      %dma_wait3A = arith.constant 0 : i32
      %dma_wait3A_645 = tpu.memref_slice %arg8[%dma_wait3A] : memref<1606656xf32, #tpu.memory_space<vmem_shared>> -> memref<1606656xf32, #tpu.memory_space<vmem_shared>>
      tpu.wait_indirect_dma semaphore(%run_scoped3A : memref<!tpu.dma_semaphore, #tpu.memory_space<semaphore_mem>>) src(%arg11 : memref<4096xf32, #tpu.memory_space<vmem>>) dst(%dma_wait3A_645 : memref<1606656xf32, #tpu.memory_space<vmem_shared>>)
      tpu.yield
    }) : () -> ()
    %mul3A_411 = arith.constant 65536 : i32
    %mul3A_412 = arith.muli %arg1, %mul3A_411 : i32
    %add3A_413 = arith.constant 8192 : i32
    %add3A_414 = arith.addi %mul3A_412, %add3A_413 : i32
    "tpu.region"() ({
      %run_scoped3A = tpu.sem_alloc : memref<!tpu.dma_semaphore, #tpu.memory_space<semaphore_mem>>
      %dma_start3A = tpu.memref_slice %arg2[%add3A_414] : memref<1048576xi32, #tpu.memory_space<hbm>> -> memref<4096xi32, #tpu.memory_space<hbm>>
      %dma_start3A_644 = tpu.memref_slice %arg2[%add3A_414] : memref<1048576xi32, #tpu.memory_space<hbm>> -> memref<4096xi32, #tpu.memory_space<hbm>>
      tpu.enqueue_dma source(%dma_start3A_644 : memref<4096xi32, #tpu.memory_space<hbm>>) target(%arg9 : memref<4096xi32, #tpu.memory_space<vmem>>) target_semaphore(%run_scoped3A : memref<!tpu.dma_semaphore, #tpu.memory_space<semaphore_mem>>)
      %dma_wait3A = tpu.memref_slice %arg2[%add3A_414] : memref<1048576xi32, #tpu.memory_space<hbm>> -> memref<4096xi32, #tpu.memory_space<hbm>>
      %dma_wait3A_645 = tpu.memref_slice %arg2[%add3A_414] : memref<1048576xi32, #tpu.memory_space<hbm>> -> memref<4096xi32, #tpu.memory_space<hbm>>
      tpu.wait_dma2 semaphore(%run_scoped3A : memref<!tpu.dma_semaphore, #tpu.memory_space<semaphore_mem>>) src(%dma_wait3A_645 : memref<4096xi32, #tpu.memory_space<hbm>>) dst(%arg9 : memref<4096xi32, #tpu.memory_space<vmem>>)
      tpu.yield
    }) : () -> ()
    %scan3A_415 = arith.constant 4095 : i32
    %scan3A_416 = arith.constant 1600000 : i32
    %scan3A_417 = arith.constant 0 : i32
    %scan3A_418 = arith.constant 0 : i32
    %scan3A_419 = arith.constant 256 : i32
    %scan3A_420 = arith.addi %scan3A_418, %scan3A_419 : i32
    %scan3A_421 = arith.constant 1 : i32
    %scan3A_422 = scf.for %scan3A_644 = %scan3A_418 to %scan3A_420 step %scan3A_421 iter_args(%scan3A_645 = %scan3A_417) -> (i32)  : i32 {
      %mul3A_646 = arith.constant 16 : i32
      %mul3A_647 = arith.muli %scan3A_644, %mul3A_646 : i32
      %get3A = arith.index_cast %mul3A_647 : i32 to index
      %get3A_648 = tpu.vector_load %arg9[%get3A] {strides = array<i32>} : memref<4096xi32, #tpu.memory_space<vmem>>, vector<16xi32>,
      %sub3A = vector.broadcast %mul3A_336 : i32 to vector<16xi32>
      %sub3A_649 = arith.subi %get3A_648, %sub3A : vector<16xi32>
      %bitcast3A = vector.bitcast %sub3A_649 : vector<16xi32> to vector<16xi32>
      %and3A = vector.broadcast %scan3A_415 : i32 to vector<16xi32>
      %and3A_650 = arith.andi %bitcast3A, %and3A : vector<16xi32>
      %add3A_651 = vector.broadcast %scan3A_416 : i32 to vector<16xi32>
      %add3A_652 = arith.addi %add3A_651, %and3A_650 : vector<16xi32>
      %min3A = arith.minui %bitcast3A, %add3A_652 : vector<16xi32>
      %bitcast3A_653 = vector.bitcast %min3A : vector<16xi32> to vector<16xi32>
      %mul3A_654 = arith.constant 16 : i32
      %mul3A_655 = arith.muli %scan3A_644, %mul3A_654 : i32
      %swap3A = arith.index_cast %mul3A_655 : i32 to index
      %swap3A_656 = tpu.vector_load %arg10[%swap3A] {strides = array<i32>} : memref<4096xi32, #tpu.memory_space<vmem>>, vector<16xi32>,
      tpu.vector_store %arg10[%swap3A], %bitcast3A_653 {strides = array<i32>} : memref<4096xi32, #tpu.memory_space<vmem>>, vector<16xi32>,
      %scan3A_657 = arith.constant 0 : i32
      scf.yield %scan3A_657 : i32
    }
    %scan3A_423 = arith.constant 256 : i32
    "tpu.region"() ({
      %run_scoped3A = tpu.sem_alloc : memref<!tpu.dma_semaphore, #tpu.memory_space<semaphore_mem>>
      %dma_start3A = arith.constant 0 : i32
      %dma_start3A_644 = tpu.memref_slice %arg8[%dma_start3A] : memref<1606656xf32, #tpu.memory_space<vmem_shared>> -> memref<1606656xf32, #tpu.memory_space<vmem_shared>>
      tpu.enqueue_indirect_dma source(%arg11 : memref<4096xf32, #tpu.memory_space<vmem>>) target(%dma_start3A_644 : memref<1606656xf32, #tpu.memory_space<vmem_shared>>) offsets(%arg10 : memref<4096xi32, #tpu.memory_space<vmem>>) semaphore(%run_scoped3A : memref<!tpu.dma_semaphore, #tpu.memory_space<semaphore_mem>>) {add = true}
      %dma_wait3A = arith.constant 0 : i32
      %dma_wait3A_645 = tpu.memref_slice %arg8[%dma_wait3A] : memref<1606656xf32, #tpu.memory_space<vmem_shared>> -> memref<1606656xf32, #tpu.memory_space<vmem_shared>>
      tpu.wait_indirect_dma semaphore(%run_scoped3A : memref<!tpu.dma_semaphore, #tpu.memory_space<semaphore_mem>>) src(%arg11 : memref<4096xf32, #tpu.memory_space<vmem>>) dst(%dma_wait3A_645 : memref<1606656xf32, #tpu.memory_space<vmem_shared>>)
      tpu.yield
    }) : () -> ()
    %mul3A_424 = arith.constant 65536 : i32
    %mul3A_425 = arith.muli %arg1, %mul3A_424 : i32
    %add3A_426 = arith.constant 12288 : i32
    %add3A_427 = arith.addi %mul3A_425, %add3A_426 : i32
    "tpu.region"() ({
      %run_scoped3A = tpu.sem_alloc : memref<!tpu.dma_semaphore, #tpu.memory_space<semaphore_mem>>
      %dma_start3A = tpu.memref_slice %arg2[%add3A_427] : memref<1048576xi32, #tpu.memory_space<hbm>> -> memref<4096xi32, #tpu.memory_space<hbm>>
      %dma_start3A_644 = tpu.memref_slice %arg2[%add3A_427] : memref<1048576xi32, #tpu.memory_space<hbm>> -> memref<4096xi32, #tpu.memory_space<hbm>>
      tpu.enqueue_dma source(%dma_start3A_644 : memref<4096xi32, #tpu.memory_space<hbm>>) target(%arg9 : memref<4096xi32, #tpu.memory_space<vmem>>) target_semaphore(%run_scoped3A : memref<!tpu.dma_semaphore, #tpu.memory_space<semaphore_mem>>)
      %dma_wait3A = tpu.memref_slice %arg2[%add3A_427] : memref<1048576xi32, #tpu.memory_space<hbm>> -> memref<4096xi32, #tpu.memory_space<hbm>>
      %dma_wait3A_645 = tpu.memref_slice %arg2[%add3A_427] : memref<1048576xi32, #tpu.memory_space<hbm>> -> memref<4096xi32, #tpu.memory_space<hbm>>
      tpu.wait_dma2 semaphore(%run_scoped3A : memref<!tpu.dma_semaphore, #tpu.memory_space<semaphore_mem>>) src(%dma_wait3A_645 : memref<4096xi32, #tpu.memory_space<hbm>>) dst(%arg9 : memref<4096xi32, #tpu.memory_space<vmem>>)
      tpu.yield
    }) : () -> ()
    %scan3A_428 = arith.constant 4095 : i32
    %scan3A_429 = arith.constant 1600000 : i32
    %scan3A_430 = arith.constant 0 : i32
    %scan3A_431 = arith.constant 0 : i32
    %scan3A_432 = arith.constant 256 : i32
    %scan3A_433 = arith.addi %scan3A_431, %scan3A_432 : i32
    %scan3A_434 = arith.constant 1 : i32
    %scan3A_435 = scf.for %scan3A_644 = %scan3A_431 to %scan3A_433 step %scan3A_434 iter_args(%scan3A_645 = %scan3A_430) -> (i32)  : i32 {
      %mul3A_646 = arith.constant 16 : i32
      %mul3A_647 = arith.muli %scan3A_644, %mul3A_646 : i32
      %get3A = arith.index_cast %mul3A_647 : i32 to index
      %get3A_648 = tpu.vector_load %arg9[%get3A] {strides = array<i32>} : memref<4096xi32, #tpu.memory_space<vmem>>, vector<16xi32>,
      %sub3A = vector.broadcast %mul3A_336 : i32 to vector<16xi32>
      %sub3A_649 = arith.subi %get3A_648, %sub3A : vector<16xi32>
      %bitcast3A = vector.bitcast %sub3A_649 : vector<16xi32> to vector<16xi32>
      %and3A = vector.broadcast %scan3A_428 : i32 to vector<16xi32>
      %and3A_650 = arith.andi %bitcast3A, %and3A : vector<16xi32>
      %add3A_651 = vector.broadcast %scan3A_429 : i32 to vector<16xi32>
      %add3A_652 = arith.addi %add3A_651, %and3A_650 : vector<16xi32>
      %min3A = arith.minui %bitcast3A, %add3A_652 : vector<16xi32>
      %bitcast3A_653 = vector.bitcast %min3A : vector<16xi32> to vector<16xi32>
      %mul3A_654 = arith.constant 16 : i32
      %mul3A_655 = arith.muli %scan3A_644, %mul3A_654 : i32
      %swap3A = arith.index_cast %mul3A_655 : i32 to index
      %swap3A_656 = tpu.vector_load %arg10[%swap3A] {strides = array<i32>} : memref<4096xi32, #tpu.memory_space<vmem>>, vector<16xi32>,
      tpu.vector_store %arg10[%swap3A], %bitcast3A_653 {strides = array<i32>} : memref<4096xi32, #tpu.memory_space<vmem>>, vector<16xi32>,
      %scan3A_657 = arith.constant 0 : i32
      scf.yield %scan3A_657 : i32
    }
    %scan3A_436 = arith.constant 256 : i32
    "tpu.region"() ({
      %run_scoped3A = tpu.sem_alloc : memref<!tpu.dma_semaphore, #tpu.memory_space<semaphore_mem>>
      %dma_start3A = arith.constant 0 : i32
      %dma_start3A_644 = tpu.memref_slice %arg8[%dma_start3A] : memref<1606656xf32, #tpu.memory_space<vmem_shared>> -> memref<1606656xf32, #tpu.memory_space<vmem_shared>>
      tpu.enqueue_indirect_dma source(%arg11 : memref<4096xf32, #tpu.memory_space<vmem>>) target(%dma_start3A_644 : memref<1606656xf32, #tpu.memory_space<vmem_shared>>) offsets(%arg10 : memref<4096xi32, #tpu.memory_space<vmem>>) semaphore(%run_scoped3A : memref<!tpu.dma_semaphore, #tpu.memory_space<semaphore_mem>>) {add = true}
      %dma_wait3A = arith.constant 0 : i32
      %dma_wait3A_645 = tpu.memref_slice %arg8[%dma_wait3A] : memref<1606656xf32, #tpu.memory_space<vmem_shared>> -> memref<1606656xf32, #tpu.memory_space<vmem_shared>>
      tpu.wait_indirect_dma semaphore(%run_scoped3A : memref<!tpu.dma_semaphore, #tpu.memory_space<semaphore_mem>>) src(%arg11 : memref<4096xf32, #tpu.memory_space<vmem>>) dst(%dma_wait3A_645 : memref<1606656xf32, #tpu.memory_space<vmem_shared>>)
      tpu.yield
    }) : () -> ()
    %mul3A_437 = arith.constant 65536 : i32
    %mul3A_438 = arith.muli %arg1, %mul3A_437 : i32
    %add3A_439 = arith.constant 16384 : i32
    %add3A_440 = arith.addi %mul3A_438, %add3A_439 : i32
    "tpu.region"() ({
      %run_scoped3A = tpu.sem_alloc : memref<!tpu.dma_semaphore, #tpu.memory_space<semaphore_mem>>
      %dma_start3A = tpu.memref_slice %arg2[%add3A_440] : memref<1048576xi32, #tpu.memory_space<hbm>> -> memref<4096xi32, #tpu.memory_space<hbm>>
      %dma_start3A_644 = tpu.memref_slice %arg2[%add3A_440] : memref<1048576xi32, #tpu.memory_space<hbm>> -> memref<4096xi32, #tpu.memory_space<hbm>>
      tpu.enqueue_dma source(%dma_start3A_644 : memref<4096xi32, #tpu.memory_space<hbm>>) target(%arg9 : memref<4096xi32, #tpu.memory_space<vmem>>) target_semaphore(%run_scoped3A : memref<!tpu.dma_semaphore, #tpu.memory_space<semaphore_mem>>)
      %dma_wait3A = tpu.memref_slice %arg2[%add3A_440] : memref<1048576xi32, #tpu.memory_space<hbm>> -> memref<4096xi32, #tpu.memory_space<hbm>>
      %dma_wait3A_645 = tpu.memref_slice %arg2[%add3A_440] : memref<1048576xi32, #tpu.memory_space<hbm>> -> memref<4096xi32, #tpu.memory_space<hbm>>
      tpu.wait_dma2 semaphore(%run_scoped3A : memref<!tpu.dma_semaphore, #tpu.memory_space<semaphore_mem>>) src(%dma_wait3A_645 : memref<4096xi32, #tpu.memory_space<hbm>>) dst(%arg9 : memref<4096xi32, #tpu.memory_space<vmem>>)
      tpu.yield
    }) : () -> ()
    %scan3A_441 = arith.constant 4095 : i32
    %scan3A_442 = arith.constant 1600000 : i32
    %scan3A_443 = arith.constant 0 : i32
    %scan3A_444 = arith.constant 0 : i32
    %scan3A_445 = arith.constant 256 : i32
    %scan3A_446 = arith.addi %scan3A_444, %scan3A_445 : i32
    %scan3A_447 = arith.constant 1 : i32
    %scan3A_448 = scf.for %scan3A_644 = %scan3A_444 to %scan3A_446 step %scan3A_447 iter_args(%scan3A_645 = %scan3A_443) -> (i32)  : i32 {
      %mul3A_646 = arith.constant 16 : i32
      %mul3A_647 = arith.muli %scan3A_644, %mul3A_646 : i32
      %get3A = arith.index_cast %mul3A_647 : i32 to index
      %get3A_648 = tpu.vector_load %arg9[%get3A] {strides = array<i32>} : memref<4096xi32, #tpu.memory_space<vmem>>, vector<16xi32>,
      %sub3A = vector.broadcast %mul3A_336 : i32 to vector<16xi32>
      %sub3A_649 = arith.subi %get3A_648, %sub3A : vector<16xi32>
      %bitcast3A = vector.bitcast %sub3A_649 : vector<16xi32> to vector<16xi32>
      %and3A = vector.broadcast %scan3A_441 : i32 to vector<16xi32>
      %and3A_650 = arith.andi %bitcast3A, %and3A : vector<16xi32>
      %add3A_651 = vector.broadcast %scan3A_442 : i32 to vector<16xi32>
      %add3A_652 = arith.addi %add3A_651, %and3A_650 : vector<16xi32>
      %min3A = arith.minui %bitcast3A, %add3A_652 : vector<16xi32>
      %bitcast3A_653 = vector.bitcast %min3A : vector<16xi32> to vector<16xi32>
      %mul3A_654 = arith.constant 16 : i32
      %mul3A_655 = arith.muli %scan3A_644, %mul3A_654 : i32
      %swap3A = arith.index_cast %mul3A_655 : i32 to index
      %swap3A_656 = tpu.vector_load %arg10[%swap3A] {strides = array<i32>} : memref<4096xi32, #tpu.memory_space<vmem>>, vector<16xi32>,
      tpu.vector_store %arg10[%swap3A], %bitcast3A_653 {strides = array<i32>} : memref<4096xi32, #tpu.memory_space<vmem>>, vector<16xi32>,
      %scan3A_657 = arith.constant 0 : i32
      scf.yield %scan3A_657 : i32
    }
    %scan3A_449 = arith.constant 256 : i32
    "tpu.region"() ({
      %run_scoped3A = tpu.sem_alloc : memref<!tpu.dma_semaphore, #tpu.memory_space<semaphore_mem>>
      %dma_start3A = arith.constant 0 : i32
      %dma_start3A_644 = tpu.memref_slice %arg8[%dma_start3A] : memref<1606656xf32, #tpu.memory_space<vmem_shared>> -> memref<1606656xf32, #tpu.memory_space<vmem_shared>>
      tpu.enqueue_indirect_dma source(%arg11 : memref<4096xf32, #tpu.memory_space<vmem>>) target(%dma_start3A_644 : memref<1606656xf32, #tpu.memory_space<vmem_shared>>) offsets(%arg10 : memref<4096xi32, #tpu.memory_space<vmem>>) semaphore(%run_scoped3A : memref<!tpu.dma_semaphore, #tpu.memory_space<semaphore_mem>>) {add = true}
      %dma_wait3A = arith.constant 0 : i32
      %dma_wait3A_645 = tpu.memref_slice %arg8[%dma_wait3A] : memref<1606656xf32, #tpu.memory_space<vmem_shared>> -> memref<1606656xf32, #tpu.memory_space<vmem_shared>>
      tpu.wait_indirect_dma semaphore(%run_scoped3A : memref<!tpu.dma_semaphore, #tpu.memory_space<semaphore_mem>>) src(%arg11 : memref<4096xf32, #tpu.memory_space<vmem>>) dst(%dma_wait3A_645 : memref<1606656xf32, #tpu.memory_space<vmem_shared>>)
      tpu.yield
    }) : () -> ()
    %mul3A_450 = arith.constant 65536 : i32
    %mul3A_451 = arith.muli %arg1, %mul3A_450 : i32
    %add3A_452 = arith.constant 20480 : i32
    %add3A_453 = arith.addi %mul3A_451, %add3A_452 : i32
    "tpu.region"() ({
      %run_scoped3A = tpu.sem_alloc : memref<!tpu.dma_semaphore, #tpu.memory_space<semaphore_mem>>
      %dma_start3A = tpu.memref_slice %arg2[%add3A_453] : memref<1048576xi32, #tpu.memory_space<hbm>> -> memref<4096xi32, #tpu.memory_space<hbm>>
      %dma_start3A_644 = tpu.memref_slice %arg2[%add3A_453] : memref<1048576xi32, #tpu.memory_space<hbm>> -> memref<4096xi32, #tpu.memory_space<hbm>>
      tpu.enqueue_dma source(%dma_start3A_644 : memref<4096xi32, #tpu.memory_space<hbm>>) target(%arg9 : memref<4096xi32, #tpu.memory_space<vmem>>) target_semaphore(%run_scoped3A : memref<!tpu.dma_semaphore, #tpu.memory_space<semaphore_mem>>)
      %dma_wait3A = tpu.memref_slice %arg2[%add3A_453] : memref<1048576xi32, #tpu.memory_space<hbm>> -> memref<4096xi32, #tpu.memory_space<hbm>>
      %dma_wait3A_645 = tpu.memref_slice %arg2[%add3A_453] : memref<1048576xi32, #tpu.memory_space<hbm>> -> memref<4096xi32, #tpu.memory_space<hbm>>
      tpu.wait_dma2 semaphore(%run_scoped3A : memref<!tpu.dma_semaphore, #tpu.memory_space<semaphore_mem>>) src(%dma_wait3A_645 : memref<4096xi32, #tpu.memory_space<hbm>>) dst(%arg9 : memref<4096xi32, #tpu.memory_space<vmem>>)
      tpu.yield
    }) : () -> ()
    %scan3A_454 = arith.constant 4095 : i32
    %scan3A_455 = arith.constant 1600000 : i32
    %scan3A_456 = arith.constant 0 : i32
    %scan3A_457 = arith.constant 0 : i32
    %scan3A_458 = arith.constant 256 : i32
    %scan3A_459 = arith.addi %scan3A_457, %scan3A_458 : i32
    %scan3A_460 = arith.constant 1 : i32
    %scan3A_461 = scf.for %scan3A_644 = %scan3A_457 to %scan3A_459 step %scan3A_460 iter_args(%scan3A_645 = %scan3A_456) -> (i32)  : i32 {
      %mul3A_646 = arith.constant 16 : i32
      %mul3A_647 = arith.muli %scan3A_644, %mul3A_646 : i32
      %get3A = arith.index_cast %mul3A_647 : i32 to index
      %get3A_648 = tpu.vector_load %arg9[%get3A] {strides = array<i32>} : memref<4096xi32, #tpu.memory_space<vmem>>, vector<16xi32>,
      %sub3A = vector.broadcast %mul3A_336 : i32 to vector<16xi32>
      %sub3A_649 = arith.subi %get3A_648, %sub3A : vector<16xi32>
      %bitcast3A = vector.bitcast %sub3A_649 : vector<16xi32> to vector<16xi32>
      %and3A = vector.broadcast %scan3A_454 : i32 to vector<16xi32>
      %and3A_650 = arith.andi %bitcast3A, %and3A : vector<16xi32>
      %add3A_651 = vector.broadcast %scan3A_455 : i32 to vector<16xi32>
      %add3A_652 = arith.addi %add3A_651, %and3A_650 : vector<16xi32>
      %min3A = arith.minui %bitcast3A, %add3A_652 : vector<16xi32>
      %bitcast3A_653 = vector.bitcast %min3A : vector<16xi32> to vector<16xi32>
      %mul3A_654 = arith.constant 16 : i32
      %mul3A_655 = arith.muli %scan3A_644, %mul3A_654 : i32
      %swap3A = arith.index_cast %mul3A_655 : i32 to index
      %swap3A_656 = tpu.vector_load %arg10[%swap3A] {strides = array<i32>} : memref<4096xi32, #tpu.memory_space<vmem>>, vector<16xi32>,
      tpu.vector_store %arg10[%swap3A], %bitcast3A_653 {strides = array<i32>} : memref<4096xi32, #tpu.memory_space<vmem>>, vector<16xi32>,
      %scan3A_657 = arith.constant 0 : i32
      scf.yield %scan3A_657 : i32
    }
    %scan3A_462 = arith.constant 256 : i32
    "tpu.region"() ({
      %run_scoped3A = tpu.sem_alloc : memref<!tpu.dma_semaphore, #tpu.memory_space<semaphore_mem>>
      %dma_start3A = arith.constant 0 : i32
      %dma_start3A_644 = tpu.memref_slice %arg8[%dma_start3A] : memref<1606656xf32, #tpu.memory_space<vmem_shared>> -> memref<1606656xf32, #tpu.memory_space<vmem_shared>>
      tpu.enqueue_indirect_dma source(%arg11 : memref<4096xf32, #tpu.memory_space<vmem>>) target(%dma_start3A_644 : memref<1606656xf32, #tpu.memory_space<vmem_shared>>) offsets(%arg10 : memref<4096xi32, #tpu.memory_space<vmem>>) semaphore(%run_scoped3A : memref<!tpu.dma_semaphore, #tpu.memory_space<semaphore_mem>>) {add = true}
      %dma_wait3A = arith.constant 0 : i32
      %dma_wait3A_645 = tpu.memref_slice %arg8[%dma_wait3A] : memref<1606656xf32, #tpu.memory_space<vmem_shared>> -> memref<1606656xf32, #tpu.memory_space<vmem_shared>>
      tpu.wait_indirect_dma semaphore(%run_scoped3A : memref<!tpu.dma_semaphore, #tpu.memory_space<semaphore_mem>>) src(%arg11 : memref<4096xf32, #tpu.memory_space<vmem>>) dst(%dma_wait3A_645 : memref<1606656xf32, #tpu.memory_space<vmem_shared>>)
      tpu.yield
    }) : () -> ()
    %mul3A_463 = arith.constant 65536 : i32
    %mul3A_464 = arith.muli %arg1, %mul3A_463 : i32
    %add3A_465 = arith.constant 24576 : i32
    %add3A_466 = arith.addi %mul3A_464, %add3A_465 : i32
    "tpu.region"() ({
      %run_scoped3A = tpu.sem_alloc : memref<!tpu.dma_semaphore, #tpu.memory_space<semaphore_mem>>
      %dma_start3A = tpu.memref_slice %arg2[%add3A_466] : memref<1048576xi32, #tpu.memory_space<hbm>> -> memref<4096xi32, #tpu.memory_space<hbm>>
      %dma_start3A_644 = tpu.memref_slice %arg2[%add3A_466] : memref<1048576xi32, #tpu.memory_space<hbm>> -> memref<4096xi32, #tpu.memory_space<hbm>>
      tpu.enqueue_dma source(%dma_start3A_644 : memref<4096xi32, #tpu.memory_space<hbm>>) target(%arg9 : memref<4096xi32, #tpu.memory_space<vmem>>) target_semaphore(%run_scoped3A : memref<!tpu.dma_semaphore, #tpu.memory_space<semaphore_mem>>)
      %dma_wait3A = tpu.memref_slice %arg2[%add3A_466] : memref<1048576xi32, #tpu.memory_space<hbm>> -> memref<4096xi32, #tpu.memory_space<hbm>>
      %dma_wait3A_645 = tpu.memref_slice %arg2[%add3A_466] : memref<1048576xi32, #tpu.memory_space<hbm>> -> memref<4096xi32, #tpu.memory_space<hbm>>
      tpu.wait_dma2 semaphore(%run_scoped3A : memref<!tpu.dma_semaphore, #tpu.memory_space<semaphore_mem>>) src(%dma_wait3A_645 : memref<4096xi32, #tpu.memory_space<hbm>>) dst(%arg9 : memref<4096xi32, #tpu.memory_space<vmem>>)
      tpu.yield
    }) : () -> ()
    %scan3A_467 = arith.constant 4095 : i32
    %scan3A_468 = arith.constant 1600000 : i32
    %scan3A_469 = arith.constant 0 : i32
    %scan3A_470 = arith.constant 0 : i32
    %scan3A_471 = arith.constant 256 : i32
    %scan3A_472 = arith.addi %scan3A_470, %scan3A_471 : i32
    %scan3A_473 = arith.constant 1 : i32
    %scan3A_474 = scf.for %scan3A_644 = %scan3A_470 to %scan3A_472 step %scan3A_473 iter_args(%scan3A_645 = %scan3A_469) -> (i32)  : i32 {
      %mul3A_646 = arith.constant 16 : i32
      %mul3A_647 = arith.muli %scan3A_644, %mul3A_646 : i32
      %get3A = arith.index_cast %mul3A_647 : i32 to index
      %get3A_648 = tpu.vector_load %arg9[%get3A] {strides = array<i32>} : memref<4096xi32, #tpu.memory_space<vmem>>, vector<16xi32>,
      %sub3A = vector.broadcast %mul3A_336 : i32 to vector<16xi32>
      %sub3A_649 = arith.subi %get3A_648, %sub3A : vector<16xi32>
      %bitcast3A = vector.bitcast %sub3A_649 : vector<16xi32> to vector<16xi32>
      %and3A = vector.broadcast %scan3A_467 : i32 to vector<16xi32>
      %and3A_650 = arith.andi %bitcast3A, %and3A : vector<16xi32>
      %add3A_651 = vector.broadcast %scan3A_468 : i32 to vector<16xi32>
      %add3A_652 = arith.addi %add3A_651, %and3A_650 : vector<16xi32>
      %min3A = arith.minui %bitcast3A, %add3A_652 : vector<16xi32>
      %bitcast3A_653 = vector.bitcast %min3A : vector<16xi32> to vector<16xi32>
      %mul3A_654 = arith.constant 16 : i32
      %mul3A_655 = arith.muli %scan3A_644, %mul3A_654 : i32
      %swap3A = arith.index_cast %mul3A_655 : i32 to index
      %swap3A_656 = tpu.vector_load %arg10[%swap3A] {strides = array<i32>} : memref<4096xi32, #tpu.memory_space<vmem>>, vector<16xi32>,
      tpu.vector_store %arg10[%swap3A], %bitcast3A_653 {strides = array<i32>} : memref<4096xi32, #tpu.memory_space<vmem>>, vector<16xi32>,
      %scan3A_657 = arith.constant 0 : i32
      scf.yield %scan3A_657 : i32
    }
    %scan3A_475 = arith.constant 256 : i32
    "tpu.region"() ({
      %run_scoped3A = tpu.sem_alloc : memref<!tpu.dma_semaphore, #tpu.memory_space<semaphore_mem>>
      %dma_start3A = arith.constant 0 : i32
      %dma_start3A_644 = tpu.memref_slice %arg8[%dma_start3A] : memref<1606656xf32, #tpu.memory_space<vmem_shared>> -> memref<1606656xf32, #tpu.memory_space<vmem_shared>>
      tpu.enqueue_indirect_dma source(%arg11 : memref<4096xf32, #tpu.memory_space<vmem>>) target(%dma_start3A_644 : memref<1606656xf32, #tpu.memory_space<vmem_shared>>) offsets(%arg10 : memref<4096xi32, #tpu.memory_space<vmem>>) semaphore(%run_scoped3A : memref<!tpu.dma_semaphore, #tpu.memory_space<semaphore_mem>>) {add = true}
      %dma_wait3A = arith.constant 0 : i32
      %dma_wait3A_645 = tpu.memref_slice %arg8[%dma_wait3A] : memref<1606656xf32, #tpu.memory_space<vmem_shared>> -> memref<1606656xf32, #tpu.memory_space<vmem_shared>>
      tpu.wait_indirect_dma semaphore(%run_scoped3A : memref<!tpu.dma_semaphore, #tpu.memory_space<semaphore_mem>>) src(%arg11 : memref<4096xf32, #tpu.memory_space<vmem>>) dst(%dma_wait3A_645 : memref<1606656xf32, #tpu.memory_space<vmem_shared>>)
      tpu.yield
    }) : () -> ()
    %mul3A_476 = arith.constant 65536 : i32
    %mul3A_477 = arith.muli %arg1, %mul3A_476 : i32
    %add3A_478 = arith.constant 28672 : i32
    %add3A_479 = arith.addi %mul3A_477, %add3A_478 : i32
    "tpu.region"() ({
      %run_scoped3A = tpu.sem_alloc : memref<!tpu.dma_semaphore, #tpu.memory_space<semaphore_mem>>
      %dma_start3A = tpu.memref_slice %arg2[%add3A_479] : memref<1048576xi32, #tpu.memory_space<hbm>> -> memref<4096xi32, #tpu.memory_space<hbm>>
      %dma_start3A_644 = tpu.memref_slice %arg2[%add3A_479] : memref<1048576xi32, #tpu.memory_space<hbm>> -> memref<4096xi32, #tpu.memory_space<hbm>>
      tpu.enqueue_dma source(%dma_start3A_644 : memref<4096xi32, #tpu.memory_space<hbm>>) target(%arg9 : memref<4096xi32, #tpu.memory_space<vmem>>) target_semaphore(%run_scoped3A : memref<!tpu.dma_semaphore, #tpu.memory_space<semaphore_mem>>)
      %dma_wait3A = tpu.memref_slice %arg2[%add3A_479] : memref<1048576xi32, #tpu.memory_space<hbm>> -> memref<4096xi32, #tpu.memory_space<hbm>>
      %dma_wait3A_645 = tpu.memref_slice %arg2[%add3A_479] : memref<1048576xi32, #tpu.memory_space<hbm>> -> memref<4096xi32, #tpu.memory_space<hbm>>
      tpu.wait_dma2 semaphore(%run_scoped3A : memref<!tpu.dma_semaphore, #tpu.memory_space<semaphore_mem>>) src(%dma_wait3A_645 : memref<4096xi32, #tpu.memory_space<hbm>>) dst(%arg9 : memref<4096xi32, #tpu.memory_space<vmem>>)
      tpu.yield
    }) : () -> ()
    %scan3A_480 = arith.constant 4095 : i32
    %scan3A_481 = arith.constant 1600000 : i32
    %scan3A_482 = arith.constant 0 : i32
    %scan3A_483 = arith.constant 0 : i32
    %scan3A_484 = arith.constant 256 : i32
    %scan3A_485 = arith.addi %scan3A_483, %scan3A_484 : i32
    %scan3A_486 = arith.constant 1 : i32
    %scan3A_487 = scf.for %scan3A_644 = %scan3A_483 to %scan3A_485 step %scan3A_486 iter_args(%scan3A_645 = %scan3A_482) -> (i32)  : i32 {
      %mul3A_646 = arith.constant 16 : i32
      %mul3A_647 = arith.muli %scan3A_644, %mul3A_646 : i32
      %get3A = arith.index_cast %mul3A_647 : i32 to index
      %get3A_648 = tpu.vector_load %arg9[%get3A] {strides = array<i32>} : memref<4096xi32, #tpu.memory_space<vmem>>, vector<16xi32>,
      %sub3A = vector.broadcast %mul3A_336 : i32 to vector<16xi32>
      %sub3A_649 = arith.subi %get3A_648, %sub3A : vector<16xi32>
      %bitcast3A = vector.bitcast %sub3A_649 : vector<16xi32> to vector<16xi32>
      %and3A = vector.broadcast %scan3A_480 : i32 to vector<16xi32>
      %and3A_650 = arith.andi %bitcast3A, %and3A : vector<16xi32>
      %add3A_651 = vector.broadcast %scan3A_481 : i32 to vector<16xi32>
      %add3A_652 = arith.addi %add3A_651, %and3A_650 : vector<16xi32>
      %min3A = arith.minui %bitcast3A, %add3A_652 : vector<16xi32>
      %bitcast3A_653 = vector.bitcast %min3A : vector<16xi32> to vector<16xi32>
      %mul3A_654 = arith.constant 16 : i32
      %mul3A_655 = arith.muli %scan3A_644, %mul3A_654 : i32
      %swap3A = arith.index_cast %mul3A_655 : i32 to index
      %swap3A_656 = tpu.vector_load %arg10[%swap3A] {strides = array<i32>} : memref<4096xi32, #tpu.memory_space<vmem>>, vector<16xi32>,
      tpu.vector_store %arg10[%swap3A], %bitcast3A_653 {strides = array<i32>} : memref<4096xi32, #tpu.memory_space<vmem>>, vector<16xi32>,
      %scan3A_657 = arith.constant 0 : i32
      scf.yield %scan3A_657 : i32
    }
    %scan3A_488 = arith.constant 256 : i32
    "tpu.region"() ({
      %run_scoped3A = tpu.sem_alloc : memref<!tpu.dma_semaphore, #tpu.memory_space<semaphore_mem>>
      %dma_start3A = arith.constant 0 : i32
      %dma_start3A_644 = tpu.memref_slice %arg8[%dma_start3A] : memref<1606656xf32, #tpu.memory_space<vmem_shared>> -> memref<1606656xf32, #tpu.memory_space<vmem_shared>>
      tpu.enqueue_indirect_dma source(%arg11 : memref<4096xf32, #tpu.memory_space<vmem>>) target(%dma_start3A_644 : memref<1606656xf32, #tpu.memory_space<vmem_shared>>) offsets(%arg10 : memref<4096xi32, #tpu.memory_space<vmem>>) semaphore(%run_scoped3A : memref<!tpu.dma_semaphore, #tpu.memory_space<semaphore_mem>>) {add = true}
      %dma_wait3A = arith.constant 0 : i32
      %dma_wait3A_645 = tpu.memref_slice %arg8[%dma_wait3A] : memref<1606656xf32, #tpu.memory_space<vmem_shared>> -> memref<1606656xf32, #tpu.memory_space<vmem_shared>>
      tpu.wait_indirect_dma semaphore(%run_scoped3A : memref<!tpu.dma_semaphore, #tpu.memory_space<semaphore_mem>>) src(%arg11 : memref<4096xf32, #tpu.memory_space<vmem>>) dst(%dma_wait3A_645 : memref<1606656xf32, #tpu.memory_space<vmem_shared>>)
      tpu.yield
    }) : () -> ()
    %mul3A_489 = arith.constant 65536 : i32
    %mul3A_490 = arith.muli %arg1, %mul3A_489 : i32
    %add3A_491 = arith.constant 32768 : i32
    %add3A_492 = arith.addi %mul3A_490, %add3A_491 : i32
    "tpu.region"() ({
      %run_scoped3A = tpu.sem_alloc : memref<!tpu.dma_semaphore, #tpu.memory_space<semaphore_mem>>
      %dma_start3A = tpu.memref_slice %arg2[%add3A_492] : memref<1048576xi32, #tpu.memory_space<hbm>> -> memref<4096xi32, #tpu.memory_space<hbm>>
      %dma_start3A_644 = tpu.memref_slice %arg2[%add3A_492] : memref<1048576xi32, #tpu.memory_space<hbm>> -> memref<4096xi32, #tpu.memory_space<hbm>>
      tpu.enqueue_dma source(%dma_start3A_644 : memref<4096xi32, #tpu.memory_space<hbm>>) target(%arg9 : memref<4096xi32, #tpu.memory_space<vmem>>) target_semaphore(%run_scoped3A : memref<!tpu.dma_semaphore, #tpu.memory_space<semaphore_mem>>)
      %dma_wait3A = tpu.memref_slice %arg2[%add3A_492] : memref<1048576xi32, #tpu.memory_space<hbm>> -> memref<4096xi32, #tpu.memory_space<hbm>>
      %dma_wait3A_645 = tpu.memref_slice %arg2[%add3A_492] : memref<1048576xi32, #tpu.memory_space<hbm>> -> memref<4096xi32, #tpu.memory_space<hbm>>
      tpu.wait_dma2 semaphore(%run_scoped3A : memref<!tpu.dma_semaphore, #tpu.memory_space<semaphore_mem>>) src(%dma_wait3A_645 : memref<4096xi32, #tpu.memory_space<hbm>>) dst(%arg9 : memref<4096xi32, #tpu.memory_space<vmem>>)
      tpu.yield
    }) : () -> ()
    %scan3A_493 = arith.constant 4095 : i32
    %scan3A_494 = arith.constant 1600000 : i32
    %scan3A_495 = arith.constant 0 : i32
    %scan3A_496 = arith.constant 0 : i32
    %scan3A_497 = arith.constant 256 : i32
    %scan3A_498 = arith.addi %scan3A_496, %scan3A_497 : i32
    %scan3A_499 = arith.constant 1 : i32
    %scan3A_500 = scf.for %scan3A_644 = %scan3A_496 to %scan3A_498 step %scan3A_499 iter_args(%scan3A_645 = %scan3A_495) -> (i32)  : i32 {
      %mul3A_646 = arith.constant 16 : i32
      %mul3A_647 = arith.muli %scan3A_644, %mul3A_646 : i32
      %get3A = arith.index_cast %mul3A_647 : i32 to index
      %get3A_648 = tpu.vector_load %arg9[%get3A] {strides = array<i32>} : memref<4096xi32, #tpu.memory_space<vmem>>, vector<16xi32>,
      %sub3A = vector.broadcast %mul3A_336 : i32 to vector<16xi32>
      %sub3A_649 = arith.subi %get3A_648, %sub3A : vector<16xi32>
      %bitcast3A = vector.bitcast %sub3A_649 : vector<16xi32> to vector<16xi32>
      %and3A = vector.broadcast %scan3A_493 : i32 to vector<16xi32>
      %and3A_650 = arith.andi %bitcast3A, %and3A : vector<16xi32>
      %add3A_651 = vector.broadcast %scan3A_494 : i32 to vector<16xi32>
      %add3A_652 = arith.addi %add3A_651, %and3A_650 : vector<16xi32>
      %min3A = arith.minui %bitcast3A, %add3A_652 : vector<16xi32>
      %bitcast3A_653 = vector.bitcast %min3A : vector<16xi32> to vector<16xi32>
      %mul3A_654 = arith.constant 16 : i32
      %mul3A_655 = arith.muli %scan3A_644, %mul3A_654 : i32
      %swap3A = arith.index_cast %mul3A_655 : i32 to index
      %swap3A_656 = tpu.vector_load %arg10[%swap3A] {strides = array<i32>} : memref<4096xi32, #tpu.memory_space<vmem>>, vector<16xi32>,
      tpu.vector_store %arg10[%swap3A], %bitcast3A_653 {strides = array<i32>} : memref<4096xi32, #tpu.memory_space<vmem>>, vector<16xi32>,
      %scan3A_657 = arith.constant 0 : i32
      scf.yield %scan3A_657 : i32
    }
    %scan3A_501 = arith.constant 256 : i32
    "tpu.region"() ({
      %run_scoped3A = tpu.sem_alloc : memref<!tpu.dma_semaphore, #tpu.memory_space<semaphore_mem>>
      %dma_start3A = arith.constant 0 : i32
      %dma_start3A_644 = tpu.memref_slice %arg8[%dma_start3A] : memref<1606656xf32, #tpu.memory_space<vmem_shared>> -> memref<1606656xf32, #tpu.memory_space<vmem_shared>>
      tpu.enqueue_indirect_dma source(%arg11 : memref<4096xf32, #tpu.memory_space<vmem>>) target(%dma_start3A_644 : memref<1606656xf32, #tpu.memory_space<vmem_shared>>) offsets(%arg10 : memref<4096xi32, #tpu.memory_space<vmem>>) semaphore(%run_scoped3A : memref<!tpu.dma_semaphore, #tpu.memory_space<semaphore_mem>>) {add = true}
      %dma_wait3A = arith.constant 0 : i32
      %dma_wait3A_645 = tpu.memref_slice %arg8[%dma_wait3A] : memref<1606656xf32, #tpu.memory_space<vmem_shared>> -> memref<1606656xf32, #tpu.memory_space<vmem_shared>>
      tpu.wait_indirect_dma semaphore(%run_scoped3A : memref<!tpu.dma_semaphore, #tpu.memory_space<semaphore_mem>>) src(%arg11 : memref<4096xf32, #tpu.memory_space<vmem>>) dst(%dma_wait3A_645 : memref<1606656xf32, #tpu.memory_space<vmem_shared>>)
      tpu.yield
    }) : () -> ()
    %mul3A_502 = arith.constant 65536 : i32
    %mul3A_503 = arith.muli %arg1, %mul3A_502 : i32
    %add3A_504 = arith.constant 36864 : i32
    %add3A_505 = arith.addi %mul3A_503, %add3A_504 : i32
    "tpu.region"() ({
      %run_scoped3A = tpu.sem_alloc : memref<!tpu.dma_semaphore, #tpu.memory_space<semaphore_mem>>
      %dma_start3A = tpu.memref_slice %arg2[%add3A_505] : memref<1048576xi32, #tpu.memory_space<hbm>> -> memref<4096xi32, #tpu.memory_space<hbm>>
      %dma_start3A_644 = tpu.memref_slice %arg2[%add3A_505] : memref<1048576xi32, #tpu.memory_space<hbm>> -> memref<4096xi32, #tpu.memory_space<hbm>>
      tpu.enqueue_dma source(%dma_start3A_644 : memref<4096xi32, #tpu.memory_space<hbm>>) target(%arg9 : memref<4096xi32, #tpu.memory_space<vmem>>) target_semaphore(%run_scoped3A : memref<!tpu.dma_semaphore, #tpu.memory_space<semaphore_mem>>)
      %dma_wait3A = tpu.memref_slice %arg2[%add3A_505] : memref<1048576xi32, #tpu.memory_space<hbm>> -> memref<4096xi32, #tpu.memory_space<hbm>>
      %dma_wait3A_645 = tpu.memref_slice %arg2[%add3A_505] : memref<1048576xi32, #tpu.memory_space<hbm>> -> memref<4096xi32, #tpu.memory_space<hbm>>
      tpu.wait_dma2 semaphore(%run_scoped3A : memref<!tpu.dma_semaphore, #tpu.memory_space<semaphore_mem>>) src(%dma_wait3A_645 : memref<4096xi32, #tpu.memory_space<hbm>>) dst(%arg9 : memref<4096xi32, #tpu.memory_space<vmem>>)
      tpu.yield
    }) : () -> ()
    %scan3A_506 = arith.constant 4095 : i32
    %scan3A_507 = arith.constant 1600000 : i32
    %scan3A_508 = arith.constant 0 : i32
    %scan3A_509 = arith.constant 0 : i32
    %scan3A_510 = arith.constant 256 : i32
    %scan3A_511 = arith.addi %scan3A_509, %scan3A_510 : i32
    %scan3A_512 = arith.constant 1 : i32
    %scan3A_513 = scf.for %scan3A_644 = %scan3A_509 to %scan3A_511 step %scan3A_512 iter_args(%scan3A_645 = %scan3A_508) -> (i32)  : i32 {
      %mul3A_646 = arith.constant 16 : i32
      %mul3A_647 = arith.muli %scan3A_644, %mul3A_646 : i32
      %get3A = arith.index_cast %mul3A_647 : i32 to index
      %get3A_648 = tpu.vector_load %arg9[%get3A] {strides = array<i32>} : memref<4096xi32, #tpu.memory_space<vmem>>, vector<16xi32>,
      %sub3A = vector.broadcast %mul3A_336 : i32 to vector<16xi32>
      %sub3A_649 = arith.subi %get3A_648, %sub3A : vector<16xi32>
      %bitcast3A = vector.bitcast %sub3A_649 : vector<16xi32> to vector<16xi32>
      %and3A = vector.broadcast %scan3A_506 : i32 to vector<16xi32>
      %and3A_650 = arith.andi %bitcast3A, %and3A : vector<16xi32>
      %add3A_651 = vector.broadcast %scan3A_507 : i32 to vector<16xi32>
      %add3A_652 = arith.addi %add3A_651, %and3A_650 : vector<16xi32>
      %min3A = arith.minui %bitcast3A, %add3A_652 : vector<16xi32>
      %bitcast3A_653 = vector.bitcast %min3A : vector<16xi32> to vector<16xi32>
      %mul3A_654 = arith.constant 16 : i32
      %mul3A_655 = arith.muli %scan3A_644, %mul3A_654 : i32
      %swap3A = arith.index_cast %mul3A_655 : i32 to index
      %swap3A_656 = tpu.vector_load %arg10[%swap3A] {strides = array<i32>} : memref<4096xi32, #tpu.memory_space<vmem>>, vector<16xi32>,
      tpu.vector_store %arg10[%swap3A], %bitcast3A_653 {strides = array<i32>} : memref<4096xi32, #tpu.memory_space<vmem>>, vector<16xi32>,
      %scan3A_657 = arith.constant 0 : i32
      scf.yield %scan3A_657 : i32
    }
    %scan3A_514 = arith.constant 256 : i32
    "tpu.region"() ({
      %run_scoped3A = tpu.sem_alloc : memref<!tpu.dma_semaphore, #tpu.memory_space<semaphore_mem>>
      %dma_start3A = arith.constant 0 : i32
      %dma_start3A_644 = tpu.memref_slice %arg8[%dma_start3A] : memref<1606656xf32, #tpu.memory_space<vmem_shared>> -> memref<1606656xf32, #tpu.memory_space<vmem_shared>>
      tpu.enqueue_indirect_dma source(%arg11 : memref<4096xf32, #tpu.memory_space<vmem>>) target(%dma_start3A_644 : memref<1606656xf32, #tpu.memory_space<vmem_shared>>) offsets(%arg10 : memref<4096xi32, #tpu.memory_space<vmem>>) semaphore(%run_scoped3A : memref<!tpu.dma_semaphore, #tpu.memory_space<semaphore_mem>>) {add = true}
      %dma_wait3A = arith.constant 0 : i32
      %dma_wait3A_645 = tpu.memref_slice %arg8[%dma_wait3A] : memref<1606656xf32, #tpu.memory_space<vmem_shared>> -> memref<1606656xf32, #tpu.memory_space<vmem_shared>>
      tpu.wait_indirect_dma semaphore(%run_scoped3A : memref<!tpu.dma_semaphore, #tpu.memory_space<semaphore_mem>>) src(%arg11 : memref<4096xf32, #tpu.memory_space<vmem>>) dst(%dma_wait3A_645 : memref<1606656xf32, #tpu.memory_space<vmem_shared>>)
      tpu.yield
    }) : () -> ()
    %mul3A_515 = arith.constant 65536 : i32
    %mul3A_516 = arith.muli %arg1, %mul3A_515 : i32
    %add3A_517 = arith.constant 40960 : i32
    %add3A_518 = arith.addi %mul3A_516, %add3A_517 : i32
    "tpu.region"() ({
      %run_scoped3A = tpu.sem_alloc : memref<!tpu.dma_semaphore, #tpu.memory_space<semaphore_mem>>
      %dma_start3A = tpu.memref_slice %arg2[%add3A_518] : memref<1048576xi32, #tpu.memory_space<hbm>> -> memref<4096xi32, #tpu.memory_space<hbm>>
      %dma_start3A_644 = tpu.memref_slice %arg2[%add3A_518] : memref<1048576xi32, #tpu.memory_space<hbm>> -> memref<4096xi32, #tpu.memory_space<hbm>>
      tpu.enqueue_dma source(%dma_start3A_644 : memref<4096xi32, #tpu.memory_space<hbm>>) target(%arg9 : memref<4096xi32, #tpu.memory_space<vmem>>) target_semaphore(%run_scoped3A : memref<!tpu.dma_semaphore, #tpu.memory_space<semaphore_mem>>)
      %dma_wait3A = tpu.memref_slice %arg2[%add3A_518] : memref<1048576xi32, #tpu.memory_space<hbm>> -> memref<4096xi32, #tpu.memory_space<hbm>>
      %dma_wait3A_645 = tpu.memref_slice %arg2[%add3A_518] : memref<1048576xi32, #tpu.memory_space<hbm>> -> memref<4096xi32, #tpu.memory_space<hbm>>
      tpu.wait_dma2 semaphore(%run_scoped3A : memref<!tpu.dma_semaphore, #tpu.memory_space<semaphore_mem>>) src(%dma_wait3A_645 : memref<4096xi32, #tpu.memory_space<hbm>>) dst(%arg9 : memref<4096xi32, #tpu.memory_space<vmem>>)
      tpu.yield
    }) : () -> ()
    %scan3A_519 = arith.constant 4095 : i32
    %scan3A_520 = arith.constant 1600000 : i32
    %scan3A_521 = arith.constant 0 : i32
    %scan3A_522 = arith.constant 0 : i32
    %scan3A_523 = arith.constant 256 : i32
    %scan3A_524 = arith.addi %scan3A_522, %scan3A_523 : i32
    %scan3A_525 = arith.constant 1 : i32
    %scan3A_526 = scf.for %scan3A_644 = %scan3A_522 to %scan3A_524 step %scan3A_525 iter_args(%scan3A_645 = %scan3A_521) -> (i32)  : i32 {
      %mul3A_646 = arith.constant 16 : i32
      %mul3A_647 = arith.muli %scan3A_644, %mul3A_646 : i32
      %get3A = arith.index_cast %mul3A_647 : i32 to index
      %get3A_648 = tpu.vector_load %arg9[%get3A] {strides = array<i32>} : memref<4096xi32, #tpu.memory_space<vmem>>, vector<16xi32>,
      %sub3A = vector.broadcast %mul3A_336 : i32 to vector<16xi32>
      %sub3A_649 = arith.subi %get3A_648, %sub3A : vector<16xi32>
      %bitcast3A = vector.bitcast %sub3A_649 : vector<16xi32> to vector<16xi32>
      %and3A = vector.broadcast %scan3A_519 : i32 to vector<16xi32>
      %and3A_650 = arith.andi %bitcast3A, %and3A : vector<16xi32>
      %add3A_651 = vector.broadcast %scan3A_520 : i32 to vector<16xi32>
      %add3A_652 = arith.addi %add3A_651, %and3A_650 : vector<16xi32>
      %min3A = arith.minui %bitcast3A, %add3A_652 : vector<16xi32>
      %bitcast3A_653 = vector.bitcast %min3A : vector<16xi32> to vector<16xi32>
      %mul3A_654 = arith.constant 16 : i32
      %mul3A_655 = arith.muli %scan3A_644, %mul3A_654 : i32
      %swap3A = arith.index_cast %mul3A_655 : i32 to index
      %swap3A_656 = tpu.vector_load %arg10[%swap3A] {strides = array<i32>} : memref<4096xi32, #tpu.memory_space<vmem>>, vector<16xi32>,
      tpu.vector_store %arg10[%swap3A], %bitcast3A_653 {strides = array<i32>} : memref<4096xi32, #tpu.memory_space<vmem>>, vector<16xi32>,
      %scan3A_657 = arith.constant 0 : i32
      scf.yield %scan3A_657 : i32
    }
    %scan3A_527 = arith.constant 256 : i32
    "tpu.region"() ({
      %run_scoped3A = tpu.sem_alloc : memref<!tpu.dma_semaphore, #tpu.memory_space<semaphore_mem>>
      %dma_start3A = arith.constant 0 : i32
      %dma_start3A_644 = tpu.memref_slice %arg8[%dma_start3A] : memref<1606656xf32, #tpu.memory_space<vmem_shared>> -> memref<1606656xf32, #tpu.memory_space<vmem_shared>>
      tpu.enqueue_indirect_dma source(%arg11 : memref<4096xf32, #tpu.memory_space<vmem>>) target(%dma_start3A_644 : memref<1606656xf32, #tpu.memory_space<vmem_shared>>) offsets(%arg10 : memref<4096xi32, #tpu.memory_space<vmem>>) semaphore(%run_scoped3A : memref<!tpu.dma_semaphore, #tpu.memory_space<semaphore_mem>>) {add = true}
      %dma_wait3A = arith.constant 0 : i32
      %dma_wait3A_645 = tpu.memref_slice %arg8[%dma_wait3A] : memref<1606656xf32, #tpu.memory_space<vmem_shared>> -> memref<1606656xf32, #tpu.memory_space<vmem_shared>>
      tpu.wait_indirect_dma semaphore(%run_scoped3A : memref<!tpu.dma_semaphore, #tpu.memory_space<semaphore_mem>>) src(%arg11 : memref<4096xf32, #tpu.memory_space<vmem>>) dst(%dma_wait3A_645 : memref<1606656xf32, #tpu.memory_space<vmem_shared>>)
      tpu.yield
    }) : () -> ()
    %mul3A_528 = arith.constant 65536 : i32
    %mul3A_529 = arith.muli %arg1, %mul3A_528 : i32
    %add3A_530 = arith.constant 45056 : i32
    %add3A_531 = arith.addi %mul3A_529, %add3A_530 : i32
    "tpu.region"() ({
      %run_scoped3A = tpu.sem_alloc : memref<!tpu.dma_semaphore, #tpu.memory_space<semaphore_mem>>
      %dma_start3A = tpu.memref_slice %arg2[%add3A_531] : memref<1048576xi32, #tpu.memory_space<hbm>> -> memref<4096xi32, #tpu.memory_space<hbm>>
      %dma_start3A_644 = tpu.memref_slice %arg2[%add3A_531] : memref<1048576xi32, #tpu.memory_space<hbm>> -> memref<4096xi32, #tpu.memory_space<hbm>>
      tpu.enqueue_dma source(%dma_start3A_644 : memref<4096xi32, #tpu.memory_space<hbm>>) target(%arg9 : memref<4096xi32, #tpu.memory_space<vmem>>) target_semaphore(%run_scoped3A : memref<!tpu.dma_semaphore, #tpu.memory_space<semaphore_mem>>)
      %dma_wait3A = tpu.memref_slice %arg2[%add3A_531] : memref<1048576xi32, #tpu.memory_space<hbm>> -> memref<4096xi32, #tpu.memory_space<hbm>>
      %dma_wait3A_645 = tpu.memref_slice %arg2[%add3A_531] : memref<1048576xi32, #tpu.memory_space<hbm>> -> memref<4096xi32, #tpu.memory_space<hbm>>
      tpu.wait_dma2 semaphore(%run_scoped3A : memref<!tpu.dma_semaphore, #tpu.memory_space<semaphore_mem>>) src(%dma_wait3A_645 : memref<4096xi32, #tpu.memory_space<hbm>>) dst(%arg9 : memref<4096xi32, #tpu.memory_space<vmem>>)
      tpu.yield
    }) : () -> ()
    %scan3A_532 = arith.constant 4095 : i32
    %scan3A_533 = arith.constant 1600000 : i32
    %scan3A_534 = arith.constant 0 : i32
    %scan3A_535 = arith.constant 0 : i32
    %scan3A_536 = arith.constant 256 : i32
    %scan3A_537 = arith.addi %scan3A_535, %scan3A_536 : i32
    %scan3A_538 = arith.constant 1 : i32
    %scan3A_539 = scf.for %scan3A_644 = %scan3A_535 to %scan3A_537 step %scan3A_538 iter_args(%scan3A_645 = %scan3A_534) -> (i32)  : i32 {
      %mul3A_646 = arith.constant 16 : i32
      %mul3A_647 = arith.muli %scan3A_644, %mul3A_646 : i32
      %get3A = arith.index_cast %mul3A_647 : i32 to index
      %get3A_648 = tpu.vector_load %arg9[%get3A] {strides = array<i32>} : memref<4096xi32, #tpu.memory_space<vmem>>, vector<16xi32>,
      %sub3A = vector.broadcast %mul3A_336 : i32 to vector<16xi32>
      %sub3A_649 = arith.subi %get3A_648, %sub3A : vector<16xi32>
      %bitcast3A = vector.bitcast %sub3A_649 : vector<16xi32> to vector<16xi32>
      %and3A = vector.broadcast %scan3A_532 : i32 to vector<16xi32>
      %and3A_650 = arith.andi %bitcast3A, %and3A : vector<16xi32>
      %add3A_651 = vector.broadcast %scan3A_533 : i32 to vector<16xi32>
      %add3A_652 = arith.addi %add3A_651, %and3A_650 : vector<16xi32>
      %min3A = arith.minui %bitcast3A, %add3A_652 : vector<16xi32>
      %bitcast3A_653 = vector.bitcast %min3A : vector<16xi32> to vector<16xi32>
      %mul3A_654 = arith.constant 16 : i32
      %mul3A_655 = arith.muli %scan3A_644, %mul3A_654 : i32
      %swap3A = arith.index_cast %mul3A_655 : i32 to index
      %swap3A_656 = tpu.vector_load %arg10[%swap3A] {strides = array<i32>} : memref<4096xi32, #tpu.memory_space<vmem>>, vector<16xi32>,
      tpu.vector_store %arg10[%swap3A], %bitcast3A_653 {strides = array<i32>} : memref<4096xi32, #tpu.memory_space<vmem>>, vector<16xi32>,
      %scan3A_657 = arith.constant 0 : i32
      scf.yield %scan3A_657 : i32
    }
    %scan3A_540 = arith.constant 256 : i32
    "tpu.region"() ({
      %run_scoped3A = tpu.sem_alloc : memref<!tpu.dma_semaphore, #tpu.memory_space<semaphore_mem>>
      %dma_start3A = arith.constant 0 : i32
      %dma_start3A_644 = tpu.memref_slice %arg8[%dma_start3A] : memref<1606656xf32, #tpu.memory_space<vmem_shared>> -> memref<1606656xf32, #tpu.memory_space<vmem_shared>>
      tpu.enqueue_indirect_dma source(%arg11 : memref<4096xf32, #tpu.memory_space<vmem>>) target(%dma_start3A_644 : memref<1606656xf32, #tpu.memory_space<vmem_shared>>) offsets(%arg10 : memref<4096xi32, #tpu.memory_space<vmem>>) semaphore(%run_scoped3A : memref<!tpu.dma_semaphore, #tpu.memory_space<semaphore_mem>>) {add = true}
      %dma_wait3A = arith.constant 0 : i32
      %dma_wait3A_645 = tpu.memref_slice %arg8[%dma_wait3A] : memref<1606656xf32, #tpu.memory_space<vmem_shared>> -> memref<1606656xf32, #tpu.memory_space<vmem_shared>>
      tpu.wait_indirect_dma semaphore(%run_scoped3A : memref<!tpu.dma_semaphore, #tpu.memory_space<semaphore_mem>>) src(%arg11 : memref<4096xf32, #tpu.memory_space<vmem>>) dst(%dma_wait3A_645 : memref<1606656xf32, #tpu.memory_space<vmem_shared>>)
      tpu.yield
    }) : () -> ()
    %mul3A_541 = arith.constant 65536 : i32
    %mul3A_542 = arith.muli %arg1, %mul3A_541 : i32
    %add3A_543 = arith.constant 49152 : i32
    %add3A_544 = arith.addi %mul3A_542, %add3A_543 : i32
    "tpu.region"() ({
      %run_scoped3A = tpu.sem_alloc : memref<!tpu.dma_semaphore, #tpu.memory_space<semaphore_mem>>
      %dma_start3A = tpu.memref_slice %arg2[%add3A_544] : memref<1048576xi32, #tpu.memory_space<hbm>> -> memref<4096xi32, #tpu.memory_space<hbm>>
      %dma_start3A_644 = tpu.memref_slice %arg2[%add3A_544] : memref<1048576xi32, #tpu.memory_space<hbm>> -> memref<4096xi32, #tpu.memory_space<hbm>>
      tpu.enqueue_dma source(%dma_start3A_644 : memref<4096xi32, #tpu.memory_space<hbm>>) target(%arg9 : memref<4096xi32, #tpu.memory_space<vmem>>) target_semaphore(%run_scoped3A : memref<!tpu.dma_semaphore, #tpu.memory_space<semaphore_mem>>)
      %dma_wait3A = tpu.memref_slice %arg2[%add3A_544] : memref<1048576xi32, #tpu.memory_space<hbm>> -> memref<4096xi32, #tpu.memory_space<hbm>>
      %dma_wait3A_645 = tpu.memref_slice %arg2[%add3A_544] : memref<1048576xi32, #tpu.memory_space<hbm>> -> memref<4096xi32, #tpu.memory_space<hbm>>
      tpu.wait_dma2 semaphore(%run_scoped3A : memref<!tpu.dma_semaphore, #tpu.memory_space<semaphore_mem>>) src(%dma_wait3A_645 : memref<4096xi32, #tpu.memory_space<hbm>>) dst(%arg9 : memref<4096xi32, #tpu.memory_space<vmem>>)
      tpu.yield
    }) : () -> ()
    %scan3A_545 = arith.constant 4095 : i32
    %scan3A_546 = arith.constant 1600000 : i32
    %scan3A_547 = arith.constant 0 : i32
    %scan3A_548 = arith.constant 0 : i32
    %scan3A_549 = arith.constant 256 : i32
    %scan3A_550 = arith.addi %scan3A_548, %scan3A_549 : i32
    %scan3A_551 = arith.constant 1 : i32
    %scan3A_552 = scf.for %scan3A_644 = %scan3A_548 to %scan3A_550 step %scan3A_551 iter_args(%scan3A_645 = %scan3A_547) -> (i32)  : i32 {
      %mul3A_646 = arith.constant 16 : i32
      %mul3A_647 = arith.muli %scan3A_644, %mul3A_646 : i32
      %get3A = arith.index_cast %mul3A_647 : i32 to index
      %get3A_648 = tpu.vector_load %arg9[%get3A] {strides = array<i32>} : memref<4096xi32, #tpu.memory_space<vmem>>, vector<16xi32>,
      %sub3A = vector.broadcast %mul3A_336 : i32 to vector<16xi32>
      %sub3A_649 = arith.subi %get3A_648, %sub3A : vector<16xi32>
      %bitcast3A = vector.bitcast %sub3A_649 : vector<16xi32> to vector<16xi32>
      %and3A = vector.broadcast %scan3A_545 : i32 to vector<16xi32>
      %and3A_650 = arith.andi %bitcast3A, %and3A : vector<16xi32>
      %add3A_651 = vector.broadcast %scan3A_546 : i32 to vector<16xi32>
      %add3A_652 = arith.addi %add3A_651, %and3A_650 : vector<16xi32>
      %min3A = arith.minui %bitcast3A, %add3A_652 : vector<16xi32>
      %bitcast3A_653 = vector.bitcast %min3A : vector<16xi32> to vector<16xi32>
      %mul3A_654 = arith.constant 16 : i32
      %mul3A_655 = arith.muli %scan3A_644, %mul3A_654 : i32
      %swap3A = arith.index_cast %mul3A_655 : i32 to index
      %swap3A_656 = tpu.vector_load %arg10[%swap3A] {strides = array<i32>} : memref<4096xi32, #tpu.memory_space<vmem>>, vector<16xi32>,
      tpu.vector_store %arg10[%swap3A], %bitcast3A_653 {strides = array<i32>} : memref<4096xi32, #tpu.memory_space<vmem>>, vector<16xi32>,
      %scan3A_657 = arith.constant 0 : i32
      scf.yield %scan3A_657 : i32
    }
    %scan3A_553 = arith.constant 256 : i32
    "tpu.region"() ({
      %run_scoped3A = tpu.sem_alloc : memref<!tpu.dma_semaphore, #tpu.memory_space<semaphore_mem>>
      %dma_start3A = arith.constant 0 : i32
      %dma_start3A_644 = tpu.memref_slice %arg8[%dma_start3A] : memref<1606656xf32, #tpu.memory_space<vmem_shared>> -> memref<1606656xf32, #tpu.memory_space<vmem_shared>>
      tpu.enqueue_indirect_dma source(%arg11 : memref<4096xf32, #tpu.memory_space<vmem>>) target(%dma_start3A_644 : memref<1606656xf32, #tpu.memory_space<vmem_shared>>) offsets(%arg10 : memref<4096xi32, #tpu.memory_space<vmem>>) semaphore(%run_scoped3A : memref<!tpu.dma_semaphore, #tpu.memory_space<semaphore_mem>>) {add = true}
      %dma_wait3A = arith.constant 0 : i32
      %dma_wait3A_645 = tpu.memref_slice %arg8[%dma_wait3A] : memref<1606656xf32, #tpu.memory_space<vmem_shared>> -> memref<1606656xf32, #tpu.memory_space<vmem_shared>>
      tpu.wait_indirect_dma semaphore(%run_scoped3A : memref<!tpu.dma_semaphore, #tpu.memory_space<semaphore_mem>>) src(%arg11 : memref<4096xf32, #tpu.memory_space<vmem>>) dst(%dma_wait3A_645 : memref<1606656xf32, #tpu.memory_space<vmem_shared>>)
      tpu.yield
    }) : () -> ()
    %mul3A_554 = arith.constant 65536 : i32
    %mul3A_555 = arith.muli %arg1, %mul3A_554 : i32
    %add3A_556 = arith.constant 53248 : i32
    %add3A_557 = arith.addi %mul3A_555, %add3A_556 : i32
    "tpu.region"() ({
      %run_scoped3A = tpu.sem_alloc : memref<!tpu.dma_semaphore, #tpu.memory_space<semaphore_mem>>
      %dma_start3A = tpu.memref_slice %arg2[%add3A_557] : memref<1048576xi32, #tpu.memory_space<hbm>> -> memref<4096xi32, #tpu.memory_space<hbm>>
      %dma_start3A_644 = tpu.memref_slice %arg2[%add3A_557] : memref<1048576xi32, #tpu.memory_space<hbm>> -> memref<4096xi32, #tpu.memory_space<hbm>>
      tpu.enqueue_dma source(%dma_start3A_644 : memref<4096xi32, #tpu.memory_space<hbm>>) target(%arg9 : memref<4096xi32, #tpu.memory_space<vmem>>) target_semaphore(%run_scoped3A : memref<!tpu.dma_semaphore, #tpu.memory_space<semaphore_mem>>)
      %dma_wait3A = tpu.memref_slice %arg2[%add3A_557] : memref<1048576xi32, #tpu.memory_space<hbm>> -> memref<4096xi32, #tpu.memory_space<hbm>>
      %dma_wait3A_645 = tpu.memref_slice %arg2[%add3A_557] : memref<1048576xi32, #tpu.memory_space<hbm>> -> memref<4096xi32, #tpu.memory_space<hbm>>
      tpu.wait_dma2 semaphore(%run_scoped3A : memref<!tpu.dma_semaphore, #tpu.memory_space<semaphore_mem>>) src(%dma_wait3A_645 : memref<4096xi32, #tpu.memory_space<hbm>>) dst(%arg9 : memref<4096xi32, #tpu.memory_space<vmem>>)
      tpu.yield
    }) : () -> ()
    %scan3A_558 = arith.constant 4095 : i32
    %scan3A_559 = arith.constant 1600000 : i32
    %scan3A_560 = arith.constant 0 : i32
    %scan3A_561 = arith.constant 0 : i32
    %scan3A_562 = arith.constant 256 : i32
    %scan3A_563 = arith.addi %scan3A_561, %scan3A_562 : i32
    %scan3A_564 = arith.constant 1 : i32
    %scan3A_565 = scf.for %scan3A_644 = %scan3A_561 to %scan3A_563 step %scan3A_564 iter_args(%scan3A_645 = %scan3A_560) -> (i32)  : i32 {
      %mul3A_646 = arith.constant 16 : i32
      %mul3A_647 = arith.muli %scan3A_644, %mul3A_646 : i32
      %get3A = arith.index_cast %mul3A_647 : i32 to index
      %get3A_648 = tpu.vector_load %arg9[%get3A] {strides = array<i32>} : memref<4096xi32, #tpu.memory_space<vmem>>, vector<16xi32>,
      %sub3A = vector.broadcast %mul3A_336 : i32 to vector<16xi32>
      %sub3A_649 = arith.subi %get3A_648, %sub3A : vector<16xi32>
      %bitcast3A = vector.bitcast %sub3A_649 : vector<16xi32> to vector<16xi32>
      %and3A = vector.broadcast %scan3A_558 : i32 to vector<16xi32>
      %and3A_650 = arith.andi %bitcast3A, %and3A : vector<16xi32>
      %add3A_651 = vector.broadcast %scan3A_559 : i32 to vector<16xi32>
      %add3A_652 = arith.addi %add3A_651, %and3A_650 : vector<16xi32>
      %min3A = arith.minui %bitcast3A, %add3A_652 : vector<16xi32>
      %bitcast3A_653 = vector.bitcast %min3A : vector<16xi32> to vector<16xi32>
      %mul3A_654 = arith.constant 16 : i32
      %mul3A_655 = arith.muli %scan3A_644, %mul3A_654 : i32
      %swap3A = arith.index_cast %mul3A_655 : i32 to index
      %swap3A_656 = tpu.vector_load %arg10[%swap3A] {strides = array<i32>} : memref<4096xi32, #tpu.memory_space<vmem>>, vector<16xi32>,
      tpu.vector_store %arg10[%swap3A], %bitcast3A_653 {strides = array<i32>} : memref<4096xi32, #tpu.memory_space<vmem>>, vector<16xi32>,
      %scan3A_657 = arith.constant 0 : i32
      scf.yield %scan3A_657 : i32
    }
    %scan3A_566 = arith.constant 256 : i32
    "tpu.region"() ({
      %run_scoped3A = tpu.sem_alloc : memref<!tpu.dma_semaphore, #tpu.memory_space<semaphore_mem>>
      %dma_start3A = arith.constant 0 : i32
      %dma_start3A_644 = tpu.memref_slice %arg8[%dma_start3A] : memref<1606656xf32, #tpu.memory_space<vmem_shared>> -> memref<1606656xf32, #tpu.memory_space<vmem_shared>>
      tpu.enqueue_indirect_dma source(%arg11 : memref<4096xf32, #tpu.memory_space<vmem>>) target(%dma_start3A_644 : memref<1606656xf32, #tpu.memory_space<vmem_shared>>) offsets(%arg10 : memref<4096xi32, #tpu.memory_space<vmem>>) semaphore(%run_scoped3A : memref<!tpu.dma_semaphore, #tpu.memory_space<semaphore_mem>>) {add = true}
      %dma_wait3A = arith.constant 0 : i32
      %dma_wait3A_645 = tpu.memref_slice %arg8[%dma_wait3A] : memref<1606656xf32, #tpu.memory_space<vmem_shared>> -> memref<1606656xf32, #tpu.memory_space<vmem_shared>>
      tpu.wait_indirect_dma semaphore(%run_scoped3A : memref<!tpu.dma_semaphore, #tpu.memory_space<semaphore_mem>>) src(%arg11 : memref<4096xf32, #tpu.memory_space<vmem>>) dst(%dma_wait3A_645 : memref<1606656xf32, #tpu.memory_space<vmem_shared>>)
      tpu.yield
    }) : () -> ()
    %mul3A_567 = arith.constant 65536 : i32
    %mul3A_568 = arith.muli %arg1, %mul3A_567 : i32
    %add3A_569 = arith.constant 57344 : i32
    %add3A_570 = arith.addi %mul3A_568, %add3A_569 : i32
    "tpu.region"() ({
      %run_scoped3A = tpu.sem_alloc : memref<!tpu.dma_semaphore, #tpu.memory_space<semaphore_mem>>
      %dma_start3A = tpu.memref_slice %arg2[%add3A_570] : memref<1048576xi32, #tpu.memory_space<hbm>> -> memref<4096xi32, #tpu.memory_space<hbm>>
      %dma_start3A_644 = tpu.memref_slice %arg2[%add3A_570] : memref<1048576xi32, #tpu.memory_space<hbm>> -> memref<4096xi32, #tpu.memory_space<hbm>>
      tpu.enqueue_dma source(%dma_start3A_644 : memref<4096xi32, #tpu.memory_space<hbm>>) target(%arg9 : memref<4096xi32, #tpu.memory_space<vmem>>) target_semaphore(%run_scoped3A : memref<!tpu.dma_semaphore, #tpu.memory_space<semaphore_mem>>)
      %dma_wait3A = tpu.memref_slice %arg2[%add3A_570] : memref<1048576xi32, #tpu.memory_space<hbm>> -> memref<4096xi32, #tpu.memory_space<hbm>>
      %dma_wait3A_645 = tpu.memref_slice %arg2[%add3A_570] : memref<1048576xi32, #tpu.memory_space<hbm>> -> memref<4096xi32, #tpu.memory_space<hbm>>
      tpu.wait_dma2 semaphore(%run_scoped3A : memref<!tpu.dma_semaphore, #tpu.memory_space<semaphore_mem>>) src(%dma_wait3A_645 : memref<4096xi32, #tpu.memory_space<hbm>>) dst(%arg9 : memref<4096xi32, #tpu.memory_space<vmem>>)
      tpu.yield
    }) : () -> ()
    %scan3A_571 = arith.constant 4095 : i32
    %scan3A_572 = arith.constant 1600000 : i32
    %scan3A_573 = arith.constant 0 : i32
    %scan3A_574 = arith.constant 0 : i32
    %scan3A_575 = arith.constant 256 : i32
    %scan3A_576 = arith.addi %scan3A_574, %scan3A_575 : i32
    %scan3A_577 = arith.constant 1 : i32
    %scan3A_578 = scf.for %scan3A_644 = %scan3A_574 to %scan3A_576 step %scan3A_577 iter_args(%scan3A_645 = %scan3A_573) -> (i32)  : i32 {
      %mul3A_646 = arith.constant 16 : i32
      %mul3A_647 = arith.muli %scan3A_644, %mul3A_646 : i32
      %get3A = arith.index_cast %mul3A_647 : i32 to index
      %get3A_648 = tpu.vector_load %arg9[%get3A] {strides = array<i32>} : memref<4096xi32, #tpu.memory_space<vmem>>, vector<16xi32>,
      %sub3A = vector.broadcast %mul3A_336 : i32 to vector<16xi32>
      %sub3A_649 = arith.subi %get3A_648, %sub3A : vector<16xi32>
      %bitcast3A = vector.bitcast %sub3A_649 : vector<16xi32> to vector<16xi32>
      %and3A = vector.broadcast %scan3A_571 : i32 to vector<16xi32>
      %and3A_650 = arith.andi %bitcast3A, %and3A : vector<16xi32>
      %add3A_651 = vector.broadcast %scan3A_572 : i32 to vector<16xi32>
      %add3A_652 = arith.addi %add3A_651, %and3A_650 : vector<16xi32>
      %min3A = arith.minui %bitcast3A, %add3A_652 : vector<16xi32>
      %bitcast3A_653 = vector.bitcast %min3A : vector<16xi32> to vector<16xi32>
      %mul3A_654 = arith.constant 16 : i32
      %mul3A_655 = arith.muli %scan3A_644, %mul3A_654 : i32
      %swap3A = arith.index_cast %mul3A_655 : i32 to index
      %swap3A_656 = tpu.vector_load %arg10[%swap3A] {strides = array<i32>} : memref<4096xi32, #tpu.memory_space<vmem>>, vector<16xi32>,
      tpu.vector_store %arg10[%swap3A], %bitcast3A_653 {strides = array<i32>} : memref<4096xi32, #tpu.memory_space<vmem>>, vector<16xi32>,
      %scan3A_657 = arith.constant 0 : i32
      scf.yield %scan3A_657 : i32
    }
    %scan3A_579 = arith.constant 256 : i32
    "tpu.region"() ({
      %run_scoped3A = tpu.sem_alloc : memref<!tpu.dma_semaphore, #tpu.memory_space<semaphore_mem>>
      %dma_start3A = arith.constant 0 : i32
      %dma_start3A_644 = tpu.memref_slice %arg8[%dma_start3A] : memref<1606656xf32, #tpu.memory_space<vmem_shared>> -> memref<1606656xf32, #tpu.memory_space<vmem_shared>>
      tpu.enqueue_indirect_dma source(%arg11 : memref<4096xf32, #tpu.memory_space<vmem>>) target(%dma_start3A_644 : memref<1606656xf32, #tpu.memory_space<vmem_shared>>) offsets(%arg10 : memref<4096xi32, #tpu.memory_space<vmem>>) semaphore(%run_scoped3A : memref<!tpu.dma_semaphore, #tpu.memory_space<semaphore_mem>>) {add = true}
      %dma_wait3A = arith.constant 0 : i32
      %dma_wait3A_645 = tpu.memref_slice %arg8[%dma_wait3A] : memref<1606656xf32, #tpu.memory_space<vmem_shared>> -> memref<1606656xf32, #tpu.memory_space<vmem_shared>>
      tpu.wait_indirect_dma semaphore(%run_scoped3A : memref<!tpu.dma_semaphore, #tpu.memory_space<semaphore_mem>>) src(%arg11 : memref<4096xf32, #tpu.memory_space<vmem>>) dst(%dma_wait3A_645 : memref<1606656xf32, #tpu.memory_space<vmem_shared>>)
      tpu.yield
    }) : () -> ()
    %mul3A_580 = arith.constant 65536 : i32
    %mul3A_581 = arith.muli %arg1, %mul3A_580 : i32
    %add3A_582 = arith.constant 61440 : i32
    %add3A_583 = arith.addi %mul3A_581, %add3A_582 : i32
    "tpu.region"() ({
      %run_scoped3A = tpu.sem_alloc : memref<!tpu.dma_semaphore, #tpu.memory_space<semaphore_mem>>
      %dma_start3A = tpu.memref_slice %arg2[%add3A_583] : memref<1048576xi32, #tpu.memory_space<hbm>> -> memref<4096xi32, #tpu.memory_space<hbm>>
      %dma_start3A_644 = tpu.memref_slice %arg2[%add3A_583] : memref<1048576xi32, #tpu.memory_space<hbm>> -> memref<4096xi32, #tpu.memory_space<hbm>>
      tpu.enqueue_dma source(%dma_start3A_644 : memref<4096xi32, #tpu.memory_space<hbm>>) target(%arg9 : memref<4096xi32, #tpu.memory_space<vmem>>) target_semaphore(%run_scoped3A : memref<!tpu.dma_semaphore, #tpu.memory_space<semaphore_mem>>)
      %dma_wait3A = tpu.memref_slice %arg2[%add3A_583] : memref<1048576xi32, #tpu.memory_space<hbm>> -> memref<4096xi32, #tpu.memory_space<hbm>>
      %dma_wait3A_645 = tpu.memref_slice %arg2[%add3A_583] : memref<1048576xi32, #tpu.memory_space<hbm>> -> memref<4096xi32, #tpu.memory_space<hbm>>
      tpu.wait_dma2 semaphore(%run_scoped3A : memref<!tpu.dma_semaphore, #tpu.memory_space<semaphore_mem>>) src(%dma_wait3A_645 : memref<4096xi32, #tpu.memory_space<hbm>>) dst(%arg9 : memref<4096xi32, #tpu.memory_space<vmem>>)
      tpu.yield
    }) : () -> ()
    %scan3A_584 = arith.constant 4095 : i32
    %scan3A_585 = arith.constant 1600000 : i32
    %scan3A_586 = arith.constant 0 : i32
    %scan3A_587 = arith.constant 0 : i32
    %scan3A_588 = arith.constant 256 : i32
    %scan3A_589 = arith.addi %scan3A_587, %scan3A_588 : i32
    %scan3A_590 = arith.constant 1 : i32
    %scan3A_591 = scf.for %scan3A_644 = %scan3A_587 to %scan3A_589 step %scan3A_590 iter_args(%scan3A_645 = %scan3A_586) -> (i32)  : i32 {
      %mul3A_646 = arith.constant 16 : i32
      %mul3A_647 = arith.muli %scan3A_644, %mul3A_646 : i32
      %get3A = arith.index_cast %mul3A_647 : i32 to index
      %get3A_648 = tpu.vector_load %arg9[%get3A] {strides = array<i32>} : memref<4096xi32, #tpu.memory_space<vmem>>, vector<16xi32>,
      %sub3A = vector.broadcast %mul3A_336 : i32 to vector<16xi32>
      %sub3A_649 = arith.subi %get3A_648, %sub3A : vector<16xi32>
      %bitcast3A = vector.bitcast %sub3A_649 : vector<16xi32> to vector<16xi32>
      %and3A = vector.broadcast %scan3A_584 : i32 to vector<16xi32>
      %and3A_650 = arith.andi %bitcast3A, %and3A : vector<16xi32>
      %add3A_651 = vector.broadcast %scan3A_585 : i32 to vector<16xi32>
      %add3A_652 = arith.addi %add3A_651, %and3A_650 : vector<16xi32>
      %min3A = arith.minui %bitcast3A, %add3A_652 : vector<16xi32>
      %bitcast3A_653 = vector.bitcast %min3A : vector<16xi32> to vector<16xi32>
      %mul3A_654 = arith.constant 16 : i32
      %mul3A_655 = arith.muli %scan3A_644, %mul3A_654 : i32
      %swap3A = arith.index_cast %mul3A_655 : i32 to index
      %swap3A_656 = tpu.vector_load %arg10[%swap3A] {strides = array<i32>} : memref<4096xi32, #tpu.memory_space<vmem>>, vector<16xi32>,
      tpu.vector_store %arg10[%swap3A], %bitcast3A_653 {strides = array<i32>} : memref<4096xi32, #tpu.memory_space<vmem>>, vector<16xi32>,
      %scan3A_657 = arith.constant 0 : i32
      scf.yield %scan3A_657 : i32
    }
    %scan3A_592 = arith.constant 256 : i32
    "tpu.region"() ({
      %run_scoped3A = tpu.sem_alloc : memref<!tpu.dma_semaphore, #tpu.memory_space<semaphore_mem>>
      %dma_start3A = arith.constant 0 : i32
      %dma_start3A_644 = tpu.memref_slice %arg8[%dma_start3A] : memref<1606656xf32, #tpu.memory_space<vmem_shared>> -> memref<1606656xf32, #tpu.memory_space<vmem_shared>>
      tpu.enqueue_indirect_dma source(%arg11 : memref<4096xf32, #tpu.memory_space<vmem>>) target(%dma_start3A_644 : memref<1606656xf32, #tpu.memory_space<vmem_shared>>) offsets(%arg10 : memref<4096xi32, #tpu.memory_space<vmem>>) semaphore(%run_scoped3A : memref<!tpu.dma_semaphore, #tpu.memory_space<semaphore_mem>>) {add = true}
      %dma_wait3A = arith.constant 0 : i32
      %dma_wait3A_645 = tpu.memref_slice %arg8[%dma_wait3A] : memref<1606656xf32, #tpu.memory_space<vmem_shared>> -> memref<1606656xf32, #tpu.memory_space<vmem_shared>>
      tpu.wait_indirect_dma semaphore(%run_scoped3A : memref<!tpu.dma_semaphore, #tpu.memory_space<semaphore_mem>>) src(%arg11 : memref<4096xf32, #tpu.memory_space<vmem>>) dst(%dma_wait3A_645 : memref<1606656xf32, #tpu.memory_space<vmem_shared>>)
      tpu.yield
    }) : () -> ()
    %barrier3A_593 = arith.constant 0 : index
    tpu.barrier barrier_id(%barrier3A_593)
    %mul3A_594 = arith.constant 100000 : i32
    %mul3A_595 = arith.muli %arg1, %mul3A_594 : i32
    %add3A_596 = arith.constant 0 : i32
    %add3A_597 = arith.addi %mul3A_595, %add3A_596 : i32
    "tpu.region"() ({
      %run_scoped3A = tpu.sem_alloc : memref<!tpu.dma_semaphore, #tpu.memory_space<semaphore_mem>>
      %dma_start3A = tpu.memref_slice %arg8[%add3A_597] : memref<1606656xf32, #tpu.memory_space<vmem_shared>> -> memref<10000xf32, #tpu.memory_space<vmem_shared>>
      %dma_start3A_644 = tpu.memref_slice %arg8[%add3A_597] : memref<1606656xf32, #tpu.memory_space<vmem_shared>> -> memref<10000xf32, #tpu.memory_space<vmem_shared>>
      tpu.enqueue_dma source(%dma_start3A_644 : memref<10000xf32, #tpu.memory_space<vmem_shared>>) target(%arg12 : memref<10000xf32, #tpu.memory_space<vmem>>) target_semaphore(%run_scoped3A : memref<!tpu.dma_semaphore, #tpu.memory_space<semaphore_mem>>)
      %dma_wait3A = tpu.memref_slice %arg8[%add3A_597] : memref<1606656xf32, #tpu.memory_space<vmem_shared>> -> memref<10000xf32, #tpu.memory_space<vmem_shared>>
      %dma_wait3A_645 = tpu.memref_slice %arg8[%add3A_597] : memref<1606656xf32, #tpu.memory_space<vmem_shared>> -> memref<10000xf32, #tpu.memory_space<vmem_shared>>
      tpu.wait_dma2 semaphore(%run_scoped3A : memref<!tpu.dma_semaphore, #tpu.memory_space<semaphore_mem>>) src(%dma_wait3A_645 : memref<10000xf32, #tpu.memory_space<vmem_shared>>) dst(%arg12 : memref<10000xf32, #tpu.memory_space<vmem>>)
      tpu.yield
    }) : () -> ()
    %add3A_598 = arith.addi %mul3A_336, %add3A_597 : i32
    "tpu.region"() ({
      %run_scoped3A = tpu.sem_alloc : memref<!tpu.dma_semaphore, #tpu.memory_space<semaphore_mem>>
      %dma_start3A = tpu.memref_slice %arg5[%add3A_598] : memref<6400000xf32, #tpu.memory_space<hbm>> -> memref<10000xf32, #tpu.memory_space<hbm>>
      %dma_start3A_644 = tpu.memref_slice %arg5[%add3A_598] : memref<6400000xf32, #tpu.memory_space<hbm>> -> memref<10000xf32, #tpu.memory_space<hbm>>
      tpu.enqueue_dma source(%arg12 : memref<10000xf32, #tpu.memory_space<vmem>>) target(%dma_start3A_644 : memref<10000xf32, #tpu.memory_space<hbm>>) target_semaphore(%run_scoped3A : memref<!tpu.dma_semaphore, #tpu.memory_space<semaphore_mem>>)
      %dma_wait3A = tpu.memref_slice %arg5[%add3A_598] : memref<6400000xf32, #tpu.memory_space<hbm>> -> memref<10000xf32, #tpu.memory_space<hbm>>
      %dma_wait3A_645 = tpu.memref_slice %arg5[%add3A_598] : memref<6400000xf32, #tpu.memory_space<hbm>> -> memref<10000xf32, #tpu.memory_space<hbm>>
      tpu.wait_dma2 semaphore(%run_scoped3A : memref<!tpu.dma_semaphore, #tpu.memory_space<semaphore_mem>>) src(%arg12 : memref<10000xf32, #tpu.memory_space<vmem>>) dst(%dma_wait3A_645 : memref<10000xf32, #tpu.memory_space<hbm>>)
      tpu.yield
    }) : () -> ()
    %mul3A_599 = arith.constant 100000 : i32
    %mul3A_600 = arith.muli %arg1, %mul3A_599 : i32
    %add3A_601 = arith.constant 10000 : i32
    %add3A_602 = arith.addi %mul3A_600, %add3A_601 : i32
    "tpu.region"() ({
      %run_scoped3A = tpu.sem_alloc : memref<!tpu.dma_semaphore, #tpu.memory_space<semaphore_mem>>
      %dma_start3A = tpu.memref_slice %arg8[%add3A_602] : memref<1606656xf32, #tpu.memory_space<vmem_shared>> -> memref<10000xf32, #tpu.memory_space<vmem_shared>>
      %dma_start3A_644 = tpu.memref_slice %arg8[%add3A_602] : memref<1606656xf32, #tpu.memory_space<vmem_shared>> -> memref<10000xf32, #tpu.memory_space<vmem_shared>>
      tpu.enqueue_dma source(%dma_start3A_644 : memref<10000xf32, #tpu.memory_space<vmem_shared>>) target(%arg12 : memref<10000xf32, #tpu.memory_space<vmem>>) target_semaphore(%run_scoped3A : memref<!tpu.dma_semaphore, #tpu.memory_space<semaphore_mem>>)
      %dma_wait3A = tpu.memref_slice %arg8[%add3A_602] : memref<1606656xf32, #tpu.memory_space<vmem_shared>> -> memref<10000xf32, #tpu.memory_space<vmem_shared>>
      %dma_wait3A_645 = tpu.memref_slice %arg8[%add3A_602] : memref<1606656xf32, #tpu.memory_space<vmem_shared>> -> memref<10000xf32, #tpu.memory_space<vmem_shared>>
      tpu.wait_dma2 semaphore(%run_scoped3A : memref<!tpu.dma_semaphore, #tpu.memory_space<semaphore_mem>>) src(%dma_wait3A_645 : memref<10000xf32, #tpu.memory_space<vmem_shared>>) dst(%arg12 : memref<10000xf32, #tpu.memory_space<vmem>>)
      tpu.yield
    }) : () -> ()
    %add3A_603 = arith.addi %mul3A_336, %add3A_602 : i32
    "tpu.region"() ({
      %run_scoped3A = tpu.sem_alloc : memref<!tpu.dma_semaphore, #tpu.memory_space<semaphore_mem>>
      %dma_start3A = tpu.memref_slice %arg5[%add3A_603] : memref<6400000xf32, #tpu.memory_space<hbm>> -> memref<10000xf32, #tpu.memory_space<hbm>>
      %dma_start3A_644 = tpu.memref_slice %arg5[%add3A_603] : memref<6400000xf32, #tpu.memory_space<hbm>> -> memref<10000xf32, #tpu.memory_space<hbm>>
      tpu.enqueue_dma source(%arg12 : memref<10000xf32, #tpu.memory_space<vmem>>) target(%dma_start3A_644 : memref<10000xf32, #tpu.memory_space<hbm>>) target_semaphore(%run_scoped3A : memref<!tpu.dma_semaphore, #tpu.memory_space<semaphore_mem>>)
      %dma_wait3A = tpu.memref_slice %arg5[%add3A_603] : memref<6400000xf32, #tpu.memory_space<hbm>> -> memref<10000xf32, #tpu.memory_space<hbm>>
      %dma_wait3A_645 = tpu.memref_slice %arg5[%add3A_603] : memref<6400000xf32, #tpu.memory_space<hbm>> -> memref<10000xf32, #tpu.memory_space<hbm>>
      tpu.wait_dma2 semaphore(%run_scoped3A : memref<!tpu.dma_semaphore, #tpu.memory_space<semaphore_mem>>) src(%arg12 : memref<10000xf32, #tpu.memory_space<vmem>>) dst(%dma_wait3A_645 : memref<10000xf32, #tpu.memory_space<hbm>>)
      tpu.yield
    }) : () -> ()
    %mul3A_604 = arith.constant 100000 : i32
    %mul3A_605 = arith.muli %arg1, %mul3A_604 : i32
    %add3A_606 = arith.constant 20000 : i32
    %add3A_607 = arith.addi %mul3A_605, %add3A_606 : i32
    "tpu.region"() ({
      %run_scoped3A = tpu.sem_alloc : memref<!tpu.dma_semaphore, #tpu.memory_space<semaphore_mem>>
      %dma_start3A = tpu.memref_slice %arg8[%add3A_607] : memref<1606656xf32, #tpu.memory_space<vmem_shared>> -> memref<10000xf32, #tpu.memory_space<vmem_shared>>
      %dma_start3A_644 = tpu.memref_slice %arg8[%add3A_607] : memref<1606656xf32, #tpu.memory_space<vmem_shared>> -> memref<10000xf32, #tpu.memory_space<vmem_shared>>
      tpu.enqueue_dma source(%dma_start3A_644 : memref<10000xf32, #tpu.memory_space<vmem_shared>>) target(%arg12 : memref<10000xf32, #tpu.memory_space<vmem>>) target_semaphore(%run_scoped3A : memref<!tpu.dma_semaphore, #tpu.memory_space<semaphore_mem>>)
      %dma_wait3A = tpu.memref_slice %arg8[%add3A_607] : memref<1606656xf32, #tpu.memory_space<vmem_shared>> -> memref<10000xf32, #tpu.memory_space<vmem_shared>>
      %dma_wait3A_645 = tpu.memref_slice %arg8[%add3A_607] : memref<1606656xf32, #tpu.memory_space<vmem_shared>> -> memref<10000xf32, #tpu.memory_space<vmem_shared>>
      tpu.wait_dma2 semaphore(%run_scoped3A : memref<!tpu.dma_semaphore, #tpu.memory_space<semaphore_mem>>) src(%dma_wait3A_645 : memref<10000xf32, #tpu.memory_space<vmem_shared>>) dst(%arg12 : memref<10000xf32, #tpu.memory_space<vmem>>)
      tpu.yield
    }) : () -> ()
    %add3A_608 = arith.addi %mul3A_336, %add3A_607 : i32
    "tpu.region"() ({
      %run_scoped3A = tpu.sem_alloc : memref<!tpu.dma_semaphore, #tpu.memory_space<semaphore_mem>>
      %dma_start3A = tpu.memref_slice %arg5[%add3A_608] : memref<6400000xf32, #tpu.memory_space<hbm>> -> memref<10000xf32, #tpu.memory_space<hbm>>
      %dma_start3A_644 = tpu.memref_slice %arg5[%add3A_608] : memref<6400000xf32, #tpu.memory_space<hbm>> -> memref<10000xf32, #tpu.memory_space<hbm>>
      tpu.enqueue_dma source(%arg12 : memref<10000xf32, #tpu.memory_space<vmem>>) target(%dma_start3A_644 : memref<10000xf32, #tpu.memory_space<hbm>>) target_semaphore(%run_scoped3A : memref<!tpu.dma_semaphore, #tpu.memory_space<semaphore_mem>>)
      %dma_wait3A = tpu.memref_slice %arg5[%add3A_608] : memref<6400000xf32, #tpu.memory_space<hbm>> -> memref<10000xf32, #tpu.memory_space<hbm>>
      %dma_wait3A_645 = tpu.memref_slice %arg5[%add3A_608] : memref<6400000xf32, #tpu.memory_space<hbm>> -> memref<10000xf32, #tpu.memory_space<hbm>>
      tpu.wait_dma2 semaphore(%run_scoped3A : memref<!tpu.dma_semaphore, #tpu.memory_space<semaphore_mem>>) src(%arg12 : memref<10000xf32, #tpu.memory_space<vmem>>) dst(%dma_wait3A_645 : memref<10000xf32, #tpu.memory_space<hbm>>)
      tpu.yield
    }) : () -> ()
    %mul3A_609 = arith.constant 100000 : i32
    %mul3A_610 = arith.muli %arg1, %mul3A_609 : i32
    %add3A_611 = arith.constant 30000 : i32
    %add3A_612 = arith.addi %mul3A_610, %add3A_611 : i32
    "tpu.region"() ({
      %run_scoped3A = tpu.sem_alloc : memref<!tpu.dma_semaphore, #tpu.memory_space<semaphore_mem>>
      %dma_start3A = tpu.memref_slice %arg8[%add3A_612] : memref<1606656xf32, #tpu.memory_space<vmem_shared>> -> memref<10000xf32, #tpu.memory_space<vmem_shared>>
      %dma_start3A_644 = tpu.memref_slice %arg8[%add3A_612] : memref<1606656xf32, #tpu.memory_space<vmem_shared>> -> memref<10000xf32, #tpu.memory_space<vmem_shared>>
      tpu.enqueue_dma source(%dma_start3A_644 : memref<10000xf32, #tpu.memory_space<vmem_shared>>) target(%arg12 : memref<10000xf32, #tpu.memory_space<vmem>>) target_semaphore(%run_scoped3A : memref<!tpu.dma_semaphore, #tpu.memory_space<semaphore_mem>>)
      %dma_wait3A = tpu.memref_slice %arg8[%add3A_612] : memref<1606656xf32, #tpu.memory_space<vmem_shared>> -> memref<10000xf32, #tpu.memory_space<vmem_shared>>
      %dma_wait3A_645 = tpu.memref_slice %arg8[%add3A_612] : memref<1606656xf32, #tpu.memory_space<vmem_shared>> -> memref<10000xf32, #tpu.memory_space<vmem_shared>>
      tpu.wait_dma2 semaphore(%run_scoped3A : memref<!tpu.dma_semaphore, #tpu.memory_space<semaphore_mem>>) src(%dma_wait3A_645 : memref<10000xf32, #tpu.memory_space<vmem_shared>>) dst(%arg12 : memref<10000xf32, #tpu.memory_space<vmem>>)
      tpu.yield
    }) : () -> ()
    %add3A_613 = arith.addi %mul3A_336, %add3A_612 : i32
    "tpu.region"() ({
      %run_scoped3A = tpu.sem_alloc : memref<!tpu.dma_semaphore, #tpu.memory_space<semaphore_mem>>
      %dma_start3A = tpu.memref_slice %arg5[%add3A_613] : memref<6400000xf32, #tpu.memory_space<hbm>> -> memref<10000xf32, #tpu.memory_space<hbm>>
      %dma_start3A_644 = tpu.memref_slice %arg5[%add3A_613] : memref<6400000xf32, #tpu.memory_space<hbm>> -> memref<10000xf32, #tpu.memory_space<hbm>>
      tpu.enqueue_dma source(%arg12 : memref<10000xf32, #tpu.memory_space<vmem>>) target(%dma_start3A_644 : memref<10000xf32, #tpu.memory_space<hbm>>) target_semaphore(%run_scoped3A : memref<!tpu.dma_semaphore, #tpu.memory_space<semaphore_mem>>)
      %dma_wait3A = tpu.memref_slice %arg5[%add3A_613] : memref<6400000xf32, #tpu.memory_space<hbm>> -> memref<10000xf32, #tpu.memory_space<hbm>>
      %dma_wait3A_645 = tpu.memref_slice %arg5[%add3A_613] : memref<6400000xf32, #tpu.memory_space<hbm>> -> memref<10000xf32, #tpu.memory_space<hbm>>
      tpu.wait_dma2 semaphore(%run_scoped3A : memref<!tpu.dma_semaphore, #tpu.memory_space<semaphore_mem>>) src(%arg12 : memref<10000xf32, #tpu.memory_space<vmem>>) dst(%dma_wait3A_645 : memref<10000xf32, #tpu.memory_space<hbm>>)
      tpu.yield
    }) : () -> ()
    %mul3A_614 = arith.constant 100000 : i32
    %mul3A_615 = arith.muli %arg1, %mul3A_614 : i32
    %add3A_616 = arith.constant 40000 : i32
    %add3A_617 = arith.addi %mul3A_615, %add3A_616 : i32
    "tpu.region"() ({
      %run_scoped3A = tpu.sem_alloc : memref<!tpu.dma_semaphore, #tpu.memory_space<semaphore_mem>>
      %dma_start3A = tpu.memref_slice %arg8[%add3A_617] : memref<1606656xf32, #tpu.memory_space<vmem_shared>> -> memref<10000xf32, #tpu.memory_space<vmem_shared>>
      %dma_start3A_644 = tpu.memref_slice %arg8[%add3A_617] : memref<1606656xf32, #tpu.memory_space<vmem_shared>> -> memref<10000xf32, #tpu.memory_space<vmem_shared>>
      tpu.enqueue_dma source(%dma_start3A_644 : memref<10000xf32, #tpu.memory_space<vmem_shared>>) target(%arg12 : memref<10000xf32, #tpu.memory_space<vmem>>) target_semaphore(%run_scoped3A : memref<!tpu.dma_semaphore, #tpu.memory_space<semaphore_mem>>)
      %dma_wait3A = tpu.memref_slice %arg8[%add3A_617] : memref<1606656xf32, #tpu.memory_space<vmem_shared>> -> memref<10000xf32, #tpu.memory_space<vmem_shared>>
      %dma_wait3A_645 = tpu.memref_slice %arg8[%add3A_617] : memref<1606656xf32, #tpu.memory_space<vmem_shared>> -> memref<10000xf32, #tpu.memory_space<vmem_shared>>
      tpu.wait_dma2 semaphore(%run_scoped3A : memref<!tpu.dma_semaphore, #tpu.memory_space<semaphore_mem>>) src(%dma_wait3A_645 : memref<10000xf32, #tpu.memory_space<vmem_shared>>) dst(%arg12 : memref<10000xf32, #tpu.memory_space<vmem>>)
      tpu.yield
    }) : () -> ()
    %add3A_618 = arith.addi %mul3A_336, %add3A_617 : i32
    "tpu.region"() ({
      %run_scoped3A = tpu.sem_alloc : memref<!tpu.dma_semaphore, #tpu.memory_space<semaphore_mem>>
      %dma_start3A = tpu.memref_slice %arg5[%add3A_618] : memref<6400000xf32, #tpu.memory_space<hbm>> -> memref<10000xf32, #tpu.memory_space<hbm>>
      %dma_start3A_644 = tpu.memref_slice %arg5[%add3A_618] : memref<6400000xf32, #tpu.memory_space<hbm>> -> memref<10000xf32, #tpu.memory_space<hbm>>
      tpu.enqueue_dma source(%arg12 : memref<10000xf32, #tpu.memory_space<vmem>>) target(%dma_start3A_644 : memref<10000xf32, #tpu.memory_space<hbm>>) target_semaphore(%run_scoped3A : memref<!tpu.dma_semaphore, #tpu.memory_space<semaphore_mem>>)
      %dma_wait3A = tpu.memref_slice %arg5[%add3A_618] : memref<6400000xf32, #tpu.memory_space<hbm>> -> memref<10000xf32, #tpu.memory_space<hbm>>
      %dma_wait3A_645 = tpu.memref_slice %arg5[%add3A_618] : memref<6400000xf32, #tpu.memory_space<hbm>> -> memref<10000xf32, #tpu.memory_space<hbm>>
      tpu.wait_dma2 semaphore(%run_scoped3A : memref<!tpu.dma_semaphore, #tpu.memory_space<semaphore_mem>>) src(%arg12 : memref<10000xf32, #tpu.memory_space<vmem>>) dst(%dma_wait3A_645 : memref<10000xf32, #tpu.memory_space<hbm>>)
      tpu.yield
    }) : () -> ()
    %mul3A_619 = arith.constant 100000 : i32
    %mul3A_620 = arith.muli %arg1, %mul3A_619 : i32
    %add3A_621 = arith.constant 50000 : i32
    %add3A_622 = arith.addi %mul3A_620, %add3A_621 : i32
    "tpu.region"() ({
      %run_scoped3A = tpu.sem_alloc : memref<!tpu.dma_semaphore, #tpu.memory_space<semaphore_mem>>
      %dma_start3A = tpu.memref_slice %arg8[%add3A_622] : memref<1606656xf32, #tpu.memory_space<vmem_shared>> -> memref<10000xf32, #tpu.memory_space<vmem_shared>>
      %dma_start3A_644 = tpu.memref_slice %arg8[%add3A_622] : memref<1606656xf32, #tpu.memory_space<vmem_shared>> -> memref<10000xf32, #tpu.memory_space<vmem_shared>>
      tpu.enqueue_dma source(%dma_start3A_644 : memref<10000xf32, #tpu.memory_space<vmem_shared>>) target(%arg12 : memref<10000xf32, #tpu.memory_space<vmem>>) target_semaphore(%run_scoped3A : memref<!tpu.dma_semaphore, #tpu.memory_space<semaphore_mem>>)
      %dma_wait3A = tpu.memref_slice %arg8[%add3A_622] : memref<1606656xf32, #tpu.memory_space<vmem_shared>> -> memref<10000xf32, #tpu.memory_space<vmem_shared>>
      %dma_wait3A_645 = tpu.memref_slice %arg8[%add3A_622] : memref<1606656xf32, #tpu.memory_space<vmem_shared>> -> memref<10000xf32, #tpu.memory_space<vmem_shared>>
      tpu.wait_dma2 semaphore(%run_scoped3A : memref<!tpu.dma_semaphore, #tpu.memory_space<semaphore_mem>>) src(%dma_wait3A_645 : memref<10000xf32, #tpu.memory_space<vmem_shared>>) dst(%arg12 : memref<10000xf32, #tpu.memory_space<vmem>>)
      tpu.yield
    }) : () -> ()
    %add3A_623 = arith.addi %mul3A_336, %add3A_622 : i32
    "tpu.region"() ({
      %run_scoped3A = tpu.sem_alloc : memref<!tpu.dma_semaphore, #tpu.memory_space<semaphore_mem>>
      %dma_start3A = tpu.memref_slice %arg5[%add3A_623] : memref<6400000xf32, #tpu.memory_space<hbm>> -> memref<10000xf32, #tpu.memory_space<hbm>>
      %dma_start3A_644 = tpu.memref_slice %arg5[%add3A_623] : memref<6400000xf32, #tpu.memory_space<hbm>> -> memref<10000xf32, #tpu.memory_space<hbm>>
      tpu.enqueue_dma source(%arg12 : memref<10000xf32, #tpu.memory_space<vmem>>) target(%dma_start3A_644 : memref<10000xf32, #tpu.memory_space<hbm>>) target_semaphore(%run_scoped3A : memref<!tpu.dma_semaphore, #tpu.memory_space<semaphore_mem>>)
      %dma_wait3A = tpu.memref_slice %arg5[%add3A_623] : memref<6400000xf32, #tpu.memory_space<hbm>> -> memref<10000xf32, #tpu.memory_space<hbm>>
      %dma_wait3A_645 = tpu.memref_slice %arg5[%add3A_623] : memref<6400000xf32, #tpu.memory_space<hbm>> -> memref<10000xf32, #tpu.memory_space<hbm>>
      tpu.wait_dma2 semaphore(%run_scoped3A : memref<!tpu.dma_semaphore, #tpu.memory_space<semaphore_mem>>) src(%arg12 : memref<10000xf32, #tpu.memory_space<vmem>>) dst(%dma_wait3A_645 : memref<10000xf32, #tpu.memory_space<hbm>>)
      tpu.yield
    }) : () -> ()
    %mul3A_624 = arith.constant 100000 : i32
    %mul3A_625 = arith.muli %arg1, %mul3A_624 : i32
    %add3A_626 = arith.constant 60000 : i32
    %add3A_627 = arith.addi %mul3A_625, %add3A_626 : i32
    "tpu.region"() ({
      %run_scoped3A = tpu.sem_alloc : memref<!tpu.dma_semaphore, #tpu.memory_space<semaphore_mem>>
      %dma_start3A = tpu.memref_slice %arg8[%add3A_627] : memref<1606656xf32, #tpu.memory_space<vmem_shared>> -> memref<10000xf32, #tpu.memory_space<vmem_shared>>
      %dma_start3A_644 = tpu.memref_slice %arg8[%add3A_627] : memref<1606656xf32, #tpu.memory_space<vmem_shared>> -> memref<10000xf32, #tpu.memory_space<vmem_shared>>
      tpu.enqueue_dma source(%dma_start3A_644 : memref<10000xf32, #tpu.memory_space<vmem_shared>>) target(%arg12 : memref<10000xf32, #tpu.memory_space<vmem>>) target_semaphore(%run_scoped3A : memref<!tpu.dma_semaphore, #tpu.memory_space<semaphore_mem>>)
      %dma_wait3A = tpu.memref_slice %arg8[%add3A_627] : memref<1606656xf32, #tpu.memory_space<vmem_shared>> -> memref<10000xf32, #tpu.memory_space<vmem_shared>>
      %dma_wait3A_645 = tpu.memref_slice %arg8[%add3A_627] : memref<1606656xf32, #tpu.memory_space<vmem_shared>> -> memref<10000xf32, #tpu.memory_space<vmem_shared>>
      tpu.wait_dma2 semaphore(%run_scoped3A : memref<!tpu.dma_semaphore, #tpu.memory_space<semaphore_mem>>) src(%dma_wait3A_645 : memref<10000xf32, #tpu.memory_space<vmem_shared>>) dst(%arg12 : memref<10000xf32, #tpu.memory_space<vmem>>)
      tpu.yield
    }) : () -> ()
    %add3A_628 = arith.addi %mul3A_336, %add3A_627 : i32
    "tpu.region"() ({
      %run_scoped3A = tpu.sem_alloc : memref<!tpu.dma_semaphore, #tpu.memory_space<semaphore_mem>>
      %dma_start3A = tpu.memref_slice %arg5[%add3A_628] : memref<6400000xf32, #tpu.memory_space<hbm>> -> memref<10000xf32, #tpu.memory_space<hbm>>
      %dma_start3A_644 = tpu.memref_slice %arg5[%add3A_628] : memref<6400000xf32, #tpu.memory_space<hbm>> -> memref<10000xf32, #tpu.memory_space<hbm>>
      tpu.enqueue_dma source(%arg12 : memref<10000xf32, #tpu.memory_space<vmem>>) target(%dma_start3A_644 : memref<10000xf32, #tpu.memory_space<hbm>>) target_semaphore(%run_scoped3A : memref<!tpu.dma_semaphore, #tpu.memory_space<semaphore_mem>>)
      %dma_wait3A = tpu.memref_slice %arg5[%add3A_628] : memref<6400000xf32, #tpu.memory_space<hbm>> -> memref<10000xf32, #tpu.memory_space<hbm>>
      %dma_wait3A_645 = tpu.memref_slice %arg5[%add3A_628] : memref<6400000xf32, #tpu.memory_space<hbm>> -> memref<10000xf32, #tpu.memory_space<hbm>>
      tpu.wait_dma2 semaphore(%run_scoped3A : memref<!tpu.dma_semaphore, #tpu.memory_space<semaphore_mem>>) src(%arg12 : memref<10000xf32, #tpu.memory_space<vmem>>) dst(%dma_wait3A_645 : memref<10000xf32, #tpu.memory_space<hbm>>)
      tpu.yield
    }) : () -> ()
    %mul3A_629 = arith.constant 100000 : i32
    %mul3A_630 = arith.muli %arg1, %mul3A_629 : i32
    %add3A_631 = arith.constant 70000 : i32
    %add3A_632 = arith.addi %mul3A_630, %add3A_631 : i32
    "tpu.region"() ({
      %run_scoped3A = tpu.sem_alloc : memref<!tpu.dma_semaphore, #tpu.memory_space<semaphore_mem>>
      %dma_start3A = tpu.memref_slice %arg8[%add3A_632] : memref<1606656xf32, #tpu.memory_space<vmem_shared>> -> memref<10000xf32, #tpu.memory_space<vmem_shared>>
      %dma_start3A_644 = tpu.memref_slice %arg8[%add3A_632] : memref<1606656xf32, #tpu.memory_space<vmem_shared>> -> memref<10000xf32, #tpu.memory_space<vmem_shared>>
      tpu.enqueue_dma source(%dma_start3A_644 : memref<10000xf32, #tpu.memory_space<vmem_shared>>) target(%arg12 : memref<10000xf32, #tpu.memory_space<vmem>>) target_semaphore(%run_scoped3A : memref<!tpu.dma_semaphore, #tpu.memory_space<semaphore_mem>>)
      %dma_wait3A = tpu.memref_slice %arg8[%add3A_632] : memref<1606656xf32, #tpu.memory_space<vmem_shared>> -> memref<10000xf32, #tpu.memory_space<vmem_shared>>
      %dma_wait3A_645 = tpu.memref_slice %arg8[%add3A_632] : memref<1606656xf32, #tpu.memory_space<vmem_shared>> -> memref<10000xf32, #tpu.memory_space<vmem_shared>>
      tpu.wait_dma2 semaphore(%run_scoped3A : memref<!tpu.dma_semaphore, #tpu.memory_space<semaphore_mem>>) src(%dma_wait3A_645 : memref<10000xf32, #tpu.memory_space<vmem_shared>>) dst(%arg12 : memref<10000xf32, #tpu.memory_space<vmem>>)
      tpu.yield
    }) : () -> ()
    %add3A_633 = arith.addi %mul3A_336, %add3A_632 : i32
    "tpu.region"() ({
      %run_scoped3A = tpu.sem_alloc : memref<!tpu.dma_semaphore, #tpu.memory_space<semaphore_mem>>
      %dma_start3A = tpu.memref_slice %arg5[%add3A_633] : memref<6400000xf32, #tpu.memory_space<hbm>> -> memref<10000xf32, #tpu.memory_space<hbm>>
      %dma_start3A_644 = tpu.memref_slice %arg5[%add3A_633] : memref<6400000xf32, #tpu.memory_space<hbm>> -> memref<10000xf32, #tpu.memory_space<hbm>>
      tpu.enqueue_dma source(%arg12 : memref<10000xf32, #tpu.memory_space<vmem>>) target(%dma_start3A_644 : memref<10000xf32, #tpu.memory_space<hbm>>) target_semaphore(%run_scoped3A : memref<!tpu.dma_semaphore, #tpu.memory_space<semaphore_mem>>)
      %dma_wait3A = tpu.memref_slice %arg5[%add3A_633] : memref<6400000xf32, #tpu.memory_space<hbm>> -> memref<10000xf32, #tpu.memory_space<hbm>>
      %dma_wait3A_645 = tpu.memref_slice %arg5[%add3A_633] : memref<6400000xf32, #tpu.memory_space<hbm>> -> memref<10000xf32, #tpu.memory_space<hbm>>
      tpu.wait_dma2 semaphore(%run_scoped3A : memref<!tpu.dma_semaphore, #tpu.memory_space<semaphore_mem>>) src(%arg12 : memref<10000xf32, #tpu.memory_space<vmem>>) dst(%dma_wait3A_645 : memref<10000xf32, #tpu.memory_space<hbm>>)
      tpu.yield
    }) : () -> ()
    %mul3A_634 = arith.constant 100000 : i32
    %mul3A_635 = arith.muli %arg1, %mul3A_634 : i32
    %add3A_636 = arith.constant 80000 : i32
    %add3A_637 = arith.addi %mul3A_635, %add3A_636 : i32
    "tpu.region"() ({
      %run_scoped3A = tpu.sem_alloc : memref<!tpu.dma_semaphore, #tpu.memory_space<semaphore_mem>>
      %dma_start3A = tpu.memref_slice %arg8[%add3A_637] : memref<1606656xf32, #tpu.memory_space<vmem_shared>> -> memref<10000xf32, #tpu.memory_space<vmem_shared>>
      %dma_start3A_644 = tpu.memref_slice %arg8[%add3A_637] : memref<1606656xf32, #tpu.memory_space<vmem_shared>> -> memref<10000xf32, #tpu.memory_space<vmem_shared>>
      tpu.enqueue_dma source(%dma_start3A_644 : memref<10000xf32, #tpu.memory_space<vmem_shared>>) target(%arg12 : memref<10000xf32, #tpu.memory_space<vmem>>) target_semaphore(%run_scoped3A : memref<!tpu.dma_semaphore, #tpu.memory_space<semaphore_mem>>)
      %dma_wait3A = tpu.memref_slice %arg8[%add3A_637] : memref<1606656xf32, #tpu.memory_space<vmem_shared>> -> memref<10000xf32, #tpu.memory_space<vmem_shared>>
      %dma_wait3A_645 = tpu.memref_slice %arg8[%add3A_637] : memref<1606656xf32, #tpu.memory_space<vmem_shared>> -> memref<10000xf32, #tpu.memory_space<vmem_shared>>
      tpu.wait_dma2 semaphore(%run_scoped3A : memref<!tpu.dma_semaphore, #tpu.memory_space<semaphore_mem>>) src(%dma_wait3A_645 : memref<10000xf32, #tpu.memory_space<vmem_shared>>) dst(%arg12 : memref<10000xf32, #tpu.memory_space<vmem>>)
      tpu.yield
    }) : () -> ()
    %add3A_638 = arith.addi %mul3A_336, %add3A_637 : i32
    "tpu.region"() ({
      %run_scoped3A = tpu.sem_alloc : memref<!tpu.dma_semaphore, #tpu.memory_space<semaphore_mem>>
      %dma_start3A = tpu.memref_slice %arg5[%add3A_638] : memref<6400000xf32, #tpu.memory_space<hbm>> -> memref<10000xf32, #tpu.memory_space<hbm>>
      %dma_start3A_644 = tpu.memref_slice %arg5[%add3A_638] : memref<6400000xf32, #tpu.memory_space<hbm>> -> memref<10000xf32, #tpu.memory_space<hbm>>
      tpu.enqueue_dma source(%arg12 : memref<10000xf32, #tpu.memory_space<vmem>>) target(%dma_start3A_644 : memref<10000xf32, #tpu.memory_space<hbm>>) target_semaphore(%run_scoped3A : memref<!tpu.dma_semaphore, #tpu.memory_space<semaphore_mem>>)
      %dma_wait3A = tpu.memref_slice %arg5[%add3A_638] : memref<6400000xf32, #tpu.memory_space<hbm>> -> memref<10000xf32, #tpu.memory_space<hbm>>
      %dma_wait3A_645 = tpu.memref_slice %arg5[%add3A_638] : memref<6400000xf32, #tpu.memory_space<hbm>> -> memref<10000xf32, #tpu.memory_space<hbm>>
      tpu.wait_dma2 semaphore(%run_scoped3A : memref<!tpu.dma_semaphore, #tpu.memory_space<semaphore_mem>>) src(%arg12 : memref<10000xf32, #tpu.memory_space<vmem>>) dst(%dma_wait3A_645 : memref<10000xf32, #tpu.memory_space<hbm>>)
      tpu.yield
    }) : () -> ()
    %mul3A_639 = arith.constant 100000 : i32
    %mul3A_640 = arith.muli %arg1, %mul3A_639 : i32
    %add3A_641 = arith.constant 90000 : i32
    %add3A_642 = arith.addi %mul3A_640, %add3A_641 : i32
    "tpu.region"() ({
      %run_scoped3A = tpu.sem_alloc : memref<!tpu.dma_semaphore, #tpu.memory_space<semaphore_mem>>
      %dma_start3A = tpu.memref_slice %arg8[%add3A_642] : memref<1606656xf32, #tpu.memory_space<vmem_shared>> -> memref<10000xf32, #tpu.memory_space<vmem_shared>>
      %dma_start3A_644 = tpu.memref_slice %arg8[%add3A_642] : memref<1606656xf32, #tpu.memory_space<vmem_shared>> -> memref<10000xf32, #tpu.memory_space<vmem_shared>>
      tpu.enqueue_dma source(%dma_start3A_644 : memref<10000xf32, #tpu.memory_space<vmem_shared>>) target(%arg12 : memref<10000xf32, #tpu.memory_space<vmem>>) target_semaphore(%run_scoped3A : memref<!tpu.dma_semaphore, #tpu.memory_space<semaphore_mem>>)
      %dma_wait3A = tpu.memref_slice %arg8[%add3A_642] : memref<1606656xf32, #tpu.memory_space<vmem_shared>> -> memref<10000xf32, #tpu.memory_space<vmem_shared>>
      %dma_wait3A_645 = tpu.memref_slice %arg8[%add3A_642] : memref<1606656xf32, #tpu.memory_space<vmem_shared>> -> memref<10000xf32, #tpu.memory_space<vmem_shared>>
      tpu.wait_dma2 semaphore(%run_scoped3A : memref<!tpu.dma_semaphore, #tpu.memory_space<semaphore_mem>>) src(%dma_wait3A_645 : memref<10000xf32, #tpu.memory_space<vmem_shared>>) dst(%arg12 : memref<10000xf32, #tpu.memory_space<vmem>>)
      tpu.yield
    }) : () -> ()
    %add3A_643 = arith.addi %mul3A_336, %add3A_642 : i32
    "tpu.region"() ({
      %run_scoped3A = tpu.sem_alloc : memref<!tpu.dma_semaphore, #tpu.memory_space<semaphore_mem>>
      %dma_start3A = tpu.memref_slice %arg5[%add3A_643] : memref<6400000xf32, #tpu.memory_space<hbm>> -> memref<10000xf32, #tpu.memory_space<hbm>>
      %dma_start3A_644 = tpu.memref_slice %arg5[%add3A_643] : memref<6400000xf32, #tpu.memory_space<hbm>> -> memref<10000xf32, #tpu.memory_space<hbm>>
      tpu.enqueue_dma source(%arg12 : memref<10000xf32, #tpu.memory_space<vmem>>) target(%dma_start3A_644 : memref<10000xf32, #tpu.memory_space<hbm>>) target_semaphore(%run_scoped3A : memref<!tpu.dma_semaphore, #tpu.memory_space<semaphore_mem>>)
      %dma_wait3A = tpu.memref_slice %arg5[%add3A_643] : memref<6400000xf32, #tpu.memory_space<hbm>> -> memref<10000xf32, #tpu.memory_space<hbm>>
      %dma_wait3A_645 = tpu.memref_slice %arg5[%add3A_643] : memref<6400000xf32, #tpu.memory_space<hbm>> -> memref<10000xf32, #tpu.memory_space<hbm>>
      tpu.wait_dma2 semaphore(%run_scoped3A : memref<!tpu.dma_semaphore, #tpu.memory_space<semaphore_mem>>) src(%arg12 : memref<10000xf32, #tpu.memory_space<vmem>>) dst(%dma_wait3A_645 : memref<10000xf32, #tpu.memory_space<hbm>>)
      tpu.yield
    }) : () -> ()
    return
  }
}

module attributes {stable_mosaic.version = 14 : i64} {
  func.func @_stats_body(%arg0: memref<16384x2xf32, #tpu.memory_space<vmem>>, %arg1: memref<16384x2xf32, #tpu.memory_space<vmem>>, %arg2: memref<1x4xf32, #tpu.memory_space<vmem>>, %arg3: memref<4x4xf32, #tpu.memory_space<vmem>>, %arg4: memref<16384xi32, #tpu.memory_space<vmem>>, %arg5: memref<16384xi32, #tpu.memory_space<vmem>>) attributes {dimension_semantics = [], scalar_prefetch = 0 : i64, scratch_operands = 0 : i64, tpu.core_type = #tpu.core_type<tc>} {
    %get3A = arith.constant 0 : index
    %get3A_0 = arith.constant 0 : index
    %get3A_1 = vector.load %arg0[%get3A, %get3A_0] : memref<16384x2xf32, #tpu.memory_space<vmem>>, vector<16384x2xf32>
    %get3A_2 = arith.constant 0 : index
    %get3A_3 = arith.constant 0 : index
    %get3A_4 = vector.load %arg1[%get3A_2, %get3A_3] : memref<16384x2xf32, #tpu.memory_space<vmem>>, vector<16384x2xf32>
    %concatenate3A = tpu.concatenate %get3A_1, %get3A_4 in 1 : vector<16384x2xf32>, vector<16384x2xf32> -> vector<16384x4xf32>
    %reduce_sum3A = arith.constant dense<0.000000e+00> : vector<4xf32>
    %reduce_sum3A_5 = vector.multi_reduction <add>, %concatenate3A, %reduce_sum3A [0] : vector<16384x4xf32> to vector<4xf32>
    %broadcast_in_dim3A = vector.shape_cast %reduce_sum3A_5 : vector<4xf32> to vector<1x4xf32>
    %mul3A = arith.constant 6.10351563E-5 : f32
    %mul3A_6 = vector.broadcast %mul3A : f32 to vector<1x4xf32>
    %mul3A_7 = arith.mulf %broadcast_in_dim3A, %mul3A_6 : vector<1x4xf32>
    %sub3A = vector.broadcast %mul3A_7 : vector<1x4xf32> to vector<16384x4xf32>
    %sub3A_8 = arith.subf %concatenate3A, %sub3A : vector<16384x4xf32>
    %dot_general3A = arith.constant dense<0.000000e+00> : vector<4x4xf32>
    %dot_general3A_9 = tpu.matmul %sub3A_8, %sub3A_8, %dot_general3A {dimension_numbers = #tpu.dot_dimension_numbers<[0], [0], [1], [1], [0, 1, 1, 1], [], []>, precision = #tpu.contract_precision<fp32>, transpose_lhs_hint = false} : vector<16384x4xf32>, vector<16384x4xf32>, vector<4x4xf32> -> vector<4x4xf32>
    %swap3A = arith.constant 0 : index
    %swap3A_10 = arith.constant 0 : index
    %swap3A_11 = vector.load %arg2[%swap3A, %swap3A_10] : memref<1x4xf32, #tpu.memory_space<vmem>>, vector<1x4xf32>
    tpu.vector_store %arg2[%swap3A, %swap3A_10], %mul3A_7 {strides = array<i32>} : memref<1x4xf32, #tpu.memory_space<vmem>>, vector<1x4xf32>,
    %swap3A_12 = arith.constant 0 : index
    %swap3A_13 = arith.constant 0 : index
    %swap3A_14 = vector.load %arg3[%swap3A_12, %swap3A_13] : memref<4x4xf32, #tpu.memory_space<vmem>>, vector<4x4xf32>
    tpu.vector_store %arg3[%swap3A_12, %swap3A_13], %dot_general3A_9 {strides = array<i32>} : memref<4x4xf32, #tpu.memory_space<vmem>>, vector<4x4xf32>,
    %reduce_min3A = vector.shape_cast %get3A_1 : vector<16384x2xf32> to vector<1x16384x2xf32>
    %reduce_min3A_15 = arith.constant dense<0x7F800000> : vector<1xf32>
    %reduce_min3A_16 = vector.multi_reduction <minimumf>, %reduce_min3A, %reduce_min3A_15 [1, 2] : vector<1x16384x2xf32> to vector<1xf32>
    %reduce_min3A_17 = vector.shape_cast %reduce_min3A_16 : vector<1xf32> to vector<1x1x1xf32>
    %reduce_min3A_18 = vector.extract %reduce_min3A_17[0, 0, 0] : f32 from vector<1x1x1xf32>
    %reduce_max3A = vector.shape_cast %get3A_1 : vector<16384x2xf32> to vector<1x16384x2xf32>
    %reduce_max3A_19 = arith.constant dense<0xFF800000> : vector<1xf32>
    %reduce_max3A_20 = vector.multi_reduction <maximumf>, %reduce_max3A, %reduce_max3A_19 [1, 2] : vector<1x16384x2xf32> to vector<1xf32>
    %reduce_max3A_21 = vector.shape_cast %reduce_max3A_20 : vector<1xf32> to vector<1x1x1xf32>
    %reduce_max3A_22 = vector.extract %reduce_max3A_21[0, 0, 0] : f32 from vector<1x1x1xf32>
    %sub3A_23 = vector.broadcast %reduce_min3A_18 : f32 to vector<16384x2xf32>
    %sub3A_24 = arith.subf %get3A_1, %sub3A_23 : vector<16384x2xf32>
    %sub3A_25 = arith.subf %reduce_max3A_22, %reduce_min3A_18 : f32
    %div3A = vector.broadcast %sub3A_25 : f32 to vector<16384x2xf32>
    %div3A_26 = arith.divf %sub3A_24, %div3A : vector<16384x2xf32>
    %mul3A_27 = arith.constant 5.000000e+01 : f32
    %mul3A_28 = vector.broadcast %mul3A_27 : f32 to vector<16384x2xf32>
    %mul3A_29 = arith.mulf %div3A_26, %mul3A_28 : vector<16384x2xf32>
    %floor3A = math.floor %mul3A_29 : vector<16384x2xf32>
    %convert_element_type3A = arith.fptosi %floor3A : vector<16384x2xf32> to vector<16384x2xi32>
    %jit3A = arith.constant 0 : i32
    %jit3A_30 = arith.constant 49 : i32
    %max3A = vector.broadcast %jit3A : i32 to vector<16384x2xi32>
    %max3A_31 = arith.maxsi %max3A, %convert_element_type3A : vector<16384x2xi32>
    %min3A = vector.broadcast %jit3A_30 : i32 to vector<16384x2xi32>
    %min3A_32 = arith.minsi %min3A, %max3A_31 : vector<16384x2xi32>
    %slice3A = vector.extract_strided_slice %min3A_32 {offsets = [0, 0], sizes = [16384, 1], strides = [1, 1]} : vector<16384x2xi32> to vector<16384x1xi32>
    %squeeze3A = vector.shape_cast %slice3A : vector<16384x1xi32> to vector<16384xi32>
    %mul3A_33 = arith.constant 50 : i32
    %mul3A_34 = vector.broadcast %mul3A_33 : i32 to vector<16384xi32>
    %mul3A_35 = arith.muli %squeeze3A, %mul3A_34 : vector<16384xi32>
    %slice3A_36 = vector.extract_strided_slice %min3A_32 {offsets = [0, 1], sizes = [16384, 1], strides = [1, 1]} : vector<16384x2xi32> to vector<16384x1xi32>
    %squeeze3A_37 = vector.shape_cast %slice3A_36 : vector<16384x1xi32> to vector<16384xi32>
    %add3A = arith.addi %mul3A_35, %squeeze3A_37 : vector<16384xi32>
    %swap3A_38 = arith.constant 0 : index
    %swap3A_39 = vector.load %arg4[%swap3A_38] : memref<16384xi32, #tpu.memory_space<vmem>>, vector<16384xi32>
    tpu.vector_store %arg4[%swap3A_38], %add3A {strides = array<i32>} : memref<16384xi32, #tpu.memory_space<vmem>>, vector<16384xi32>,
    %reduce_min3A_40 = vector.shape_cast %get3A_4 : vector<16384x2xf32> to vector<1x16384x2xf32>
    %reduce_min3A_41 = arith.constant dense<0x7F800000> : vector<1xf32>
    %reduce_min3A_42 = vector.multi_reduction <minimumf>, %reduce_min3A_40, %reduce_min3A_41 [1, 2] : vector<1x16384x2xf32> to vector<1xf32>
    %reduce_min3A_43 = vector.shape_cast %reduce_min3A_42 : vector<1xf32> to vector<1x1x1xf32>
    %reduce_min3A_44 = vector.extract %reduce_min3A_43[0, 0, 0] : f32 from vector<1x1x1xf32>
    %reduce_max3A_45 = vector.shape_cast %get3A_4 : vector<16384x2xf32> to vector<1x16384x2xf32>
    %reduce_max3A_46 = arith.constant dense<0xFF800000> : vector<1xf32>
    %reduce_max3A_47 = vector.multi_reduction <maximumf>, %reduce_max3A_45, %reduce_max3A_46 [1, 2] : vector<1x16384x2xf32> to vector<1xf32>
    %reduce_max3A_48 = vector.shape_cast %reduce_max3A_47 : vector<1xf32> to vector<1x1x1xf32>
    %reduce_max3A_49 = vector.extract %reduce_max3A_48[0, 0, 0] : f32 from vector<1x1x1xf32>
    %sub3A_50 = vector.broadcast %reduce_min3A_44 : f32 to vector<16384x2xf32>
    %sub3A_51 = arith.subf %get3A_4, %sub3A_50 : vector<16384x2xf32>
    %sub3A_52 = arith.subf %reduce_max3A_49, %reduce_min3A_44 : f32
    %div3A_53 = vector.broadcast %sub3A_52 : f32 to vector<16384x2xf32>
    %div3A_54 = arith.divf %sub3A_51, %div3A_53 : vector<16384x2xf32>
    %mul3A_55 = arith.constant 5.000000e+01 : f32
    %mul3A_56 = vector.broadcast %mul3A_55 : f32 to vector<16384x2xf32>
    %mul3A_57 = arith.mulf %div3A_54, %mul3A_56 : vector<16384x2xf32>
    %floor3A_58 = math.floor %mul3A_57 : vector<16384x2xf32>
    %convert_element_type3A_59 = arith.fptosi %floor3A_58 : vector<16384x2xf32> to vector<16384x2xi32>
    %jit3A_60 = arith.constant 0 : i32
    %jit3A_61 = arith.constant 49 : i32
    %max3A_62 = vector.broadcast %jit3A_60 : i32 to vector<16384x2xi32>
    %max3A_63 = arith.maxsi %max3A_62, %convert_element_type3A_59 : vector<16384x2xi32>
    %min3A_64 = vector.broadcast %jit3A_61 : i32 to vector<16384x2xi32>
    %min3A_65 = arith.minsi %min3A_64, %max3A_63 : vector<16384x2xi32>
    %slice3A_66 = vector.extract_strided_slice %min3A_65 {offsets = [0, 0], sizes = [16384, 1], strides = [1, 1]} : vector<16384x2xi32> to vector<16384x1xi32>
    %squeeze3A_67 = vector.shape_cast %slice3A_66 : vector<16384x1xi32> to vector<16384xi32>
    %mul3A_68 = arith.constant 50 : i32
    %mul3A_69 = vector.broadcast %mul3A_68 : i32 to vector<16384xi32>
    %mul3A_70 = arith.muli %squeeze3A_67, %mul3A_69 : vector<16384xi32>
    %slice3A_71 = vector.extract_strided_slice %min3A_65 {offsets = [0, 1], sizes = [16384, 1], strides = [1, 1]} : vector<16384x2xi32> to vector<16384x1xi32>
    %squeeze3A_72 = vector.shape_cast %slice3A_71 : vector<16384x1xi32> to vector<16384xi32>
    %add3A_73 = arith.addi %mul3A_70, %squeeze3A_72 : vector<16384xi32>
    %swap3A_74 = arith.constant 0 : index
    %swap3A_75 = vector.load %arg5[%swap3A_74] : memref<16384xi32, #tpu.memory_space<vmem>>, vector<16384xi32>
    tpu.vector_store %arg5[%swap3A_74], %add3A_73 {strides = array<i32>} : memref<16384xi32, #tpu.memory_space<vmem>>, vector<16384xi32>,
    return
  }
}

module attributes {stable_mosaic.version = 14 : i64} {
  func.func @_minmax_body(%arg0: i32, %arg1: memref<4x1024x128xf32, #tpu.memory_space<vmem>>, %arg2: memref<1x4xf32, #tpu.memory_space<vmem>>, %arg3: memref<4x4xf32, #tpu.memory_space<vmem>>, %arg4: memref<1x1xf32, #tpu.memory_space<vmem>>, %arg5: memref<1x1xf32, #tpu.memory_space<vmem>>) attributes {dimension_semantics = [#tpu.dimension_semantics<arbitrary>], iteration_bounds = array<i64: 8>, scalar_prefetch = 0 : i64, scratch_operands = 0 : i64, tpu.core_type = #tpu.core_type<tc>, window_params = [{transform_indices = @transform_0, window_bounds = array<i64: 4, 1024, 128>}, {pipeline_mode = #tpu.pipeline_mode<synchronous>, transform_indices = @transform_1, window_bounds = array<i64: 1, 4>}, {pipeline_mode = #tpu.pipeline_mode<synchronous>, transform_indices = @transform_2, window_bounds = array<i64: 4, 4>}, {pipeline_mode = #tpu.pipeline_mode<synchronous>, transform_indices = @transform_3, window_bounds = array<i64: 1, 1>}, {pipeline_mode = #tpu.pipeline_mode<synchronous>, transform_indices = @transform_4, window_bounds = array<i64: 1, 1>}]} {
    %get3A = arith.constant 0 : index
    %get3A_0 = arith.constant 0 : index
    %get3A_1 = arith.constant 0 : index
    %get3A_2 = vector.load %arg1[%get3A, %get3A_0, %get3A_1] : memref<4x1024x128xf32, #tpu.memory_space<vmem>>, vector<1x1024x128xf32>
    %get3A_3 = vector.shape_cast %get3A_2 : vector<1x1024x128xf32> to vector<1024x128xf32>
    %get3A_4 = arith.constant 0 : index
    %get3A_5 = arith.constant 0 : index
    %get3A_6 = vector.load %arg3[%get3A_4, %get3A_5] : memref<4x4xf32, #tpu.memory_space<vmem>>, vector<1x1xf32>
    %get3A_7 = vector.extract %get3A_6[0, 0] : f32 from vector<1x1xf32>
    %mul3A = vector.broadcast %get3A_7 : f32 to vector<1024x128xf32>
    %mul3A_8 = arith.mulf %get3A_3, %mul3A : vector<1024x128xf32>
    %get3A_9 = arith.constant 1 : index
    %get3A_10 = arith.constant 0 : index
    %get3A_11 = arith.constant 0 : index
    %get3A_12 = vector.load %arg1[%get3A_9, %get3A_10, %get3A_11] : memref<4x1024x128xf32, #tpu.memory_space<vmem>>, vector<1x1024x128xf32>
    %get3A_13 = vector.shape_cast %get3A_12 : vector<1x1024x128xf32> to vector<1024x128xf32>
    %get3A_14 = arith.constant 1 : index
    %get3A_15 = arith.constant 0 : index
    %get3A_16 = vector.load %arg3[%get3A_14, %get3A_15] : memref<4x4xf32, #tpu.memory_space<vmem>>, vector<1x1xf32>
    %get3A_17 = vector.extract %get3A_16[0, 0] : f32 from vector<1x1xf32>
    %mul3A_18 = vector.broadcast %get3A_17 : f32 to vector<1024x128xf32>
    %mul3A_19 = arith.mulf %get3A_13, %mul3A_18 : vector<1024x128xf32>
    %add3A = arith.addf %mul3A_8, %mul3A_19 : vector<1024x128xf32>
    %get3A_20 = arith.constant 2 : index
    %get3A_21 = arith.constant 0 : index
    %get3A_22 = arith.constant 0 : index
    %get3A_23 = vector.load %arg1[%get3A_20, %get3A_21, %get3A_22] : memref<4x1024x128xf32, #tpu.memory_space<vmem>>, vector<1x1024x128xf32>
    %get3A_24 = vector.shape_cast %get3A_23 : vector<1x1024x128xf32> to vector<1024x128xf32>
    %get3A_25 = arith.constant 2 : index
    %get3A_26 = arith.constant 0 : index
    %get3A_27 = vector.load %arg3[%get3A_25, %get3A_26] : memref<4x4xf32, #tpu.memory_space<vmem>>, vector<1x1xf32>
    %get3A_28 = vector.extract %get3A_27[0, 0] : f32 from vector<1x1xf32>
    %mul3A_29 = vector.broadcast %get3A_28 : f32 to vector<1024x128xf32>
    %mul3A_30 = arith.mulf %get3A_24, %mul3A_29 : vector<1024x128xf32>
    %add3A_31 = arith.addf %add3A, %mul3A_30 : vector<1024x128xf32>
    %get3A_32 = arith.constant 3 : index
    %get3A_33 = arith.constant 0 : index
    %get3A_34 = arith.constant 0 : index
    %get3A_35 = vector.load %arg1[%get3A_32, %get3A_33, %get3A_34] : memref<4x1024x128xf32, #tpu.memory_space<vmem>>, vector<1x1024x128xf32>
    %get3A_36 = vector.shape_cast %get3A_35 : vector<1x1024x128xf32> to vector<1024x128xf32>
    %get3A_37 = arith.constant 3 : index
    %get3A_38 = arith.constant 0 : index
    %get3A_39 = vector.load %arg3[%get3A_37, %get3A_38] : memref<4x4xf32, #tpu.memory_space<vmem>>, vector<1x1xf32>
    %get3A_40 = vector.extract %get3A_39[0, 0] : f32 from vector<1x1xf32>
    %mul3A_41 = vector.broadcast %get3A_40 : f32 to vector<1024x128xf32>
    %mul3A_42 = arith.mulf %get3A_36, %mul3A_41 : vector<1024x128xf32>
    %add3A_43 = arith.addf %add3A_31, %mul3A_42 : vector<1024x128xf32>
    %get3A_44 = arith.constant 0 : index
    %get3A_45 = arith.constant 0 : index
    %get3A_46 = vector.load %arg2[%get3A_44, %get3A_45] : memref<1x4xf32, #tpu.memory_space<vmem>>, vector<1x1xf32>
    %get3A_47 = vector.extract %get3A_46[0, 0] : f32 from vector<1x1xf32>
    %add3A_48 = vector.broadcast %get3A_47 : f32 to vector<1024x128xf32>
    %add3A_49 = arith.addf %add3A_43, %add3A_48 : vector<1024x128xf32>
    %reduce_min3A = vector.shape_cast %add3A_49 : vector<1024x128xf32> to vector<1x1024x128xf32>
    %reduce_min3A_50 = arith.constant dense<0x7F800000> : vector<1xf32>
    %reduce_min3A_51 = vector.multi_reduction <minimumf>, %reduce_min3A, %reduce_min3A_50 [1, 2] : vector<1x1024x128xf32> to vector<1xf32>
    %reduce_min3A_52 = vector.shape_cast %reduce_min3A_51 : vector<1xf32> to vector<1x1x1xf32>
    %reduce_min3A_53 = vector.extract %reduce_min3A_52[0, 0, 0] : f32 from vector<1x1x1xf32>
    %min3A = arith.constant 0x7F800000 : f32
    %min3A_54 = arith.minimumf %min3A, %reduce_min3A_53 : f32
    %reduce_max3A = vector.shape_cast %add3A_49 : vector<1024x128xf32> to vector<1x1024x128xf32>
    %reduce_max3A_55 = arith.constant dense<0xFF800000> : vector<1xf32>
    %reduce_max3A_56 = vector.multi_reduction <maximumf>, %reduce_max3A, %reduce_max3A_55 [1, 2] : vector<1x1024x128xf32> to vector<1xf32>
    %reduce_max3A_57 = vector.shape_cast %reduce_max3A_56 : vector<1xf32> to vector<1x1x1xf32>
    %reduce_max3A_58 = vector.extract %reduce_max3A_57[0, 0, 0] : f32 from vector<1x1x1xf32>
    %max3A = arith.constant 0xFF800000 : f32
    %max3A_59 = arith.maximumf %max3A, %reduce_max3A_58 : f32
    %get3A_60 = arith.constant 0 : index
    %get3A_61 = arith.constant 0 : index
    %get3A_62 = arith.constant 0 : index
    %get3A_63 = vector.load %arg1[%get3A_60, %get3A_61, %get3A_62] : memref<4x1024x128xf32, #tpu.memory_space<vmem>>, vector<1x1024x128xf32>
    %get3A_64 = vector.shape_cast %get3A_63 : vector<1x1024x128xf32> to vector<1024x128xf32>
    %get3A_65 = arith.constant 0 : index
    %get3A_66 = arith.constant 1 : index
    %get3A_67 = vector.load %arg3[%get3A_65, %get3A_66] : memref<4x4xf32, #tpu.memory_space<vmem>>, vector<1x1xf32>
    %get3A_68 = vector.extract %get3A_67[0, 0] : f32 from vector<1x1xf32>
    %mul3A_69 = vector.broadcast %get3A_68 : f32 to vector<1024x128xf32>
    %mul3A_70 = arith.mulf %get3A_64, %mul3A_69 : vector<1024x128xf32>
    %get3A_71 = arith.constant 1 : index
    %get3A_72 = arith.constant 0 : index
    %get3A_73 = arith.constant 0 : index
    %get3A_74 = vector.load %arg1[%get3A_71, %get3A_72, %get3A_73] : memref<4x1024x128xf32, #tpu.memory_space<vmem>>, vector<1x1024x128xf32>
    %get3A_75 = vector.shape_cast %get3A_74 : vector<1x1024x128xf32> to vector<1024x128xf32>
    %get3A_76 = arith.constant 1 : index
    %get3A_77 = arith.constant 1 : index
    %get3A_78 = vector.load %arg3[%get3A_76, %get3A_77] : memref<4x4xf32, #tpu.memory_space<vmem>>, vector<1x1xf32>
    %get3A_79 = vector.extract %get3A_78[0, 0] : f32 from vector<1x1xf32>
    %mul3A_80 = vector.broadcast %get3A_79 : f32 to vector<1024x128xf32>
    %mul3A_81 = arith.mulf %get3A_75, %mul3A_80 : vector<1024x128xf32>
    %add3A_82 = arith.addf %mul3A_70, %mul3A_81 : vector<1024x128xf32>
    %get3A_83 = arith.constant 2 : index
    %get3A_84 = arith.constant 0 : index
    %get3A_85 = arith.constant 0 : index
    %get3A_86 = vector.load %arg1[%get3A_83, %get3A_84, %get3A_85] : memref<4x1024x128xf32, #tpu.memory_space<vmem>>, vector<1x1024x128xf32>
    %get3A_87 = vector.shape_cast %get3A_86 : vector<1x1024x128xf32> to vector<1024x128xf32>
    %get3A_88 = arith.constant 2 : index
    %get3A_89 = arith.constant 1 : index
    %get3A_90 = vector.load %arg3[%get3A_88, %get3A_89] : memref<4x4xf32, #tpu.memory_space<vmem>>, vector<1x1xf32>
    %get3A_91 = vector.extract %get3A_90[0, 0] : f32 from vector<1x1xf32>
    %mul3A_92 = vector.broadcast %get3A_91 : f32 to vector<1024x128xf32>
    %mul3A_93 = arith.mulf %get3A_87, %mul3A_92 : vector<1024x128xf32>
    %add3A_94 = arith.addf %add3A_82, %mul3A_93 : vector<1024x128xf32>
    %get3A_95 = arith.constant 3 : index
    %get3A_96 = arith.constant 0 : index
    %get3A_97 = arith.constant 0 : index
    %get3A_98 = vector.load %arg1[%get3A_95, %get3A_96, %get3A_97] : memref<4x1024x128xf32, #tpu.memory_space<vmem>>, vector<1x1024x128xf32>
    %get3A_99 = vector.shape_cast %get3A_98 : vector<1x1024x128xf32> to vector<1024x128xf32>
    %get3A_100 = arith.constant 3 : index
    %get3A_101 = arith.constant 1 : index
    %get3A_102 = vector.load %arg3[%get3A_100, %get3A_101] : memref<4x4xf32, #tpu.memory_space<vmem>>, vector<1x1xf32>
    %get3A_103 = vector.extract %get3A_102[0, 0] : f32 from vector<1x1xf32>
    %mul3A_104 = vector.broadcast %get3A_103 : f32 to vector<1024x128xf32>
    %mul3A_105 = arith.mulf %get3A_99, %mul3A_104 : vector<1024x128xf32>
    %add3A_106 = arith.addf %add3A_94, %mul3A_105 : vector<1024x128xf32>
    %get3A_107 = arith.constant 0 : index
    %get3A_108 = arith.constant 1 : index
    %get3A_109 = vector.load %arg2[%get3A_107, %get3A_108] : memref<1x4xf32, #tpu.memory_space<vmem>>, vector<1x1xf32>
    %get3A_110 = vector.extract %get3A_109[0, 0] : f32 from vector<1x1xf32>
    %add3A_111 = vector.broadcast %get3A_110 : f32 to vector<1024x128xf32>
    %add3A_112 = arith.addf %add3A_106, %add3A_111 : vector<1024x128xf32>
    %reduce_min3A_113 = vector.shape_cast %add3A_112 : vector<1024x128xf32> to vector<1x1024x128xf32>
    %reduce_min3A_114 = arith.constant dense<0x7F800000> : vector<1xf32>
    %reduce_min3A_115 = vector.multi_reduction <minimumf>, %reduce_min3A_113, %reduce_min3A_114 [1, 2] : vector<1x1024x128xf32> to vector<1xf32>
    %reduce_min3A_116 = vector.shape_cast %reduce_min3A_115 : vector<1xf32> to vector<1x1x1xf32>
    %reduce_min3A_117 = vector.extract %reduce_min3A_116[0, 0, 0] : f32 from vector<1x1x1xf32>
    %min3A_118 = arith.minimumf %min3A_54, %reduce_min3A_117 : f32
    %reduce_max3A_119 = vector.shape_cast %add3A_112 : vector<1024x128xf32> to vector<1x1024x128xf32>
    %reduce_max3A_120 = arith.constant dense<0xFF800000> : vector<1xf32>
    %reduce_max3A_121 = vector.multi_reduction <maximumf>, %reduce_max3A_119, %reduce_max3A_120 [1, 2] : vector<1x1024x128xf32> to vector<1xf32>
    %reduce_max3A_122 = vector.shape_cast %reduce_max3A_121 : vector<1xf32> to vector<1x1x1xf32>
    %reduce_max3A_123 = vector.extract %reduce_max3A_122[0, 0, 0] : f32 from vector<1x1x1xf32>
    %max3A_124 = arith.maximumf %max3A_59, %reduce_max3A_123 : f32
    %get3A_125 = arith.constant 0 : index
    %get3A_126 = arith.constant 0 : index
    %get3A_127 = arith.constant 0 : index
    %get3A_128 = vector.load %arg1[%get3A_125, %get3A_126, %get3A_127] : memref<4x1024x128xf32, #tpu.memory_space<vmem>>, vector<1x1024x128xf32>
    %get3A_129 = vector.shape_cast %get3A_128 : vector<1x1024x128xf32> to vector<1024x128xf32>
    %get3A_130 = arith.constant 0 : index
    %get3A_131 = arith.constant 2 : index
    %get3A_132 = vector.load %arg3[%get3A_130, %get3A_131] : memref<4x4xf32, #tpu.memory_space<vmem>>, vector<1x1xf32>
    %get3A_133 = vector.extract %get3A_132[0, 0] : f32 from vector<1x1xf32>
    %mul3A_134 = vector.broadcast %get3A_133 : f32 to vector<1024x128xf32>
    %mul3A_135 = arith.mulf %get3A_129, %mul3A_134 : vector<1024x128xf32>
    %get3A_136 = arith.constant 1 : index
    %get3A_137 = arith.constant 0 : index
    %get3A_138 = arith.constant 0 : index
    %get3A_139 = vector.load %arg1[%get3A_136, %get3A_137, %get3A_138] : memref<4x1024x128xf32, #tpu.memory_space<vmem>>, vector<1x1024x128xf32>
    %get3A_140 = vector.shape_cast %get3A_139 : vector<1x1024x128xf32> to vector<1024x128xf32>
    %get3A_141 = arith.constant 1 : index
    %get3A_142 = arith.constant 2 : index
    %get3A_143 = vector.load %arg3[%get3A_141, %get3A_142] : memref<4x4xf32, #tpu.memory_space<vmem>>, vector<1x1xf32>
    %get3A_144 = vector.extract %get3A_143[0, 0] : f32 from vector<1x1xf32>
    %mul3A_145 = vector.broadcast %get3A_144 : f32 to vector<1024x128xf32>
    %mul3A_146 = arith.mulf %get3A_140, %mul3A_145 : vector<1024x128xf32>
    %add3A_147 = arith.addf %mul3A_135, %mul3A_146 : vector<1024x128xf32>
    %get3A_148 = arith.constant 2 : index
    %get3A_149 = arith.constant 0 : index
    %get3A_150 = arith.constant 0 : index
    %get3A_151 = vector.load %arg1[%get3A_148, %get3A_149, %get3A_150] : memref<4x1024x128xf32, #tpu.memory_space<vmem>>, vector<1x1024x128xf32>
    %get3A_152 = vector.shape_cast %get3A_151 : vector<1x1024x128xf32> to vector<1024x128xf32>
    %get3A_153 = arith.constant 2 : index
    %get3A_154 = arith.constant 2 : index
    %get3A_155 = vector.load %arg3[%get3A_153, %get3A_154] : memref<4x4xf32, #tpu.memory_space<vmem>>, vector<1x1xf32>
    %get3A_156 = vector.extract %get3A_155[0, 0] : f32 from vector<1x1xf32>
    %mul3A_157 = vector.broadcast %get3A_156 : f32 to vector<1024x128xf32>
    %mul3A_158 = arith.mulf %get3A_152, %mul3A_157 : vector<1024x128xf32>
    %add3A_159 = arith.addf %add3A_147, %mul3A_158 : vector<1024x128xf32>
    %get3A_160 = arith.constant 3 : index
    %get3A_161 = arith.constant 0 : index
    %get3A_162 = arith.constant 0 : index
    %get3A_163 = vector.load %arg1[%get3A_160, %get3A_161, %get3A_162] : memref<4x1024x128xf32, #tpu.memory_space<vmem>>, vector<1x1024x128xf32>
    %get3A_164 = vector.shape_cast %get3A_163 : vector<1x1024x128xf32> to vector<1024x128xf32>
    %get3A_165 = arith.constant 3 : index
    %get3A_166 = arith.constant 2 : index
    %get3A_167 = vector.load %arg3[%get3A_165, %get3A_166] : memref<4x4xf32, #tpu.memory_space<vmem>>, vector<1x1xf32>
    %get3A_168 = vector.extract %get3A_167[0, 0] : f32 from vector<1x1xf32>
    %mul3A_169 = vector.broadcast %get3A_168 : f32 to vector<1024x128xf32>
    %mul3A_170 = arith.mulf %get3A_164, %mul3A_169 : vector<1024x128xf32>
    %add3A_171 = arith.addf %add3A_159, %mul3A_170 : vector<1024x128xf32>
    %get3A_172 = arith.constant 0 : index
    %get3A_173 = arith.constant 2 : index
    %get3A_174 = vector.load %arg2[%get3A_172, %get3A_173] : memref<1x4xf32, #tpu.memory_space<vmem>>, vector<1x1xf32>
    %get3A_175 = vector.extract %get3A_174[0, 0] : f32 from vector<1x1xf32>
    %add3A_176 = vector.broadcast %get3A_175 : f32 to vector<1024x128xf32>
    %add3A_177 = arith.addf %add3A_171, %add3A_176 : vector<1024x128xf32>
    %reduce_min3A_178 = vector.shape_cast %add3A_177 : vector<1024x128xf32> to vector<1x1024x128xf32>
    %reduce_min3A_179 = arith.constant dense<0x7F800000> : vector<1xf32>
    %reduce_min3A_180 = vector.multi_reduction <minimumf>, %reduce_min3A_178, %reduce_min3A_179 [1, 2] : vector<1x1024x128xf32> to vector<1xf32>
    %reduce_min3A_181 = vector.shape_cast %reduce_min3A_180 : vector<1xf32> to vector<1x1x1xf32>
    %reduce_min3A_182 = vector.extract %reduce_min3A_181[0, 0, 0] : f32 from vector<1x1x1xf32>
    %min3A_183 = arith.minimumf %min3A_118, %reduce_min3A_182 : f32
    %reduce_max3A_184 = vector.shape_cast %add3A_177 : vector<1024x128xf32> to vector<1x1024x128xf32>
    %reduce_max3A_185 = arith.constant dense<0xFF800000> : vector<1xf32>
    %reduce_max3A_186 = vector.multi_reduction <maximumf>, %reduce_max3A_184, %reduce_max3A_185 [1, 2] : vector<1x1024x128xf32> to vector<1xf32>
    %reduce_max3A_187 = vector.shape_cast %reduce_max3A_186 : vector<1xf32> to vector<1x1x1xf32>
    %reduce_max3A_188 = vector.extract %reduce_max3A_187[0, 0, 0] : f32 from vector<1x1x1xf32>
    %max3A_189 = arith.maximumf %max3A_124, %reduce_max3A_188 : f32
    %get3A_190 = arith.constant 0 : index
    %get3A_191 = arith.constant 0 : index
    %get3A_192 = arith.constant 0 : index
    %get3A_193 = vector.load %arg1[%get3A_190, %get3A_191, %get3A_192] : memref<4x1024x128xf32, #tpu.memory_space<vmem>>, vector<1x1024x128xf32>
    %get3A_194 = vector.shape_cast %get3A_193 : vector<1x1024x128xf32> to vector<1024x128xf32>
    %get3A_195 = arith.constant 0 : index
    %get3A_196 = arith.constant 3 : index
    %get3A_197 = vector.load %arg3[%get3A_195, %get3A_196] : memref<4x4xf32, #tpu.memory_space<vmem>>, vector<1x1xf32>
    %get3A_198 = vector.extract %get3A_197[0, 0] : f32 from vector<1x1xf32>
    %mul3A_199 = vector.broadcast %get3A_198 : f32 to vector<1024x128xf32>
    %mul3A_200 = arith.mulf %get3A_194, %mul3A_199 : vector<1024x128xf32>
    %get3A_201 = arith.constant 1 : index
    %get3A_202 = arith.constant 0 : index
    %get3A_203 = arith.constant 0 : index
    %get3A_204 = vector.load %arg1[%get3A_201, %get3A_202, %get3A_203] : memref<4x1024x128xf32, #tpu.memory_space<vmem>>, vector<1x1024x128xf32>
    %get3A_205 = vector.shape_cast %get3A_204 : vector<1x1024x128xf32> to vector<1024x128xf32>
    %get3A_206 = arith.constant 1 : index
    %get3A_207 = arith.constant 3 : index
    %get3A_208 = vector.load %arg3[%get3A_206, %get3A_207] : memref<4x4xf32, #tpu.memory_space<vmem>>, vector<1x1xf32>
    %get3A_209 = vector.extract %get3A_208[0, 0] : f32 from vector<1x1xf32>
    %mul3A_210 = vector.broadcast %get3A_209 : f32 to vector<1024x128xf32>
    %mul3A_211 = arith.mulf %get3A_205, %mul3A_210 : vector<1024x128xf32>
    %add3A_212 = arith.addf %mul3A_200, %mul3A_211 : vector<1024x128xf32>
    %get3A_213 = arith.constant 2 : index
    %get3A_214 = arith.constant 0 : index
    %get3A_215 = arith.constant 0 : index
    %get3A_216 = vector.load %arg1[%get3A_213, %get3A_214, %get3A_215] : memref<4x1024x128xf32, #tpu.memory_space<vmem>>, vector<1x1024x128xf32>
    %get3A_217 = vector.shape_cast %get3A_216 : vector<1x1024x128xf32> to vector<1024x128xf32>
    %get3A_218 = arith.constant 2 : index
    %get3A_219 = arith.constant 3 : index
    %get3A_220 = vector.load %arg3[%get3A_218, %get3A_219] : memref<4x4xf32, #tpu.memory_space<vmem>>, vector<1x1xf32>
    %get3A_221 = vector.extract %get3A_220[0, 0] : f32 from vector<1x1xf32>
    %mul3A_222 = vector.broadcast %get3A_221 : f32 to vector<1024x128xf32>
    %mul3A_223 = arith.mulf %get3A_217, %mul3A_222 : vector<1024x128xf32>
    %add3A_224 = arith.addf %add3A_212, %mul3A_223 : vector<1024x128xf32>
    %get3A_225 = arith.constant 3 : index
    %get3A_226 = arith.constant 0 : index
    %get3A_227 = arith.constant 0 : index
    %get3A_228 = vector.load %arg1[%get3A_225, %get3A_226, %get3A_227] : memref<4x1024x128xf32, #tpu.memory_space<vmem>>, vector<1x1024x128xf32>
    %get3A_229 = vector.shape_cast %get3A_228 : vector<1x1024x128xf32> to vector<1024x128xf32>
    %get3A_230 = arith.constant 3 : index
    %get3A_231 = arith.constant 3 : index
    %get3A_232 = vector.load %arg3[%get3A_230, %get3A_231] : memref<4x4xf32, #tpu.memory_space<vmem>>, vector<1x1xf32>
    %get3A_233 = vector.extract %get3A_232[0, 0] : f32 from vector<1x1xf32>
    %mul3A_234 = vector.broadcast %get3A_233 : f32 to vector<1024x128xf32>
    %mul3A_235 = arith.mulf %get3A_229, %mul3A_234 : vector<1024x128xf32>
    %add3A_236 = arith.addf %add3A_224, %mul3A_235 : vector<1024x128xf32>
    %get3A_237 = arith.constant 0 : index
    %get3A_238 = arith.constant 3 : index
    %get3A_239 = vector.load %arg2[%get3A_237, %get3A_238] : memref<1x4xf32, #tpu.memory_space<vmem>>, vector<1x1xf32>
    %get3A_240 = vector.extract %get3A_239[0, 0] : f32 from vector<1x1xf32>
    %add3A_241 = vector.broadcast %get3A_240 : f32 to vector<1024x128xf32>
    %add3A_242 = arith.addf %add3A_236, %add3A_241 : vector<1024x128xf32>
    %reduce_min3A_243 = vector.shape_cast %add3A_242 : vector<1024x128xf32> to vector<1x1024x128xf32>
    %reduce_min3A_244 = arith.constant dense<0x7F800000> : vector<1xf32>
    %reduce_min3A_245 = vector.multi_reduction <minimumf>, %reduce_min3A_243, %reduce_min3A_244 [1, 2] : vector<1x1024x128xf32> to vector<1xf32>
    %reduce_min3A_246 = vector.shape_cast %reduce_min3A_245 : vector<1xf32> to vector<1x1x1xf32>
    %reduce_min3A_247 = vector.extract %reduce_min3A_246[0, 0, 0] : f32 from vector<1x1x1xf32>
    %min3A_248 = arith.minimumf %min3A_183, %reduce_min3A_247 : f32
    %reduce_max3A_249 = vector.shape_cast %add3A_242 : vector<1024x128xf32> to vector<1x1024x128xf32>
    %reduce_max3A_250 = arith.constant dense<0xFF800000> : vector<1xf32>
    %reduce_max3A_251 = vector.multi_reduction <maximumf>, %reduce_max3A_249, %reduce_max3A_250 [1, 2] : vector<1x1024x128xf32> to vector<1xf32>
    %reduce_max3A_252 = vector.shape_cast %reduce_max3A_251 : vector<1xf32> to vector<1x1x1xf32>
    %reduce_max3A_253 = vector.extract %reduce_max3A_252[0, 0, 0] : f32 from vector<1x1x1xf32>
    %max3A_254 = arith.maximumf %max3A_189, %reduce_max3A_253 : f32
    %reshape3A = vector.broadcast %min3A_248 : f32 to vector<1x1xf32>
    %reshape3A_255 = vector.broadcast %max3A_254 : f32 to vector<1x1xf32>
    %eq3A = arith.constant 0 : i32
    %eq3A_256 = arith.cmpi eq, %arg0, %eq3A : i32
    %convert_element_type3A = arith.extui %eq3A_256 : i1 to i32
    %cond3A = arith.constant 0 : i32
    %cond3A_257 = arith.cmpi ne, %convert_element_type3A, %cond3A : i32
    scf.if %cond3A_257 {
      %swap3A = arith.constant 0 : index
      %swap3A_262 = arith.constant 0 : index
      %swap3A_263 = vector.load %arg4[%swap3A, %swap3A_262] : memref<1x1xf32, #tpu.memory_space<vmem>>, vector<1x1xf32>
      tpu.vector_store %arg4[%swap3A, %swap3A_262], %reshape3A {strides = array<i32>} : memref<1x1xf32, #tpu.memory_space<vmem>>, vector<1x1xf32>,
      %swap3A_264 = arith.constant 0 : index
      %swap3A_265 = arith.constant 0 : index
      %swap3A_266 = vector.load %arg5[%swap3A_264, %swap3A_265] : memref<1x1xf32, #tpu.memory_space<vmem>>, vector<1x1xf32>
      tpu.vector_store %arg5[%swap3A_264, %swap3A_265], %reshape3A_255 {strides = array<i32>} : memref<1x1xf32, #tpu.memory_space<vmem>>, vector<1x1xf32>,
    } else {
    }
    %ne3A = arith.constant 0 : i32
    %ne3A_258 = arith.cmpi ne, %arg0, %ne3A : i32
    %convert_element_type3A_259 = arith.extui %ne3A_258 : i1 to i32
    %cond3A_260 = arith.constant 0 : i32
    %cond3A_261 = arith.cmpi ne, %convert_element_type3A_259, %cond3A_260 : i32
    scf.if %cond3A_261 {
      %get3A_262 = arith.constant 0 : index
      %get3A_263 = arith.constant 0 : index
      %get3A_264 = vector.load %arg4[%get3A_262, %get3A_263] : memref<1x1xf32, #tpu.memory_space<vmem>>, vector<1x1xf32>
      %min3A_265 = arith.minimumf %get3A_264, %reshape3A : vector<1x1xf32>
      %swap3A = arith.constant 0 : index
      %swap3A_266 = arith.constant 0 : index
      %swap3A_267 = vector.load %arg4[%swap3A, %swap3A_266] : memref<1x1xf32, #tpu.memory_space<vmem>>, vector<1x1xf32>
      tpu.vector_store %arg4[%swap3A, %swap3A_266], %min3A_265 {strides = array<i32>} : memref<1x1xf32, #tpu.memory_space<vmem>>, vector<1x1xf32>,
      %get3A_268 = arith.constant 0 : index
      %get3A_269 = arith.constant 0 : index
      %get3A_270 = vector.load %arg5[%get3A_268, %get3A_269] : memref<1x1xf32, #tpu.memory_space<vmem>>, vector<1x1xf32>
      %max3A_271 = arith.maximumf %get3A_270, %reshape3A_255 : vector<1x1xf32>
      %swap3A_272 = arith.constant 0 : index
      %swap3A_273 = arith.constant 0 : index
      %swap3A_274 = vector.load %arg5[%swap3A_272, %swap3A_273] : memref<1x1xf32, #tpu.memory_space<vmem>>, vector<1x1xf32>
      tpu.vector_store %arg5[%swap3A_272, %swap3A_273], %max3A_271 {strides = array<i32>} : memref<1x1xf32, #tpu.memory_space<vmem>>, vector<1x1xf32>,
    } else {
    }
    return
  }
  func.func @transform_0(%arg0: i32) -> (i32, i32, i32) {
    %c0_i32 = arith.constant 0 : i32
    %c0_i32_0 = arith.constant 0 : i32
    %c0_i32_1 = arith.constant 0 : i32
    return %c0_i32, %arg0, %c0_i32_0 : i32, i32, i32
  }
  func.func @transform_1(%arg0: i32) -> (i32, i32) {
    %c0_i32 = arith.constant 0 : i32
    %c0_i32_0 = arith.constant 0 : i32
    %c0_i32_1 = arith.constant 0 : i32
    return %c0_i32, %c0_i32_0 : i32, i32
  }
  func.func @transform_2(%arg0: i32) -> (i32, i32) {
    %c0_i32 = arith.constant 0 : i32
    %c0_i32_0 = arith.constant 0 : i32
    %c0_i32_1 = arith.constant 0 : i32
    return %c0_i32, %c0_i32_0 : i32, i32
  }
  func.func @transform_3(%arg0: i32) -> (i32, i32) {
    %c0_i32 = arith.constant 0 : i32
    %c0_i32_0 = arith.constant 0 : i32
    %c0_i32_1 = arith.constant 0 : i32
    return %c0_i32, %c0_i32_0 : i32, i32
  }
  func.func @transform_4(%arg0: i32) -> (i32, i32) {
    %c0_i32 = arith.constant 0 : i32
    %c0_i32_0 = arith.constant 0 : i32
    %c0_i32_1 = arith.constant 0 : i32
    return %c0_i32, %c0_i32_0 : i32, i32
  }
}

module attributes {stable_mosaic.version = 14 : i64} {
  func.func @_bin_body(%arg0: i32, %arg1: memref<4x1024x128xf32, #tpu.memory_space<vmem>>, %arg2: memref<1x4xf32, #tpu.memory_space<vmem>>, %arg3: memref<4x4xf32, #tpu.memory_space<vmem>>, %arg4: memref<1x2xf32, #tpu.memory_space<vmem>>, %arg5: memref<1024x128xi32, #tpu.memory_space<vmem>>) attributes {dimension_semantics = [#tpu.dimension_semantics<arbitrary>], iteration_bounds = array<i64: 8>, scalar_prefetch = 0 : i64, scratch_operands = 0 : i64, tpu.core_type = #tpu.core_type<tc>, window_params = [{transform_indices = @transform_0, window_bounds = array<i64: 4, 1024, 128>}, {pipeline_mode = #tpu.pipeline_mode<synchronous>, transform_indices = @transform_1, window_bounds = array<i64: 1, 4>}, {pipeline_mode = #tpu.pipeline_mode<synchronous>, transform_indices = @transform_2, window_bounds = array<i64: 4, 4>}, {pipeline_mode = #tpu.pipeline_mode<synchronous>, transform_indices = @transform_3, window_bounds = array<i64: 1, 2>}, {transform_indices = @transform_4, window_bounds = array<i64: 1024, 128>}]} {
    %get3A = arith.constant 0 : index
    %get3A_0 = arith.constant 0 : index
    %get3A_1 = vector.load %arg4[%get3A, %get3A_0] : memref<1x2xf32, #tpu.memory_space<vmem>>, vector<1x1xf32>
    %get3A_2 = vector.extract %get3A_1[0, 0] : f32 from vector<1x1xf32>
    %get3A_3 = arith.constant 0 : index
    %get3A_4 = arith.constant 1 : index
    %get3A_5 = vector.load %arg4[%get3A_3, %get3A_4] : memref<1x2xf32, #tpu.memory_space<vmem>>, vector<1x1xf32>
    %get3A_6 = vector.extract %get3A_5[0, 0] : f32 from vector<1x1xf32>
    %sub3A = arith.subf %get3A_6, %get3A_2 : f32
    %div3A = arith.constant 5.000000e+01 : f32
    %div3A_7 = arith.divf %div3A, %sub3A : f32
    %get3A_8 = arith.constant 0 : index
    %get3A_9 = arith.constant 0 : index
    %get3A_10 = arith.constant 0 : index
    %get3A_11 = vector.load %arg1[%get3A_8, %get3A_9, %get3A_10] : memref<4x1024x128xf32, #tpu.memory_space<vmem>>, vector<1x1024x128xf32>
    %get3A_12 = vector.shape_cast %get3A_11 : vector<1x1024x128xf32> to vector<1024x128xf32>
    %get3A_13 = arith.constant 0 : index
    %get3A_14 = arith.constant 0 : index
    %get3A_15 = vector.load %arg3[%get3A_13, %get3A_14] : memref<4x4xf32, #tpu.memory_space<vmem>>, vector<1x1xf32>
    %get3A_16 = vector.extract %get3A_15[0, 0] : f32 from vector<1x1xf32>
    %mul3A = vector.broadcast %get3A_16 : f32 to vector<1024x128xf32>
    %mul3A_17 = arith.mulf %get3A_12, %mul3A : vector<1024x128xf32>
    %get3A_18 = arith.constant 1 : index
    %get3A_19 = arith.constant 0 : index
    %get3A_20 = arith.constant 0 : index
    %get3A_21 = vector.load %arg1[%get3A_18, %get3A_19, %get3A_20] : memref<4x1024x128xf32, #tpu.memory_space<vmem>>, vector<1x1024x128xf32>
    %get3A_22 = vector.shape_cast %get3A_21 : vector<1x1024x128xf32> to vector<1024x128xf32>
    %get3A_23 = arith.constant 1 : index
    %get3A_24 = arith.constant 0 : index
    %get3A_25 = vector.load %arg3[%get3A_23, %get3A_24] : memref<4x4xf32, #tpu.memory_space<vmem>>, vector<1x1xf32>
    %get3A_26 = vector.extract %get3A_25[0, 0] : f32 from vector<1x1xf32>
    %mul3A_27 = vector.broadcast %get3A_26 : f32 to vector<1024x128xf32>
    %mul3A_28 = arith.mulf %get3A_22, %mul3A_27 : vector<1024x128xf32>
    %add3A = arith.addf %mul3A_17, %mul3A_28 : vector<1024x128xf32>
    %get3A_29 = arith.constant 2 : index
    %get3A_30 = arith.constant 0 : index
    %get3A_31 = arith.constant 0 : index
    %get3A_32 = vector.load %arg1[%get3A_29, %get3A_30, %get3A_31] : memref<4x1024x128xf32, #tpu.memory_space<vmem>>, vector<1x1024x128xf32>
    %get3A_33 = vector.shape_cast %get3A_32 : vector<1x1024x128xf32> to vector<1024x128xf32>
    %get3A_34 = arith.constant 2 : index
    %get3A_35 = arith.constant 0 : index
    %get3A_36 = vector.load %arg3[%get3A_34, %get3A_35] : memref<4x4xf32, #tpu.memory_space<vmem>>, vector<1x1xf32>
    %get3A_37 = vector.extract %get3A_36[0, 0] : f32 from vector<1x1xf32>
    %mul3A_38 = vector.broadcast %get3A_37 : f32 to vector<1024x128xf32>
    %mul3A_39 = arith.mulf %get3A_33, %mul3A_38 : vector<1024x128xf32>
    %add3A_40 = arith.addf %add3A, %mul3A_39 : vector<1024x128xf32>
    %get3A_41 = arith.constant 3 : index
    %get3A_42 = arith.constant 0 : index
    %get3A_43 = arith.constant 0 : index
    %get3A_44 = vector.load %arg1[%get3A_41, %get3A_42, %get3A_43] : memref<4x1024x128xf32, #tpu.memory_space<vmem>>, vector<1x1024x128xf32>
    %get3A_45 = vector.shape_cast %get3A_44 : vector<1x1024x128xf32> to vector<1024x128xf32>
    %get3A_46 = arith.constant 3 : index
    %get3A_47 = arith.constant 0 : index
    %get3A_48 = vector.load %arg3[%get3A_46, %get3A_47] : memref<4x4xf32, #tpu.memory_space<vmem>>, vector<1x1xf32>
    %get3A_49 = vector.extract %get3A_48[0, 0] : f32 from vector<1x1xf32>
    %mul3A_50 = vector.broadcast %get3A_49 : f32 to vector<1024x128xf32>
    %mul3A_51 = arith.mulf %get3A_45, %mul3A_50 : vector<1024x128xf32>
    %add3A_52 = arith.addf %add3A_40, %mul3A_51 : vector<1024x128xf32>
    %get3A_53 = arith.constant 0 : index
    %get3A_54 = arith.constant 0 : index
    %get3A_55 = vector.load %arg2[%get3A_53, %get3A_54] : memref<1x4xf32, #tpu.memory_space<vmem>>, vector<1x1xf32>
    %get3A_56 = vector.extract %get3A_55[0, 0] : f32 from vector<1x1xf32>
    %add3A_57 = vector.broadcast %get3A_56 : f32 to vector<1024x128xf32>
    %add3A_58 = arith.addf %add3A_52, %add3A_57 : vector<1024x128xf32>
    %sub3A_59 = vector.broadcast %get3A_2 : f32 to vector<1024x128xf32>
    %sub3A_60 = arith.subf %add3A_58, %sub3A_59 : vector<1024x128xf32>
    %mul3A_61 = vector.broadcast %div3A_7 : f32 to vector<1024x128xf32>
    %mul3A_62 = arith.mulf %sub3A_60, %mul3A_61 : vector<1024x128xf32>
    %convert_element_type3A = arith.fptosi %mul3A_62 : vector<1024x128xf32> to vector<1024x128xi32>
    %jit3A = arith.constant 0 : i32
    %jit3A_63 = arith.constant 49 : i32
    %max3A = vector.broadcast %jit3A : i32 to vector<1024x128xi32>
    %max3A_64 = arith.maxsi %max3A, %convert_element_type3A : vector<1024x128xi32>
    %min3A = vector.broadcast %jit3A_63 : i32 to vector<1024x128xi32>
    %min3A_65 = arith.minsi %min3A, %max3A_64 : vector<1024x128xi32>
    %get3A_66 = arith.constant 0 : index
    %get3A_67 = arith.constant 0 : index
    %get3A_68 = arith.constant 0 : index
    %get3A_69 = vector.load %arg1[%get3A_66, %get3A_67, %get3A_68] : memref<4x1024x128xf32, #tpu.memory_space<vmem>>, vector<1x1024x128xf32>
    %get3A_70 = vector.shape_cast %get3A_69 : vector<1x1024x128xf32> to vector<1024x128xf32>
    %get3A_71 = arith.constant 0 : index
    %get3A_72 = arith.constant 1 : index
    %get3A_73 = vector.load %arg3[%get3A_71, %get3A_72] : memref<4x4xf32, #tpu.memory_space<vmem>>, vector<1x1xf32>
    %get3A_74 = vector.extract %get3A_73[0, 0] : f32 from vector<1x1xf32>
    %mul3A_75 = vector.broadcast %get3A_74 : f32 to vector<1024x128xf32>
    %mul3A_76 = arith.mulf %get3A_70, %mul3A_75 : vector<1024x128xf32>
    %get3A_77 = arith.constant 1 : index
    %get3A_78 = arith.constant 0 : index
    %get3A_79 = arith.constant 0 : index
    %get3A_80 = vector.load %arg1[%get3A_77, %get3A_78, %get3A_79] : memref<4x1024x128xf32, #tpu.memory_space<vmem>>, vector<1x1024x128xf32>
    %get3A_81 = vector.shape_cast %get3A_80 : vector<1x1024x128xf32> to vector<1024x128xf32>
    %get3A_82 = arith.constant 1 : index
    %get3A_83 = arith.constant 1 : index
    %get3A_84 = vector.load %arg3[%get3A_82, %get3A_83] : memref<4x4xf32, #tpu.memory_space<vmem>>, vector<1x1xf32>
    %get3A_85 = vector.extract %get3A_84[0, 0] : f32 from vector<1x1xf32>
    %mul3A_86 = vector.broadcast %get3A_85 : f32 to vector<1024x128xf32>
    %mul3A_87 = arith.mulf %get3A_81, %mul3A_86 : vector<1024x128xf32>
    %add3A_88 = arith.addf %mul3A_76, %mul3A_87 : vector<1024x128xf32>
    %get3A_89 = arith.constant 2 : index
    %get3A_90 = arith.constant 0 : index
    %get3A_91 = arith.constant 0 : index
    %get3A_92 = vector.load %arg1[%get3A_89, %get3A_90, %get3A_91] : memref<4x1024x128xf32, #tpu.memory_space<vmem>>, vector<1x1024x128xf32>
    %get3A_93 = vector.shape_cast %get3A_92 : vector<1x1024x128xf32> to vector<1024x128xf32>
    %get3A_94 = arith.constant 2 : index
    %get3A_95 = arith.constant 1 : index
    %get3A_96 = vector.load %arg3[%get3A_94, %get3A_95] : memref<4x4xf32, #tpu.memory_space<vmem>>, vector<1x1xf32>
    %get3A_97 = vector.extract %get3A_96[0, 0] : f32 from vector<1x1xf32>
    %mul3A_98 = vector.broadcast %get3A_97 : f32 to vector<1024x128xf32>
    %mul3A_99 = arith.mulf %get3A_93, %mul3A_98 : vector<1024x128xf32>
    %add3A_100 = arith.addf %add3A_88, %mul3A_99 : vector<1024x128xf32>
    %get3A_101 = arith.constant 3 : index
    %get3A_102 = arith.constant 0 : index
    %get3A_103 = arith.constant 0 : index
    %get3A_104 = vector.load %arg1[%get3A_101, %get3A_102, %get3A_103] : memref<4x1024x128xf32, #tpu.memory_space<vmem>>, vector<1x1024x128xf32>
    %get3A_105 = vector.shape_cast %get3A_104 : vector<1x1024x128xf32> to vector<1024x128xf32>
    %get3A_106 = arith.constant 3 : index
    %get3A_107 = arith.constant 1 : index
    %get3A_108 = vector.load %arg3[%get3A_106, %get3A_107] : memref<4x4xf32, #tpu.memory_space<vmem>>, vector<1x1xf32>
    %get3A_109 = vector.extract %get3A_108[0, 0] : f32 from vector<1x1xf32>
    %mul3A_110 = vector.broadcast %get3A_109 : f32 to vector<1024x128xf32>
    %mul3A_111 = arith.mulf %get3A_105, %mul3A_110 : vector<1024x128xf32>
    %add3A_112 = arith.addf %add3A_100, %mul3A_111 : vector<1024x128xf32>
    %get3A_113 = arith.constant 0 : index
    %get3A_114 = arith.constant 1 : index
    %get3A_115 = vector.load %arg2[%get3A_113, %get3A_114] : memref<1x4xf32, #tpu.memory_space<vmem>>, vector<1x1xf32>
    %get3A_116 = vector.extract %get3A_115[0, 0] : f32 from vector<1x1xf32>
    %add3A_117 = vector.broadcast %get3A_116 : f32 to vector<1024x128xf32>
    %add3A_118 = arith.addf %add3A_112, %add3A_117 : vector<1024x128xf32>
    %sub3A_119 = vector.broadcast %get3A_2 : f32 to vector<1024x128xf32>
    %sub3A_120 = arith.subf %add3A_118, %sub3A_119 : vector<1024x128xf32>
    %mul3A_121 = vector.broadcast %div3A_7 : f32 to vector<1024x128xf32>
    %mul3A_122 = arith.mulf %sub3A_120, %mul3A_121 : vector<1024x128xf32>
    %convert_element_type3A_123 = arith.fptosi %mul3A_122 : vector<1024x128xf32> to vector<1024x128xi32>
    %jit3A_124 = arith.constant 0 : i32
    %jit3A_125 = arith.constant 49 : i32
    %max3A_126 = vector.broadcast %jit3A_124 : i32 to vector<1024x128xi32>
    %max3A_127 = arith.maxsi %max3A_126, %convert_element_type3A_123 : vector<1024x128xi32>
    %min3A_128 = vector.broadcast %jit3A_125 : i32 to vector<1024x128xi32>
    %min3A_129 = arith.minsi %min3A_128, %max3A_127 : vector<1024x128xi32>
    %mul3A_130 = arith.constant 50 : i32
    %mul3A_131 = vector.broadcast %mul3A_130 : i32 to vector<1024x128xi32>
    %mul3A_132 = arith.muli %min3A_65, %mul3A_131 : vector<1024x128xi32>
    %add3A_133 = arith.addi %mul3A_132, %min3A_129 : vector<1024x128xi32>
    %get3A_134 = arith.constant 0 : index
    %get3A_135 = arith.constant 0 : index
    %get3A_136 = arith.constant 0 : index
    %get3A_137 = vector.load %arg1[%get3A_134, %get3A_135, %get3A_136] : memref<4x1024x128xf32, #tpu.memory_space<vmem>>, vector<1x1024x128xf32>
    %get3A_138 = vector.shape_cast %get3A_137 : vector<1x1024x128xf32> to vector<1024x128xf32>
    %get3A_139 = arith.constant 0 : index
    %get3A_140 = arith.constant 2 : index
    %get3A_141 = vector.load %arg3[%get3A_139, %get3A_140] : memref<4x4xf32, #tpu.memory_space<vmem>>, vector<1x1xf32>
    %get3A_142 = vector.extract %get3A_141[0, 0] : f32 from vector<1x1xf32>
    %mul3A_143 = vector.broadcast %get3A_142 : f32 to vector<1024x128xf32>
    %mul3A_144 = arith.mulf %get3A_138, %mul3A_143 : vector<1024x128xf32>
    %get3A_145 = arith.constant 1 : index
    %get3A_146 = arith.constant 0 : index
    %get3A_147 = arith.constant 0 : index
    %get3A_148 = vector.load %arg1[%get3A_145, %get3A_146, %get3A_147] : memref<4x1024x128xf32, #tpu.memory_space<vmem>>, vector<1x1024x128xf32>
    %get3A_149 = vector.shape_cast %get3A_148 : vector<1x1024x128xf32> to vector<1024x128xf32>
    %get3A_150 = arith.constant 1 : index
    %get3A_151 = arith.constant 2 : index
    %get3A_152 = vector.load %arg3[%get3A_150, %get3A_151] : memref<4x4xf32, #tpu.memory_space<vmem>>, vector<1x1xf32>
    %get3A_153 = vector.extract %get3A_152[0, 0] : f32 from vector<1x1xf32>
    %mul3A_154 = vector.broadcast %get3A_153 : f32 to vector<1024x128xf32>
    %mul3A_155 = arith.mulf %get3A_149, %mul3A_154 : vector<1024x128xf32>
    %add3A_156 = arith.addf %mul3A_144, %mul3A_155 : vector<1024x128xf32>
    %get3A_157 = arith.constant 2 : index
    %get3A_158 = arith.constant 0 : index
    %get3A_159 = arith.constant 0 : index
    %get3A_160 = vector.load %arg1[%get3A_157, %get3A_158, %get3A_159] : memref<4x1024x128xf32, #tpu.memory_space<vmem>>, vector<1x1024x128xf32>
    %get3A_161 = vector.shape_cast %get3A_160 : vector<1x1024x128xf32> to vector<1024x128xf32>
    %get3A_162 = arith.constant 2 : index
    %get3A_163 = arith.constant 2 : index
    %get3A_164 = vector.load %arg3[%get3A_162, %get3A_163] : memref<4x4xf32, #tpu.memory_space<vmem>>, vector<1x1xf32>
    %get3A_165 = vector.extract %get3A_164[0, 0] : f32 from vector<1x1xf32>
    %mul3A_166 = vector.broadcast %get3A_165 : f32 to vector<1024x128xf32>
    %mul3A_167 = arith.mulf %get3A_161, %mul3A_166 : vector<1024x128xf32>
    %add3A_168 = arith.addf %add3A_156, %mul3A_167 : vector<1024x128xf32>
    %get3A_169 = arith.constant 3 : index
    %get3A_170 = arith.constant 0 : index
    %get3A_171 = arith.constant 0 : index
    %get3A_172 = vector.load %arg1[%get3A_169, %get3A_170, %get3A_171] : memref<4x1024x128xf32, #tpu.memory_space<vmem>>, vector<1x1024x128xf32>
    %get3A_173 = vector.shape_cast %get3A_172 : vector<1x1024x128xf32> to vector<1024x128xf32>
    %get3A_174 = arith.constant 3 : index
    %get3A_175 = arith.constant 2 : index
    %get3A_176 = vector.load %arg3[%get3A_174, %get3A_175] : memref<4x4xf32, #tpu.memory_space<vmem>>, vector<1x1xf32>
    %get3A_177 = vector.extract %get3A_176[0, 0] : f32 from vector<1x1xf32>
    %mul3A_178 = vector.broadcast %get3A_177 : f32 to vector<1024x128xf32>
    %mul3A_179 = arith.mulf %get3A_173, %mul3A_178 : vector<1024x128xf32>
    %add3A_180 = arith.addf %add3A_168, %mul3A_179 : vector<1024x128xf32>
    %get3A_181 = arith.constant 0 : index
    %get3A_182 = arith.constant 2 : index
    %get3A_183 = vector.load %arg2[%get3A_181, %get3A_182] : memref<1x4xf32, #tpu.memory_space<vmem>>, vector<1x1xf32>
    %get3A_184 = vector.extract %get3A_183[0, 0] : f32 from vector<1x1xf32>
    %add3A_185 = vector.broadcast %get3A_184 : f32 to vector<1024x128xf32>
    %add3A_186 = arith.addf %add3A_180, %add3A_185 : vector<1024x128xf32>
    %sub3A_187 = vector.broadcast %get3A_2 : f32 to vector<1024x128xf32>
    %sub3A_188 = arith.subf %add3A_186, %sub3A_187 : vector<1024x128xf32>
    %mul3A_189 = vector.broadcast %div3A_7 : f32 to vector<1024x128xf32>
    %mul3A_190 = arith.mulf %sub3A_188, %mul3A_189 : vector<1024x128xf32>
    %convert_element_type3A_191 = arith.fptosi %mul3A_190 : vector<1024x128xf32> to vector<1024x128xi32>
    %jit3A_192 = arith.constant 0 : i32
    %jit3A_193 = arith.constant 49 : i32
    %max3A_194 = vector.broadcast %jit3A_192 : i32 to vector<1024x128xi32>
    %max3A_195 = arith.maxsi %max3A_194, %convert_element_type3A_191 : vector<1024x128xi32>
    %min3A_196 = vector.broadcast %jit3A_193 : i32 to vector<1024x128xi32>
    %min3A_197 = arith.minsi %min3A_196, %max3A_195 : vector<1024x128xi32>
    %mul3A_198 = arith.constant 50 : i32
    %mul3A_199 = vector.broadcast %mul3A_198 : i32 to vector<1024x128xi32>
    %mul3A_200 = arith.muli %add3A_133, %mul3A_199 : vector<1024x128xi32>
    %add3A_201 = arith.addi %mul3A_200, %min3A_197 : vector<1024x128xi32>
    %get3A_202 = arith.constant 0 : index
    %get3A_203 = arith.constant 0 : index
    %get3A_204 = arith.constant 0 : index
    %get3A_205 = vector.load %arg1[%get3A_202, %get3A_203, %get3A_204] : memref<4x1024x128xf32, #tpu.memory_space<vmem>>, vector<1x1024x128xf32>
    %get3A_206 = vector.shape_cast %get3A_205 : vector<1x1024x128xf32> to vector<1024x128xf32>
    %get3A_207 = arith.constant 0 : index
    %get3A_208 = arith.constant 3 : index
    %get3A_209 = vector.load %arg3[%get3A_207, %get3A_208] : memref<4x4xf32, #tpu.memory_space<vmem>>, vector<1x1xf32>
    %get3A_210 = vector.extract %get3A_209[0, 0] : f32 from vector<1x1xf32>
    %mul3A_211 = vector.broadcast %get3A_210 : f32 to vector<1024x128xf32>
    %mul3A_212 = arith.mulf %get3A_206, %mul3A_211 : vector<1024x128xf32>
    %get3A_213 = arith.constant 1 : index
    %get3A_214 = arith.constant 0 : index
    %get3A_215 = arith.constant 0 : index
    %get3A_216 = vector.load %arg1[%get3A_213, %get3A_214, %get3A_215] : memref<4x1024x128xf32, #tpu.memory_space<vmem>>, vector<1x1024x128xf32>
    %get3A_217 = vector.shape_cast %get3A_216 : vector<1x1024x128xf32> to vector<1024x128xf32>
    %get3A_218 = arith.constant 1 : index
    %get3A_219 = arith.constant 3 : index
    %get3A_220 = vector.load %arg3[%get3A_218, %get3A_219] : memref<4x4xf32, #tpu.memory_space<vmem>>, vector<1x1xf32>
    %get3A_221 = vector.extract %get3A_220[0, 0] : f32 from vector<1x1xf32>
    %mul3A_222 = vector.broadcast %get3A_221 : f32 to vector<1024x128xf32>
    %mul3A_223 = arith.mulf %get3A_217, %mul3A_222 : vector<1024x128xf32>
    %add3A_224 = arith.addf %mul3A_212, %mul3A_223 : vector<1024x128xf32>
    %get3A_225 = arith.constant 2 : index
    %get3A_226 = arith.constant 0 : index
    %get3A_227 = arith.constant 0 : index
    %get3A_228 = vector.load %arg1[%get3A_225, %get3A_226, %get3A_227] : memref<4x1024x128xf32, #tpu.memory_space<vmem>>, vector<1x1024x128xf32>
    %get3A_229 = vector.shape_cast %get3A_228 : vector<1x1024x128xf32> to vector<1024x128xf32>
    %get3A_230 = arith.constant 2 : index
    %get3A_231 = arith.constant 3 : index
    %get3A_232 = vector.load %arg3[%get3A_230, %get3A_231] : memref<4x4xf32, #tpu.memory_space<vmem>>, vector<1x1xf32>
    %get3A_233 = vector.extract %get3A_232[0, 0] : f32 from vector<1x1xf32>
    %mul3A_234 = vector.broadcast %get3A_233 : f32 to vector<1024x128xf32>
    %mul3A_235 = arith.mulf %get3A_229, %mul3A_234 : vector<1024x128xf32>
    %add3A_236 = arith.addf %add3A_224, %mul3A_235 : vector<1024x128xf32>
    %get3A_237 = arith.constant 3 : index
    %get3A_238 = arith.constant 0 : index
    %get3A_239 = arith.constant 0 : index
    %get3A_240 = vector.load %arg1[%get3A_237, %get3A_238, %get3A_239] : memref<4x1024x128xf32, #tpu.memory_space<vmem>>, vector<1x1024x128xf32>
    %get3A_241 = vector.shape_cast %get3A_240 : vector<1x1024x128xf32> to vector<1024x128xf32>
    %get3A_242 = arith.constant 3 : index
    %get3A_243 = arith.constant 3 : index
    %get3A_244 = vector.load %arg3[%get3A_242, %get3A_243] : memref<4x4xf32, #tpu.memory_space<vmem>>, vector<1x1xf32>
    %get3A_245 = vector.extract %get3A_244[0, 0] : f32 from vector<1x1xf32>
    %mul3A_246 = vector.broadcast %get3A_245 : f32 to vector<1024x128xf32>
    %mul3A_247 = arith.mulf %get3A_241, %mul3A_246 : vector<1024x128xf32>
    %add3A_248 = arith.addf %add3A_236, %mul3A_247 : vector<1024x128xf32>
    %get3A_249 = arith.constant 0 : index
    %get3A_250 = arith.constant 3 : index
    %get3A_251 = vector.load %arg2[%get3A_249, %get3A_250] : memref<1x4xf32, #tpu.memory_space<vmem>>, vector<1x1xf32>
    %get3A_252 = vector.extract %get3A_251[0, 0] : f32 from vector<1x1xf32>
    %add3A_253 = vector.broadcast %get3A_252 : f32 to vector<1024x128xf32>
    %add3A_254 = arith.addf %add3A_248, %add3A_253 : vector<1024x128xf32>
    %sub3A_255 = vector.broadcast %get3A_2 : f32 to vector<1024x128xf32>
    %sub3A_256 = arith.subf %add3A_254, %sub3A_255 : vector<1024x128xf32>
    %mul3A_257 = vector.broadcast %div3A_7 : f32 to vector<1024x128xf32>
    %mul3A_258 = arith.mulf %sub3A_256, %mul3A_257 : vector<1024x128xf32>
    %convert_element_type3A_259 = arith.fptosi %mul3A_258 : vector<1024x128xf32> to vector<1024x128xi32>
    %jit3A_260 = arith.constant 0 : i32
    %jit3A_261 = arith.constant 49 : i32
    %max3A_262 = vector.broadcast %jit3A_260 : i32 to vector<1024x128xi32>
    %max3A_263 = arith.maxsi %max3A_262, %convert_element_type3A_259 : vector<1024x128xi32>
    %min3A_264 = vector.broadcast %jit3A_261 : i32 to vector<1024x128xi32>
    %min3A_265 = arith.minsi %min3A_264, %max3A_263 : vector<1024x128xi32>
    %mul3A_266 = arith.constant 50 : i32
    %mul3A_267 = vector.broadcast %mul3A_266 : i32 to vector<1024x128xi32>
    %mul3A_268 = arith.muli %add3A_201, %mul3A_267 : vector<1024x128xi32>
    %add3A_269 = arith.addi %mul3A_268, %min3A_265 : vector<1024x128xi32>
    %iota3A = tpu.iota {dimensions = array<i32: 0>} : vector<1024x128xi32>
    %iota3A_270 = tpu.iota {dimensions = array<i32: 1>} : vector<1024x128xi32>
    %mul3A_271 = arith.constant 1024 : i32
    %mul3A_272 = arith.muli %arg0, %mul3A_271 : i32
    %add3A_273 = vector.broadcast %mul3A_272 : i32 to vector<1024x128xi32>
    %add3A_274 = arith.addi %add3A_273, %iota3A : vector<1024x128xi32>
    %mul3A_275 = arith.constant 128 : i32
    %mul3A_276 = vector.broadcast %mul3A_275 : i32 to vector<1024x128xi32>
    %mul3A_277 = arith.muli %add3A_274, %mul3A_276 : vector<1024x128xi32>
    %add3A_278 = arith.addi %mul3A_277, %iota3A_270 : vector<1024x128xi32>
    %lt3A = arith.constant 1000000 : i32
    %lt3A_279 = vector.broadcast %lt3A : i32 to vector<1024x128xi32>
    %lt3A_280 = arith.cmpi slt, %add3A_278, %lt3A_279 : vector<1024x128xi32>
    %jit3A_281 = arith.constant 2000000000 : i32
    %broadcast_in_dim3A = vector.broadcast %jit3A_281 : i32 to vector<1024x128xi32>
    %select_n3A = arith.select %lt3A_280, %add3A_269, %broadcast_in_dim3A : vector<1024x128xi1>, vector<1024x128xi32>
    %swap3A = arith.constant 0 : index
    %swap3A_282 = arith.constant 0 : index
    %swap3A_283 = vector.load %arg5[%swap3A, %swap3A_282] : memref<1024x128xi32, #tpu.memory_space<vmem>>, vector<1024x128xi32>
    tpu.vector_store %arg5[%swap3A, %swap3A_282], %select_n3A {strides = array<i32>} : memref<1024x128xi32, #tpu.memory_space<vmem>>, vector<1024x128xi32>,
    return
  }
  func.func @transform_0(%arg0: i32) -> (i32, i32, i32) {
    %c0_i32 = arith.constant 0 : i32
    %c0_i32_0 = arith.constant 0 : i32
    %c0_i32_1 = arith.constant 0 : i32
    return %c0_i32, %arg0, %c0_i32_0 : i32, i32, i32
  }
  func.func @transform_1(%arg0: i32) -> (i32, i32) {
    %c0_i32 = arith.constant 0 : i32
    %c0_i32_0 = arith.constant 0 : i32
    %c0_i32_1 = arith.constant 0 : i32
    return %c0_i32, %c0_i32_0 : i32, i32
  }
  func.func @transform_2(%arg0: i32) -> (i32, i32) {
    %c0_i32 = arith.constant 0 : i32
    %c0_i32_0 = arith.constant 0 : i32
    %c0_i32_1 = arith.constant 0 : i32
    return %c0_i32, %c0_i32_0 : i32, i32
  }
  func.func @transform_3(%arg0: i32) -> (i32, i32) {
    %c0_i32 = arith.constant 0 : i32
    %c0_i32_0 = arith.constant 0 : i32
    %c0_i32_1 = arith.constant 0 : i32
    return %c0_i32, %c0_i32_0 : i32, i32
  }
  func.func @transform_4(%arg0: i32) -> (i32, i32) {
    %c0_i32 = arith.constant 0 : i32
    %c0_i32_0 = arith.constant 0 : i32
    return %arg0, %c0_i32 : i32, i32
  }
}

module attributes {stable_mosaic.version = 14 : i64} {
  func.func @_ent_body(%arg0: i32, %arg1: memref<5000x128xf32, #tpu.memory_space<vmem>>, %arg2: memref<1x1xf32, #tpu.memory_space<vmem>>, %arg3: memref<1x1xf32, #tpu.memory_space<vmem>>) attributes {dimension_semantics = [#tpu.dimension_semantics<arbitrary>], iteration_bounds = array<i64: 10>, scalar_prefetch = 0 : i64, scratch_operands = 0 : i64, tpu.core_type = #tpu.core_type<tc>, window_params = [{transform_indices = @transform_0, window_bounds = array<i64: 5000, 128>}, {pipeline_mode = #tpu.pipeline_mode<synchronous>, transform_indices = @transform_1, window_bounds = array<i64: 1, 1>}, {pipeline_mode = #tpu.pipeline_mode<synchronous>, transform_indices = @transform_2, window_bounds = array<i64: 1, 1>}]} {
    %get3A = arith.constant 0 : index
    %get3A_0 = arith.constant 0 : index
    %get3A_1 = vector.load %arg1[%get3A, %get3A_0] : memref<5000x128xf32, #tpu.memory_space<vmem>>, vector<5000x128xf32>
    %gt3A = arith.constant 0.000000e+00 : f32
    %gt3A_2 = vector.broadcast %gt3A : f32 to vector<5000x128xf32>
    %gt3A_3 = arith.cmpf ogt, %get3A_1, %gt3A_2 : vector<5000x128xf32>
    %jit3A = arith.constant 1.000000e+00 : f32
    %broadcast_in_dim3A = vector.broadcast %jit3A : f32 to vector<5000x128xf32>
    %select_n3A = arith.select %gt3A_3, %get3A_1, %broadcast_in_dim3A : vector<5000x128xi1>, vector<5000x128xf32>
    %log3A = math.log %select_n3A : vector<5000x128xf32>
    %mul3A = arith.mulf %get3A_1, %log3A : vector<5000x128xf32>
    %reduce_sum3A = vector.shape_cast %mul3A : vector<5000x128xf32> to vector<1x5000x128xf32>
    %reduce_sum3A_4 = arith.constant dense<0.000000e+00> : vector<1xf32>
    %reduce_sum3A_5 = vector.multi_reduction <add>, %reduce_sum3A, %reduce_sum3A_4 [1, 2] : vector<1x5000x128xf32> to vector<1xf32>
    %reduce_sum3A_6 = vector.shape_cast %reduce_sum3A_5 : vector<1xf32> to vector<1x1x1xf32>
    %reduce_sum3A_7 = vector.extract %reduce_sum3A_6[0, 0, 0] : f32 from vector<1x1x1xf32>
    %reduce_sum3A_8 = vector.shape_cast %get3A_1 : vector<5000x128xf32> to vector<1x5000x128xf32>
    %reduce_sum3A_9 = arith.constant dense<0.000000e+00> : vector<1xf32>
    %reduce_sum3A_10 = vector.multi_reduction <add>, %reduce_sum3A_8, %reduce_sum3A_9 [1, 2] : vector<1x5000x128xf32> to vector<1xf32>
    %reduce_sum3A_11 = vector.shape_cast %reduce_sum3A_10 : vector<1xf32> to vector<1x1x1xf32>
    %reduce_sum3A_12 = vector.extract %reduce_sum3A_11[0, 0, 0] : f32 from vector<1x1x1xf32>
    %reshape3A = vector.broadcast %reduce_sum3A_7 : f32 to vector<1x1xf32>
    %reshape3A_13 = vector.broadcast %reduce_sum3A_12 : f32 to vector<1x1xf32>
    %eq3A = arith.constant 0 : i32
    %eq3A_14 = arith.cmpi eq, %arg0, %eq3A : i32
    %convert_element_type3A = arith.extui %eq3A_14 : i1 to i32
    %cond3A = arith.constant 0 : i32
    %cond3A_15 = arith.cmpi ne, %convert_element_type3A, %cond3A : i32
    scf.if %cond3A_15 {
      %swap3A = arith.constant 0 : index
      %swap3A_20 = arith.constant 0 : index
      %swap3A_21 = vector.load %arg2[%swap3A, %swap3A_20] : memref<1x1xf32, #tpu.memory_space<vmem>>, vector<1x1xf32>
      tpu.vector_store %arg2[%swap3A, %swap3A_20], %reshape3A {strides = array<i32>} : memref<1x1xf32, #tpu.memory_space<vmem>>, vector<1x1xf32>,
      %swap3A_22 = arith.constant 0 : index
      %swap3A_23 = arith.constant 0 : index
      %swap3A_24 = vector.load %arg3[%swap3A_22, %swap3A_23] : memref<1x1xf32, #tpu.memory_space<vmem>>, vector<1x1xf32>
      tpu.vector_store %arg3[%swap3A_22, %swap3A_23], %reshape3A_13 {strides = array<i32>} : memref<1x1xf32, #tpu.memory_space<vmem>>, vector<1x1xf32>,
    } else {
    }
    %ne3A = arith.constant 0 : i32
    %ne3A_16 = arith.cmpi ne, %arg0, %ne3A : i32
    %convert_element_type3A_17 = arith.extui %ne3A_16 : i1 to i32
    %cond3A_18 = arith.constant 0 : i32
    %cond3A_19 = arith.cmpi ne, %convert_element_type3A_17, %cond3A_18 : i32
    scf.if %cond3A_19 {
      %get3A_20 = arith.constant 0 : index
      %get3A_21 = arith.constant 0 : index
      %get3A_22 = vector.load %arg2[%get3A_20, %get3A_21] : memref<1x1xf32, #tpu.memory_space<vmem>>, vector<1x1xf32>
      %add3A = arith.addf %get3A_22, %reshape3A : vector<1x1xf32>
      %swap3A = arith.constant 0 : index
      %swap3A_23 = arith.constant 0 : index
      %swap3A_24 = vector.load %arg2[%swap3A, %swap3A_23] : memref<1x1xf32, #tpu.memory_space<vmem>>, vector<1x1xf32>
      tpu.vector_store %arg2[%swap3A, %swap3A_23], %add3A {strides = array<i32>} : memref<1x1xf32, #tpu.memory_space<vmem>>, vector<1x1xf32>,
      %get3A_25 = arith.constant 0 : index
      %get3A_26 = arith.constant 0 : index
      %get3A_27 = vector.load %arg3[%get3A_25, %get3A_26] : memref<1x1xf32, #tpu.memory_space<vmem>>, vector<1x1xf32>
      %add3A_28 = arith.addf %get3A_27, %reshape3A_13 : vector<1x1xf32>
      %swap3A_29 = arith.constant 0 : index
      %swap3A_30 = arith.constant 0 : index
      %swap3A_31 = vector.load %arg3[%swap3A_29, %swap3A_30] : memref<1x1xf32, #tpu.memory_space<vmem>>, vector<1x1xf32>
      tpu.vector_store %arg3[%swap3A_29, %swap3A_30], %add3A_28 {strides = array<i32>} : memref<1x1xf32, #tpu.memory_space<vmem>>, vector<1x1xf32>,
    } else {
    }
    return
  }
  func.func @transform_0(%arg0: i32) -> (i32, i32) {
    %c0_i32 = arith.constant 0 : i32
    %c0_i32_0 = arith.constant 0 : i32
    return %arg0, %c0_i32 : i32, i32
  }
  func.func @transform_1(%arg0: i32) -> (i32, i32) {
    %c0_i32 = arith.constant 0 : i32
    %c0_i32_0 = arith.constant 0 : i32
    %c0_i32_1 = arith.constant 0 : i32
    return %c0_i32, %c0_i32_0 : i32, i32
  }
  func.func @transform_2(%arg0: i32) -> (i32, i32) {
    %c0_i32 = arith.constant 0 : i32
    %c0_i32_0 = arith.constant 0 : i32
    %c0_i32_1 = arith.constant 0 : i32
    return %c0_i32, %c0_i32_0 : i32, i32
  }
}

module attributes {stable_mosaic.version = 14 : i64} {
  func.func @_ent_body(%arg0: i32, %arg1: memref<20x128xf32, #tpu.memory_space<vmem>>, %arg2: memref<1x1xf32, #tpu.memory_space<vmem>>, %arg3: memref<1x1xf32, #tpu.memory_space<vmem>>) attributes {dimension_semantics = [#tpu.dimension_semantics<arbitrary>], iteration_bounds = array<i64: 1>, scalar_prefetch = 0 : i64, scratch_operands = 0 : i64, tpu.core_type = #tpu.core_type<tc>, window_params = [{transform_indices = @transform_0, window_bounds = array<i64: 20, 128>}, {pipeline_mode = #tpu.pipeline_mode<synchronous>, transform_indices = @transform_1, window_bounds = array<i64: 1, 1>}, {pipeline_mode = #tpu.pipeline_mode<synchronous>, transform_indices = @transform_2, window_bounds = array<i64: 1, 1>}]} {
    %get3A = arith.constant 0 : index
    %get3A_0 = arith.constant 0 : index
    %get3A_1 = vector.load %arg1[%get3A, %get3A_0] : memref<20x128xf32, #tpu.memory_space<vmem>>, vector<20x128xf32>
    %gt3A = arith.constant 0.000000e+00 : f32
    %gt3A_2 = vector.broadcast %gt3A : f32 to vector<20x128xf32>
    %gt3A_3 = arith.cmpf ogt, %get3A_1, %gt3A_2 : vector<20x128xf32>
    %jit3A = arith.constant 1.000000e+00 : f32
    %broadcast_in_dim3A = vector.broadcast %jit3A : f32 to vector<20x128xf32>
    %select_n3A = arith.select %gt3A_3, %get3A_1, %broadcast_in_dim3A : vector<20x128xi1>, vector<20x128xf32>
    %log3A = math.log %select_n3A : vector<20x128xf32>
    %mul3A = arith.mulf %get3A_1, %log3A : vector<20x128xf32>
    %reduce_sum3A = vector.shape_cast %mul3A : vector<20x128xf32> to vector<1x20x128xf32>
    %reduce_sum3A_4 = arith.constant dense<0.000000e+00> : vector<1xf32>
    %reduce_sum3A_5 = vector.multi_reduction <add>, %reduce_sum3A, %reduce_sum3A_4 [1, 2] : vector<1x20x128xf32> to vector<1xf32>
    %reduce_sum3A_6 = vector.shape_cast %reduce_sum3A_5 : vector<1xf32> to vector<1x1x1xf32>
    %reduce_sum3A_7 = vector.extract %reduce_sum3A_6[0, 0, 0] : f32 from vector<1x1x1xf32>
    %reduce_sum3A_8 = vector.shape_cast %get3A_1 : vector<20x128xf32> to vector<1x20x128xf32>
    %reduce_sum3A_9 = arith.constant dense<0.000000e+00> : vector<1xf32>
    %reduce_sum3A_10 = vector.multi_reduction <add>, %reduce_sum3A_8, %reduce_sum3A_9 [1, 2] : vector<1x20x128xf32> to vector<1xf32>
    %reduce_sum3A_11 = vector.shape_cast %reduce_sum3A_10 : vector<1xf32> to vector<1x1x1xf32>
    %reduce_sum3A_12 = vector.extract %reduce_sum3A_11[0, 0, 0] : f32 from vector<1x1x1xf32>
    %reshape3A = vector.broadcast %reduce_sum3A_7 : f32 to vector<1x1xf32>
    %reshape3A_13 = vector.broadcast %reduce_sum3A_12 : f32 to vector<1x1xf32>
    %eq3A = arith.constant 0 : i32
    %eq3A_14 = arith.cmpi eq, %arg0, %eq3A : i32
    %convert_element_type3A = arith.extui %eq3A_14 : i1 to i32
    %cond3A = arith.constant 0 : i32
    %cond3A_15 = arith.cmpi ne, %convert_element_type3A, %cond3A : i32
    scf.if %cond3A_15 {
      %swap3A = arith.constant 0 : index
      %swap3A_20 = arith.constant 0 : index
      %swap3A_21 = vector.load %arg2[%swap3A, %swap3A_20] : memref<1x1xf32, #tpu.memory_space<vmem>>, vector<1x1xf32>
      tpu.vector_store %arg2[%swap3A, %swap3A_20], %reshape3A {strides = array<i32>} : memref<1x1xf32, #tpu.memory_space<vmem>>, vector<1x1xf32>,
      %swap3A_22 = arith.constant 0 : index
      %swap3A_23 = arith.constant 0 : index
      %swap3A_24 = vector.load %arg3[%swap3A_22, %swap3A_23] : memref<1x1xf32, #tpu.memory_space<vmem>>, vector<1x1xf32>
      tpu.vector_store %arg3[%swap3A_22, %swap3A_23], %reshape3A_13 {strides = array<i32>} : memref<1x1xf32, #tpu.memory_space<vmem>>, vector<1x1xf32>,
    } else {
    }
    %ne3A = arith.constant 0 : i32
    %ne3A_16 = arith.cmpi ne, %arg0, %ne3A : i32
    %convert_element_type3A_17 = arith.extui %ne3A_16 : i1 to i32
    %cond3A_18 = arith.constant 0 : i32
    %cond3A_19 = arith.cmpi ne, %convert_element_type3A_17, %cond3A_18 : i32
    scf.if %cond3A_19 {
      %get3A_20 = arith.constant 0 : index
      %get3A_21 = arith.constant 0 : index
      %get3A_22 = vector.load %arg2[%get3A_20, %get3A_21] : memref<1x1xf32, #tpu.memory_space<vmem>>, vector<1x1xf32>
      %add3A = arith.addf %get3A_22, %reshape3A : vector<1x1xf32>
      %swap3A = arith.constant 0 : index
      %swap3A_23 = arith.constant 0 : index
      %swap3A_24 = vector.load %arg2[%swap3A, %swap3A_23] : memref<1x1xf32, #tpu.memory_space<vmem>>, vector<1x1xf32>
      tpu.vector_store %arg2[%swap3A, %swap3A_23], %add3A {strides = array<i32>} : memref<1x1xf32, #tpu.memory_space<vmem>>, vector<1x1xf32>,
      %get3A_25 = arith.constant 0 : index
      %get3A_26 = arith.constant 0 : index
      %get3A_27 = vector.load %arg3[%get3A_25, %get3A_26] : memref<1x1xf32, #tpu.memory_space<vmem>>, vector<1x1xf32>
      %add3A_28 = arith.addf %get3A_27, %reshape3A_13 : vector<1x1xf32>
      %swap3A_29 = arith.constant 0 : index
      %swap3A_30 = arith.constant 0 : index
      %swap3A_31 = vector.load %arg3[%swap3A_29, %swap3A_30] : memref<1x1xf32, #tpu.memory_space<vmem>>, vector<1x1xf32>
      tpu.vector_store %arg3[%swap3A_29, %swap3A_30], %add3A_28 {strides = array<i32>} : memref<1x1xf32, #tpu.memory_space<vmem>>, vector<1x1xf32>,
    } else {
    }
    return
  }
  func.func @transform_0(%arg0: i32) -> (i32, i32) {
    %c0_i32 = arith.constant 0 : i32
    %c0_i32_0 = arith.constant 0 : i32
    return %arg0, %c0_i32 : i32, i32
  }
  func.func @transform_1(%arg0: i32) -> (i32, i32) {
    %c0_i32 = arith.constant 0 : i32
    %c0_i32_0 = arith.constant 0 : i32
    %c0_i32_1 = arith.constant 0 : i32
    return %c0_i32, %c0_i32_0 : i32, i32
  }
  func.func @transform_2(%arg0: i32) -> (i32, i32) {
    %c0_i32 = arith.constant 0 : i32
    %c0_i32_0 = arith.constant 0 : i32
    %c0_i32_1 = arith.constant 0 : i32
    return %c0_i32, %c0_i32_0 : i32, i32
  }
}

</mosaic_0001>

<sc_bundles>
// kernel: kernel.9.cloned.1.call-start
scs
__scs_entry_jumppad:
0x0: {  	(pc) =	sbr.rel $0x88, $3  }
0x1: {  	(tag) =	ssettag $0x0;
	lr =	simm.s32 $0x1  }
0x2: {  	[smem:$0x3F9F] =	sst lr;
	_ =	strace $0xD0000000  }
0x3: {  	_ = 	snop  }
0x4: {  	_ = 	snop  }
0x5: {  	_ = 	snop  }
0x6: {  	_ = 	snop  }
0x7: {  	_ = 	snop  }
__scs_overlays_trampoline_lowered:
0x8: {  	[smem:$0x3FAE] =	sst s0  }
0x9: {  	[smem:$0x3FAF] =	sst s1  }
0xa: {  	[smem:$0x3FB0] =	sst s2  }
0xb: {  	[smem:$0x3FB1] =	sst s3  }
0xc: {  	[smem:$0x3FB2] =	sst s4  }
0xd: {  	[smem:$0x3FB3] =	sst s5  }
0xe: {  	[smem:$0x3FB4] =	sst s6  }
0xf: {  	[smem:$0x3FB5] =	sst s7  }
0x10: {  	[smem:$0x3FB6] =	sst s8  }
0x11: {  	[smem:$0x3FB7] =	sst s9;
	s0 =	simm.s32 @!p0 $0x0  }
0x12: {  	s1 =	sld [smem:$0x3F9D];
	s0 =	simm.s32 @p0 $0x1  }
0x13: {  	[smem:$0x3FB8] =	sst s0;
	s0 =	simm.s32 @!p1 $0x0  }
0x14: {  	s2 =	sld [smem:$0x3F9C];
	s0 =	simm.s32 @p1 $0x1  }
0x15: {  	[smem:$0x3FB9] =	sst s0;
	s0 =	simm.s32 @!p2 $0x0  }
0x16: {  	s3 =	sld [smem:$0x3FDB];
	s0 =	simm.s32 @p2 $0x1  }
0x17: {  	s4 =	simm.s32 $0x1BF5;
	[smem:$0x3FBB] =	sst s0  }
0x18: {  	s0 =	sld [smem:$0x3F9E];
	_ =	swait.ge [sflag:s4], $0x0  }
0x19: {  	s7 =	sld [smem:$0x3F9F]  }
0x1a: {  	s8 =	sadd.s32 $0xFFFFE003, lr  }
0x1b: {  	s9 =	sadd.s32 $0xFFFFFEF7, lr;
	s5 =	simm.s32 $0xFFFFFFFF;
	p2 =	slt.u32 s8, $0xFFFFF086  }
0x1c: {  	p1 =	slt.u32 s9, $0xF7A;
	s5 =	simm.s32 @!p2 $0x0  }
0x1d: {  	s5 =	simm.s32 @p1 $0x1;
	p0 =	seq.s32 s7, s2  }
0x1e: {  	s7 =	smul.u32 @!p0 $0xF7A, s2;
	p2 =	seq.s32 @!p0 s5, $0x0  }
0x1f: {  	s9 =	smul.u32 $0xF7A, s1;
	s8 =	simm.s32 @!p0 $0x1BF5;
	p2 =	por !p2, p0  }
0x20: {  	[sflag:s8] =	ssyncset.s32 @!p0 $0xFFFFF086;
	s6 =	sadd.s32 @!p0 s3, s7;
	s7 =	simm.s32 @!p0 $0x108  }
0x21: {  	s3 =	sadd.s32 s3, s9;
	s6 =	sadd.s32 @!p0 $0x88, s6;
	s7 =	simm.s32 @p2 $0x1082  }
0x22: {  	[simem:s7], [sflag:s8] =	dma.local @!p0 [hbm:s6], $0xF7A  }
0x23: {  	s9 =	sor.u32 $0xD0000000, s2;
	s6 =	simm.s32 $0x108;
	_ =	swait.ge @!p0 [sflag:s8], $0x0  }
0x24: {  	s3 =	sadd.s32 $0x88, s3;
	s6 =	simm.s32 @!p1 $0x1082;
	[sflag:s4] =	ssyncset.s32 $0xFFFFF086  }
0x25: {  	[simem:s6], [sflag:s4] =	dma.local [hbm:s3], $0xF7A  }
0x26: {  	[smem:$0x3F9F] =	sst s1;
	(tag) =	ssettag s2;
	_ =	strace s9  }
0x27: {  	s1 =	sld [smem:$0x3FAF]  }
0x28: {  	s2 =	sld [smem:$0x3FB0]  }
0x29: {  	s4 =	sld [smem:$0x3FB2]  }
0x2a: {  	p0 =	seq.s32 s5, $0x0;
	s5 =	sld [smem:$0x3FB3]  }
0x2b: {  	s6 =	sld [smem:$0x3FB4]  }
0x2c: {  	s7 =	sld [smem:$0x3FB5]  }
0x2d: {  	s3 =	simm.s32 $0x108;
	s8 =	sld [smem:$0x3FB6]  }
0x2e: {  	s3 =	simm.s32 @!p0 $0x1082;
	s9 =	sld [smem:$0x3FB7]  }
0x2f: {  	lr =	sadd.s32 s0, s3;
	s0 =	sld [smem:$0x3FAE]  }
0x30: {  	s3 =	sld [smem:$0x3FB1]  }
0x31: {  	[smem:$0x3FBA] =	sst s10  }
0x32: {  	s10 =	sld [smem:$0x3FB8];
	_ =	sdelay $0x3  }
0x33: {  	p0 =	seq.s32 s10, $0x1;
	s10 =	sld [smem:$0x3FBA];
	_ =	sdelay $0x3  }
0x34: {  	[smem:$0x3FBA] =	sst s10  }
0x35: {  	s10 =	sld [smem:$0x3FB9];
	_ =	sdelay $0x3  }
0x36: {  	p1 =	seq.s32 s10, $0x1;
	s10 =	sld [smem:$0x3FBA];
	_ =	sdelay $0x3  }
0x37: {  	[smem:$0x3FBA] =	sst s10  }
0x38: {  	s10 =	sld [smem:$0x3FBB]  }
0x39: {  	_ = 	snop;
	(pc) =	sbr.ind lr, $3  }
0x3a: {  	_ = 	snop  }
0x3b: {  	_ = 	snop  }
0x3c: {  	p2 =	seq.s32 s10, $0x1;
	s10 =	sld [smem:$0x3FBA]  }
0x3d: {  	_ =	shalt  }
0x3e: {  	_ =	shalt  }
0x3f: {  	_ =	shalt  }
0x40: {  	_ =	shalt  }
0x41: {  	_ =	shalt  }
0x42: {  	_ =	shalt  }
0x43: {  	_ =	shalt  }
0x44: {  	_ =	shalt  }
0x45: {  	_ =	shalt  }
0x46: {  	_ =	shalt  }
0x47: {  	_ =	shalt  }
0x48: {  	_ =	shalt  }
0x49: {  	_ =	shalt  }
0x4a: {  	_ =	shalt  }
0x4b: {  	_ =	shalt  }
0x4c: {  	_ =	shalt  }
0x4d: {  	_ =	shalt  }
0x4e: {  	_ =	shalt  }
0x4f: {  	_ =	shalt  }
0x50: {  	_ =	shalt  }
0x51: {  	_ =	shalt  }
0x52: {  	_ =	shalt  }
0x53: {  	_ =	shalt  }
0x54: {  	_ =	shalt  }
0x55: {  	_ =	shalt  }
0x56: {  	_ =	shalt  }
0x57: {  	_ =	shalt  }
0x58: {  	_ =	shalt  }
0x59: {  	_ =	shalt  }
0x5a: {  	_ =	shalt  }
0x5b: {  	_ =	shalt  }
0x5c: {  	_ =	shalt  }
0x5d: {  	_ =	shalt  }
0x5e: {  	_ =	shalt  }
0x5f: {  	_ =	shalt  }
0x60: {  	_ =	shalt  }
0x61: {  	_ =	shalt  }
0x62: {  	_ =	shalt  }
0x63: {  	_ =	shalt  }
0x64: {  	_ =	shalt  }
0x65: {  	_ =	shalt  }
0x66: {  	_ =	shalt  }
0x67: {  	_ =	shalt  }
0x68: {  	_ =	shalt  }
0x69: {  	_ =	shalt  }
0x6a: {  	_ =	shalt  }
0x6b: {  	_ =	shalt  }
0x6c: {  	_ =	shalt  }
0x6d: {  	_ =	shalt  }
0x6e: {  	_ =	shalt  }
0x6f: {  	_ =	shalt  }
0x70: {  	_ =	shalt  }
0x71: {  	_ =	shalt  }
0x72: {  	_ =	shalt  }
0x73: {  	_ =	shalt  }
0x74: {  	_ =	shalt  }
0x75: {  	_ =	shalt  }
0x76: {  	_ =	shalt  }
0x77: {  	_ =	shalt  }
0x78: {  	_ =	shalt  }
0x79: {  	_ =	shalt  }
0x7a: {  	_ =	shalt  }
0x7b: {  	_ =	shalt  }
0x7c: {  	_ =	shalt  }
0x7d: {  	_ =	shalt  }
0x7e: {  	_ =	shalt  }
0x7f: {  	_ =	shalt  }
0x80: {  	_ =	shalt  }
0x81: {  	_ =	shalt  }
0x82: {  	_ =	shalt  }
0x83: {  	_ =	shalt  }
0x84: {  	_ =	shalt  }
0x85: {  	_ =	shalt  }
0x86: {  	_ =	shalt  }
0x87: {  	_ =	shalt  }
.Lfunc_end0:
.L_simem_size_0:
called_computation_lowered:
.L_overlay_start_0:
0x88: {  	s2 =	sld [smem:$0x3FD9]  }
0x89: {  	s3 =	sld [smem:$0x3FFE];
	_ =	sdelay $0x1  }
0x8a: {  	s1 =	srdreg.scid  }
0x8b: {  	s0 =	sand.u32 $0x1, s1  }
0x8c: {  	s16 =	sshll.u32 s0, $0xA;
	s2 =	sadd.s32 s3, s2  }
0x8d: {  	s2 =	sadd.s32 s2, s16  }
0x8e: {  	[smem:$0x3FC6] =	sst s2  }
0x8f: {  	_ = 	snop  }
0x90: {  	(tm) =	ssettm $0x1  }
0x91: {  	s17 =	sld [smem:$0x3FFB];
	_ =	sdelay $0x3  }
0x92: {  	_ =	strace s17  }
0x93: {  	s2 =	sld [smem:$0x3FFC];
	_ =	sdelay $0x3  }
0x94: {  	_ =	strace s2  }
0x95: {  	s2 =	sld [smem:$0x3FFD];
	_ =	sdelay $0x3  }
0x96: {  	_ =	strace s2  }
0x97: {  	_ =	strace $0x8FFFFFFF  }
0x98: {  	s18 =	sld [smem:$0x3FDB];
	_ =	sdelay $0x1  }
0x99: {  	s19 =	simm.s32 $_scs_section_size  }
0x9a: {  	s4 =	simm.s32 $_size__tile_overlayer_lowered;
	s5 =	simm.s32 $_tile_overlayer_lowered  }
0x9b: {  	s22 =	simm.s32 $0x1BFF;
	s21 =	sshll.u32 s5, $0x1;
	s2 =	sadd.s32 s19, s18  }
0x9c: {  	s6 =	simm.s32 $0x0;
	s20 =	sshll.u32 s4, $0x1;
	s4 =	sadd.s32 s21, s2  }
0x9d: {  	[timem:s6], [sflag:s22] =	dma.local [hbm:s4], s20  }
0x9e: {  	_ =	swait.ge [sflag:s22], s20  }
0x9f: {  	s3 =	ssub.s32 $0x0, s20;
	[sflag:s22] =	ssyncset.done $0x0  }
0xa0: {  	[sflag:s22] =	ssyncadd.s32 s3;
	_ =	sdelay $0x1  }
0xa1: {  	s23 =	simm.s32 $0x1B8B  }
0xa2: {  	_ =	swait.ge [sflag:s23], $0x1  }
0xa3: {  	[sflag:s23] =	ssyncset.done $0x0  }
0xa4: {  	s25 =	simm.s32 $0x1B8E;
	s24 =	sld [smem:$0x3FFE];
	[sflag:s23] =	ssyncadd.s32 $0xFFFFFFFF  }
0xa5: {  	s26 =	simm.s32 $execute0_lowered;
	[smem:$0x3FD2] =	sst s25  }
0xa6: {  	s4 =	sshll.u32 s26, $0x1;
	_ =	strace $0x80000046;
	[dreg:$0x1] =	wrdreg $0xFFFFFFFF  }
0xa7: {  	s28 =	simm.s32 $_size_execute0_lowered;
	s2 =	sadd.s32 s2, s4;
	[dreg:$0x0] =	wrdreg $0x0  }
0xa8: {  	s4 =	sshll.u32 s28, $0x1;
	[dreg:$0x2] =	wrdreg s2  }
0xa9: {  	[dreg:$0x3] =	wrdreg s4  }
0xaa: {  	[dreg:$0x4] =	wrdreg $0xC0  }
0xab: {  	_ =	task [dreg:s6], $0x5FFFF  }
0xac: {  	[dreg:$0x1] =	wrdreg $0xFFFFFFFF  }
0xad: {  	[dreg:$0x0] =	wrdreg $0x60  }
0xae: {  	[dreg:$0x2] =	wrdreg s24  }
0xaf: {  	[dreg:$0x3] =	wrdreg $0x0  }
0xb0: {  	[dreg:$0x4] =	wrdreg $0x9  }
0xb1: {  	_ =	task.clear_ibuf [dreg:s6], $0x5FFFF;
	_ =	strace $0x90000046  }
0xb2: {  	s29 =	simm.s32 $0x9;
	_ =	strace $0x80000048  }
0xb3: {  	_ =	swait.ge [sflag:s29], $0x1  }
0xb4: {  	[sflag:s29] =	ssyncadd.s32 $0xFFFFFFFF  }
0xb5: {  	_ =	strace $0x90000048  }
0xb6: {  	_ =	sfence  }
0xb7: {  	s30 =	sld [smem:$0x0];
	_ =	sdelay $0x2  }
0xb8: {  	s31 =	sshll.u32 s1, $0xD;
	s1 =	sshrl.u32 s1, $0x2  }
0xb9: {  	s3 =	sand.u32 $0x4000, s31;
	s1 =	sadd.s32 s1, s30  }
0xba: {  	s0 =	sor.u32 s3, s0;
	s1 =	sshll.u32 s1, $0x11  }
0xbb: {  	s0 =	sor.u32 s1, s0  }
0xbc: {  	s0 =	sadd.s32 $0x8F2B, s0  }
0xbd: {  	[sflag:s0] =	ssyncadd.remote.s32 $0x1  }
0xbe: {  	_ =	sfence.sel $0xFFFF  }
0xbf: {  	[dreg:$0x0] =	wrdreg $0xFFFFFFFF;
	(pc) =	sbr.abs _section_cstart, $3  }
0xc0: {  	[dreg:$0x1] =	wrdreg $0xFFFFFFFF  }
0xc1: {  	_ =	task.clear_ibuf [dreg:s6], $0x2FFFF;
	_ =	strace $0x9FFFFFFF  }
0xc2: {  	(tm) =	ssettm $0x7FFFFFFF  }
0xc3: {  	_ =	shalt  }
tec
execute0_lowered:
.L_overlay_start_1:
0x0: {  	(tag) =	ssettag $0x1  }
0x1: {  	s0 =	srdreg.scid;
	s5 =	rddreg [dreg:$0x0]  }
0x2: {  	s1 =	stileid.u32;
	s6 =	sand.u32 $0x1, s0;
	s0 =	simm.s32 $0x0  }
0x3: {  	s2 =	smul.u32 $0x186A0, s1;
	s16 =	sadd.s32 $0x82C00, s5;
	s3 =	ssub.s32 $0x2, s6  }
0x4: {  	[smem:$0x7FF] =	sst s0;
	p0 =	seq.s32 s6, $0x1;
	s4 =	sshrl.u32 s3, $0x1  }
0x5: {  	s7 =	sadd.s32 $0x2710, s2;
	s8 =	sadd.s32 $0x4E20, s2;
	s9 =	sadd.s32 $0x7530, s2  }
0x6: {  	s10 =	sadd.s32 $0x9C40, s2;
	s4 =	ssub.s32 s3, s4;
	s3 =	smul.u32 $0x30D400, s6  }
0x7: {  	s11 =	sadd.s32 $0xC350, s2;
	s12 =	sadd.s32 $0xEA60, s2;
	s13 =	sadd.s32 $0x11170, s2  }
0x8: {  	s14 =	sadd.s32 $0x13880, s2;
	s15 =	sadd.s32 $0x15F90, s2;
	s17 =	sadd.s32 s2, s3  }
0x9: {  	s18 =	sadd.s32 s3, s7;
	s22 =	sadd.s32 s3, s8;
	s23 =	sadd.s32 s3, s9  }
0xa: {  	s24 =	sadd.s32 s3, s10;
	s19 =	sadd.s32 s3, s13;
	s17 =	sshrl.u32 s17, $0x3  }
0xb: {  	s21 =	sshrl.u32 s18, $0x3;
	s26 =	sshrl.u32 s24, $0x3;
	s20 =	sadd.s32 s16, s17  }
0xc: {  	s6 =	sadd.s32 s16, s21;
	s17 =	sshrl.u32 s23, $0x3;
	[dreg:$0x3] =	wrdreg s20  }
0xd: {  	[dreg:$0x4] =	wrdreg s6;
	s6 =	sshrl.u32 s22, $0x3;
	s25 =	sadd.s32 s16, s17  }
0xe: {  	s18 =	sadd.s32 s3, s12;
	s6 =	sadd.s32 s16, s6;
	[dreg:$0x6] =	wrdreg s25  }
0xf: {  	s22 =	sadd.s32 s3, s14;
	[dreg:$0x5] =	wrdreg s6;
	s6 =	sadd.s32 s16, s26  }
0x10: {  	s17 =	sadd.s32 s3, s11;
	s24 =	sshrl.u32 s22, $0x3;
	[dreg:$0x7] =	wrdreg s6  }
0x11: {  	s6 =	sshrl.u32 s17, $0x3;
	s17 =	sshrl.u32 s18, $0x3;
	s18 =	sadd.s32 s16, s24  }
0x12: {  	s21 =	sshrl.u32 s19, $0x3;
	s6 =	sadd.s32 s16, s6;
	[dreg:$0xb] =	wrdreg s18  }
0x13: {  	s23 =	sadd.s32 s3, s15;
	s20 =	sadd.s32 s16, s17;
	[dreg:$0x8] =	wrdreg s6  }
0x14: {  	s17 =	sshrl.u32 s23, $0x3;
	[dreg:$0x9] =	wrdreg s20;
	s6 =	sadd.s32 s16, s21  }
0x15: {  	p1 =	sne.s32 s1, $0x0;
	s17 =	sadd.s32 s16, s17;
	[dreg:$0xa] =	wrdreg s6  }
0x16: {  	s1 =	sshll.u32 s1, $0xD;
	s6 =	sadd.s32 $0x186A00, s3;
	[dreg:$0xc] =	wrdreg s17  }
0x17: {  	s25 =	sadd.s32 s2, s6;
	s26 =	sadd.s32 s7, s6;
	s19 =	sadd.s32 s8, s6  }
0x18: {  	s22 =	sadd.s32 s9, s6;
	s23 =	sadd.s32 s10, s6;
	s24 =	sadd.s32 s11, s6  }
0x19: {  	s17 =	sshrl.u32 s25, $0x3;
	s18 =	sshrl.u32 s26, $0x3;
	s20 =	sshrl.u32 s19, $0x3  }
0x1a: {  	s25 =	sshrl.u32 s23, $0x3;
	s26 =	sshrl.u32 s24, $0x3;
	s17 =	sadd.s32 s16, s17  }
0x1b: {  	s21 =	sadd.s32 s16, s20;
	s19 =	sadd.s32 s16, s26;
	[dreg:$0xd] =	wrdreg s17  }
0x1c: {  	s20 =	sadd.s32 s12, s6;
	s17 =	sadd.s32 s16, s18;
	[dreg:$0xf] =	wrdreg s21  }
0x1d: {  	[dreg:$0x12] =	wrdreg s19;
	s19 =	sadd.s32 $0x21C00, s5;
	s18 =	sadd.s32 $0x21E00, s5  }
0x1e: {  	[dreg:$0xe] =	wrdreg s17;
	s17 =	sshrl.u32 s22, $0x3;
	s19 =	smov.u32 @p0 s18  }
0x1f: {  	s22 =	sadd.s32 s14, s6;
	s17 =	sadd.s32 s16, s17;
	[dreg:$0x16] =	wrdreg s19  }
0x20: {  	s24 =	sshrl.u32 s22, $0x3;
	[dreg:$0x10] =	wrdreg s17;
	s17 =	sadd.s32 s16, s25  }
0x21: {  	s25 =	sadd.s32 s16, s24;
	[dreg:$0x11] =	wrdreg s17;
	s17 =	sshrl.u32 s20, $0x3  }
0x22: {  	s21 =	sadd.s32 s13, s6;
	[dreg:$0x15] =	wrdreg s25;
	s17 =	sadd.s32 s16, s17  }
0x23: {  	s4 =	smax.u32 s4, $0x1;
	s23 =	sshrl.u32 s21, $0x3;
	[dreg:$0x13] =	wrdreg s17  }
0x24: {  	s26 =	sadd.s32 s15, s6;
	s17 =	sadd.s32 s16, s23;
	s23 =	rddreg [dreg:$0x1]  }
0x25: {  	s18 =	sadd.s32 s1, s5;
	[dreg:$0x14] =	wrdreg s17;
	s17 =	sshrl.u32 s26, $0x3  }
0x26: {  	s24 =	sadd.s32 s2, s23;
	s30 =	sadd.s32 s11, s23;
	s16 =	sadd.s32 s16, s17  }
0x27: {  	s31 =	sadd.s32 s12, s23;
	s11 =	sadd.s32 $0x81C00, s5;
	[dreg:$0x17] =	wrdreg s16  }
0x28: {  	s12 =	sadd.s32 $0x82400, s5;
	_ =	strace $0x80000047;
	[dreg:$0x18] =	wrdreg s11  }
0x29: {  	s21 =	sadd.s32 s13, s23;
	s13 =	sadd.s32 $0x81E00, s5;
	[dreg:$0x19] =	wrdreg s12  }
0x2a: {  	s1 =	sadd.s32 s14, s23;
	s14 =	sadd.s32 $0x82000, s5;
	[dreg:$0x1a] =	wrdreg s13  }
0x2b: {  	s2 =	sadd.s32 s15, s23;
	s15 =	sadd.s32 $0x82200, s5;
	[dreg:$0x1b] =	wrdreg s14  }
0x2c: {  	v0 =	vmov s3;
	s3 =	simm.s32 $0x1000;
	s16 =	sadd.s32 $0x82600, s5;
	[dreg:$0x1c] =	wrdreg s15  }
0x2d: {  	v1 =	vmov s6;
	s6 =	simm.s32 $0x0;
	s17 =	sadd.s32 $0x82800, s5;
	[dreg:$0x1d] =	wrdreg s16  }
0x2e: {  	s19 =	sadd.s32 $0x2C00, s18;
	s5 =	sadd.s32 $0x82A00, s5;
	[dreg:$0x1e] =	wrdreg s17  }
0x2f: {  	s22 =	sadd.s32 $0x3000, s18;
	s20 =	sadd.s32 $0x2E00, s18;
	[dreg:$0x1f] =	wrdreg s5  }
0x30: {  	s25 =	sadd.s32 s7, s23;
	s26 =	sadd.s32 s8, s23;
	[smem:$0x7F4] =	sst s19  }
0x31: {  	s28 =	sadd.s32 s9, s23;
	s29 =	sadd.s32 s10, s23;
	[smem:$0x7F5] =	sst s20  }
0x32: {  	s10 =	sadd.s32 $0x1C00, s18;
	s7 =	sadd.s32 $0x3200, s18;
	[smem:$0x7F6] =	sst s22  }
0x33: {  	s8 =	sadd.s32 $0x3400, s18;
	s9 =	sadd.s32 $0x3600, s18;
	[smem:$0x7F7] =	sst s7  }
0x34: {  	s11 =	sadd.s32 $0x1E00, s18;
	s12 =	sadd.s32 $0x2000, s18;
	[smem:$0x7F8] =	sst s8  }
0x35: {  	s13 =	sadd.s32 $0x2200, s18;
	s14 =	sadd.s32 $0x2400, s18;
	[smem:$0x7F9] =	sst s9  }
0x36: {  	s15 =	sadd.s32 $0x2600, s18;
	s19 =	sadd.s32 $0x3800, s18;
	[smem:$0x7FC] =	sst s4  }
0x37: {  	s16 =	sadd.s32 $0x2800, s18;
	s20 =	sadd.s32 $0x3A00, s18;
	[smem:$0x7FA] =	sst s19  }
0x38: {  	s17 =	sadd.s32 $0x2A00, s18;
	s22 =	sadd.s32 $0x187A00, s23;
	[smem:$0x7FB] =	sst s20  }
0x39: {  	s4 =	simm.s32 $0x19840;
	s5 =	simm.s32 $0x1A840;
	[smem:$0x7FD] =	sst s22  }
0x3a: {  	v2 =	vimm.f32 $1.000000000e+00;
	v3 =	vimm.f32 $0.0e+00;
	s19 =	simm.s32 $0x1B840;
	s20 =	simm.s32 $0x1;
	s22 =	simm.s32 $0x18840  }
.LBB2_1:
0x3b: {  	s7 =	simm.s32 $0x0  }
.LBB2_2:
0x3c: {  	p2 =	sne.s32 s7, $0x3FC0  }
.Ltmp0:
0x3d: {  	_ = 	snop;
	(pc) =	sbr.rel @p2 .LBB2_2-.Ltmp0, $3  }
0x3e: {  	_ =	sdelay $0x1  }
0x3f: {  	s8 =	sshra.s32 s7, $0x2  }
0x40: {  	s7 =	sadd.s32 $0x40, s7;
	[tilespmem:s8+$0x1A840] =	vst v2  }
0x41: {  	s7 =	simm.s32 $0x40;
	s8 =	simm.s32 $0x0  }
.LBB2_4:
0x42: {  	p2 =	sne.s32 s7, $0x9C00;
	[tilespmem:s8+$0x1B840] =	vst v3;
	s8 =	smov.u32 s7;
	s7 =	sadd.s32 $0x40, s7  }
.Ltmp1:
0x43: {  	(pc) =	sbr.rel @p2 .LBB2_4-.Ltmp1, $2  }
0x44: {  	_ =	sdelay $0x2  }
0x45: {  	s8 =	sshra.s32 s8, $0x2  }
0x46: {  	[tilespmem:s8+$0x1B840] =	vst v3  }
0x47: {  	[spmem:s24] =	stream.linear.scatter [tilespmem:s19], [sflag:$0x1], $0x2710, $0x38;
	[tilespmem:$0x1DFC0] =	vst v63  }
0x48: {  	_ =	swait.ge [sflag:s20], $0x2710  }
0x49: {  	[sflag:s20] =	ssyncset.done $0x0  }
0x4a: {  	[sflag:s20] =	ssyncadd.s32 $0xFFFFD8F0  }
0x4b: {  	[spmem:s25] =	stream.linear.scatter [tilespmem:s19], [sflag:$0x1], $0x2710, $0x38;
	[tilespmem:$0x1DFC0] =	vst v63  }
0x4c: {  	_ =	swait.ge [sflag:s20], $0x2710  }
0x4d: {  	[sflag:s20] =	ssyncset.done $0x0  }
0x4e: {  	[sflag:s20] =	ssyncadd.s32 $0xFFFFD8F0  }
0x4f: {  	[spmem:s26] =	stream.linear.scatter [tilespmem:s19], [sflag:$0x1], $0x2710, $0x38;
	[tilespmem:$0x1DFC0] =	vst v63  }
0x50: {  	_ =	swait.ge [sflag:s20], $0x2710  }
0x51: {  	[sflag:s20] =	ssyncset.done $0x0  }
0x52: {  	[sflag:s20] =	ssyncadd.s32 $0xFFFFD8F0  }
0x53: {  	[spmem:s28] =	stream.linear.scatter [tilespmem:s19], [sflag:$0x1], $0x2710, $0x38;
	[tilespmem:$0x1DFC0] =	vst v63  }
0x54: {  	_ =	swait.ge [sflag:s20], $0x2710  }
0x55: {  	[sflag:s20] =	ssyncset.done $0x0  }
0x56: {  	[sflag:s20] =	ssyncadd.s32 $0xFFFFD8F0  }
0x57: {  	[spmem:s29] =	stream.linear.scatter [tilespmem:s19], [sflag:$0x1], $0x2710, $0x38;
	[tilespmem:$0x1DFC0] =	vst v63  }
0x58: {  	_ =	swait.ge [sflag:s20], $0x2710  }
0x59: {  	[sflag:s20] =	ssyncset.done $0x0  }
0x5a: {  	[sflag:s20] =	ssyncadd.s32 $0xFFFFD8F0  }
0x5b: {  	[spmem:s30] =	stream.linear.scatter [tilespmem:s19], [sflag:$0x1], $0x2710, $0x38;
	[tilespmem:$0x1DFC0] =	vst v63  }
0x5c: {  	_ =	swait.ge [sflag:s20], $0x2710  }
0x5d: {  	[sflag:s20] =	ssyncset.done $0x0  }
0x5e: {  	[sflag:s20] =	ssyncadd.s32 $0xFFFFD8F0  }
0x5f: {  	[spmem:s31] =	stream.linear.scatter [tilespmem:s19], [sflag:$0x1], $0x2710, $0x38;
	[tilespmem:$0x1DFC0] =	vst v63  }
0x60: {  	_ =	swait.ge [sflag:s20], $0x2710  }
0x61: {  	[sflag:s20] =	ssyncset.done $0x0  }
0x62: {  	[sflag:s20] =	ssyncadd.s32 $0xFFFFD8F0  }
0x63: {  	[spmem:s21] =	stream.linear.scatter [tilespmem:s19], [sflag:$0x1], $0x2710, $0x38;
	[tilespmem:$0x1DFC0] =	vst v63  }
0x64: {  	_ =	swait.ge [sflag:s20], $0x2710  }
0x65: {  	[sflag:s20] =	ssyncset.done $0x0  }
0x66: {  	[sflag:s20] =	ssyncadd.s32 $0xFFFFD8F0  }
0x67: {  	[spmem:s1] =	stream.linear.scatter [tilespmem:s19], [sflag:$0x1], $0x2710, $0x38;
	[tilespmem:$0x1DFC0] =	vst v63  }
0x68: {  	_ =	swait.ge [sflag:s20], $0x2710  }
0x69: {  	[sflag:s20] =	ssyncset.done $0x0  }
.Ltmp2:
0x6a: {  	[sflag:s20] =	ssyncadd.s32 $0xFFFFD8F0;
	(pc) =	sbr.rel @!p1 .LBB2_6-.Ltmp2, $4  }
0x6b: {  	[spmem:s2] =	stream.linear.scatter [tilespmem:s19], [sflag:$0x1], $0x2710, $0x38;
	[tilespmem:$0x1DFC0] =	vst v63  }
0x6c: {  	_ =	swait.ge [sflag:s20], $0x2710  }
0x6d: {  	[sflag:s20] =	ssyncset.done $0x0  }
0x6e: {  	[sflag:s20] =	ssyncadd.s32 $0xFFFFD8F0  }
.Ltmp3:
0x6f: {  	(pc) =	sbr.rel .LBB2_26-.Ltmp3, $2  }
0x70: {  	_ =	sdelay $0x1  }
0x71: {  	[bflag:$0x0] =	sbarrier.arrive $0xFFFF;
	_ =	sdelay $0x1  }
.LBB2_6:
0x72: {  	s7 =	sld [smem:$0x7FD];
	_ =	sdelay $0x2  }
0x73: {  	[spmem:s7] =	stream.linear.scatter [tilespmem:s19], [sflag:$0x1], $0xA00, $0x38;
	[tilespmem:$0x1DFC0] =	vst v63  }
.Ltmp4:
0x74: {  	_ =	swait.ge [sflag:s20], $0xA00;
	(pc) =	sbr.rel @!p0 .LBB2_7-.Ltmp4, $4  }
0x75: {  	[sflag:s20] =	ssyncset.done $0x0  }
0x76: {  	[sflag:s20] =	ssyncadd.s32 $0xFFFFF600  }
0x77: {  	[bflag:$0x0] =	sbarrier.arrive $0xFFFF  }
0x78: {  	s7 =	simm.s32 $0x0  }
0x79: {  	s8 =	rddreg [dreg:$0x19]  }
0x7a: {  	[tilespmem:s22], [sflag:$0x1] =	stream.linear.gather [hbm4b:s8+s7], $0x1000, $0x38;
	[tilespmem:$0x1DFC0] =	vst v63  }
0x7b: {  	_ =	swait.ge [sflag:s20], $0x1000  }
0x7c: {  	[sflag:s20] =	ssyncset.done $0x0  }
0x7d: {  	s7 =	simm.s32 $0x0;
	[sflag:s20] =	ssyncadd.s32 $0xFFFFF000  }
0x7e: {  	s8 =	simm.s32 $0x40;
	v4 =	vld [tilespmem:s7+$0x18840]  }
.LBB2_17:
0x7f: {  	p2 =	sne.s32 s8, $0x3FC0  }
.Ltmp5:
0x80: {  	_ = 	snop;
	(pc) =	sbr.rel @p2 .LBB2_17-.Ltmp5, $3  }
0x81: {  	_ =	sdelay $0x1  }
0x82: {  	s9 =	sshra.s32 s8, $0x2;
	s8 =	sadd.s32 $0x40, s8;
	v5 =	vadd.s32 $0x187A00, v4  }
0x83: {  	v4 =	vld [tilespmem:s9+$0x18840];
	[tilespmem:s7+$0x19840] =	vst v5;
	s7 =	smov.u32 s9  }
0x84: {  	_ =	sdelay $0x3  }
0x85: {  	v4 =	vadd.s32 $0x187A00, v4  }
0x86: {  	[tilespmem:s7+$0x19840] =	vst v4  }
0x87: {  	[spmem:s23] =	stream.indirect.scatter.add.f32 [tilespmem:s5], [sflag:$0x1], $0x1, s4, s3, $0xb8;
	[tilespmem:$0x1DFC0] =	vst v63  }
0x88: {  	_ =	swait.ge [sflag:s20], $0x1000  }
0x89: {  	[sflag:s20] =	ssyncset.done $0x0  }
0x8a: {  	s18 =	simm.s32 $0x0;
	s8 =	rddreg [dreg:$0x1d];
	[sflag:s20] =	ssyncadd.s32 $0xFFFFF000  }
0x8b: {  	[tilespmem:s22], [sflag:$0x1] =	stream.linear.gather [hbm4b:s8+s18], $0x1000, $0x38;
	[tilespmem:$0x1DFC0] =	vst v63  }
0x8c: {  	_ =	swait.ge [sflag:s20], $0x1000  }
0x8d: {  	[sflag:s20] =	ssyncset.done $0x0  }
0x8e: {  	s7 =	simm.s32 $0x0;
	[sflag:s20] =	ssyncadd.s32 $0xFFFFF000  }
0x8f: {  	s8 =	simm.s32 $0x40;
	v4 =	vld [tilespmem:s7+$0x18840]  }
.LBB2_19:
0x90: {  	p2 =	sne.s32 s8, $0x3FC0  }
.Ltmp6:
0x91: {  	_ = 	snop;
	(pc) =	sbr.rel @p2 .LBB2_19-.Ltmp6, $3  }
0x92: {  	_ =	sdelay $0x1  }
0x93: {  	s9 =	sshra.s32 s8, $0x2;
	s8 =	sadd.s32 $0x40, s8;
	v5 =	vadd.s32 $0x187A00, v4  }
0x94: {  	v4 =	vld [tilespmem:s9+$0x18840];
	[tilespmem:s7+$0x19840] =	vst v5;
	s7 =	smov.u32 s9  }
0x95: {  	_ =	sdelay $0x3  }
0x96: {  	v4 =	vadd.s32 $0x187A00, v4  }
0x97: {  	[tilespmem:s7+$0x19840] =	vst v4  }
0x98: {  	[spmem:s23] =	stream.indirect.scatter.add.f32 [tilespmem:s5], [sflag:$0x1], $0x1, s4, s3, $0xb8;
	[tilespmem:$0x1DFC0] =	vst v63  }
0x99: {  	_ =	swait.ge [sflag:s20], $0x1000  }
0x9a: {  	[sflag:s20] =	ssyncset.done $0x0  }
0x9b: {  	s18 =	simm.s32 $0x0;
	s8 =	rddreg [dreg:$0x1e];
	[sflag:s20] =	ssyncadd.s32 $0xFFFFF000  }
0x9c: {  	[tilespmem:s22], [sflag:$0x1] =	stream.linear.gather [hbm4b:s8+s18], $0x1000, $0x38;
	[tilespmem:$0x1DFC0] =	vst v63  }
0x9d: {  	_ =	swait.ge [sflag:s20], $0x1000  }
0x9e: {  	[sflag:s20] =	ssyncset.done $0x0  }
0x9f: {  	s7 =	simm.s32 $0x0;
	[sflag:s20] =	ssyncadd.s32 $0xFFFFF000  }
0xa0: {  	s8 =	simm.s32 $0x40;
	v4 =	vld [tilespmem:s7+$0x18840]  }
.LBB2_21:
0xa1: {  	p2 =	sne.s32 s8, $0x3FC0  }
.Ltmp7:
0xa2: {  	_ = 	snop;
	(pc) =	sbr.rel @p2 .LBB2_21-.Ltmp7, $3  }
0xa3: {  	_ =	sdelay $0x1  }
0xa4: {  	s9 =	sshra.s32 s8, $0x2;
	s8 =	sadd.s32 $0x40, s8;
	v5 =	vadd.s32 $0x187A00, v4  }
0xa5: {  	v4 =	vld [tilespmem:s9+$0x18840];
	[tilespmem:s7+$0x19840] =	vst v5;
	s7 =	smov.u32 s9  }
0xa6: {  	_ =	sdelay $0x3  }
0xa7: {  	v4 =	vadd.s32 $0x187A00, v4  }
0xa8: {  	[tilespmem:s7+$0x19840] =	vst v4  }
0xa9: {  	[spmem:s23] =	stream.indirect.scatter.add.f32 [tilespmem:s5], [sflag:$0x1], $0x1, s4, s3, $0xb8;
	[tilespmem:$0x1DFC0] =	vst v63  }
0xaa: {  	_ =	swait.ge [sflag:s20], $0x1000  }
0xab: {  	[sflag:s20] =	ssyncset.done $0x0  }
0xac: {  	s18 =	simm.s32 $0x0;
	s8 =	rddreg [dreg:$0x1f];
	[sflag:s20] =	ssyncadd.s32 $0xFFFFF000  }
0xad: {  	[tilespmem:s22], [sflag:$0x1] =	stream.linear.gather [hbm4b:s8+s18], $0x1000, $0x38;
	[tilespmem:$0x1DFC0] =	vst v63  }
0xae: {  	_ =	swait.ge [sflag:s20], $0x1000  }
0xaf: {  	[sflag:s20] =	ssyncset.done $0x0  }
0xb0: {  	s7 =	simm.s32 $0x0;
	[sflag:s20] =	ssyncadd.s32 $0xFFFFF000  }
0xb1: {  	s8 =	simm.s32 $0x40;
	v4 =	vld [tilespmem:s7+$0x18840]  }
.LBB2_23:
0xb2: {  	p2 =	sne.s32 s8, $0x3FC0  }
.Ltmp8:
0xb3: {  	_ = 	snop;
	(pc) =	sbr.rel @p2 .LBB2_23-.Ltmp8, $3  }
0xb4: {  	_ =	sdelay $0x1  }
0xb5: {  	s9 =	sshra.s32 s8, $0x2;
	s8 =	sadd.s32 $0x40, s8;
	v5 =	vadd.s32 $0x187A00, v4  }
0xb6: {  	v4 =	vld [tilespmem:s9+$0x18840];
	[tilespmem:s7+$0x19840] =	vst v5;
	s7 =	smov.u32 s9  }
0xb7: {  	_ =	sdelay $0x3  }
0xb8: {  	v4 =	vadd.s32 $0x187A00, v4  }
.Ltmp9:
0xb9: {  	[tilespmem:s7+$0x19840] =	vst v4;
	(pc) =	sbr.rel .LBB2_26-.Ltmp9, $4  }
0xba: {  	[spmem:s23] =	stream.indirect.scatter.add.f32 [tilespmem:s5], [sflag:$0x1], $0x1, s4, s3, $0xb8;
	[tilespmem:$0x1DFC0] =	vst v63  }
0xbb: {  	_ =	swait.ge [sflag:s20], $0x1000  }
0xbc: {  	[sflag:s20] =	ssyncset.done $0x0  }
0xbd: {  	[sflag:s20] =	ssyncadd.s32 $0xFFFFF000  }
.LBB2_7:
0xbe: {  	s8 =	rddreg [dreg:$0x18]  }
0xbf: {  	[tilespmem:s22], [sflag:$0x1] =	stream.linear.gather [hbm4b:s8+s7], $0x1000, $0x38;
	[tilespmem:$0x1DFC0] =	vst v63  }
0xc0: {  	_ =	swait.ge [sflag:s20], $0x1000  }
0xc1: {  	[sflag:s20] =	ssyncset.done $0x0  }
0xc2: {  	s7 =	simm.s32 $0x0;
	[sflag:s20] =	ssyncadd.s32 $0xFFFFF000  }
0xc3: {  	s8 =	simm.s32 $0x40;
	v4 =	vld [tilespmem:s7+$0x18840]  }
.LBB2_8:
0xc4: {  	p2 =	sne.s32 s8, $0x3FC0  }
.Ltmp10:
0xc5: {  	_ = 	snop;
	(pc) =	sbr.rel @p2 .LBB2_8-.Ltmp10, $3  }
0xc6: {  	_ =	sdelay $0x1  }
0xc7: {  	s9 =	sshra.s32 s8, $0x2;
	s8 =	sadd.s32 $0x40, s8;
	v5 =	vadd.s32 $0x187A00, v4  }
0xc8: {  	v4 =	vld [tilespmem:s9+$0x18840];
	[tilespmem:s7+$0x19840] =	vst v5;
	s7 =	smov.u32 s9  }
0xc9: {  	_ =	sdelay $0x3  }
0xca: {  	v4 =	vadd.s32 $0x187A00, v4  }
0xcb: {  	[tilespmem:s7+$0x19840] =	vst v4  }
0xcc: {  	[spmem:s23] =	stream.indirect.scatter.add.f32 [tilespmem:s5], [sflag:$0x1], $0x1, s4, s3, $0xb8;
	[tilespmem:$0x1DFC0] =	vst v63  }
0xcd: {  	_ =	swait.ge [sflag:s20], $0x1000  }
0xce: {  	[sflag:s20] =	ssyncset.done $0x0  }
0xcf: {  	s18 =	simm.s32 $0x0;
	s8 =	rddreg [dreg:$0x1a];
	[sflag:s20] =	ssyncadd.s32 $0xFFFFF000  }
0xd0: {  	[tilespmem:s22], [sflag:$0x1] =	stream.linear.gather [hbm4b:s8+s18], $0x1000, $0x38;
	[tilespmem:$0x1DFC0] =	vst v63  }
0xd1: {  	_ =	swait.ge [sflag:s20], $0x1000  }
0xd2: {  	[sflag:s20] =	ssyncset.done $0x0  }
0xd3: {  	s7 =	simm.s32 $0x0;
	[sflag:s20] =	ssyncadd.s32 $0xFFFFF000  }
0xd4: {  	s8 =	simm.s32 $0x40;
	v4 =	vld [tilespmem:s7+$0x18840]  }
.LBB2_10:
0xd5: {  	p2 =	sne.s32 s8, $0x3FC0  }
.Ltmp11:
0xd6: {  	_ = 	snop;
	(pc) =	sbr.rel @p2 .LBB2_10-.Ltmp11, $3  }
0xd7: {  	_ =	sdelay $0x1  }
0xd8: {  	s9 =	sshra.s32 s8, $0x2;
	s8 =	sadd.s32 $0x40, s8;
	v5 =	vadd.s32 $0x187A00, v4  }
0xd9: {  	v4 =	vld [tilespmem:s9+$0x18840];
	[tilespmem:s7+$0x19840] =	vst v5;
	s7 =	smov.u32 s9  }
0xda: {  	_ =	sdelay $0x3  }
0xdb: {  	v4 =	vadd.s32 $0x187A00, v4  }
0xdc: {  	[tilespmem:s7+$0x19840] =	vst v4  }
0xdd: {  	[spmem:s23] =	stream.indirect.scatter.add.f32 [tilespmem:s5], [sflag:$0x1], $0x1, s4, s3, $0xb8;
	[tilespmem:$0x1DFC0] =	vst v63  }
0xde: {  	_ =	swait.ge [sflag:s20], $0x1000  }
0xdf: {  	[sflag:s20] =	ssyncset.done $0x0  }
0xe0: {  	s18 =	simm.s32 $0x0;
	s8 =	rddreg [dreg:$0x1b];
	[sflag:s20] =	ssyncadd.s32 $0xFFFFF000  }
0xe1: {  	[tilespmem:s22], [sflag:$0x1] =	stream.linear.gather [hbm4b:s8+s18], $0x1000, $0x38;
	[tilespmem:$0x1DFC0] =	vst v63  }
0xe2: {  	_ =	swait.ge [sflag:s20], $0x1000  }
0xe3: {  	[sflag:s20] =	ssyncset.done $0x0  }
0xe4: {  	s7 =	simm.s32 $0x0;
	[sflag:s20] =	ssyncadd.s32 $0xFFFFF000  }
0xe5: {  	s8 =	simm.s32 $0x40;
	v4 =	vld [tilespmem:s7+$0x18840]  }
.LBB2_12:
0xe6: {  	p2 =	sne.s32 s8, $0x3FC0  }
.Ltmp12:
0xe7: {  	_ = 	snop;
	(pc) =	sbr.rel @p2 .LBB2_12-.Ltmp12, $3  }
0xe8: {  	_ =	sdelay $0x1  }
0xe9: {  	s9 =	sshra.s32 s8, $0x2;
	s8 =	sadd.s32 $0x40, s8;
	v5 =	vadd.s32 $0x187A00, v4  }
0xea: {  	v4 =	vld [tilespmem:s9+$0x18840];
	[tilespmem:s7+$0x19840] =	vst v5;
	s7 =	smov.u32 s9  }
0xeb: {  	_ =	sdelay $0x3  }
0xec: {  	v4 =	vadd.s32 $0x187A00, v4  }
0xed: {  	[tilespmem:s7+$0x19840] =	vst v4  }
0xee: {  	[spmem:s23] =	stream.indirect.scatter.add.f32 [tilespmem:s5], [sflag:$0x1], $0x1, s4, s3, $0xb8;
	[tilespmem:$0x1DFC0] =	vst v63  }
0xef: {  	_ =	swait.ge [sflag:s20], $0x1000  }
0xf0: {  	[sflag:s20] =	ssyncset.done $0x0  }
0xf1: {  	s18 =	simm.s32 $0x0;
	s8 =	rddreg [dreg:$0x1c];
	[sflag:s20] =	ssyncadd.s32 $0xFFFFF000  }
0xf2: {  	[tilespmem:s22], [sflag:$0x1] =	stream.linear.gather [hbm4b:s8+s18], $0x1000, $0x38;
	[tilespmem:$0x1DFC0] =	vst v63  }
0xf3: {  	_ =	swait.ge [sflag:s20], $0x1000  }
0xf4: {  	[sflag:s20] =	ssyncset.done $0x0  }
0xf5: {  	s7 =	simm.s32 $0x0;
	[sflag:s20] =	ssyncadd.s32 $0xFFFFF000  }
0xf6: {  	s8 =	simm.s32 $0x40;
	v4 =	vld [tilespmem:s7+$0x18840]  }
.LBB2_14:
0xf7: {  	p2 =	sne.s32 s8, $0x3FC0  }
.Ltmp13:
0xf8: {  	_ = 	snop;
	(pc) =	sbr.rel @p2 .LBB2_14-.Ltmp13, $3  }
0xf9: {  	_ =	sdelay $0x1  }
0xfa: {  	s9 =	sshra.s32 s8, $0x2;
	s8 =	sadd.s32 $0x40, s8;
	v5 =	vadd.s32 $0x187A00, v4  }
0xfb: {  	v4 =	vld [tilespmem:s9+$0x18840];
	[tilespmem:s7+$0x19840] =	vst v5;
	s7 =	smov.u32 s9  }
0xfc: {  	_ =	sdelay $0x3  }
0xfd: {  	v4 =	vadd.s32 $0x187A00, v4  }
0xfe: {  	[tilespmem:s7+$0x19840] =	vst v4  }
0xff: {  	[spmem:s23] =	stream.indirect.scatter.add.f32 [tilespmem:s5], [sflag:$0x1], $0x1, s4, s3, $0xb8;
	[tilespmem:$0x1DFC0] =	vst v63  }
0x100: {  	_ =	swait.ge [sflag:s20], $0x1000  }
0x101: {  	[sflag:s20] =	ssyncset.done $0x0  }
0x102: {  	[sflag:s20] =	ssyncadd.s32 $0xFFFFF000  }
.LBB2_26:
0x103: {  	s7 =	simm.s32 $0x0  }
0x104: {  	[tilespmem:s22], [sflag:$0x1] =	stream.linear.gather [hbm4b:s10+s7], $0x1000, $0x38;
	[tilespmem:$0x1DFC0] =	vst v63  }
0x105: {  	_ =	swait.ge [sflag:s20], $0x1000  }
0x106: {  	[sflag:s20] =	ssyncset.done $0x0  }
0x107: {  	s7 =	simm.s32 $0x0;
	[sflag:s20] =	ssyncadd.s32 $0xFFFFF000  }
0x108: {  	v4 =	vld [tilespmem:s7+$0x18840];
	_ =	sdelay $0x2  }
0x109: {  	s8 =	simm.s32 $0x40  }
.LBB2_27:
0x10a: {  	p2 =	sne.s32 s8, $0x3FC0  }
.Ltmp14:
0x10b: {  	s9 =	sshra.s32 s8, $0x2;
	s8 =	sadd.s32 $0x40, s8;
	v5 =	vsub.s32 v4, v0;
	(pc) =	sbr.rel @p2 .LBB2_27-.Ltmp14, $4  }
0x10c: {  	v4 =	vld [tilespmem:s9+$0x18840];
	v6 =	vand.u32 $0xFFF, v5  }
0x10d: {  	v6 =	vadd.s32 $0x186A00, v6  }
0x10e: {  	v5 =	vmin.u32 v5, v6  }
0x10f: {  	[tilespmem:s7+$0x19840] =	vst v5;
	s7 =	smov.u32 s9  }
0x110: {  	_ = 	snop  }
0x111: {  	v4 =	vsub.s32 v4, v0  }
0x112: {  	v5 =	vand.u32 $0xFFF, v4  }
0x113: {  	v5 =	vadd.s32 $0x186A00, v5  }
0x114: {  	v4 =	vmin.u32 v4, v5  }
0x115: {  	[tilespmem:s7+$0x19840] =	vst v4  }
0x116: {  	[spmem:s23] =	stream.indirect.scatter.add.f32 [tilespmem:s5], [sflag:$0x1], $0x1, s4, s3, $0xb8;
	[tilespmem:$0x1DFC0] =	vst v63  }
0x117: {  	_ =	swait.ge [sflag:s20], $0x1000  }
0x118: {  	[sflag:s20] =	ssyncset.done $0x0  }
0x119: {  	s18 =	simm.s32 $0x0;
	[sflag:s20] =	ssyncadd.s32 $0xFFFFF000  }
0x11a: {  	[tilespmem:s22], [sflag:$0x1] =	stream.linear.gather [hbm4b:s11+s18], $0x1000, $0x38;
	[tilespmem:$0x1DFC0] =	vst v63  }
0x11b: {  	_ =	swait.ge [sflag:s20], $0x1000  }
0x11c: {  	[sflag:s20] =	ssyncset.done $0x0  }
0x11d: {  	s7 =	simm.s32 $0x0;
	[sflag:s20] =	ssyncadd.s32 $0xFFFFF000  }
0x11e: {  	v4 =	vld [tilespmem:s7+$0x18840];
	_ =	sdelay $0x2  }
0x11f: {  	s8 =	simm.s32 $0x40  }
.LBB2_29:
0x120: {  	p2 =	sne.s32 s8, $0x3FC0  }
.Ltmp15:
0x121: {  	s9 =	sshra.s32 s8, $0x2;
	s8 =	sadd.s32 $0x40, s8;
	v5 =	vsub.s32 v4, v0;
	(pc) =	sbr.rel @p2 .LBB2_29-.Ltmp15, $4  }
0x122: {  	v4 =	vld [tilespmem:s9+$0x18840];
	v6 =	vand.u32 $0xFFF, v5  }
0x123: {  	v6 =	vadd.s32 $0x186A00, v6  }
0x124: {  	v5 =	vmin.u32 v5, v6  }
0x125: {  	[tilespmem:s7+$0x19840] =	vst v5;
	s7 =	smov.u32 s9  }
0x126: {  	_ = 	snop  }
0x127: {  	v4 =	vsub.s32 v4, v0  }
0x128: {  	v5 =	vand.u32 $0xFFF, v4  }
0x129: {  	v5 =	vadd.s32 $0x186A00, v5  }
0x12a: {  	v4 =	vmin.u32 v4, v5  }
0x12b: {  	[tilespmem:s7+$0x19840] =	vst v4  }
0x12c: {  	[spmem:s23] =	stream.indirect.scatter.add.f32 [tilespmem:s5], [sflag:$0x1], $0x1, s4, s3, $0xb8;
	[tilespmem:$0x1DFC0] =	vst v63  }
0x12d: {  	_ =	swait.ge [sflag:s20], $0x1000  }
0x12e: {  	[sflag:s20] =	ssyncset.done $0x0  }
0x12f: {  	s18 =	simm.s32 $0x0;
	[sflag:s20] =	ssyncadd.s32 $0xFFFFF000  }
0x130: {  	[tilespmem:s22], [sflag:$0x1] =	stream.linear.gather [hbm4b:s12+s18], $0x1000, $0x38;
	[tilespmem:$0x1DFC0] =	vst v63  }
0x131: {  	_ =	swait.ge [sflag:s20], $0x1000  }
0x132: {  	[sflag:s20] =	ssyncset.done $0x0  }
0x133: {  	s7 =	simm.s32 $0x0;
	[sflag:s20] =	ssyncadd.s32 $0xFFFFF000  }
0x134: {  	v4 =	vld [tilespmem:s7+$0x18840];
	_ =	sdelay $0x2  }
0x135: {  	s8 =	simm.s32 $0x40  }
.LBB2_31:
0x136: {  	p2 =	sne.s32 s8, $0x3FC0  }
.Ltmp16:
0x137: {  	s9 =	sshra.s32 s8, $0x2;
	s8 =	sadd.s32 $0x40, s8;
	v5 =	vsub.s32 v4, v0;
	(pc) =	sbr.rel @p2 .LBB2_31-.Ltmp16, $4  }
0x138: {  	v4 =	vld [tilespmem:s9+$0x18840];
	v6 =	vand.u32 $0xFFF, v5  }
0x139: {  	v6 =	vadd.s32 $0x186A00, v6  }
0x13a: {  	v5 =	vmin.u32 v5, v6  }
0x13b: {  	[tilespmem:s7+$0x19840] =	vst v5;
	s7 =	smov.u32 s9  }
0x13c: {  	_ = 	snop  }
0x13d: {  	v4 =	vsub.s32 v4, v0  }
0x13e: {  	v5 =	vand.u32 $0xFFF, v4  }
0x13f: {  	v5 =	vadd.s32 $0x186A00, v5  }
0x140: {  	v4 =	vmin.u32 v4, v5  }
0x141: {  	[tilespmem:s7+$0x19840] =	vst v4  }
0x142: {  	[spmem:s23] =	stream.indirect.scatter.add.f32 [tilespmem:s5], [sflag:$0x1], $0x1, s4, s3, $0xb8;
	[tilespmem:$0x1DFC0] =	vst v63  }
0x143: {  	_ =	swait.ge [sflag:s20], $0x1000  }
0x144: {  	[sflag:s20] =	ssyncset.done $0x0  }
0x145: {  	s18 =	simm.s32 $0x0;
	[sflag:s20] =	ssyncadd.s32 $0xFFFFF000  }
0x146: {  	[tilespmem:s22], [sflag:$0x1] =	stream.linear.gather [hbm4b:s13+s18], $0x1000, $0x38;
	[tilespmem:$0x1DFC0] =	vst v63  }
0x147: {  	_ =	swait.ge [sflag:s20], $0x1000  }
0x148: {  	[sflag:s20] =	ssyncset.done $0x0  }
0x149: {  	s7 =	simm.s32 $0x0;
	[sflag:s20] =	ssyncadd.s32 $0xFFFFF000  }
0x14a: {  	v4 =	vld [tilespmem:s7+$0x18840];
	_ =	sdelay $0x2  }
0x14b: {  	s8 =	simm.s32 $0x40  }
.LBB2_33:
0x14c: {  	p2 =	sne.s32 s8, $0x3FC0  }
.Ltmp17:
0x14d: {  	s9 =	sshra.s32 s8, $0x2;
	s8 =	sadd.s32 $0x40, s8;
	v5 =	vsub.s32 v4, v0;
	(pc) =	sbr.rel @p2 .LBB2_33-.Ltmp17, $4  }
0x14e: {  	v4 =	vld [tilespmem:s9+$0x18840];
	v6 =	vand.u32 $0xFFF, v5  }
0x14f: {  	v6 =	vadd.s32 $0x186A00, v6  }
0x150: {  	v5 =	vmin.u32 v5, v6  }
0x151: {  	[tilespmem:s7+$0x19840] =	vst v5;
	s7 =	smov.u32 s9  }
0x152: {  	_ = 	snop  }
0x153: {  	v4 =	vsub.s32 v4, v0  }
0x154: {  	v5 =	vand.u32 $0xFFF, v4  }
0x155: {  	v5 =	vadd.s32 $0x186A00, v5  }
0x156: {  	v4 =	vmin.u32 v4, v5  }
0x157: {  	[tilespmem:s7+$0x19840] =	vst v4  }
0x158: {  	[spmem:s23] =	stream.indirect.scatter.add.f32 [tilespmem:s5], [sflag:$0x1], $0x1, s4, s3, $0xb8;
	[tilespmem:$0x1DFC0] =	vst v63  }
0x159: {  	_ =	swait.ge [sflag:s20], $0x1000  }
0x15a: {  	[sflag:s20] =	ssyncset.done $0x0  }
0x15b: {  	s18 =	simm.s32 $0x0;
	[sflag:s20] =	ssyncadd.s32 $0xFFFFF000  }
0x15c: {  	[tilespmem:s22], [sflag:$0x1] =	stream.linear.gather [hbm4b:s14+s18], $0x1000, $0x38;
	[tilespmem:$0x1DFC0] =	vst v63  }
0x15d: {  	_ =	swait.ge [sflag:s20], $0x1000  }
0x15e: {  	[sflag:s20] =	ssyncset.done $0x0  }
0x15f: {  	s7 =	simm.s32 $0x0;
	[sflag:s20] =	ssyncadd.s32 $0xFFFFF000  }
0x160: {  	v4 =	vld [tilespmem:s7+$0x18840];
	_ =	sdelay $0x2  }
0x161: {  	s8 =	simm.s32 $0x40  }
.LBB2_35:
0x162: {  	p2 =	sne.s32 s8, $0x3FC0  }
.Ltmp18:
0x163: {  	s9 =	sshra.s32 s8, $0x2;
	s8 =	sadd.s32 $0x40, s8;
	v5 =	vsub.s32 v4, v0;
	(pc) =	sbr.rel @p2 .LBB2_35-.Ltmp18, $4  }
0x164: {  	v4 =	vld [tilespmem:s9+$0x18840];
	v6 =	vand.u32 $0xFFF, v5  }
0x165: {  	v6 =	vadd.s32 $0x186A00, v6  }
0x166: {  	v5 =	vmin.u32 v5, v6  }
0x167: {  	[tilespmem:s7+$0x19840] =	vst v5;
	s7 =	smov.u32 s9  }
0x168: {  	_ = 	snop  }
0x169: {  	v4 =	vsub.s32 v4, v0  }
0x16a: {  	v5 =	vand.u32 $0xFFF, v4  }
0x16b: {  	v5 =	vadd.s32 $0x186A00, v5  }
0x16c: {  	v4 =	vmin.u32 v4, v5  }
0x16d: {  	[tilespmem:s7+$0x19840] =	vst v4  }
0x16e: {  	[spmem:s23] =	stream.indirect.scatter.add.f32 [tilespmem:s5], [sflag:$0x1], $0x1, s4, s3, $0xb8;
	[tilespmem:$0x1DFC0] =	vst v63  }
0x16f: {  	_ =	swait.ge [sflag:s20], $0x1000  }
0x170: {  	[sflag:s20] =	ssyncset.done $0x0  }
0x171: {  	s18 =	simm.s32 $0x0;
	[sflag:s20] =	ssyncadd.s32 $0xFFFFF000  }
0x172: {  	[tilespmem:s22], [sflag:$0x1] =	stream.linear.gather [hbm4b:s15+s18], $0x1000, $0x38;
	[tilespmem:$0x1DFC0] =	vst v63  }
0x173: {  	_ =	swait.ge [sflag:s20], $0x1000  }
0x174: {  	[sflag:s20] =	ssyncset.done $0x0  }
0x175: {  	s7 =	simm.s32 $0x0;
	[sflag:s20] =	ssyncadd.s32 $0xFFFFF000  }
0x176: {  	v4 =	vld [tilespmem:s7+$0x18840];
	_ =	sdelay $0x2  }
0x177: {  	s8 =	simm.s32 $0x40  }
.LBB2_37:
0x178: {  	p2 =	sne.s32 s8, $0x3FC0  }
.Ltmp19:
0x179: {  	s9 =	sshra.s32 s8, $0x2;
	s8 =	sadd.s32 $0x40, s8;
	v5 =	vsub.s32 v4, v0;
	(pc) =	sbr.rel @p2 .LBB2_37-.Ltmp19, $4  }
0x17a: {  	v4 =	vld [tilespmem:s9+$0x18840];
	v6 =	vand.u32 $0xFFF, v5  }
0x17b: {  	v6 =	vadd.s32 $0x186A00, v6  }
0x17c: {  	v5 =	vmin.u32 v5, v6  }
0x17d: {  	[tilespmem:s7+$0x19840] =	vst v5;
	s7 =	smov.u32 s9  }
0x17e: {  	_ = 	snop  }
0x17f: {  	v4 =	vsub.s32 v4, v0  }
0x180: {  	v5 =	vand.u32 $0xFFF, v4  }
0x181: {  	v5 =	vadd.s32 $0x186A00, v5  }
0x182: {  	v4 =	vmin.u32 v4, v5  }
0x183: {  	[tilespmem:s7+$0x19840] =	vst v4  }
0x184: {  	[spmem:s23] =	stream.indirect.scatter.add.f32 [tilespmem:s5], [sflag:$0x1], $0x1, s4, s3, $0xb8;
	[tilespmem:$0x1DFC0] =	vst v63  }
0x185: {  	_ =	swait.ge [sflag:s20], $0x1000  }
0x186: {  	[sflag:s20] =	ssyncset.done $0x0  }
0x187: {  	s18 =	simm.s32 $0x0;
	[sflag:s20] =	ssyncadd.s32 $0xFFFFF000  }
0x188: {  	[tilespmem:s22], [sflag:$0x1] =	stream.linear.gather [hbm4b:s16+s18], $0x1000, $0x38;
	[tilespmem:$0x1DFC0] =	vst v63  }
0x189: {  	_ =	swait.ge [sflag:s20], $0x1000  }
0x18a: {  	[sflag:s20] =	ssyncset.done $0x0  }
0x18b: {  	s7 =	simm.s32 $0x0;
	[sflag:s20] =	ssyncadd.s32 $0xFFFFF000  }
0x18c: {  	v4 =	vld [tilespmem:s7+$0x18840];
	_ =	sdelay $0x2  }
0x18d: {  	s8 =	simm.s32 $0x40  }
.LBB2_39:
0x18e: {  	p2 =	sne.s32 s8, $0x3FC0  }
.Ltmp20:
0x18f: {  	s9 =	sshra.s32 s8, $0x2;
	s8 =	sadd.s32 $0x40, s8;
	v5 =	vsub.s32 v4, v0;
	(pc) =	sbr.rel @p2 .LBB2_39-.Ltmp20, $4  }
0x190: {  	v4 =	vld [tilespmem:s9+$0x18840];
	v6 =	vand.u32 $0xFFF, v5  }
0x191: {  	v6 =	vadd.s32 $0x186A00, v6  }
0x192: {  	v5 =	vmin.u32 v5, v6  }
0x193: {  	[tilespmem:s7+$0x19840] =	vst v5;
	s7 =	smov.u32 s9  }
0x194: {  	_ = 	snop  }
0x195: {  	v4 =	vsub.s32 v4, v0  }
0x196: {  	v5 =	vand.u32 $0xFFF, v4  }
0x197: {  	v5 =	vadd.s32 $0x186A00, v5  }
0x198: {  	v4 =	vmin.u32 v4, v5  }
0x199: {  	[tilespmem:s7+$0x19840] =	vst v4  }
0x19a: {  	[spmem:s23] =	stream.indirect.scatter.add.f32 [tilespmem:s5], [sflag:$0x1], $0x1, s4, s3, $0xb8;
	[tilespmem:$0x1DFC0] =	vst v63  }
0x19b: {  	_ =	swait.ge [sflag:s20], $0x1000  }
0x19c: {  	[sflag:s20] =	ssyncset.done $0x0  }
0x19d: {  	s18 =	simm.s32 $0x0;
	[sflag:s20] =	ssyncadd.s32 $0xFFFFF000  }
0x19e: {  	[tilespmem:s22], [sflag:$0x1] =	stream.linear.gather [hbm4b:s17+s18], $0x1000, $0x38;
	[tilespmem:$0x1DFC0] =	vst v63  }
0x19f: {  	_ =	swait.ge [sflag:s20], $0x1000  }
0x1a0: {  	[sflag:s20] =	ssyncset.done $0x0  }
0x1a1: {  	s7 =	simm.s32 $0x0;
	[sflag:s20] =	ssyncadd.s32 $0xFFFFF000  }
0x1a2: {  	v4 =	vld [tilespmem:s7+$0x18840];
	_ =	sdelay $0x2  }
0x1a3: {  	s8 =	simm.s32 $0x40  }
.LBB2_41:
0x1a4: {  	p2 =	sne.s32 s8, $0x3FC0  }
.Ltmp21:
0x1a5: {  	s9 =	sshra.s32 s8, $0x2;
	s8 =	sadd.s32 $0x40, s8;
	v5 =	vsub.s32 v4, v0;
	(pc) =	sbr.rel @p2 .LBB2_41-.Ltmp21, $4  }
0x1a6: {  	v4 =	vld [tilespmem:s9+$0x18840];
	v6 =	vand.u32 $0xFFF, v5  }
0x1a7: {  	v6 =	vadd.s32 $0x186A00, v6  }
0x1a8: {  	v5 =	vmin.u32 v5, v6  }
0x1a9: {  	[tilespmem:s7+$0x19840] =	vst v5;
	s7 =	smov.u32 s9  }
0x1aa: {  	_ = 	snop  }
0x1ab: {  	v4 =	vsub.s32 v4, v0  }
0x1ac: {  	v5 =	vand.u32 $0xFFF, v4  }
0x1ad: {  	v5 =	vadd.s32 $0x186A00, v5  }
0x1ae: {  	v4 =	vmin.u32 v4, v5  }
0x1af: {  	[tilespmem:s7+$0x19840] =	vst v4  }
0x1b0: {  	[spmem:s23] =	stream.indirect.scatter.add.f32 [tilespmem:s5], [sflag:$0x1], $0x1, s4, s3, $0xb8;
	[tilespmem:$0x1DFC0] =	vst v63  }
0x1b1: {  	_ =	swait.ge [sflag:s20], $0x1000  }
0x1b2: {  	s8 =	sld [smem:$0x7F4]  }
0x1b3: {  	[sflag:s20] =	ssyncset.done $0x0  }
0x1b4: {  	s18 =	smov.u32 s17;
	s17 =	simm.s32 $0x0;
	[sflag:s20] =	ssyncadd.s32 $0xFFFFF000  }
0x1b5: {  	[tilespmem:s22], [sflag:$0x1] =	stream.linear.gather [hbm4b:s8+s17], $0x1000, $0x38;
	[tilespmem:$0x1DFC0] =	vst v63  }
0x1b6: {  	_ =	swait.ge [sflag:s20], $0x1000  }
0x1b7: {  	[sflag:s20] =	ssyncset.done $0x0  }
0x1b8: {  	s7 =	simm.s32 $0x0;
	[sflag:s20] =	ssyncadd.s32 $0xFFFFF000  }
0x1b9: {  	v4 =	vld [tilespmem:s7+$0x18840];
	_ =	sdelay $0x2  }
0x1ba: {  	s8 =	simm.s32 $0x40  }
.LBB2_43:
0x1bb: {  	p2 =	sne.s32 s8, $0x3FC0  }
.Ltmp22:
0x1bc: {  	s9 =	sshra.s32 s8, $0x2;
	s8 =	sadd.s32 $0x40, s8;
	v5 =	vsub.s32 v4, v0;
	(pc) =	sbr.rel @p2 .LBB2_43-.Ltmp22, $4  }
0x1bd: {  	v4 =	vld [tilespmem:s9+$0x18840];
	v6 =	vand.u32 $0xFFF, v5  }
0x1be: {  	v6 =	vadd.s32 $0x186A00, v6  }
0x1bf: {  	v5 =	vmin.u32 v5, v6  }
0x1c0: {  	[tilespmem:s7+$0x19840] =	vst v5;
	s7 =	smov.u32 s9  }
0x1c1: {  	_ = 	snop  }
0x1c2: {  	v4 =	vsub.s32 v4, v0  }
0x1c3: {  	v5 =	vand.u32 $0xFFF, v4  }
0x1c4: {  	v5 =	vadd.s32 $0x186A00, v5  }
0x1c5: {  	v4 =	vmin.u32 v4, v5  }
0x1c6: {  	[tilespmem:s7+$0x19840] =	vst v4  }
0x1c7: {  	[spmem:s23] =	stream.indirect.scatter.add.f32 [tilespmem:s5], [sflag:$0x1], $0x1, s4, s3, $0xb8;
	[tilespmem:$0x1DFC0] =	vst v63  }
0x1c8: {  	_ =	swait.ge [sflag:s20], $0x1000  }
0x1c9: {  	s8 =	sld [smem:$0x7F5]  }
0x1ca: {  	[sflag:s20] =	ssyncset.done $0x0  }
0x1cb: {  	s17 =	smov.u32 s16;
	s16 =	simm.s32 $0x0;
	[sflag:s20] =	ssyncadd.s32 $0xFFFFF000  }
0x1cc: {  	[tilespmem:s22], [sflag:$0x1] =	stream.linear.gather [hbm4b:s8+s16], $0x1000, $0x38;
	[tilespmem:$0x1DFC0] =	vst v63  }
0x1cd: {  	_ =	swait.ge [sflag:s20], $0x1000  }
0x1ce: {  	[sflag:s20] =	ssyncset.done $0x0  }
0x1cf: {  	s7 =	simm.s32 $0x0;
	[sflag:s20] =	ssyncadd.s32 $0xFFFFF000  }
0x1d0: {  	v4 =	vld [tilespmem:s7+$0x18840];
	_ =	sdelay $0x2  }
0x1d1: {  	s8 =	simm.s32 $0x40  }
.LBB2_45:
0x1d2: {  	p2 =	sne.s32 s8, $0x3FC0  }
.Ltmp23:
0x1d3: {  	s9 =	sshra.s32 s8, $0x2;
	s8 =	sadd.s32 $0x40, s8;
	v5 =	vsub.s32 v4, v0;
	(pc) =	sbr.rel @p2 .LBB2_45-.Ltmp23, $4  }
0x1d4: {  	v4 =	vld [tilespmem:s9+$0x18840];
	v6 =	vand.u32 $0xFFF, v5  }
0x1d5: {  	v6 =	vadd.s32 $0x186A00, v6  }
0x1d6: {  	v5 =	vmin.u32 v5, v6  }
0x1d7: {  	[tilespmem:s7+$0x19840] =	vst v5;
	s7 =	smov.u32 s9  }
0x1d8: {  	_ = 	snop  }
0x1d9: {  	v4 =	vsub.s32 v4, v0  }
0x1da: {  	v5 =	vand.u32 $0xFFF, v4  }
0x1db: {  	v5 =	vadd.s32 $0x186A00, v5  }
0x1dc: {  	v4 =	vmin.u32 v4, v5  }
0x1dd: {  	[tilespmem:s7+$0x19840] =	vst v4  }
0x1de: {  	[spmem:s23] =	stream.indirect.scatter.add.f32 [tilespmem:s5], [sflag:$0x1], $0x1, s4, s3, $0xb8;
	[tilespmem:$0x1DFC0] =	vst v63  }
0x1df: {  	_ =	swait.ge [sflag:s20], $0x1000  }
0x1e0: {  	s8 =	sld [smem:$0x7F6]  }
0x1e1: {  	[sflag:s20] =	ssyncset.done $0x0  }
0x1e2: {  	s16 =	smov.u32 s15;
	s15 =	simm.s32 $0x0;
	[sflag:s20] =	ssyncadd.s32 $0xFFFFF000  }
0x1e3: {  	[tilespmem:s22], [sflag:$0x1] =	stream.linear.gather [hbm4b:s8+s15], $0x1000, $0x38;
	[tilespmem:$0x1DFC0] =	vst v63  }
0x1e4: {  	_ =	swait.ge [sflag:s20], $0x1000  }
0x1e5: {  	[sflag:s20] =	ssyncset.done $0x0  }
0x1e6: {  	s7 =	simm.s32 $0x0;
	[sflag:s20] =	ssyncadd.s32 $0xFFFFF000  }
0x1e7: {  	v4 =	vld [tilespmem:s7+$0x18840];
	_ =	sdelay $0x2  }
0x1e8: {  	s8 =	simm.s32 $0x40  }
.LBB2_47:
0x1e9: {  	p2 =	sne.s32 s8, $0x3FC0  }
.Ltmp24:
0x1ea: {  	s9 =	sshra.s32 s8, $0x2;
	s8 =	sadd.s32 $0x40, s8;
	v5 =	vsub.s32 v4, v0;
	(pc) =	sbr.rel @p2 .LBB2_47-.Ltmp24, $4  }
0x1eb: {  	v4 =	vld [tilespmem:s9+$0x18840];
	v6 =	vand.u32 $0xFFF, v5  }
0x1ec: {  	v6 =	vadd.s32 $0x186A00, v6  }
0x1ed: {  	v5 =	vmin.u32 v5, v6  }
0x1ee: {  	[tilespmem:s7+$0x19840] =	vst v5;
	s7 =	smov.u32 s9  }
0x1ef: {  	_ = 	snop  }
0x1f0: {  	v4 =	vsub.s32 v4, v0  }
0x1f1: {  	v5 =	vand.u32 $0xFFF, v4  }
0x1f2: {  	v5 =	vadd.s32 $0x186A00, v5  }
0x1f3: {  	v4 =	vmin.u32 v4, v5  }
0x1f4: {  	[tilespmem:s7+$0x19840] =	vst v4  }
0x1f5: {  	[spmem:s23] =	stream.indirect.scatter.add.f32 [tilespmem:s5], [sflag:$0x1], $0x1, s4, s3, $0xb8;
	[tilespmem:$0x1DFC0] =	vst v63  }
0x1f6: {  	_ =	swait.ge [sflag:s20], $0x1000  }
0x1f7: {  	s8 =	sld [smem:$0x7F7]  }
0x1f8: {  	[sflag:s20] =	ssyncset.done $0x0  }
0x1f9: {  	s15 =	smov.u32 s14;
	s14 =	simm.s32 $0x0;
	[sflag:s20] =	ssyncadd.s32 $0xFFFFF000  }
0x1fa: {  	[tilespmem:s22], [sflag:$0x1] =	stream.linear.gather [hbm4b:s8+s14], $0x1000, $0x38;
	[tilespmem:$0x1DFC0] =	vst v63  }
0x1fb: {  	_ =	swait.ge [sflag:s20], $0x1000  }
0x1fc: {  	[sflag:s20] =	ssyncset.done $0x0  }
0x1fd: {  	s7 =	simm.s32 $0x0;
	[sflag:s20] =	ssyncadd.s32 $0xFFFFF000  }
0x1fe: {  	v4 =	vld [tilespmem:s7+$0x18840];
	_ =	sdelay $0x2  }
0x1ff: {  	s8 =	simm.s32 $0x40  }
.LBB2_49:
0x200: {  	p2 =	sne.s32 s8, $0x3FC0  }
.Ltmp25:
0x201: {  	s9 =	sshra.s32 s8, $0x2;
	s8 =	sadd.s32 $0x40, s8;
	v5 =	vsub.s32 v4, v0;
	(pc) =	sbr.rel @p2 .LBB2_49-.Ltmp25, $4  }
0x202: {  	v4 =	vld [tilespmem:s9+$0x18840];
	v6 =	vand.u32 $0xFFF, v5  }
0x203: {  	v6 =	vadd.s32 $0x186A00, v6  }
0x204: {  	v5 =	vmin.u32 v5, v6  }
0x205: {  	[tilespmem:s7+$0x19840] =	vst v5;
	s7 =	smov.u32 s9  }
0x206: {  	_ = 	snop  }
0x207: {  	v4 =	vsub.s32 v4, v0  }
0x208: {  	v5 =	vand.u32 $0xFFF, v4  }
0x209: {  	v5 =	vadd.s32 $0x186A00, v5  }
0x20a: {  	v4 =	vmin.u32 v4, v5  }
0x20b: {  	[tilespmem:s7+$0x19840] =	vst v4  }
0x20c: {  	[spmem:s23] =	stream.indirect.scatter.add.f32 [tilespmem:s5], [sflag:$0x1], $0x1, s4, s3, $0xb8;
	[tilespmem:$0x1DFC0] =	vst v63  }
0x20d: {  	_ =	swait.ge [sflag:s20], $0x1000  }
0x20e: {  	s8 =	sld [smem:$0x7F8]  }
0x20f: {  	[sflag:s20] =	ssyncset.done $0x0  }
0x210: {  	s14 =	smov.u32 s13;
	s13 =	simm.s32 $0x0;
	[sflag:s20] =	ssyncadd.s32 $0xFFFFF000  }
0x211: {  	[tilespmem:s22], [sflag:$0x1] =	stream.linear.gather [hbm4b:s8+s13], $0x1000, $0x38;
	[tilespmem:$0x1DFC0] =	vst v63  }
0x212: {  	_ =	swait.ge [sflag:s20], $0x1000  }
0x213: {  	[sflag:s20] =	ssyncset.done $0x0  }
0x214: {  	s7 =	simm.s32 $0x0;
	[sflag:s20] =	ssyncadd.s32 $0xFFFFF000  }
0x215: {  	v4 =	vld [tilespmem:s7+$0x18840];
	_ =	sdelay $0x2  }
0x216: {  	s8 =	simm.s32 $0x40  }
.LBB2_51:
0x217: {  	p2 =	sne.s32 s8, $0x3FC0  }
.Ltmp26:
0x218: {  	s9 =	sshra.s32 s8, $0x2;
	s8 =	sadd.s32 $0x40, s8;
	v5 =	vsub.s32 v4, v0;
	(pc) =	sbr.rel @p2 .LBB2_51-.Ltmp26, $4  }
0x219: {  	v4 =	vld [tilespmem:s9+$0x18840];
	v6 =	vand.u32 $0xFFF, v5  }
0x21a: {  	v6 =	vadd.s32 $0x186A00, v6  }
0x21b: {  	v5 =	vmin.u32 v5, v6  }
0x21c: {  	[tilespmem:s7+$0x19840] =	vst v5;
	s7 =	smov.u32 s9  }
0x21d: {  	_ = 	snop  }
0x21e: {  	v4 =	vsub.s32 v4, v0  }
0x21f: {  	v5 =	vand.u32 $0xFFF, v4  }
0x220: {  	v5 =	vadd.s32 $0x186A00, v5  }
0x221: {  	v4 =	vmin.u32 v4, v5  }
0x222: {  	[tilespmem:s7+$0x19840] =	vst v4  }
0x223: {  	[spmem:s23] =	stream.indirect.scatter.add.f32 [tilespmem:s5], [sflag:$0x1], $0x1, s4, s3, $0xb8;
	[tilespmem:$0x1DFC0] =	vst v63  }
0x224: {  	_ =	swait.ge [sflag:s20], $0x1000  }
0x225: {  	s8 =	sld [smem:$0x7F9]  }
0x226: {  	[sflag:s20] =	ssyncset.done $0x0  }
0x227: {  	s13 =	smov.u32 s12;
	s12 =	simm.s32 $0x0;
	[sflag:s20] =	ssyncadd.s32 $0xFFFFF000  }
0x228: {  	[tilespmem:s22], [sflag:$0x1] =	stream.linear.gather [hbm4b:s8+s12], $0x1000, $0x38;
	[tilespmem:$0x1DFC0] =	vst v63  }
0x229: {  	_ =	swait.ge [sflag:s20], $0x1000  }
0x22a: {  	[sflag:s20] =	ssyncset.done $0x0  }
0x22b: {  	s7 =	simm.s32 $0x0;
	[sflag:s20] =	ssyncadd.s32 $0xFFFFF000  }
0x22c: {  	v4 =	vld [tilespmem:s7+$0x18840];
	_ =	sdelay $0x2  }
0x22d: {  	s8 =	simm.s32 $0x40  }
.LBB2_53:
0x22e: {  	p2 =	sne.s32 s8, $0x3FC0  }
.Ltmp27:
0x22f: {  	s9 =	sshra.s32 s8, $0x2;
	s8 =	sadd.s32 $0x40, s8;
	v5 =	vsub.s32 v4, v0;
	(pc) =	sbr.rel @p2 .LBB2_53-.Ltmp27, $4  }
0x230: {  	v4 =	vld [tilespmem:s9+$0x18840];
	v6 =	vand.u32 $0xFFF, v5  }
0x231: {  	v6 =	vadd.s32 $0x186A00, v6  }
0x232: {  	v5 =	vmin.u32 v5, v6  }
0x233: {  	[tilespmem:s7+$0x19840] =	vst v5;
	s7 =	smov.u32 s9  }
0x234: {  	_ = 	snop  }
0x235: {  	v4 =	vsub.s32 v4, v0  }
0x236: {  	v5 =	vand.u32 $0xFFF, v4  }
0x237: {  	v5 =	vadd.s32 $0x186A00, v5  }
0x238: {  	v4 =	vmin.u32 v4, v5  }
0x239: {  	[tilespmem:s7+$0x19840] =	vst v4  }
0x23a: {  	[spmem:s23] =	stream.indirect.scatter.add.f32 [tilespmem:s5], [sflag:$0x1], $0x1, s4, s3, $0xb8;
	[tilespmem:$0x1DFC0] =	vst v63  }
0x23b: {  	_ =	swait.ge [sflag:s20], $0x1000  }
0x23c: {  	s8 =	sld [smem:$0x7FA]  }
0x23d: {  	[sflag:s20] =	ssyncset.done $0x0  }
0x23e: {  	s12 =	smov.u32 s11;
	s11 =	simm.s32 $0x0;
	[sflag:s20] =	ssyncadd.s32 $0xFFFFF000  }
0x23f: {  	[tilespmem:s22], [sflag:$0x1] =	stream.linear.gather [hbm4b:s8+s11], $0x1000, $0x38;
	[tilespmem:$0x1DFC0] =	vst v63  }
0x240: {  	_ =	swait.ge [sflag:s20], $0x1000  }
0x241: {  	[sflag:s20] =	ssyncset.done $0x0  }
0x242: {  	s7 =	simm.s32 $0x0;
	[sflag:s20] =	ssyncadd.s32 $0xFFFFF000  }
0x243: {  	v4 =	vld [tilespmem:s7+$0x18840];
	_ =	sdelay $0x2  }
0x244: {  	s8 =	simm.s32 $0x40  }
.LBB2_55:
0x245: {  	p2 =	sne.s32 s8, $0x3FC0  }
.Ltmp28:
0x246: {  	s9 =	sshra.s32 s8, $0x2;
	s8 =	sadd.s32 $0x40, s8;
	v5 =	vsub.s32 v4, v0;
	(pc) =	sbr.rel @p2 .LBB2_55-.Ltmp28, $4  }
0x247: {  	v4 =	vld [tilespmem:s9+$0x18840];
	v6 =	vand.u32 $0xFFF, v5  }
0x248: {  	v6 =	vadd.s32 $0x186A00, v6  }
0x249: {  	v5 =	vmin.u32 v5, v6  }
0x24a: {  	[tilespmem:s7+$0x19840] =	vst v5;
	s7 =	smov.u32 s9  }
0x24b: {  	_ = 	snop  }
0x24c: {  	v4 =	vsub.s32 v4, v0  }
0x24d: {  	v5 =	vand.u32 $0xFFF, v4  }
0x24e: {  	v5 =	vadd.s32 $0x186A00, v5  }
0x24f: {  	v4 =	vmin.u32 v4, v5  }
0x250: {  	[tilespmem:s7+$0x19840] =	vst v4  }
0x251: {  	[spmem:s23] =	stream.indirect.scatter.add.f32 [tilespmem:s5], [sflag:$0x1], $0x1, s4, s3, $0xb8;
	[tilespmem:$0x1DFC0] =	vst v63  }
0x252: {  	_ =	swait.ge [sflag:s20], $0x1000  }
0x253: {  	s8 =	sld [smem:$0x7FB]  }
0x254: {  	[sflag:s20] =	ssyncset.done $0x0  }
0x255: {  	s11 =	smov.u32 s10;
	s10 =	simm.s32 $0x0;
	[sflag:s20] =	ssyncadd.s32 $0xFFFFF000  }
0x256: {  	[tilespmem:s22], [sflag:$0x1] =	stream.linear.gather [hbm4b:s8+s10], $0x1000, $0x38;
	[tilespmem:$0x1DFC0] =	vst v63  }
0x257: {  	_ =	swait.ge [sflag:s20], $0x1000  }
0x258: {  	[sflag:s20] =	ssyncset.done $0x0  }
0x259: {  	s7 =	simm.s32 $0x0;
	[sflag:s20] =	ssyncadd.s32 $0xFFFFF000  }
0x25a: {  	v4 =	vld [tilespmem:s7+$0x18840];
	_ =	sdelay $0x2  }
0x25b: {  	s8 =	simm.s32 $0x40  }
.LBB2_57:
0x25c: {  	p2 =	sne.s32 s8, $0x3FC0  }
.Ltmp29:
0x25d: {  	s9 =	sshra.s32 s8, $0x2;
	s8 =	sadd.s32 $0x40, s8;
	v5 =	vsub.s32 v4, v0;
	(pc) =	sbr.rel @p2 .LBB2_57-.Ltmp29, $4  }
0x25e: {  	v4 =	vld [tilespmem:s9+$0x18840];
	v6 =	vand.u32 $0xFFF, v5  }
0x25f: {  	v6 =	vadd.s32 $0x186A00, v6  }
0x260: {  	v5 =	vmin.u32 v5, v6  }
0x261: {  	[tilespmem:s7+$0x19840] =	vst v5;
	s7 =	smov.u32 s9  }
0x262: {  	_ = 	snop  }
0x263: {  	v4 =	vsub.s32 v4, v0  }
0x264: {  	v5 =	vand.u32 $0xFFF, v4  }
0x265: {  	v5 =	vadd.s32 $0x186A00, v5  }
0x266: {  	v4 =	vmin.u32 v4, v5  }
0x267: {  	[tilespmem:s7+$0x19840] =	vst v4  }
0x268: {  	[spmem:s23] =	stream.indirect.scatter.add.f32 [tilespmem:s5], [sflag:$0x1], $0x1, s4, s3, $0xb8;
	[tilespmem:$0x1DFC0] =	vst v63  }
0x269: {  	_ =	swait.ge [sflag:s20], $0x1000  }
0x26a: {  	[sflag:s20] =	ssyncset.done $0x0  }
0x26b: {  	[sflag:s20] =	ssyncadd.s32 $0xFFFFF000  }
0x26c: {  	[bflag:$0x0] =	sbarrier.arrive $0xFFFF  }
0x26d: {  	[tilespmem:s19], [sflag:$0x1] =	stream.linear.gather [spmem:s24], $0x2710, $0x38;
	[tilespmem:$0x1DFC0] =	vst v63  }
0x26e: {  	_ =	swait.ge [sflag:s20], $0x2710  }
0x26f: {  	[sflag:s20] =	ssyncset.done $0x0  }
0x270: {  	s10 =	rddreg [dreg:$0x3];
	[sflag:s20] =	ssyncadd.s32 $0xFFFFD8F0  }
0x271: {  	[hbm4b:s10+s0] =	stream.linear.scatter [tilespmem:s19], [sflag:$0x1], $0x2710, $0x38;
	[tilespmem:$0x1DFC0] =	vst v63  }
0x272: {  	_ =	swait.ge [sflag:s20], $0x2710  }
0x273: {  	[sflag:s20] =	ssyncset.done $0x0  }
0x274: {  	[sflag:s20] =	ssyncadd.s32 $0xFFFFD8F0  }
0x275: {  	[tilespmem:s19], [sflag:$0x1] =	stream.linear.gather [spmem:s25], $0x2710, $0x38;
	[tilespmem:$0x1DFC0] =	vst v63  }
0x276: {  	_ =	swait.ge [sflag:s20], $0x2710  }
0x277: {  	[sflag:s20] =	ssyncset.done $0x0  }
0x278: {  	s8 =	rddreg [dreg:$0x4];
	[sflag:s20] =	ssyncadd.s32 $0xFFFFD8F0  }
0x279: {  	[hbm4b:s8+s0] =	stream.linear.scatter [tilespmem:s19], [sflag:$0x1], $0x2710, $0x38;
	[tilespmem:$0x1DFC0] =	vst v63  }
0x27a: {  	_ =	swait.ge [sflag:s20], $0x2710  }
0x27b: {  	[sflag:s20] =	ssyncset.done $0x0  }
0x27c: {  	[sflag:s20] =	ssyncadd.s32 $0xFFFFD8F0  }
0x27d: {  	[tilespmem:s19], [sflag:$0x1] =	stream.linear.gather [spmem:s26], $0x2710, $0x38;
	[tilespmem:$0x1DFC0] =	vst v63  }
0x27e: {  	_ =	swait.ge [sflag:s20], $0x2710  }
0x27f: {  	[sflag:s20] =	ssyncset.done $0x0  }
0x280: {  	s9 =	rddreg [dreg:$0x5];
	[sflag:s20] =	ssyncadd.s32 $0xFFFFD8F0  }
0x281: {  	[hbm4b:s9+s0] =	stream.linear.scatter [tilespmem:s19], [sflag:$0x1], $0x2710, $0x38;
	[tilespmem:$0x1DFC0] =	vst v63  }
0x282: {  	_ =	swait.ge [sflag:s20], $0x2710  }
0x283: {  	[sflag:s20] =	ssyncset.done $0x0  }
0x284: {  	[sflag:s20] =	ssyncadd.s32 $0xFFFFD8F0  }
0x285: {  	[tilespmem:s19], [sflag:$0x1] =	stream.linear.gather [spmem:s28], $0x2710, $0x38;
	[tilespmem:$0x1DFC0] =	vst v63  }
0x286: {  	_ =	swait.ge [sflag:s20], $0x2710  }
0x287: {  	[sflag:s20] =	ssyncset.done $0x0  }
0x288: {  	s10 =	rddreg [dreg:$0x6];
	[sflag:s20] =	ssyncadd.s32 $0xFFFFD8F0  }
0x289: {  	[hbm4b:s10+s0] =	stream.linear.scatter [tilespmem:s19], [sflag:$0x1], $0x2710, $0x38;
	[tilespmem:$0x1DFC0] =	vst v63  }
0x28a: {  	_ =	swait.ge [sflag:s20], $0x2710  }
0x28b: {  	[sflag:s20] =	ssyncset.done $0x0  }
0x28c: {  	[sflag:s20] =	ssyncadd.s32 $0xFFFFD8F0  }
0x28d: {  	[tilespmem:s19], [sflag:$0x1] =	stream.linear.gather [spmem:s29], $0x2710, $0x38;
	[tilespmem:$0x1DFC0] =	vst v63  }
0x28e: {  	_ =	swait.ge [sflag:s20], $0x2710  }
0x28f: {  	[sflag:s20] =	ssyncset.done $0x0  }
0x290: {  	s8 =	rddreg [dreg:$0x7];
	[sflag:s20] =	ssyncadd.s32 $0xFFFFD8F0  }
0x291: {  	[hbm4b:s8+s0] =	stream.linear.scatter [tilespmem:s19], [sflag:$0x1], $0x2710, $0x38;
	[tilespmem:$0x1DFC0] =	vst v63  }
0x292: {  	_ =	swait.ge [sflag:s20], $0x2710  }
0x293: {  	[sflag:s20] =	ssyncset.done $0x0  }
0x294: {  	[sflag:s20] =	ssyncadd.s32 $0xFFFFD8F0  }
0x295: {  	[tilespmem:s19], [sflag:$0x1] =	stream.linear.gather [spmem:s30], $0x2710, $0x38;
	[tilespmem:$0x1DFC0] =	vst v63  }
0x296: {  	_ =	swait.ge [sflag:s20], $0x2710  }
0x297: {  	[sflag:s20] =	ssyncset.done $0x0  }
0x298: {  	s9 =	rddreg [dreg:$0x8];
	[sflag:s20] =	ssyncadd.s32 $0xFFFFD8F0  }
0x299: {  	[hbm4b:s9+s0] =	stream.linear.scatter [tilespmem:s19], [sflag:$0x1], $0x2710, $0x38;
	[tilespmem:$0x1DFC0] =	vst v63  }
0x29a: {  	_ =	swait.ge [sflag:s20], $0x2710  }
0x29b: {  	[sflag:s20] =	ssyncset.done $0x0  }
0x29c: {  	[sflag:s20] =	ssyncadd.s32 $0xFFFFD8F0  }
0x29d: {  	[tilespmem:s19], [sflag:$0x1] =	stream.linear.gather [spmem:s31], $0x2710, $0x38;
	[tilespmem:$0x1DFC0] =	vst v63  }
0x29e: {  	_ =	swait.ge [sflag:s20], $0x2710  }
0x29f: {  	[sflag:s20] =	ssyncset.done $0x0  }
0x2a0: {  	s10 =	rddreg [dreg:$0x9];
	[sflag:s20] =	ssyncadd.s32 $0xFFFFD8F0  }
0x2a1: {  	[hbm4b:s10+s0] =	stream.linear.scatter [tilespmem:s19], [sflag:$0x1], $0x2710, $0x38;
	[tilespmem:$0x1DFC0] =	vst v63  }
0x2a2: {  	_ =	swait.ge [sflag:s20], $0x2710  }
0x2a3: {  	[sflag:s20] =	ssyncset.done $0x0  }
0x2a4: {  	[sflag:s20] =	ssyncadd.s32 $0xFFFFD8F0  }
0x2a5: {  	[tilespmem:s19], [sflag:$0x1] =	stream.linear.gather [spmem:s21], $0x2710, $0x38;
	[tilespmem:$0x1DFC0] =	vst v63  }
0x2a6: {  	_ =	swait.ge [sflag:s20], $0x2710  }
0x2a7: {  	[sflag:s20] =	ssyncset.done $0x0  }
0x2a8: {  	s8 =	rddreg [dreg:$0xa];
	[sflag:s20] =	ssyncadd.s32 $0xFFFFD8F0  }
0x2a9: {  	[hbm4b:s8+s0] =	stream.linear.scatter [tilespmem:s19], [sflag:$0x1], $0x2710, $0x38;
	[tilespmem:$0x1DFC0] =	vst v63  }
0x2aa: {  	_ =	swait.ge [sflag:s20], $0x2710  }
0x2ab: {  	[sflag:s20] =	ssyncset.done $0x0  }
0x2ac: {  	[sflag:s20] =	ssyncadd.s32 $0xFFFFD8F0  }
0x2ad: {  	[tilespmem:s19], [sflag:$0x1] =	stream.linear.gather [spmem:s1], $0x2710, $0x38;
	[tilespmem:$0x1DFC0] =	vst v63  }
0x2ae: {  	_ =	swait.ge [sflag:s20], $0x2710  }
0x2af: {  	[sflag:s20] =	ssyncset.done $0x0  }
0x2b0: {  	s9 =	rddreg [dreg:$0xb];
	[sflag:s20] =	ssyncadd.s32 $0xFFFFD8F0  }
0x2b1: {  	[hbm4b:s9+s0] =	stream.linear.scatter [tilespmem:s19], [sflag:$0x1], $0x2710, $0x38;
	[tilespmem:$0x1DFC0] =	vst v63  }
0x2b2: {  	_ =	swait.ge [sflag:s20], $0x2710  }
0x2b3: {  	[sflag:s20] =	ssyncset.done $0x0  }
0x2b4: {  	[sflag:s20] =	ssyncadd.s32 $0xFFFFD8F0  }
0x2b5: {  	[tilespmem:s19], [sflag:$0x1] =	stream.linear.gather [spmem:s2], $0x2710, $0x38;
	[tilespmem:$0x1DFC0] =	vst v63  }
0x2b6: {  	_ =	swait.ge [sflag:s20], $0x2710  }
0x2b7: {  	[sflag:s20] =	ssyncset.done $0x0  }
0x2b8: {  	s10 =	rddreg [dreg:$0xc];
	[sflag:s20] =	ssyncadd.s32 $0xFFFFD8F0  }
0x2b9: {  	[hbm4b:s10+s0] =	stream.linear.scatter [tilespmem:s19], [sflag:$0x1], $0x2710, $0x38;
	[tilespmem:$0x1DFC0] =	vst v63  }
0x2ba: {  	_ =	swait.ge [sflag:s20], $0x2710  }
0x2bb: {  	s8 =	sld [smem:$0x7FD]  }
0x2bc: {  	[sflag:s20] =	ssyncset.done $0x0  }
0x2bd: {  	s7 =	simm.s32 @!p1 $0x1B840;
	[sflag:s20] =	ssyncadd.s32 $0xFFFFD8F0  }
0x2be: {  	[tilespmem:s7], [sflag:$0x1] =	stream.linear.gather @!p1 [spmem:s8], $0xA00, $0x38;
	[tilespmem:$0x1DFC0] =	vst v63  }
0x2bf: {  	s8 =	simm.s32 @!p1 $0x1  }
0x2c0: {  	_ =	swait.ge @!p1 [sflag:s8], $0xA00  }
0x2c1: {  	[sflag:s8] =	ssyncset.done @!p1 $0x0  }
0x2c2: {  	s9 =	simm.s32 @!p1 $0x0;
	s10 =	rddreg [dreg:$0x16];
	[sflag:s8] =	ssyncadd.s32 @!p1 $0xFFFFF600  }
0x2c3: {  	[hbm4b:s10+s9] =	stream.linear.scatter @!p1 [tilespmem:s7], [sflag:$0x1], $0xA00, $0x38;
	[tilespmem:$0x1DFC0] =	vst v63  }
0x2c4: {  	_ =	swait.ge @!p1 [sflag:s8], $0xA00  }
0x2c5: {  	[sflag:s8] =	ssyncset.done @!p1 $0x0  }
0x2c6: {  	s7 =	simm.s32 $0x40;
	[sflag:s8] =	ssyncadd.s32 @!p1 $0xFFFFF600;
	s8 =	simm.s32 $0x0  }
.LBB2_59:
0x2c7: {  	p2 =	sne.s32 s7, $0x9C00;
	[tilespmem:s8+$0x1B840] =	vst v3;
	s8 =	smov.u32 s7;
	s7 =	sadd.s32 $0x40, s7  }
.Ltmp30:
0x2c8: {  	(pc) =	sbr.rel @p2 .LBB2_59-.Ltmp30, $2  }
0x2c9: {  	_ =	sdelay $0x2  }
0x2ca: {  	s8 =	sshra.s32 s8, $0x2  }
0x2cb: {  	[tilespmem:s8+$0x1B840] =	vst v3  }
0x2cc: {  	[spmem:s24] =	stream.linear.scatter [tilespmem:s19], [sflag:$0x1], $0x2710, $0x38;
	[tilespmem:$0x1DFC0] =	vst v63  }
0x2cd: {  	_ =	swait.ge [sflag:s20], $0x2710  }
0x2ce: {  	[sflag:s20] =	ssyncset.done $0x0  }
0x2cf: {  	[sflag:s20] =	ssyncadd.s32 $0xFFFFD8F0  }
0x2d0: {  	[spmem:s25] =	stream.linear.scatter [tilespmem:s19], [sflag:$0x1], $0x2710, $0x38;
	[tilespmem:$0x1DFC0] =	vst v63  }
0x2d1: {  	_ =	swait.ge [sflag:s20], $0x2710  }
0x2d2: {  	[sflag:s20] =	ssyncset.done $0x0  }
0x2d3: {  	[sflag:s20] =	ssyncadd.s32 $0xFFFFD8F0  }
0x2d4: {  	[spmem:s26] =	stream.linear.scatter [tilespmem:s19], [sflag:$0x1], $0x2710, $0x38;
	[tilespmem:$0x1DFC0] =	vst v63  }
0x2d5: {  	_ =	swait.ge [sflag:s20], $0x2710  }
0x2d6: {  	[sflag:s20] =	ssyncset.done $0x0  }
0x2d7: {  	[sflag:s20] =	ssyncadd.s32 $0xFFFFD8F0  }
0x2d8: {  	[spmem:s28] =	stream.linear.scatter [tilespmem:s19], [sflag:$0x1], $0x2710, $0x38;
	[tilespmem:$0x1DFC0] =	vst v63  }
0x2d9: {  	_ =	swait.ge [sflag:s20], $0x2710  }
0x2da: {  	[sflag:s20] =	ssyncset.done $0x0  }
0x2db: {  	[sflag:s20] =	ssyncadd.s32 $0xFFFFD8F0  }
0x2dc: {  	[spmem:s29] =	stream.linear.scatter [tilespmem:s19], [sflag:$0x1], $0x2710, $0x38;
	[tilespmem:$0x1DFC0] =	vst v63  }
0x2dd: {  	_ =	swait.ge [sflag:s20], $0x2710  }
0x2de: {  	[sflag:s20] =	ssyncset.done $0x0  }
0x2df: {  	[sflag:s20] =	ssyncadd.s32 $0xFFFFD8F0  }
0x2e0: {  	[spmem:s30] =	stream.linear.scatter [tilespmem:s19], [sflag:$0x1], $0x2710, $0x38;
	[tilespmem:$0x1DFC0] =	vst v63  }
0x2e1: {  	_ =	swait.ge [sflag:s20], $0x2710  }
0x2e2: {  	[sflag:s20] =	ssyncset.done $0x0  }
0x2e3: {  	[sflag:s20] =	ssyncadd.s32 $0xFFFFD8F0  }
0x2e4: {  	[spmem:s31] =	stream.linear.scatter [tilespmem:s19], [sflag:$0x1], $0x2710, $0x38;
	[tilespmem:$0x1DFC0] =	vst v63  }
0x2e5: {  	_ =	swait.ge [sflag:s20], $0x2710  }
0x2e6: {  	[sflag:s20] =	ssyncset.done $0x0  }
0x2e7: {  	[sflag:s20] =	ssyncadd.s32 $0xFFFFD8F0  }
0x2e8: {  	[spmem:s21] =	stream.linear.scatter [tilespmem:s19], [sflag:$0x1], $0x2710, $0x38;
	[tilespmem:$0x1DFC0] =	vst v63  }
0x2e9: {  	_ =	swait.ge [sflag:s20], $0x2710  }
0x2ea: {  	[sflag:s20] =	ssyncset.done $0x0  }
0x2eb: {  	[sflag:s20] =	ssyncadd.s32 $0xFFFFD8F0  }
0x2ec: {  	[spmem:s1] =	stream.linear.scatter [tilespmem:s19], [sflag:$0x1], $0x2710, $0x38;
	[tilespmem:$0x1DFC0] =	vst v63  }
0x2ed: {  	_ =	swait.ge [sflag:s20], $0x2710  }
0x2ee: {  	[sflag:s20] =	ssyncset.done $0x0  }
0x2ef: {  	[sflag:s20] =	ssyncadd.s32 $0xFFFFD8F0  }
0x2f0: {  	[spmem:s2] =	stream.linear.scatter [tilespmem:s19], [sflag:$0x1], $0x2710, $0x38;
	[tilespmem:$0x1DFC0] =	vst v63  }
0x2f1: {  	_ =	swait.ge [sflag:s20], $0x2710  }
0x2f2: {  	[sflag:s20] =	ssyncset.done $0x0  }
0x2f3: {  	[sflag:s20] =	ssyncadd.s32 $0xFFFFD8F0  }
0x2f4: {  	s7 =	simm.s32 $0x0;
	[bflag:$0x0] =	sbarrier.arrive $0xFFFF  }
0x2f5: {  	[tilespmem:s22], [sflag:$0x1] =	stream.linear.gather [hbm4b:s11+s7], $0x1000, $0x38;
	[tilespmem:$0x1DFC0] =	vst v63  }
0x2f6: {  	_ =	swait.ge [sflag:s20], $0x1000  }
0x2f7: {  	[sflag:s20] =	ssyncset.done $0x0  }
0x2f8: {  	s7 =	simm.s32 $0x0;
	[sflag:s20] =	ssyncadd.s32 $0xFFFFF000  }
0x2f9: {  	v4 =	vld [tilespmem:s7+$0x18840];
	_ =	sdelay $0x2  }
0x2fa: {  	s10 =	smov.u32 s11;
	s8 =	simm.s32 $0x40  }
.LBB2_61:
0x2fb: {  	p2 =	sne.s32 s8, $0x3FC0  }
.Ltmp31:
0x2fc: {  	s9 =	sshra.s32 s8, $0x2;
	s8 =	sadd.s32 $0x40, s8;
	v5 =	vsub.s32 v4, v1;
	(pc) =	sbr.rel @p2 .LBB2_61-.Ltmp31, $4  }
0x2fd: {  	v4 =	vld [tilespmem:s9+$0x18840];
	v6 =	vand.u32 $0xFFF, v5  }
0x2fe: {  	v6 =	vadd.s32 $0x186A00, v6  }
0x2ff: {  	v5 =	vmin.u32 v5, v6  }
0x300: {  	[tilespmem:s7+$0x19840] =	vst v5;
	s7 =	smov.u32 s9  }
0x301: {  	_ = 	snop  }
0x302: {  	v4 =	vsub.s32 v4, v1  }
0x303: {  	v5 =	vand.u32 $0xFFF, v4  }
0x304: {  	v5 =	vadd.s32 $0x186A00, v5  }
0x305: {  	v4 =	vmin.u32 v4, v5  }
0x306: {  	[tilespmem:s7+$0x19840] =	vst v4  }
0x307: {  	[spmem:s23] =	stream.indirect.scatter.add.f32 [tilespmem:s5], [sflag:$0x1], $0x1, s4, s3, $0xb8;
	[tilespmem:$0x1DFC0] =	vst v63  }
0x308: {  	_ =	swait.ge [sflag:s20], $0x1000  }
0x309: {  	[sflag:s20] =	ssyncset.done $0x0  }
0x30a: {  	s9 =	simm.s32 $0x0;
	[sflag:s20] =	ssyncadd.s32 $0xFFFFF000  }
0x30b: {  	[tilespmem:s22], [sflag:$0x1] =	stream.linear.gather [hbm4b:s12+s9], $0x1000, $0x38;
	[tilespmem:$0x1DFC0] =	vst v63  }
0x30c: {  	_ =	swait.ge [sflag:s20], $0x1000  }
0x30d: {  	[sflag:s20] =	ssyncset.done $0x0  }
0x30e: {  	s7 =	simm.s32 $0x0;
	[sflag:s20] =	ssyncadd.s32 $0xFFFFF000  }
0x30f: {  	v4 =	vld [tilespmem:s7+$0x18840];
	_ =	sdelay $0x2  }
0x310: {  	s11 =	smov.u32 s12;
	s8 =	simm.s32 $0x40  }
.LBB2_63:
0x311: {  	p2 =	sne.s32 s8, $0x3FC0  }
.Ltmp32:
0x312: {  	s9 =	sshra.s32 s8, $0x2;
	s8 =	sadd.s32 $0x40, s8;
	v5 =	vsub.s32 v4, v1;
	(pc) =	sbr.rel @p2 .LBB2_63-.Ltmp32, $4  }
0x313: {  	v4 =	vld [tilespmem:s9+$0x18840];
	v6 =	vand.u32 $0xFFF, v5  }
0x314: {  	v6 =	vadd.s32 $0x186A00, v6  }
0x315: {  	v5 =	vmin.u32 v5, v6  }
0x316: {  	[tilespmem:s7+$0x19840] =	vst v5;
	s7 =	smov.u32 s9  }
0x317: {  	_ = 	snop  }
0x318: {  	v4 =	vsub.s32 v4, v1  }
0x319: {  	v5 =	vand.u32 $0xFFF, v4  }
0x31a: {  	v5 =	vadd.s32 $0x186A00, v5  }
0x31b: {  	v4 =	vmin.u32 v4, v5  }
0x31c: {  	[tilespmem:s7+$0x19840] =	vst v4  }
0x31d: {  	[spmem:s23] =	stream.indirect.scatter.add.f32 [tilespmem:s5], [sflag:$0x1], $0x1, s4, s3, $0xb8;
	[tilespmem:$0x1DFC0] =	vst v63  }
0x31e: {  	_ =	swait.ge [sflag:s20], $0x1000  }
0x31f: {  	[sflag:s20] =	ssyncset.done $0x0  }
0x320: {  	s9 =	simm.s32 $0x0;
	[sflag:s20] =	ssyncadd.s32 $0xFFFFF000  }
0x321: {  	[tilespmem:s22], [sflag:$0x1] =	stream.linear.gather [hbm4b:s13+s9], $0x1000, $0x38;
	[tilespmem:$0x1DFC0] =	vst v63  }
0x322: {  	_ =	swait.ge [sflag:s20], $0x1000  }
0x323: {  	[sflag:s20] =	ssyncset.done $0x0  }
0x324: {  	s7 =	simm.s32 $0x0;
	[sflag:s20] =	ssyncadd.s32 $0xFFFFF000  }
0x325: {  	v4 =	vld [tilespmem:s7+$0x18840];
	_ =	sdelay $0x2  }
0x326: {  	s12 =	smov.u32 s13;
	s8 =	simm.s32 $0x40  }
.LBB2_65:
0x327: {  	p2 =	sne.s32 s8, $0x3FC0  }
.Ltmp33:
0x328: {  	s9 =	sshra.s32 s8, $0x2;
	s8 =	sadd.s32 $0x40, s8;
	v5 =	vsub.s32 v4, v1;
	(pc) =	sbr.rel @p2 .LBB2_65-.Ltmp33, $4  }
0x329: {  	v4 =	vld [tilespmem:s9+$0x18840];
	v6 =	vand.u32 $0xFFF, v5  }
0x32a: {  	v6 =	vadd.s32 $0x186A00, v6  }
0x32b: {  	v5 =	vmin.u32 v5, v6  }
0x32c: {  	[tilespmem:s7+$0x19840] =	vst v5;
	s7 =	smov.u32 s9  }
0x32d: {  	_ = 	snop  }
0x32e: {  	v4 =	vsub.s32 v4, v1  }
0x32f: {  	v5 =	vand.u32 $0xFFF, v4  }
0x330: {  	v5 =	vadd.s32 $0x186A00, v5  }
0x331: {  	v4 =	vmin.u32 v4, v5  }
0x332: {  	[tilespmem:s7+$0x19840] =	vst v4  }
0x333: {  	[spmem:s23] =	stream.indirect.scatter.add.f32 [tilespmem:s5], [sflag:$0x1], $0x1, s4, s3, $0xb8;
	[tilespmem:$0x1DFC0] =	vst v63  }
0x334: {  	_ =	swait.ge [sflag:s20], $0x1000  }
0x335: {  	[sflag:s20] =	ssyncset.done $0x0  }
0x336: {  	s9 =	simm.s32 $0x0;
	[sflag:s20] =	ssyncadd.s32 $0xFFFFF000  }
0x337: {  	[tilespmem:s22], [sflag:$0x1] =	stream.linear.gather [hbm4b:s14+s9], $0x1000, $0x38;
	[tilespmem:$0x1DFC0] =	vst v63  }
0x338: {  	_ =	swait.ge [sflag:s20], $0x1000  }
0x339: {  	[sflag:s20] =	ssyncset.done $0x0  }
0x33a: {  	s7 =	simm.s32 $0x0;
	[sflag:s20] =	ssyncadd.s32 $0xFFFFF000  }
0x33b: {  	v4 =	vld [tilespmem:s7+$0x18840];
	_ =	sdelay $0x2  }
0x33c: {  	s13 =	smov.u32 s14;
	s8 =	simm.s32 $0x40  }
.LBB2_67:
0x33d: {  	p2 =	sne.s32 s8, $0x3FC0  }
.Ltmp34:
0x33e: {  	s9 =	sshra.s32 s8, $0x2;
	s8 =	sadd.s32 $0x40, s8;
	v5 =	vsub.s32 v4, v1;
	(pc) =	sbr.rel @p2 .LBB2_67-.Ltmp34, $4  }
0x33f: {  	v4 =	vld [tilespmem:s9+$0x18840];
	v6 =	vand.u32 $0xFFF, v5  }
0x340: {  	v6 =	vadd.s32 $0x186A00, v6  }
0x341: {  	v5 =	vmin.u32 v5, v6  }
0x342: {  	[tilespmem:s7+$0x19840] =	vst v5;
	s7 =	smov.u32 s9  }
0x343: {  	_ = 	snop  }
0x344: {  	v4 =	vsub.s32 v4, v1  }
0x345: {  	v5 =	vand.u32 $0xFFF, v4  }
0x346: {  	v5 =	vadd.s32 $0x186A00, v5  }
0x347: {  	v4 =	vmin.u32 v4, v5  }
0x348: {  	[tilespmem:s7+$0x19840] =	vst v4  }
0x349: {  	[spmem:s23] =	stream.indirect.scatter.add.f32 [tilespmem:s5], [sflag:$0x1], $0x1, s4, s3, $0xb8;
	[tilespmem:$0x1DFC0] =	vst v63  }
0x34a: {  	_ =	swait.ge [sflag:s20], $0x1000  }
0x34b: {  	[sflag:s20] =	ssyncset.done $0x0  }
0x34c: {  	s9 =	simm.s32 $0x0;
	[sflag:s20] =	ssyncadd.s32 $0xFFFFF000  }
0x34d: {  	[tilespmem:s22], [sflag:$0x1] =	stream.linear.gather [hbm4b:s15+s9], $0x1000, $0x38;
	[tilespmem:$0x1DFC0] =	vst v63  }
0x34e: {  	_ =	swait.ge [sflag:s20], $0x1000  }
0x34f: {  	[sflag:s20] =	ssyncset.done $0x0  }
0x350: {  	s7 =	simm.s32 $0x0;
	[sflag:s20] =	ssyncadd.s32 $0xFFFFF000  }
0x351: {  	v4 =	vld [tilespmem:s7+$0x18840];
	_ =	sdelay $0x2  }
0x352: {  	s14 =	smov.u32 s15;
	s8 =	simm.s32 $0x40  }
.LBB2_69:
0x353: {  	p2 =	sne.s32 s8, $0x3FC0  }
.Ltmp35:
0x354: {  	s9 =	sshra.s32 s8, $0x2;
	s8 =	sadd.s32 $0x40, s8;
	v5 =	vsub.s32 v4, v1;
	(pc) =	sbr.rel @p2 .LBB2_69-.Ltmp35, $4  }
0x355: {  	v4 =	vld [tilespmem:s9+$0x18840];
	v6 =	vand.u32 $0xFFF, v5  }
0x356: {  	v6 =	vadd.s32 $0x186A00, v6  }
0x357: {  	v5 =	vmin.u32 v5, v6  }
0x358: {  	[tilespmem:s7+$0x19840] =	vst v5;
	s7 =	smov.u32 s9  }
0x359: {  	_ = 	snop  }
0x35a: {  	v4 =	vsub.s32 v4, v1  }
0x35b: {  	v5 =	vand.u32 $0xFFF, v4  }
0x35c: {  	v5 =	vadd.s32 $0x186A00, v5  }
0x35d: {  	v4 =	vmin.u32 v4, v5  }
0x35e: {  	[tilespmem:s7+$0x19840] =	vst v4  }
0x35f: {  	[spmem:s23] =	stream.indirect.scatter.add.f32 [tilespmem:s5], [sflag:$0x1], $0x1, s4, s3, $0xb8;
	[tilespmem:$0x1DFC0] =	vst v63  }
0x360: {  	_ =	swait.ge [sflag:s20], $0x1000  }
0x361: {  	[sflag:s20] =	ssyncset.done $0x0  }
0x362: {  	s9 =	simm.s32 $0x0;
	[sflag:s20] =	ssyncadd.s32 $0xFFFFF000  }
0x363: {  	[tilespmem:s22], [sflag:$0x1] =	stream.linear.gather [hbm4b:s16+s9], $0x1000, $0x38;
	[tilespmem:$0x1DFC0] =	vst v63  }
0x364: {  	_ =	swait.ge [sflag:s20], $0x1000  }
0x365: {  	[sflag:s20] =	ssyncset.done $0x0  }
0x366: {  	s7 =	simm.s32 $0x0;
	[sflag:s20] =	ssyncadd.s32 $0xFFFFF000  }
0x367: {  	v4 =	vld [tilespmem:s7+$0x18840];
	_ =	sdelay $0x2  }
0x368: {  	s15 =	smov.u32 s16;
	s8 =	simm.s32 $0x40  }
.LBB2_71:
0x369: {  	p2 =	sne.s32 s8, $0x3FC0  }
.Ltmp36:
0x36a: {  	s9 =	sshra.s32 s8, $0x2;
	s8 =	sadd.s32 $0x40, s8;
	v5 =	vsub.s32 v4, v1;
	(pc) =	sbr.rel @p2 .LBB2_71-.Ltmp36, $4  }
0x36b: {  	v4 =	vld [tilespmem:s9+$0x18840];
	v6 =	vand.u32 $0xFFF, v5  }
0x36c: {  	v6 =	vadd.s32 $0x186A00, v6  }
0x36d: {  	v5 =	vmin.u32 v5, v6  }
0x36e: {  	[tilespmem:s7+$0x19840] =	vst v5;
	s7 =	smov.u32 s9  }
0x36f: {  	_ = 	snop  }
0x370: {  	v4 =	vsub.s32 v4, v1  }
0x371: {  	v5 =	vand.u32 $0xFFF, v4  }
0x372: {  	v5 =	vadd.s32 $0x186A00, v5  }
0x373: {  	v4 =	vmin.u32 v4, v5  }
0x374: {  	[tilespmem:s7+$0x19840] =	vst v4  }
0x375: {  	[spmem:s23] =	stream.indirect.scatter.add.f32 [tilespmem:s5], [sflag:$0x1], $0x1, s4, s3, $0xb8;
	[tilespmem:$0x1DFC0] =	vst v63  }
0x376: {  	_ =	swait.ge [sflag:s20], $0x1000  }
0x377: {  	[sflag:s20] =	ssyncset.done $0x0  }
0x378: {  	s9 =	simm.s32 $0x0;
	[sflag:s20] =	ssyncadd.s32 $0xFFFFF000  }
0x379: {  	[tilespmem:s22], [sflag:$0x1] =	stream.linear.gather [hbm4b:s17+s9], $0x1000, $0x38;
	[tilespmem:$0x1DFC0] =	vst v63  }
0x37a: {  	_ =	swait.ge [sflag:s20], $0x1000  }
0x37b: {  	[sflag:s20] =	ssyncset.done $0x0  }
0x37c: {  	s7 =	simm.s32 $0x0;
	[sflag:s20] =	ssyncadd.s32 $0xFFFFF000  }
0x37d: {  	v4 =	vld [tilespmem:s7+$0x18840];
	_ =	sdelay $0x2  }
0x37e: {  	s16 =	smov.u32 s17;
	s8 =	simm.s32 $0x40  }
.LBB2_73:
0x37f: {  	p2 =	sne.s32 s8, $0x3FC0  }
.Ltmp37:
0x380: {  	s9 =	sshra.s32 s8, $0x2;
	s8 =	sadd.s32 $0x40, s8;
	v5 =	vsub.s32 v4, v1;
	(pc) =	sbr.rel @p2 .LBB2_73-.Ltmp37, $4  }
0x381: {  	v4 =	vld [tilespmem:s9+$0x18840];
	v6 =	vand.u32 $0xFFF, v5  }
0x382: {  	v6 =	vadd.s32 $0x186A00, v6  }
0x383: {  	v5 =	vmin.u32 v5, v6  }
0x384: {  	[tilespmem:s7+$0x19840] =	vst v5;
	s7 =	smov.u32 s9  }
0x385: {  	_ = 	snop  }
0x386: {  	v4 =	vsub.s32 v4, v1  }
0x387: {  	v5 =	vand.u32 $0xFFF, v4  }
0x388: {  	v5 =	vadd.s32 $0x186A00, v5  }
0x389: {  	v4 =	vmin.u32 v4, v5  }
0x38a: {  	[tilespmem:s7+$0x19840] =	vst v4  }
0x38b: {  	[spmem:s23] =	stream.indirect.scatter.add.f32 [tilespmem:s5], [sflag:$0x1], $0x1, s4, s3, $0xb8;
	[tilespmem:$0x1DFC0] =	vst v63  }
0x38c: {  	_ =	swait.ge [sflag:s20], $0x1000  }
0x38d: {  	[sflag:s20] =	ssyncset.done $0x0  }
0x38e: {  	s9 =	simm.s32 $0x0;
	[sflag:s20] =	ssyncadd.s32 $0xFFFFF000  }
0x38f: {  	[tilespmem:s22], [sflag:$0x1] =	stream.linear.gather [hbm4b:s18+s9], $0x1000, $0x38;
	[tilespmem:$0x1DFC0] =	vst v63  }
0x390: {  	_ =	swait.ge [sflag:s20], $0x1000  }
0x391: {  	[sflag:s20] =	ssyncset.done $0x0  }
0x392: {  	s7 =	simm.s32 $0x0;
	[sflag:s20] =	ssyncadd.s32 $0xFFFFF000  }
0x393: {  	v4 =	vld [tilespmem:s7+$0x18840];
	_ =	sdelay $0x2  }
0x394: {  	s17 =	smov.u32 s18;
	s8 =	simm.s32 $0x40  }
.LBB2_75:
0x395: {  	p2 =	sne.s32 s8, $0x3FC0  }
.Ltmp38:
0x396: {  	s9 =	sshra.s32 s8, $0x2;
	s8 =	sadd.s32 $0x40, s8;
	v5 =	vsub.s32 v4, v1;
	(pc) =	sbr.rel @p2 .LBB2_75-.Ltmp38, $4  }
0x397: {  	v4 =	vld [tilespmem:s9+$0x18840];
	v6 =	vand.u32 $0xFFF, v5  }
0x398: {  	v6 =	vadd.s32 $0x186A00, v6  }
0x399: {  	v5 =	vmin.u32 v5, v6  }
0x39a: {  	[tilespmem:s7+$0x19840] =	vst v5;
	s7 =	smov.u32 s9  }
0x39b: {  	_ = 	snop  }
0x39c: {  	v4 =	vsub.s32 v4, v1  }
0x39d: {  	v5 =	vand.u32 $0xFFF, v4  }
0x39e: {  	v5 =	vadd.s32 $0x186A00, v5  }
0x39f: {  	v4 =	vmin.u32 v4, v5  }
0x3a0: {  	[tilespmem:s7+$0x19840] =	vst v4  }
0x3a1: {  	[spmem:s23] =	stream.indirect.scatter.add.f32 [tilespmem:s5], [sflag:$0x1], $0x1, s4, s3, $0xb8;
	[tilespmem:$0x1DFC0] =	vst v63  }
0x3a2: {  	_ =	swait.ge [sflag:s20], $0x1000  }
0x3a3: {  	s8 =	sld [smem:$0x7F4]  }
0x3a4: {  	[sflag:s20] =	ssyncset.done $0x0  }
0x3a5: {  	s18 =	simm.s32 $0x0;
	[sflag:s20] =	ssyncadd.s32 $0xFFFFF000  }
0x3a6: {  	[tilespmem:s22], [sflag:$0x1] =	stream.linear.gather [hbm4b:s8+s18], $0x1000, $0x38;
	[tilespmem:$0x1DFC0] =	vst v63  }
0x3a7: {  	_ =	swait.ge [sflag:s20], $0x1000  }
0x3a8: {  	[sflag:s20] =	ssyncset.done $0x0  }
0x3a9: {  	s7 =	simm.s32 $0x0;
	[sflag:s20] =	ssyncadd.s32 $0xFFFFF000  }
0x3aa: {  	v4 =	vld [tilespmem:s7+$0x18840];
	_ =	sdelay $0x2  }
0x3ab: {  	s8 =	simm.s32 $0x40  }
.LBB2_77:
0x3ac: {  	p2 =	sne.s32 s8, $0x3FC0  }
.Ltmp39:
0x3ad: {  	s9 =	sshra.s32 s8, $0x2;
	s8 =	sadd.s32 $0x40, s8;
	v5 =	vsub.s32 v4, v1;
	(pc) =	sbr.rel @p2 .LBB2_77-.Ltmp39, $4  }
0x3ae: {  	v4 =	vld [tilespmem:s9+$0x18840];
	v6 =	vand.u32 $0xFFF, v5  }
0x3af: {  	v6 =	vadd.s32 $0x186A00, v6  }
0x3b0: {  	v5 =	vmin.u32 v5, v6  }
0x3b1: {  	[tilespmem:s7+$0x19840] =	vst v5;
	s7 =	smov.u32 s9  }
0x3b2: {  	_ = 	snop  }
0x3b3: {  	v4 =	vsub.s32 v4, v1  }
0x3b4: {  	v5 =	vand.u32 $0xFFF, v4  }
0x3b5: {  	v5 =	vadd.s32 $0x186A00, v5  }
0x3b6: {  	v4 =	vmin.u32 v4, v5  }
0x3b7: {  	[tilespmem:s7+$0x19840] =	vst v4  }
0x3b8: {  	[spmem:s23] =	stream.indirect.scatter.add.f32 [tilespmem:s5], [sflag:$0x1], $0x1, s4, s3, $0xb8;
	[tilespmem:$0x1DFC0] =	vst v63  }
0x3b9: {  	_ =	swait.ge [sflag:s20], $0x1000  }
0x3ba: {  	s8 =	sld [smem:$0x7F5]  }
0x3bb: {  	[sflag:s20] =	ssyncset.done $0x0  }
0x3bc: {  	s18 =	simm.s32 $0x0;
	[sflag:s20] =	ssyncadd.s32 $0xFFFFF000  }
0x3bd: {  	[tilespmem:s22], [sflag:$0x1] =	stream.linear.gather [hbm4b:s8+s18], $0x1000, $0x38;
	[tilespmem:$0x1DFC0] =	vst v63  }
0x3be: {  	_ =	swait.ge [sflag:s20], $0x1000  }
0x3bf: {  	[sflag:s20] =	ssyncset.done $0x0  }
0x3c0: {  	s7 =	simm.s32 $0x0;
	[sflag:s20] =	ssyncadd.s32 $0xFFFFF000  }
0x3c1: {  	v4 =	vld [tilespmem:s7+$0x18840];
	_ =	sdelay $0x2  }
0x3c2: {  	s8 =	simm.s32 $0x40  }
.LBB2_79:
0x3c3: {  	p2 =	sne.s32 s8, $0x3FC0  }
.Ltmp40:
0x3c4: {  	s9 =	sshra.s32 s8, $0x2;
	s8 =	sadd.s32 $0x40, s8;
	v5 =	vsub.s32 v4, v1;
	(pc) =	sbr.rel @p2 .LBB2_79-.Ltmp40, $4  }
0x3c5: {  	v4 =	vld [tilespmem:s9+$0x18840];
	v6 =	vand.u32 $0xFFF, v5  }
0x3c6: {  	v6 =	vadd.s32 $0x186A00, v6  }
0x3c7: {  	v5 =	vmin.u32 v5, v6  }
0x3c8: {  	[tilespmem:s7+$0x19840] =	vst v5;
	s7 =	smov.u32 s9  }
0x3c9: {  	_ = 	snop  }
0x3ca: {  	v4 =	vsub.s32 v4, v1  }
0x3cb: {  	v5 =	vand.u32 $0xFFF, v4  }
0x3cc: {  	v5 =	vadd.s32 $0x186A00, v5  }
0x3cd: {  	v4 =	vmin.u32 v4, v5  }
0x3ce: {  	[tilespmem:s7+$0x19840] =	vst v4  }
0x3cf: {  	[spmem:s23] =	stream.indirect.scatter.add.f32 [tilespmem:s5], [sflag:$0x1], $0x1, s4, s3, $0xb8;
	[tilespmem:$0x1DFC0] =	vst v63  }
0x3d0: {  	_ =	swait.ge [sflag:s20], $0x1000  }
0x3d1: {  	s8 =	sld [smem:$0x7F6]  }
0x3d2: {  	[sflag:s20] =	ssyncset.done $0x0  }
0x3d3: {  	s18 =	simm.s32 $0x0;
	[sflag:s20] =	ssyncadd.s32 $0xFFFFF000  }
0x3d4: {  	[tilespmem:s22], [sflag:$0x1] =	stream.linear.gather [hbm4b:s8+s18], $0x1000, $0x38;
	[tilespmem:$0x1DFC0] =	vst v63  }
0x3d5: {  	_ =	swait.ge [sflag:s20], $0x1000  }
0x3d6: {  	[sflag:s20] =	ssyncset.done $0x0  }
0x3d7: {  	s7 =	simm.s32 $0x0;
	[sflag:s20] =	ssyncadd.s32 $0xFFFFF000  }
0x3d8: {  	v4 =	vld [tilespmem:s7+$0x18840];
	_ =	sdelay $0x2  }
0x3d9: {  	s8 =	simm.s32 $0x40  }
.LBB2_81:
0x3da: {  	p2 =	sne.s32 s8, $0x3FC0  }
.Ltmp41:
0x3db: {  	s9 =	sshra.s32 s8, $0x2;
	s8 =	sadd.s32 $0x40, s8;
	v5 =	vsub.s32 v4, v1;
	(pc) =	sbr.rel @p2 .LBB2_81-.Ltmp41, $4  }
0x3dc: {  	v4 =	vld [tilespmem:s9+$0x18840];
	v6 =	vand.u32 $0xFFF, v5  }
0x3dd: {  	v6 =	vadd.s32 $0x186A00, v6  }
0x3de: {  	v5 =	vmin.u32 v5, v6  }
0x3df: {  	[tilespmem:s7+$0x19840] =	vst v5;
	s7 =	smov.u32 s9  }
0x3e0: {  	_ = 	snop  }
0x3e1: {  	v4 =	vsub.s32 v4, v1  }
0x3e2: {  	v5 =	vand.u32 $0xFFF, v4  }
0x3e3: {  	v5 =	vadd.s32 $0x186A00, v5  }
0x3e4: {  	v4 =	vmin.u32 v4, v5  }
0x3e5: {  	[tilespmem:s7+$0x19840] =	vst v4  }
0x3e6: {  	[spmem:s23] =	stream.indirect.scatter.add.f32 [tilespmem:s5], [sflag:$0x1], $0x1, s4, s3, $0xb8;
	[tilespmem:$0x1DFC0] =	vst v63  }
0x3e7: {  	_ =	swait.ge [sflag:s20], $0x1000  }
0x3e8: {  	s8 =	sld [smem:$0x7F7]  }
0x3e9: {  	[sflag:s20] =	ssyncset.done $0x0  }
0x3ea: {  	s18 =	simm.s32 $0x0;
	[sflag:s20] =	ssyncadd.s32 $0xFFFFF000  }
0x3eb: {  	[tilespmem:s22], [sflag:$0x1] =	stream.linear.gather [hbm4b:s8+s18], $0x1000, $0x38;
	[tilespmem:$0x1DFC0] =	vst v63  }
0x3ec: {  	_ =	swait.ge [sflag:s20], $0x1000  }
0x3ed: {  	[sflag:s20] =	ssyncset.done $0x0  }
0x3ee: {  	s7 =	simm.s32 $0x0;
	[sflag:s20] =	ssyncadd.s32 $0xFFFFF000  }
0x3ef: {  	v4 =	vld [tilespmem:s7+$0x18840];
	_ =	sdelay $0x2  }
0x3f0: {  	s8 =	simm.s32 $0x40  }
.LBB2_83:
0x3f1: {  	p2 =	sne.s32 s8, $0x3FC0  }
.Ltmp42:
0x3f2: {  	s9 =	sshra.s32 s8, $0x2;
	s8 =	sadd.s32 $0x40, s8;
	v5 =	vsub.s32 v4, v1;
	(pc) =	sbr.rel @p2 .LBB2_83-.Ltmp42, $4  }
0x3f3: {  	v4 =	vld [tilespmem:s9+$0x18840];
	v6 =	vand.u32 $0xFFF, v5  }
0x3f4: {  	v6 =	vadd.s32 $0x186A00, v6  }
0x3f5: {  	v5 =	vmin.u32 v5, v6  }
0x3f6: {  	[tilespmem:s7+$0x19840] =	vst v5;
	s7 =	smov.u32 s9  }
0x3f7: {  	_ = 	snop  }
0x3f8: {  	v4 =	vsub.s32 v4, v1  }
0x3f9: {  	v5 =	vand.u32 $0xFFF, v4  }
0x3fa: {  	v5 =	vadd.s32 $0x186A00, v5  }
0x3fb: {  	v4 =	vmin.u32 v4, v5  }
0x3fc: {  	[tilespmem:s7+$0x19840] =	vst v4  }
0x3fd: {  	[spmem:s23] =	stream.indirect.scatter.add.f32 [tilespmem:s5], [sflag:$0x1], $0x1, s4, s3, $0xb8;
	[tilespmem:$0x1DFC0] =	vst v63  }
0x3fe: {  	_ =	swait.ge [sflag:s20], $0x1000  }
0x3ff: {  	s8 =	sld [smem:$0x7F8]  }
0x400: {  	[sflag:s20] =	ssyncset.done $0x0  }
0x401: {  	s18 =	simm.s32 $0x0;
	[sflag:s20] =	ssyncadd.s32 $0xFFFFF000  }
0x402: {  	[tilespmem:s22], [sflag:$0x1] =	stream.linear.gather [hbm4b:s8+s18], $0x1000, $0x38;
	[tilespmem:$0x1DFC0] =	vst v63  }
0x403: {  	_ =	swait.ge [sflag:s20], $0x1000  }
0x404: {  	[sflag:s20] =	ssyncset.done $0x0  }
0x405: {  	s7 =	simm.s32 $0x0;
	[sflag:s20] =	ssyncadd.s32 $0xFFFFF000  }
0x406: {  	v4 =	vld [tilespmem:s7+$0x18840];
	_ =	sdelay $0x2  }
0x407: {  	s8 =	simm.s32 $0x40  }
.LBB2_85:
0x408: {  	p2 =	sne.s32 s8, $0x3FC0  }
.Ltmp43:
0x409: {  	s9 =	sshra.s32 s8, $0x2;
	s8 =	sadd.s32 $0x40, s8;
	v5 =	vsub.s32 v4, v1;
	(pc) =	sbr.rel @p2 .LBB2_85-.Ltmp43, $4  }
0x40a: {  	v4 =	vld [tilespmem:s9+$0x18840];
	v6 =	vand.u32 $0xFFF, v5  }
0x40b: {  	v6 =	vadd.s32 $0x186A00, v6  }
0x40c: {  	v5 =	vmin.u32 v5, v6  }
0x40d: {  	[tilespmem:s7+$0x19840] =	vst v5;
	s7 =	smov.u32 s9  }
0x40e: {  	_ = 	snop  }
0x40f: {  	v4 =	vsub.s32 v4, v1  }
0x410: {  	v5 =	vand.u32 $0xFFF, v4  }
0x411: {  	v5 =	vadd.s32 $0x186A00, v5  }
0x412: {  	v4 =	vmin.u32 v4, v5  }
0x413: {  	[tilespmem:s7+$0x19840] =	vst v4  }
0x414: {  	[spmem:s23] =	stream.indirect.scatter.add.f32 [tilespmem:s5], [sflag:$0x1], $0x1, s4, s3, $0xb8;
	[tilespmem:$0x1DFC0] =	vst v63  }
0x415: {  	_ =	swait.ge [sflag:s20], $0x1000  }
0x416: {  	s8 =	sld [smem:$0x7F9]  }
0x417: {  	[sflag:s20] =	ssyncset.done $0x0  }
0x418: {  	s18 =	simm.s32 $0x0;
	[sflag:s20] =	ssyncadd.s32 $0xFFFFF000  }
0x419: {  	[tilespmem:s22], [sflag:$0x1] =	stream.linear.gather [hbm4b:s8+s18], $0x1000, $0x38;
	[tilespmem:$0x1DFC0] =	vst v63  }
0x41a: {  	_ =	swait.ge [sflag:s20], $0x1000  }
0x41b: {  	[sflag:s20] =	ssyncset.done $0x0  }
0x41c: {  	s7 =	simm.s32 $0x0;
	[sflag:s20] =	ssyncadd.s32 $0xFFFFF000  }
0x41d: {  	v4 =	vld [tilespmem:s7+$0x18840];
	_ =	sdelay $0x2  }
0x41e: {  	s8 =	simm.s32 $0x40  }
.LBB2_87:
0x41f: {  	p2 =	sne.s32 s8, $0x3FC0  }
.Ltmp44:
0x420: {  	s9 =	sshra.s32 s8, $0x2;
	s8 =	sadd.s32 $0x40, s8;
	v5 =	vsub.s32 v4, v1;
	(pc) =	sbr.rel @p2 .LBB2_87-.Ltmp44, $4  }
0x421: {  	v4 =	vld [tilespmem:s9+$0x18840];
	v6 =	vand.u32 $0xFFF, v5  }
0x422: {  	v6 =	vadd.s32 $0x186A00, v6  }
0x423: {  	v5 =	vmin.u32 v5, v6  }
0x424: {  	[tilespmem:s7+$0x19840] =	vst v5;
	s7 =	smov.u32 s9  }
0x425: {  	_ = 	snop  }
0x426: {  	v4 =	vsub.s32 v4, v1  }
0x427: {  	v5 =	vand.u32 $0xFFF, v4  }
0x428: {  	v5 =	vadd.s32 $0x186A00, v5  }
0x429: {  	v4 =	vmin.u32 v4, v5  }
0x42a: {  	[tilespmem:s7+$0x19840] =	vst v4  }
0x42b: {  	[spmem:s23] =	stream.indirect.scatter.add.f32 [tilespmem:s5], [sflag:$0x1], $0x1, s4, s3, $0xb8;
	[tilespmem:$0x1DFC0] =	vst v63  }
0x42c: {  	_ =	swait.ge [sflag:s20], $0x1000  }
0x42d: {  	s8 =	sld [smem:$0x7FA]  }
0x42e: {  	[sflag:s20] =	ssyncset.done $0x0  }
0x42f: {  	s18 =	simm.s32 $0x0;
	[sflag:s20] =	ssyncadd.s32 $0xFFFFF000  }
0x430: {  	[tilespmem:s22], [sflag:$0x1] =	stream.linear.gather [hbm4b:s8+s18], $0x1000, $0x38;
	[tilespmem:$0x1DFC0] =	vst v63  }
0x431: {  	_ =	swait.ge [sflag:s20], $0x1000  }
0x432: {  	[sflag:s20] =	ssyncset.done $0x0  }
0x433: {  	s7 =	simm.s32 $0x0;
	[sflag:s20] =	ssyncadd.s32 $0xFFFFF000  }
0x434: {  	v4 =	vld [tilespmem:s7+$0x18840];
	_ =	sdelay $0x2  }
0x435: {  	s8 =	simm.s32 $0x40  }
.LBB2_89:
0x436: {  	p2 =	sne.s32 s8, $0x3FC0  }
.Ltmp45:
0x437: {  	s9 =	sshra.s32 s8, $0x2;
	s8 =	sadd.s32 $0x40, s8;
	v5 =	vsub.s32 v4, v1;
	(pc) =	sbr.rel @p2 .LBB2_89-.Ltmp45, $4  }
0x438: {  	v4 =	vld [tilespmem:s9+$0x18840];
	v6 =	vand.u32 $0xFFF, v5  }
0x439: {  	v6 =	vadd.s32 $0x186A00, v6  }
0x43a: {  	v5 =	vmin.u32 v5, v6  }
0x43b: {  	[tilespmem:s7+$0x19840] =	vst v5;
	s7 =	smov.u32 s9  }
0x43c: {  	_ = 	snop  }
0x43d: {  	v4 =	vsub.s32 v4, v1  }
0x43e: {  	v5 =	vand.u32 $0xFFF, v4  }
0x43f: {  	v5 =	vadd.s32 $0x186A00, v5  }
0x440: {  	v4 =	vmin.u32 v4, v5  }
0x441: {  	[tilespmem:s7+$0x19840] =	vst v4  }
0x442: {  	[spmem:s23] =	stream.indirect.scatter.add.f32 [tilespmem:s5], [sflag:$0x1], $0x1, s4, s3, $0xb8;
	[tilespmem:$0x1DFC0] =	vst v63  }
0x443: {  	_ =	swait.ge [sflag:s20], $0x1000  }
0x444: {  	s8 =	sld [smem:$0x7FB]  }
0x445: {  	[sflag:s20] =	ssyncset.done $0x0  }
0x446: {  	s18 =	simm.s32 $0x0;
	[sflag:s20] =	ssyncadd.s32 $0xFFFFF000  }
0x447: {  	[tilespmem:s22], [sflag:$0x1] =	stream.linear.gather [hbm4b:s8+s18], $0x1000, $0x38;
	[tilespmem:$0x1DFC0] =	vst v63  }
0x448: {  	_ =	swait.ge [sflag:s20], $0x1000  }
0x449: {  	[sflag:s20] =	ssyncset.done $0x0  }
0x44a: {  	s7 =	simm.s32 $0x0;
	[sflag:s20] =	ssyncadd.s32 $0xFFFFF000  }
0x44b: {  	v4 =	vld [tilespmem:s7+$0x18840];
	_ =	sdelay $0x2  }
0x44c: {  	s8 =	simm.s32 $0x40  }
.LBB2_91:
0x44d: {  	p2 =	sne.s32 s8, $0x3FC0  }
.Ltmp46:
0x44e: {  	s9 =	sshra.s32 s8, $0x2;
	s8 =	sadd.s32 $0x40, s8;
	v5 =	vsub.s32 v4, v1;
	(pc) =	sbr.rel @p2 .LBB2_91-.Ltmp46, $4  }
0x44f: {  	v4 =	vld [tilespmem:s9+$0x18840];
	v6 =	vand.u32 $0xFFF, v5  }
0x450: {  	v6 =	vadd.s32 $0x186A00, v6  }
0x451: {  	v5 =	vmin.u32 v5, v6  }
0x452: {  	[tilespmem:s7+$0x19840] =	vst v5;
	s7 =	smov.u32 s9  }
0x453: {  	_ = 	snop  }
0x454: {  	v4 =	vsub.s32 v4, v1  }
0x455: {  	v5 =	vand.u32 $0xFFF, v4  }
0x456: {  	v5 =	vadd.s32 $0x186A00, v5  }
0x457: {  	v4 =	vmin.u32 v4, v5  }
0x458: {  	[tilespmem:s7+$0x19840] =	vst v4  }
0x459: {  	[spmem:s23] =	stream.indirect.scatter.add.f32 [tilespmem:s5], [sflag:$0x1], $0x1, s4, s3, $0xb8;
	[tilespmem:$0x1DFC0] =	vst v63  }
0x45a: {  	_ =	swait.ge [sflag:s20], $0x1000  }
0x45b: {  	[sflag:s20] =	ssyncset.done $0x0  }
0x45c: {  	[sflag:s20] =	ssyncadd.s32 $0xFFFFF000  }
0x45d: {  	[bflag:$0x0] =	sbarrier.arrive $0xFFFF  }
0x45e: {  	[tilespmem:s19], [sflag:$0x1] =	stream.linear.gather [spmem:s24], $0x2710, $0x38;
	[tilespmem:$0x1DFC0] =	vst v63  }
0x45f: {  	_ =	swait.ge [sflag:s20], $0x2710  }
0x460: {  	[sflag:s20] =	ssyncset.done $0x0  }
0x461: {  	s9 =	rddreg [dreg:$0xd];
	[sflag:s20] =	ssyncadd.s32 $0xFFFFD8F0  }
0x462: {  	[hbm4b:s9+s0] =	stream.linear.scatter [tilespmem:s19], [sflag:$0x1], $0x2710, $0x38;
	[tilespmem:$0x1DFC0] =	vst v63  }
0x463: {  	_ =	swait.ge [sflag:s20], $0x2710  }
0x464: {  	[sflag:s20] =	ssyncset.done $0x0  }
0x465: {  	[sflag:s20] =	ssyncadd.s32 $0xFFFFD8F0  }
0x466: {  	[tilespmem:s19], [sflag:$0x1] =	stream.linear.gather [spmem:s25], $0x2710, $0x38;
	[tilespmem:$0x1DFC0] =	vst v63  }
0x467: {  	_ =	swait.ge [sflag:s20], $0x2710  }
0x468: {  	[sflag:s20] =	ssyncset.done $0x0  }
0x469: {  	s18 =	rddreg [dreg:$0xe];
	[sflag:s20] =	ssyncadd.s32 $0xFFFFD8F0  }
0x46a: {  	[hbm4b:s18+s0] =	stream.linear.scatter [tilespmem:s19], [sflag:$0x1], $0x2710, $0x38;
	[tilespmem:$0x1DFC0] =	vst v63  }
0x46b: {  	_ =	swait.ge [sflag:s20], $0x2710  }
0x46c: {  	[sflag:s20] =	ssyncset.done $0x0  }
0x46d: {  	[sflag:s20] =	ssyncadd.s32 $0xFFFFD8F0  }
0x46e: {  	[tilespmem:s19], [sflag:$0x1] =	stream.linear.gather [spmem:s26], $0x2710, $0x38;
	[tilespmem:$0x1DFC0] =	vst v63  }
0x46f: {  	_ =	swait.ge [sflag:s20], $0x2710  }
0x470: {  	[sflag:s20] =	ssyncset.done $0x0  }
0x471: {  	s8 =	rddreg [dreg:$0xf];
	[sflag:s20] =	ssyncadd.s32 $0xFFFFD8F0  }
0x472: {  	[hbm4b:s8+s0] =	stream.linear.scatter [tilespmem:s19], [sflag:$0x1], $0x2710, $0x38;
	[tilespmem:$0x1DFC0] =	vst v63  }
0x473: {  	_ =	swait.ge [sflag:s20], $0x2710  }
0x474: {  	[sflag:s20] =	ssyncset.done $0x0  }
0x475: {  	[sflag:s20] =	ssyncadd.s32 $0xFFFFD8F0  }
0x476: {  	[tilespmem:s19], [sflag:$0x1] =	stream.linear.gather [spmem:s28], $0x2710, $0x38;
	[tilespmem:$0x1DFC0] =	vst v63  }
0x477: {  	_ =	swait.ge [sflag:s20], $0x2710  }
0x478: {  	[sflag:s20] =	ssyncset.done $0x0  }
0x479: {  	s9 =	rddreg [dreg:$0x10];
	[sflag:s20] =	ssyncadd.s32 $0xFFFFD8F0  }
0x47a: {  	[hbm4b:s9+s0] =	stream.linear.scatter [tilespmem:s19], [sflag:$0x1], $0x2710, $0x38;
	[tilespmem:$0x1DFC0] =	vst v63  }
0x47b: {  	_ =	swait.ge [sflag:s20], $0x2710  }
0x47c: {  	[sflag:s20] =	ssyncset.done $0x0  }
0x47d: {  	[sflag:s20] =	ssyncadd.s32 $0xFFFFD8F0  }
0x47e: {  	[tilespmem:s19], [sflag:$0x1] =	stream.linear.gather [spmem:s29], $0x2710, $0x38;
	[tilespmem:$0x1DFC0] =	vst v63  }
0x47f: {  	_ =	swait.ge [sflag:s20], $0x2710  }
0x480: {  	[sflag:s20] =	ssyncset.done $0x0  }
0x481: {  	s18 =	rddreg [dreg:$0x11];
	[sflag:s20] =	ssyncadd.s32 $0xFFFFD8F0  }
0x482: {  	[hbm4b:s18+s0] =	stream.linear.scatter [tilespmem:s19], [sflag:$0x1], $0x2710, $0x38;
	[tilespmem:$0x1DFC0] =	vst v63  }
0x483: {  	_ =	swait.ge [sflag:s20], $0x2710  }
0x484: {  	[sflag:s20] =	ssyncset.done $0x0  }
0x485: {  	[sflag:s20] =	ssyncadd.s32 $0xFFFFD8F0  }
0x486: {  	[tilespmem:s19], [sflag:$0x1] =	stream.linear.gather [spmem:s30], $0x2710, $0x38;
	[tilespmem:$0x1DFC0] =	vst v63  }
0x487: {  	_ =	swait.ge [sflag:s20], $0x2710  }
0x488: {  	[sflag:s20] =	ssyncset.done $0x0  }
0x489: {  	s8 =	rddreg [dreg:$0x12];
	[sflag:s20] =	ssyncadd.s32 $0xFFFFD8F0  }
0x48a: {  	[hbm4b:s8+s0] =	stream.linear.scatter [tilespmem:s19], [sflag:$0x1], $0x2710, $0x38;
	[tilespmem:$0x1DFC0] =	vst v63  }
0x48b: {  	_ =	swait.ge [sflag:s20], $0x2710  }
0x48c: {  	[sflag:s20] =	ssyncset.done $0x0  }
0x48d: {  	[sflag:s20] =	ssyncadd.s32 $0xFFFFD8F0  }
0x48e: {  	[tilespmem:s19], [sflag:$0x1] =	stream.linear.gather [spmem:s31], $0x2710, $0x38;
	[tilespmem:$0x1DFC0] =	vst v63  }
0x48f: {  	_ =	swait.ge [sflag:s20], $0x2710  }
0x490: {  	[sflag:s20] =	ssyncset.done $0x0  }
0x491: {  	s9 =	rddreg [dreg:$0x13];
	[sflag:s20] =	ssyncadd.s32 $0xFFFFD8F0  }
0x492: {  	[hbm4b:s9+s0] =	stream.linear.scatter [tilespmem:s19], [sflag:$0x1], $0x2710, $0x38;
	[tilespmem:$0x1DFC0] =	vst v63  }
0x493: {  	_ =	swait.ge [sflag:s20], $0x2710  }
0x494: {  	[sflag:s20] =	ssyncset.done $0x0  }
0x495: {  	[sflag:s20] =	ssyncadd.s32 $0xFFFFD8F0  }
0x496: {  	[tilespmem:s19], [sflag:$0x1] =	stream.linear.gather [spmem:s21], $0x2710, $0x38;
	[tilespmem:$0x1DFC0] =	vst v63  }
0x497: {  	_ =	swait.ge [sflag:s20], $0x2710  }
0x498: {  	[sflag:s20] =	ssyncset.done $0x0  }
0x499: {  	s18 =	rddreg [dreg:$0x14];
	[sflag:s20] =	ssyncadd.s32 $0xFFFFD8F0  }
0x49a: {  	[hbm4b:s18+s0] =	stream.linear.scatter [tilespmem:s19], [sflag:$0x1], $0x2710, $0x38;
	[tilespmem:$0x1DFC0] =	vst v63  }
0x49b: {  	_ =	swait.ge [sflag:s20], $0x2710  }
0x49c: {  	[sflag:s20] =	ssyncset.done $0x0  }
0x49d: {  	[sflag:s20] =	ssyncadd.s32 $0xFFFFD8F0  }
0x49e: {  	[tilespmem:s19], [sflag:$0x1] =	stream.linear.gather [spmem:s1], $0x2710, $0x38;
	[tilespmem:$0x1DFC0] =	vst v63  }
0x49f: {  	_ =	swait.ge [sflag:s20], $0x2710  }
0x4a0: {  	[sflag:s20] =	ssyncset.done $0x0  }
0x4a1: {  	s8 =	rddreg [dreg:$0x15];
	[sflag:s20] =	ssyncadd.s32 $0xFFFFD8F0  }
0x4a2: {  	[hbm4b:s8+s0] =	stream.linear.scatter [tilespmem:s19], [sflag:$0x1], $0x2710, $0x38;
	[tilespmem:$0x1DFC0] =	vst v63  }
0x4a3: {  	_ =	swait.ge [sflag:s20], $0x2710  }
0x4a4: {  	[sflag:s20] =	ssyncset.done $0x0  }
0x4a5: {  	[sflag:s20] =	ssyncadd.s32 $0xFFFFD8F0  }
0x4a6: {  	[tilespmem:s19], [sflag:$0x1] =	stream.linear.gather [spmem:s2], $0x2710, $0x38;
	[tilespmem:$0x1DFC0] =	vst v63  }
0x4a7: {  	_ =	swait.ge [sflag:s20], $0x2710  }
0x4a8: {  	[sflag:s20] =	ssyncset.done $0x0  }
0x4a9: {  	s9 =	rddreg [dreg:$0x17];
	[sflag:s20] =	ssyncadd.s32 $0xFFFFD8F0  }
0x4aa: {  	[hbm4b:s9+s0] =	stream.linear.scatter [tilespmem:s19], [sflag:$0x1], $0x2710, $0x38;
	[tilespmem:$0x1DFC0] =	vst v63  }
0x4ab: {  	_ =	swait.ge [sflag:s20], $0x2710  }
0x4ac: {  	s18 =	sld [smem:$0x7FC];
	_ =	sdelay $0x1  }
0x4ad: {  	s6 =	sadd.s32 $0x1, s6  }
0x4ae: {  	p2 =	sne.s32 s6, s18  }
.Ltmp47:
0x4af: {  	_ = 	snop;
	(pc) =	sbr.rel @p2 .LBB2_1-.Ltmp47, $3  }
0x4b0: {  	_ =	sdelay $0x1  }
0x4b1: {  	[sflag:s20] =	ssyncset.done $0x0  }
0x4b2: {  	[sflag:s20] =	ssyncadd.s32 $0xFFFFD8F0  }
0x4b3: {  	_ =	sfence.sel $0x180000  }
0x4b4: {  	[bflag:$0x0] =	sbarrier.arrive $0xFFFF  }
0x4b5: {  	_ =	strace $0x90000047  }
0x4b6: {  	[bflag:$0x2] =	sbarrier.arrive $0xFFFF  }
0x4b7: {  	s0 =	rddreg [dreg:$0x2]  }
0x4b8: {  	s0 =	sadd.s32 @!p1 $0x100000, s0  }
0x4b9: {  	[sflag:s0] =	ssyncadd.tile.s32 @!p1 $0x1;
	_ =	shalt  }
.Lfunc_end2:
_tile_overlayer_lowered:
.L_overlay_start_2:
0x4ba: {  	(tag) =	ssettag $0x2  }
0x4bb: {  	s0 =	rddreg [dreg:$0x0];
	s2 =	stileid.u32  }
0x4bc: {  	s1 =	rddreg [dreg:$0x1];
	p0 =	sne.s32 s2, $0x0  }
0x4bd: {  	s3 =	rddreg [dreg:$0x2];
	[bflag:$0x3] =	sbarrier.arrive $0xFFFF;
	s2 =	simm.s32 @!p0 $0x1C01  }
0x4be: {  	[timem:s3], [sflag:s2] =	dma.local @!p0 [hbm:s0], s1  }
0x4bf: {  	s0 =	simm.s32 @!p0 $0x1  }
0x4c0: {  	_ =	swait.ge @!p0 [sflag:s0], s1  }
0x4c1: {  	s1 =	ssub.s32 @!p0 $0x0, s1;
	[sflag:s0] =	ssyncset.done @!p0 $0x0  }
0x4c2: {  	[sflag:s0] =	ssyncadd.s32 @!p0 s1  }
0x4c3: {  	[bflag:$0x3] =	sbarrier.arrive $0xFFFF  }
0x4c4: {  	_ =	shalt  }

</sc_bundles>
